<compile_context>
chip_gen: v7x
topology: tpu7x:2x2x1
jax: 0.10.2.dev20260603
libtpu: 0.0.44.dev20260713+nightly
codegen_flags: <defaults>
</compile_context>

<pallas_src>
import functools

import jax
import jax.numpy as jnp
from jax import lax
from jax.experimental import pallas as pl
from jax.experimental.pallas import tpu as pltpu
from jax.experimental.pallas import tpu_sc as plsc

N = 10000
E = 320000
IN_CH = 128
HID = 256
OUT_CH = 128

NC = 2
NS = 16
NP = 10240
DUMMY = N
K = 128
CSEG = 160
CHP = 80
CDEG = 79
NPS = 10112
TROWS = 632
BLK = 1280
NB = NP // BLK

_WB_K = ((0, 128), (128, 128), (256, 128), (384, 128), (512, 120))
_WB_ZB = ((0, 320), (320, 312))

_mesh = plsc.VectorSubcoreMesh(core_axis_name="c", subcore_axis_name="s")


@functools.partial(
    pl.kernel,
    out_type=jax.ShapeDtypeStruct((NC, NP), jnp.float32),
    mesh=_mesh,
    compiler_params=pltpu.CompilerParams(needs_layout_passes=False),
    scratch_types=[
        pltpu.VMEM((CDEG * K,), jnp.int32),
        pltpu.VMEM((NP,), jnp.float32),
        pltpu.VMEM((NS, NP // NS), jnp.float32),
        pltpu.VMEM((NP // NS,), jnp.float32),
        pltpu.VMEM_SHARED((NS, NP), jnp.float32),
    ],
)
def _deg_kernel(dst_hbm, deg_hbm, idx_v, cnt_v, red_v, out_v, spm):
    cid = lax.axis_index("c")
    sid = lax.axis_index("s")
    rpt = NP // NS
    pltpu.sync_copy(dst_hbm.at[cid, sid], idx_v)
    zero16 = jnp.zeros((16,), jnp.float32)
    ones16 = jnp.ones((16,), jnp.float32)

    def _z(i, _):
        cnt_v[pl.ds(i * 16, 16)] = zero16
        return 0

    lax.fori_loop(0, NP // 16, _z, 0)

    def _count(i, _):
        idx16 = idx_v[pl.ds(i * 16, 16)]
        plsc.addupdate_scatter(cnt_v, [idx16], ones16)
        return 0

    lax.fori_loop(0, CDEG * K // 16, _count, 0)
    pltpu.sync_copy(cnt_v, spm.at[sid])
    plsc.subcore_barrier()
    for t in range(NS):
        pltpu.sync_copy(spm.at[t, pl.ds(sid * rpt, rpt)], red_v.at[t])

    def _red(g, _):
        acc = jnp.zeros((16,), jnp.float32)
        for t in range(NS):
            acc = acc + red_v[t, pl.ds(g * 16, 16)]
        out_v[pl.ds(g * 16, 16)] = acc
        return 0

    lax.fori_loop(0, rpt // 16, _red, 0)
    pltpu.sync_copy(out_v, deg_hbm.at[cid, pl.ds(sid * rpt, rpt)])


def _make_segsum(ch):

    @functools.partial(
        pl.kernel,
        out_type=jax.ShapeDtypeStruct((NC, NP, ch), jnp.float32),
        mesh=_mesh,
        scratch_types=[
            pltpu.VMEM((CHP, K), jnp.int32),
            pltpu.VMEM((CHP, K), jnp.int32),
            pltpu.VMEM((K, ch), jnp.float32),
            pltpu.VMEM_SHARED((NPS, ch), jnp.float32),
            pltpu.SemaphoreType.DMA,
        ],
    )
    def _segsum(p_hbm, src_hbm, dst_hbm, acc_hbm, srcv, dstv, gbuf, acc_s, sem):
        cid = lax.axis_index("c")
        sid = lax.axis_index("s")
        base = sid * TROWS

        def _fill(i, _):
            for c in range(ch // 16):
                gbuf[i, pl.ds(c * 16, 16)] = jnp.zeros((16,), jnp.float32)
            return 0

        lax.fori_loop(0, K, _fill, 0)
        for off, n in _WB_K:
            pltpu.sync_copy(gbuf.at[pl.ds(0, n)], acc_s.at[pl.ds(base + off, n)])
        plsc.subcore_barrier()

        for p0 in range(0, CSEG, CHP):
            pltpu.sync_copy(src_hbm.at[cid, sid, pl.ds(p0, CHP)], srcv)
            pltpu.sync_copy(dst_hbm.at[sid, pl.ds(p0, CHP)], dstv)

            def _chunk(j, _):
                pltpu.async_copy(p_hbm.at[srcv.at[j]], gbuf, sem).wait()
                pltpu.sync_copy(gbuf, acc_s.at[dstv.at[j]], add=True)
                return 0

            lax.fori_loop(0, CHP, _chunk, 0)

        plsc.subcore_barrier()
        for off, n in _WB_K:
            pltpu.sync_copy(acc_s.at[pl.ds(base + off, n)], gbuf.at[pl.ds(0, n)])
            pltpu.sync_copy(gbuf.at[pl.ds(0, n)], acc_hbm.at[cid, pl.ds(base + off, n)])

    return _segsum


_segsum128 = _make_segsum(128)


@functools.partial(
    pl.kernel,
    out_type=jax.ShapeDtypeStruct((NC, NP, OUT_CH), jnp.float32),
    mesh=_mesh,
    scratch_types=[
        pltpu.VMEM((CDEG, K), jnp.int32),
        pltpu.VMEM((CDEG, K), jnp.int32),
        pltpu.VMEM((K, OUT_CH), jnp.float32),
        pltpu.VMEM_SHARED((NPS, OUT_CH), jnp.float32),
        pltpu.SemaphoreType.DMA,
    ],
)
def _segsum_es(p_hbm, src_hbm, dst_hbm, acc_hbm, srcv, dstv, gbuf, acc_s, sem):
    cid = lax.axis_index("c")
    sid = lax.axis_index("s")
    base = sid * TROWS
    pltpu.sync_copy(src_hbm.at[cid, sid], srcv)
    pltpu.sync_copy(dst_hbm.at[cid, sid], dstv)

    def _fill(i, _):
        for c in range(OUT_CH // 16):
            gbuf[i, pl.ds(c * 16, 16)] = jnp.zeros((16,), jnp.float32)
        return 0

    lax.fori_loop(0, K, _fill, 0)
    for off, n in _WB_K:
        pltpu.sync_copy(gbuf.at[pl.ds(0, n)], acc_s.at[pl.ds(base + off, n)])
    plsc.subcore_barrier()

    def _chunk(j, _):
        pltpu.async_copy(p_hbm.at[srcv.at[j]], gbuf, sem).wait()
        pltpu.sync_copy(gbuf, acc_s.at[dstv.at[j]], add=True)
        return 0

    lax.fori_loop(0, CDEG, _chunk, 0)
    plsc.subcore_barrier()
    for off, n in _WB_K:
        pltpu.sync_copy(acc_s.at[pl.ds(base + off, n)], gbuf.at[pl.ds(0, n)])
        pltpu.sync_copy(gbuf.at[pl.ds(0, n)], acc_hbm.at[cid, pl.ds(base + off, n)])


def _dinv_of(deg_blk):
    return lax.rsqrt(deg_blk[0, :, 0:1] + deg_blk[1, :, 0:1] + 1.0)


def _tc_a_body(deg_ref, x_ref, w_ref, p_ref):
    d = _dinv_of(deg_ref[...])
    h = jnp.dot(x_ref[...], w_ref[...], preferred_element_type=jnp.float32)
    p_ref[0] = h * d


def _tc_a(deg, xp, w1):
    return pl.pallas_call(
        _tc_a_body,
        grid=(2, NB),
        in_specs=[
            pl.BlockSpec((NC, BLK, 16), lambda ph, i: (0, i, 0)),
            pl.BlockSpec((BLK, IN_CH), lambda ph, i: (i, 0)),
            pl.BlockSpec((IN_CH, HID // 2), lambda ph, i: (0, ph)),
        ],
        out_specs=pl.BlockSpec((1, BLK, HID // 2), lambda ph, i: (ph, i, 0)),
        out_shape=jax.ShapeDtypeStruct((2, NP, HID // 2), jnp.float32),
    )(deg, xp, w1)


def _make_pre_body(ch):
    def _body(acc_ref, p_ref, deg_ref, b_ref, pre_ref, s1_ref, s2_ref):
        i = pl.program_id(0)
        d = _dinv_of(deg_ref[...])
        a = acc_ref[...]
        p = p_ref[...]
        u0 = (a[0] + p[0]) * d
        u1 = (a[1] + p[1]) * d
        pre = jnp.concatenate([u0, u1], axis=1) + b_ref[...]
        pre_ref[...] = pre
        row = i * BLK + lax.broadcasted_iota(jnp.int32, (BLK, 1), 0)
        pm = jnp.where(row < N, pre, 0.0)
        s1_ref[0, 0] = jnp.sum(pm, axis=0)
        s2_ref[0, 0] = jnp.sum(pm * pm, axis=0)

    return _body


def _tc_pre(acc, p, deg, b, ch):
    return pl.pallas_call(
        _make_pre_body(ch),
        grid=(NB,),
        in_specs=[
            pl.BlockSpec((NC, BLK, ch), lambda i: (0, i, 0)),
            pl.BlockSpec((NC, BLK, ch), lambda i: (0, i, 0)),
            pl.BlockSpec((NC, BLK, 16), lambda i: (0, i, 0)),
            pl.BlockSpec((1, 2 * ch), lambda i: (0, 0)),
        ],
        out_specs=[
            pl.BlockSpec((BLK, 2 * ch), lambda i: (i, 0)),
            pl.BlockSpec((1, 1, 2 * ch), lambda i: (i, 0, 0)),
            pl.BlockSpec((1, 1, 2 * ch), lambda i: (i, 0, 0)),
        ],
        out_shape=[
            jax.ShapeDtypeStruct((NP, 2 * ch), jnp.float32),
            jax.ShapeDtypeStruct((NB, 1, 2 * ch), jnp.float32),
            jax.ShapeDtypeStruct((NB, 1, 2 * ch), jnp.float32),
        ],
    )(acc, p, deg, b)


def _bn_stats(s1_ref, s2_ref):
    s1 = jnp.sum(s1_ref[...][:, 0, :], axis=0, keepdims=True)
    s2 = jnp.sum(s2_ref[...][:, 0, :], axis=0, keepdims=True)
    mean = s1 / N
    var = s2 / N - mean * mean
    inv = lax.rsqrt(var + 1e-5)
    return mean, inv


def _tc_b2_body(pre_ref, s1_ref, s2_ref, deg_ref, g_ref, be_ref, w_ref, p2_ref):
    mean, inv = _bn_stats(s1_ref, s2_ref)
    bn = (pre_ref[...] - mean) * inv * g_ref[...] + be_ref[...]
    r = jnp.maximum(bn, 0.0)
    h2 = jnp.dot(r, w_ref[...], preferred_element_type=jnp.float32)
    p2_ref[...] = h2 * _dinv_of(deg_ref[...])


def _tc_b2(pre, s1, s2, deg, g, be, w2):
    return pl.pallas_call(
        _tc_b2_body,
        grid=(NB,),
        in_specs=[
            pl.BlockSpec((BLK, HID), lambda i: (i, 0)),
            pl.BlockSpec((NB, 1, HID), lambda i: (0, 0, 0)),
            pl.BlockSpec((NB, 1, HID), lambda i: (0, 0, 0)),
            pl.BlockSpec((NC, BLK, 16), lambda i: (0, i, 0)),
            pl.BlockSpec((1, HID), lambda i: (0, 0)),
            pl.BlockSpec((1, HID), lambda i: (0, 0)),
            pl.BlockSpec((HID, OUT_CH), lambda i: (0, 0)),
        ],
        out_specs=pl.BlockSpec((BLK, OUT_CH), lambda i: (i, 0)),
        out_shape=jax.ShapeDtypeStruct((NP, OUT_CH), jnp.float32),
    )(pre, s1, s2, deg, g, be, w2)


def _tc_pre2_body(acc_ref, p_ref, deg_ref, b_ref, pre_ref, s1_ref, s2_ref):
    i = pl.program_id(0)
    d = _dinv_of(deg_ref[...])
    a = acc_ref[...]
    pre = (a[0] + a[1] + p_ref[...]) * d + b_ref[...]
    pre_ref[...] = pre
    row = i * BLK + lax.broadcasted_iota(jnp.int32, (BLK, 1), 0)
    pm = jnp.where(row < N, pre, 0.0)
    s1_ref[0, 0] = jnp.sum(pm, axis=0)
    s2_ref[0, 0] = jnp.sum(pm * pm, axis=0)


def _tc_pre2(acc, p, deg, b):
    return pl.pallas_call(
        _tc_pre2_body,
        grid=(NB,),
        in_specs=[
            pl.BlockSpec((NC, BLK, OUT_CH), lambda i: (0, i, 0)),
            pl.BlockSpec((BLK, OUT_CH), lambda i: (i, 0)),
            pl.BlockSpec((NC, BLK, 16), lambda i: (0, i, 0)),
            pl.BlockSpec((1, OUT_CH), lambda i: (0, 0)),
        ],
        out_specs=[
            pl.BlockSpec((BLK, OUT_CH), lambda i: (i, 0)),
            pl.BlockSpec((1, 1, OUT_CH), lambda i: (i, 0, 0)),
            pl.BlockSpec((1, 1, OUT_CH), lambda i: (i, 0, 0)),
        ],
        out_shape=[
            jax.ShapeDtypeStruct((NP, OUT_CH), jnp.float32),
            jax.ShapeDtypeStruct((NB, 1, OUT_CH), jnp.float32),
            jax.ShapeDtypeStruct((NB, 1, OUT_CH), jnp.float32),
        ],
    )(acc, p, deg, b)


def _tc_c2_body(pre_ref, s1_ref, s2_ref, g_ref, be_ref, out_ref):
    mean, inv = _bn_stats(s1_ref, s2_ref)
    out_ref[...] = (pre_ref[...] - mean) * inv * g_ref[...] + be_ref[...]


def _tc_c2(pre, s1, s2, g, be):
    return pl.pallas_call(
        _tc_c2_body,
        grid=(NB,),
        in_specs=[
            pl.BlockSpec((BLK, OUT_CH), lambda i: (i, 0)),
            pl.BlockSpec((NB, 1, OUT_CH), lambda i: (0, 0, 0)),
            pl.BlockSpec((NB, 1, OUT_CH), lambda i: (0, 0, 0)),
            pl.BlockSpec((1, OUT_CH), lambda i: (0, 0)),
            pl.BlockSpec((1, OUT_CH), lambda i: (0, 0)),
        ],
        out_specs=pl.BlockSpec((BLK, OUT_CH), lambda i: (i, 0)),
        out_shape=jax.ShapeDtypeStruct((NP, OUT_CH), jnp.float32),
    )(pre, s1, s2, g, be)


def kernel(x, edge_index, W1, b1, g1, be1, W2, b2, g2, be2):
    src = edge_index[0].astype(jnp.int32)
    dst = edge_index[1].astype(jnp.int32)

    pad_seg = NS * CSEG * K - E
    src_seg = jnp.concatenate([src, jnp.zeros((pad_seg,), jnp.int32)])
    src_seg = src_seg.reshape(NS, CSEG, K)
    src_seg2 = jnp.stack([src_seg, src_seg + NP])
    dst_seg = jnp.concatenate(
        [dst, jnp.full((pad_seg,), DUMMY, jnp.int32)]
    ).reshape(NS, CSEG, K)

    pad_deg = NC * NS * CDEG * K - E
    dst_deg = jnp.concatenate(
        [dst, jnp.full((pad_deg,), DUMMY, jnp.int32)]
    ).reshape(NC, NS, CDEG, K)
    dst_deg_flat = dst_deg.reshape(NC, NS, CDEG * K)
    src_es = jnp.concatenate([src, jnp.zeros((pad_deg,), jnp.int32)]).reshape(
        NC, NS, CDEG, K
    )

    xp = jnp.zeros((NP, IN_CH), jnp.float32).at[:N].set(x)

    deg1 = _deg_kernel(dst_deg_flat)
    deg = jnp.broadcast_to(deg1[:, :, None], (NC, NP, 16))

    p1 = _tc_a(deg, xp, W1)
    acc1 = _segsum128(p1.reshape(NC * NP, HID // 2), src_seg2, dst_seg)
    pre1, s1a, s2a = _tc_pre(acc1, p1, deg, b1.reshape(1, HID), HID // 2)
    p2 = _tc_b2(pre1, s1a, s2a, deg, g1.reshape(1, HID), be1.reshape(1, HID), W2)
    acc2 = _segsum_es(p2, src_es, dst_deg)
    pre2, s1b, s2b = _tc_pre2(acc2, p2, deg, b2.reshape(1, OUT_CH))
    out = _tc_c2(pre2, s1b, s2b, g2.reshape(1, OUT_CH), be2.reshape(1, OUT_CH))
    return out[:N]

# --- scband reference (transcript-rebuilt; emitter-appended) ---
"""Pipeline reference for scband-gaeencoder-4071628996674 (READ-ONLY COPY).

The authoritative reference and input builder live on the scoring server;
editing this copy changes nothing except your own understanding.
"""

import jax, jax.numpy as jnp
import numpy as np

N_NODES = 10000
N_EDGES = 320000
IN_CH = 128
OUT_CH = 128
HID = 2 * OUT_CH


def gcn_conv(x, edge_index, W, b):
    n = x.shape[0]
    loop = jnp.arange(n, dtype=edge_index.dtype)
    src = jnp.concatenate([edge_index[0], loop])
    dst = jnp.concatenate([edge_index[1], loop])
    deg = jnp.zeros((n,), x.dtype).at[dst].add(1.0)
    deg_inv_sqrt = jnp.where(deg > 0, 1.0 / jnp.sqrt(deg), 0.0)
    norm = deg_inv_sqrt[src] * deg_inv_sqrt[dst]
    h = x @ W
    msg = h[src] * norm[:, None]
    out = jnp.zeros((n, W.shape[1]), x.dtype).at[dst].add(msg)
    return out + b


def batchnorm(x, gamma, beta, eps=1e-5):
    mean = jnp.mean(x, axis=0)
    var = jnp.var(x, axis=0)
    return (x - mean) / jnp.sqrt(var + eps) * gamma + beta


def setup_inputs(seed: int = 0):
    key = jax.random.key(seed)
    ks = jax.random.split(key, 6)
    x = jax.random.normal(ks[0], (N_NODES, IN_CH), dtype=jnp.float32)
    edge_index = jax.random.randint(ks[1], (2, N_EDGES), 0, N_NODES, dtype=jnp.int32)
    # glorot init for GCN weights
    s1 = float(np.sqrt(6.0 / (IN_CH + HID)))
    s2 = float(np.sqrt(6.0 / (HID + OUT_CH)))
    W1 = jax.random.uniform(ks[2], (IN_CH, HID), jnp.float32, -s1, s1)
    W2 = jax.random.uniform(ks[3], (HID, OUT_CH), jnp.float32, -s2, s2)
    b1 = jnp.zeros((HID,), jnp.float32)
    b2 = jnp.zeros((OUT_CH,), jnp.float32)
    g1 = jnp.ones((HID,), jnp.float32)
    be1 = jnp.zeros((HID,), jnp.float32)
    g2 = jnp.ones((OUT_CH,), jnp.float32)
    be2 = jnp.zeros((OUT_CH,), jnp.float32)
    return {"x": x, "edge_index": edge_index, "W1": W1, "b1": b1, "g1": g1, "be1": be1, "W2": W2, "b2": b2, "g2": g2, "be2": be2}


def reference(x, edge_index, W1, b1, g1, be1, W2, b2, g2, be2):
    h = gcn_conv(x, edge_index, W1, b1)
    h = batchnorm(h, g1, be1)
    h = jax.nn.relu(h)
    h = gcn_conv(h, edge_index, W2, b2)
    h = batchnorm(h, g2, be2)
    return h

if __name__ == "__main__":
    import jax
    _d = setup_inputs()
    print(jax.jit(kernel)(*tuple(_d.values())))

</pallas_src>

<mosaic_0001>
#map = affine_map<(d0, d1) -> (0, 0, 0)>
#map1 = affine_map<(d0, d1) -> (0, 0)>
module attributes {stable_mosaic.version = 14 : i64} {
  func.func @_deg_kernel(%arg0: i32, %arg1: i32, %arg2: memref<2x16x10112xi32, #tpu.memory_space<hbm>>, %arg3: memref<2x10240xf32, #tpu.memory_space<hbm>>, %arg4: memref<10112xi32, #tpu.memory_space<vmem>>, %arg5: memref<10240xf32, #tpu.memory_space<vmem>>, %arg6: memref<16x640xf32, #tpu.memory_space<vmem>>, %arg7: memref<640xf32, #tpu.memory_space<vmem>>, %arg8: memref<16x10240xf32, #tpu.memory_space<vmem_shared>>) attributes {dimension_semantics = [#tpu.dimension_semantics<core_parallel>, #tpu.dimension_semantics<subcore_parallel>], iteration_bounds = array<i64: 2, 16>, scalar_prefetch = 0 : i64, scratch_operands = 5 : i64, tpu.core_type = #tpu.core_type<sc_vector_subcore>, window_params = [{transform_indices = #map}, {transform_indices = #map1}]} {
    "tpu.region"() ({
      %run_scoped3A_87 = tpu.sem_alloc : memref<!tpu.dma_semaphore, #tpu.memory_space<semaphore_mem>>
      %dma_start3A = arith.constant 0 : i32
      %dma_start3A_88 = tpu.memref_slice %arg2[%arg0, %arg1, %dma_start3A] : memref<2x16x10112xi32, #tpu.memory_space<hbm>> -> memref<1x1x10112xi32, #tpu.memory_space<hbm>>
      %dma_start3A_89 = tpu.memref_squeeze %dma_start3A_88 : memref<1x1x10112xi32, #tpu.memory_space<hbm>> -> memref<10112xi32, #tpu.memory_space<hbm>>
      %dma_start3A_90 = arith.constant 0 : i32
      %dma_start3A_91 = tpu.memref_slice %arg2[%arg0, %arg1, %dma_start3A_90] : memref<2x16x10112xi32, #tpu.memory_space<hbm>> -> memref<1x1x10112xi32, #tpu.memory_space<hbm>>
      %dma_start3A_92 = tpu.memref_squeeze %dma_start3A_91 : memref<1x1x10112xi32, #tpu.memory_space<hbm>> -> memref<10112xi32, #tpu.memory_space<hbm>>
      tpu.enqueue_dma source(%dma_start3A_92 : memref<10112xi32, #tpu.memory_space<hbm>>) target(%arg4 : memref<10112xi32, #tpu.memory_space<vmem>>) target_semaphore(%run_scoped3A_87 : memref<!tpu.dma_semaphore, #tpu.memory_space<semaphore_mem>>)
      %dma_wait3A = arith.constant 0 : i32
      %dma_wait3A_93 = tpu.memref_slice %arg2[%arg0, %arg1, %dma_wait3A] : memref<2x16x10112xi32, #tpu.memory_space<hbm>> -> memref<1x1x10112xi32, #tpu.memory_space<hbm>>
      %dma_wait3A_94 = tpu.memref_squeeze %dma_wait3A_93 : memref<1x1x10112xi32, #tpu.memory_space<hbm>> -> memref<10112xi32, #tpu.memory_space<hbm>>
      %dma_wait3A_95 = arith.constant 0 : i32
      %dma_wait3A_96 = tpu.memref_slice %arg2[%arg0, %arg1, %dma_wait3A_95] : memref<2x16x10112xi32, #tpu.memory_space<hbm>> -> memref<1x1x10112xi32, #tpu.memory_space<hbm>>
      %dma_wait3A_97 = tpu.memref_squeeze %dma_wait3A_96 : memref<1x1x10112xi32, #tpu.memory_space<hbm>> -> memref<10112xi32, #tpu.memory_space<hbm>>
      tpu.wait_dma2 semaphore(%run_scoped3A_87 : memref<!tpu.dma_semaphore, #tpu.memory_space<semaphore_mem>>) src(%dma_wait3A_97 : memref<10112xi32, #tpu.memory_space<hbm>>) dst(%arg4 : memref<10112xi32, #tpu.memory_space<vmem>>)
      tpu.yield
    }) : () -> ()
    %broadcast_in_dim3A = arith.constant 0.000000e+00 : f32
    %broadcast_in_dim3A_0 = vector.broadcast %broadcast_in_dim3A : f32 to vector<16xf32>
    %broadcast_in_dim3A_1 = arith.constant 1.000000e+00 : f32
    %broadcast_in_dim3A_2 = vector.broadcast %broadcast_in_dim3A_1 : f32 to vector<16xf32>
    %scan3A = arith.constant 0 : i32
    %scan3A_3 = arith.constant 0 : i32
    %scan3A_4 = arith.constant 640 : i32
    %scan3A_5 = arith.addi %scan3A_3, %scan3A_4 : i32
    %scan3A_6 = arith.constant 1 : i32
    %scan3A_7 = scf.for %scan3A_87 = %scan3A_3 to %scan3A_5 step %scan3A_6 iter_args(%scan3A_88 = %scan3A) -> (i32)  : i32 {
      %mul3A_89 = arith.constant 16 : i32
      %mul3A_90 = arith.muli %scan3A_87, %mul3A_89 : i32
      %swap3A = arith.index_cast %mul3A_90 : i32 to index
      %swap3A_91 = tpu.vector_load %arg5[%swap3A] {strides = array<i32>} : memref<10240xf32, #tpu.memory_space<vmem>>, vector<16xf32>,
      tpu.vector_store %arg5[%swap3A], %broadcast_in_dim3A_0 {strides = array<i32>} : memref<10240xf32, #tpu.memory_space<vmem>>, vector<16xf32>,
      %scan3A_92 = arith.constant 0 : i32
      scf.yield %scan3A_92 : i32
    }
    %scan3A_8 = arith.constant 640 : i32
    %scan3A_9 = arith.constant 0 : i32
    %scan3A_10 = arith.constant 0 : i32
    %scan3A_11 = arith.constant 632 : i32
    %scan3A_12 = arith.addi %scan3A_10, %scan3A_11 : i32
    %scan3A_13 = arith.constant 1 : i32
    %scan3A_14 = scf.for %scan3A_87 = %scan3A_10 to %scan3A_12 step %scan3A_13 iter_args(%scan3A_88 = %scan3A_9) -> (i32)  : i32 {
      %mul3A_89 = arith.constant 16 : i32
      %mul3A_90 = arith.muli %scan3A_87, %mul3A_89 : i32
      %get3A = arith.index_cast %mul3A_90 : i32 to index
      %get3A_91 = tpu.vector_load %arg4[%get3A] {strides = array<i32>} : memref<10112xi32, #tpu.memory_space<vmem>>, vector<16xi32>,
      tpu.vector_store_idx %arg5[%get3A_91], %broadcast_in_dim3A_2 {add = true} : memref<10240xf32, #tpu.memory_space<vmem>>[vector<16xi32>], vector<16xf32>,
      %scan3A_92 = arith.constant 0 : i32
      scf.yield %scan3A_92 : i32
    }
    %scan3A_15 = arith.constant 632 : i32
    "tpu.region"() ({
      %run_scoped3A_87 = tpu.sem_alloc : memref<!tpu.dma_semaphore, #tpu.memory_space<semaphore_mem>>
      %dma_start3A = arith.constant 0 : i32
      %dma_start3A_88 = tpu.memref_slice %arg8[%arg1, %dma_start3A] : memref<16x10240xf32, #tpu.memory_space<vmem_shared>> -> memref<1x10240xf32, #tpu.memory_space<vmem_shared>>
      %dma_start3A_89 = tpu.memref_squeeze %dma_start3A_88 : memref<1x10240xf32, #tpu.memory_space<vmem_shared>> -> memref<10240xf32, #tpu.memory_space<vmem_shared>>
      %dma_start3A_90 = arith.constant 0 : i32
      %dma_start3A_91 = tpu.memref_slice %arg8[%arg1, %dma_start3A_90] : memref<16x10240xf32, #tpu.memory_space<vmem_shared>> -> memref<1x10240xf32, #tpu.memory_space<vmem_shared>>
      %dma_start3A_92 = tpu.memref_squeeze %dma_start3A_91 : memref<1x10240xf32, #tpu.memory_space<vmem_shared>> -> memref<10240xf32, #tpu.memory_space<vmem_shared>>
      tpu.enqueue_dma source(%arg5 : memref<10240xf32, #tpu.memory_space<vmem>>) target(%dma_start3A_92 : memref<10240xf32, #tpu.memory_space<vmem_shared>>) target_semaphore(%run_scoped3A_87 : memref<!tpu.dma_semaphore, #tpu.memory_space<semaphore_mem>>)
      %dma_wait3A = arith.constant 0 : i32
      %dma_wait3A_93 = tpu.memref_slice %arg8[%arg1, %dma_wait3A] : memref<16x10240xf32, #tpu.memory_space<vmem_shared>> -> memref<1x10240xf32, #tpu.memory_space<vmem_shared>>
      %dma_wait3A_94 = tpu.memref_squeeze %dma_wait3A_93 : memref<1x10240xf32, #tpu.memory_space<vmem_shared>> -> memref<10240xf32, #tpu.memory_space<vmem_shared>>
      %dma_wait3A_95 = arith.constant 0 : i32
      %dma_wait3A_96 = tpu.memref_slice %arg8[%arg1, %dma_wait3A_95] : memref<16x10240xf32, #tpu.memory_space<vmem_shared>> -> memref<1x10240xf32, #tpu.memory_space<vmem_shared>>
      %dma_wait3A_97 = tpu.memref_squeeze %dma_wait3A_96 : memref<1x10240xf32, #tpu.memory_space<vmem_shared>> -> memref<10240xf32, #tpu.memory_space<vmem_shared>>
      tpu.wait_dma2 semaphore(%run_scoped3A_87 : memref<!tpu.dma_semaphore, #tpu.memory_space<semaphore_mem>>) src(%arg5 : memref<10240xf32, #tpu.memory_space<vmem>>) dst(%dma_wait3A_97 : memref<10240xf32, #tpu.memory_space<vmem_shared>>)
      tpu.yield
    }) : () -> ()
    %barrier3A = arith.constant 0 : index
    tpu.barrier barrier_id(%barrier3A)
    %mul3A = arith.constant 640 : i32
    %mul3A_16 = arith.muli %arg1, %mul3A : i32
    %run_scoped3A = arith.constant 0 : i32
    %run_scoped3A_17 = arith.constant 0 : i32
    "tpu.region"() ({
      %run_scoped3A_87 = tpu.sem_alloc : memref<!tpu.dma_semaphore, #tpu.memory_space<semaphore_mem>>
      %dma_start3A = arith.constant 0 : i32
      %dma_start3A_88 = tpu.memref_slice %arg6[%run_scoped3A_17, %dma_start3A] : memref<16x640xf32, #tpu.memory_space<vmem>> -> memref<1x640xf32, #tpu.memory_space<vmem>>
      %dma_start3A_89 = tpu.memref_squeeze %dma_start3A_88 : memref<1x640xf32, #tpu.memory_space<vmem>> -> memref<640xf32, #tpu.memory_space<vmem>>
      %dma_start3A_90 = tpu.memref_slice %arg8[%run_scoped3A, %mul3A_16] : memref<16x10240xf32, #tpu.memory_space<vmem_shared>> -> memref<1x640xf32, #tpu.memory_space<vmem_shared>>
      %dma_start3A_91 = tpu.memref_squeeze %dma_start3A_90 : memref<1x640xf32, #tpu.memory_space<vmem_shared>> -> memref<640xf32, #tpu.memory_space<vmem_shared>>
      %dma_start3A_92 = arith.constant 0 : i32
      %dma_start3A_93 = tpu.memref_slice %arg6[%run_scoped3A_17, %dma_start3A_92] : memref<16x640xf32, #tpu.memory_space<vmem>> -> memref<1x640xf32, #tpu.memory_space<vmem>>
      %dma_start3A_94 = tpu.memref_squeeze %dma_start3A_93 : memref<1x640xf32, #tpu.memory_space<vmem>> -> memref<640xf32, #tpu.memory_space<vmem>>
      %dma_start3A_95 = tpu.memref_slice %arg8[%run_scoped3A, %mul3A_16] : memref<16x10240xf32, #tpu.memory_space<vmem_shared>> -> memref<1x640xf32, #tpu.memory_space<vmem_shared>>
      %dma_start3A_96 = tpu.memref_squeeze %dma_start3A_95 : memref<1x640xf32, #tpu.memory_space<vmem_shared>> -> memref<640xf32, #tpu.memory_space<vmem_shared>>
      tpu.enqueue_dma source(%dma_start3A_96 : memref<640xf32, #tpu.memory_space<vmem_shared>>) target(%dma_start3A_94 : memref<640xf32, #tpu.memory_space<vmem>>) target_semaphore(%run_scoped3A_87 : memref<!tpu.dma_semaphore, #tpu.memory_space<semaphore_mem>>)
      %dma_wait3A = arith.constant 0 : i32
      %dma_wait3A_97 = tpu.memref_slice %arg6[%run_scoped3A_17, %dma_wait3A] : memref<16x640xf32, #tpu.memory_space<vmem>> -> memref<1x640xf32, #tpu.memory_space<vmem>>
      %dma_wait3A_98 = tpu.memref_squeeze %dma_wait3A_97 : memref<1x640xf32, #tpu.memory_space<vmem>> -> memref<640xf32, #tpu.memory_space<vmem>>
      %dma_wait3A_99 = tpu.memref_slice %arg8[%run_scoped3A, %mul3A_16] : memref<16x10240xf32, #tpu.memory_space<vmem_shared>> -> memref<1x640xf32, #tpu.memory_space<vmem_shared>>
      %dma_wait3A_100 = tpu.memref_squeeze %dma_wait3A_99 : memref<1x640xf32, #tpu.memory_space<vmem_shared>> -> memref<640xf32, #tpu.memory_space<vmem_shared>>
      %dma_wait3A_101 = arith.constant 0 : i32
      %dma_wait3A_102 = tpu.memref_slice %arg6[%run_scoped3A_17, %dma_wait3A_101] : memref<16x640xf32, #tpu.memory_space<vmem>> -> memref<1x640xf32, #tpu.memory_space<vmem>>
      %dma_wait3A_103 = tpu.memref_squeeze %dma_wait3A_102 : memref<1x640xf32, #tpu.memory_space<vmem>> -> memref<640xf32, #tpu.memory_space<vmem>>
      %dma_wait3A_104 = tpu.memref_slice %arg8[%run_scoped3A, %mul3A_16] : memref<16x10240xf32, #tpu.memory_space<vmem_shared>> -> memref<1x640xf32, #tpu.memory_space<vmem_shared>>
      %dma_wait3A_105 = tpu.memref_squeeze %dma_wait3A_104 : memref<1x640xf32, #tpu.memory_space<vmem_shared>> -> memref<640xf32, #tpu.memory_space<vmem_shared>>
      tpu.wait_dma2 semaphore(%run_scoped3A_87 : memref<!tpu.dma_semaphore, #tpu.memory_space<semaphore_mem>>) src(%dma_wait3A_105 : memref<640xf32, #tpu.memory_space<vmem_shared>>) dst(%dma_wait3A_103 : memref<640xf32, #tpu.memory_space<vmem>>)
      tpu.yield
    }) : () -> ()
    %mul3A_18 = arith.constant 640 : i32
    %mul3A_19 = arith.muli %arg1, %mul3A_18 : i32
    %run_scoped3A_20 = arith.constant 1 : i32
    %run_scoped3A_21 = arith.constant 1 : i32
    "tpu.region"() ({
      %run_scoped3A_87 = tpu.sem_alloc : memref<!tpu.dma_semaphore, #tpu.memory_space<semaphore_mem>>
      %dma_start3A = arith.constant 0 : i32
      %dma_start3A_88 = tpu.memref_slice %arg6[%run_scoped3A_21, %dma_start3A] : memref<16x640xf32, #tpu.memory_space<vmem>> -> memref<1x640xf32, #tpu.memory_space<vmem>>
      %dma_start3A_89 = tpu.memref_squeeze %dma_start3A_88 : memref<1x640xf32, #tpu.memory_space<vmem>> -> memref<640xf32, #tpu.memory_space<vmem>>
      %dma_start3A_90 = tpu.memref_slice %arg8[%run_scoped3A_20, %mul3A_19] : memref<16x10240xf32, #tpu.memory_space<vmem_shared>> -> memref<1x640xf32, #tpu.memory_space<vmem_shared>>
      %dma_start3A_91 = tpu.memref_squeeze %dma_start3A_90 : memref<1x640xf32, #tpu.memory_space<vmem_shared>> -> memref<640xf32, #tpu.memory_space<vmem_shared>>
      %dma_start3A_92 = arith.constant 0 : i32
      %dma_start3A_93 = tpu.memref_slice %arg6[%run_scoped3A_21, %dma_start3A_92] : memref<16x640xf32, #tpu.memory_space<vmem>> -> memref<1x640xf32, #tpu.memory_space<vmem>>
      %dma_start3A_94 = tpu.memref_squeeze %dma_start3A_93 : memref<1x640xf32, #tpu.memory_space<vmem>> -> memref<640xf32, #tpu.memory_space<vmem>>
      %dma_start3A_95 = tpu.memref_slice %arg8[%run_scoped3A_20, %mul3A_19] : memref<16x10240xf32, #tpu.memory_space<vmem_shared>> -> memref<1x640xf32, #tpu.memory_space<vmem_shared>>
      %dma_start3A_96 = tpu.memref_squeeze %dma_start3A_95 : memref<1x640xf32, #tpu.memory_space<vmem_shared>> -> memref<640xf32, #tpu.memory_space<vmem_shared>>
      tpu.enqueue_dma source(%dma_start3A_96 : memref<640xf32, #tpu.memory_space<vmem_shared>>) target(%dma_start3A_94 : memref<640xf32, #tpu.memory_space<vmem>>) target_semaphore(%run_scoped3A_87 : memref<!tpu.dma_semaphore, #tpu.memory_space<semaphore_mem>>)
      %dma_wait3A = arith.constant 0 : i32
      %dma_wait3A_97 = tpu.memref_slice %arg6[%run_scoped3A_21, %dma_wait3A] : memref<16x640xf32, #tpu.memory_space<vmem>> -> memref<1x640xf32, #tpu.memory_space<vmem>>
      %dma_wait3A_98 = tpu.memref_squeeze %dma_wait3A_97 : memref<1x640xf32, #tpu.memory_space<vmem>> -> memref<640xf32, #tpu.memory_space<vmem>>
      %dma_wait3A_99 = tpu.memref_slice %arg8[%run_scoped3A_20, %mul3A_19] : memref<16x10240xf32, #tpu.memory_space<vmem_shared>> -> memref<1x640xf32, #tpu.memory_space<vmem_shared>>
      %dma_wait3A_100 = tpu.memref_squeeze %dma_wait3A_99 : memref<1x640xf32, #tpu.memory_space<vmem_shared>> -> memref<640xf32, #tpu.memory_space<vmem_shared>>
      %dma_wait3A_101 = arith.constant 0 : i32
      %dma_wait3A_102 = tpu.memref_slice %arg6[%run_scoped3A_21, %dma_wait3A_101] : memref<16x640xf32, #tpu.memory_space<vmem>> -> memref<1x640xf32, #tpu.memory_space<vmem>>
      %dma_wait3A_103 = tpu.memref_squeeze %dma_wait3A_102 : memref<1x640xf32, #tpu.memory_space<vmem>> -> memref<640xf32, #tpu.memory_space<vmem>>
      %dma_wait3A_104 = tpu.memref_slice %arg8[%run_scoped3A_20, %mul3A_19] : memref<16x10240xf32, #tpu.memory_space<vmem_shared>> -> memref<1x640xf32, #tpu.memory_space<vmem_shared>>
      %dma_wait3A_105 = tpu.memref_squeeze %dma_wait3A_104 : memref<1x640xf32, #tpu.memory_space<vmem_shared>> -> memref<640xf32, #tpu.memory_space<vmem_shared>>
      tpu.wait_dma2 semaphore(%run_scoped3A_87 : memref<!tpu.dma_semaphore, #tpu.memory_space<semaphore_mem>>) src(%dma_wait3A_105 : memref<640xf32, #tpu.memory_space<vmem_shared>>) dst(%dma_wait3A_103 : memref<640xf32, #tpu.memory_space<vmem>>)
      tpu.yield
    }) : () -> ()
    %mul3A_22 = arith.constant 640 : i32
    %mul3A_23 = arith.muli %arg1, %mul3A_22 : i32
    %run_scoped3A_24 = arith.constant 2 : i32
    %run_scoped3A_25 = arith.constant 2 : i32
    "tpu.region"() ({
      %run_scoped3A_87 = tpu.sem_alloc : memref<!tpu.dma_semaphore, #tpu.memory_space<semaphore_mem>>
      %dma_start3A = arith.constant 0 : i32
      %dma_start3A_88 = tpu.memref_slice %arg6[%run_scoped3A_25, %dma_start3A] : memref<16x640xf32, #tpu.memory_space<vmem>> -> memref<1x640xf32, #tpu.memory_space<vmem>>
      %dma_start3A_89 = tpu.memref_squeeze %dma_start3A_88 : memref<1x640xf32, #tpu.memory_space<vmem>> -> memref<640xf32, #tpu.memory_space<vmem>>
      %dma_start3A_90 = tpu.memref_slice %arg8[%run_scoped3A_24, %mul3A_23] : memref<16x10240xf32, #tpu.memory_space<vmem_shared>> -> memref<1x640xf32, #tpu.memory_space<vmem_shared>>
      %dma_start3A_91 = tpu.memref_squeeze %dma_start3A_90 : memref<1x640xf32, #tpu.memory_space<vmem_shared>> -> memref<640xf32, #tpu.memory_space<vmem_shared>>
      %dma_start3A_92 = arith.constant 0 : i32
      %dma_start3A_93 = tpu.memref_slice %arg6[%run_scoped3A_25, %dma_start3A_92] : memref<16x640xf32, #tpu.memory_space<vmem>> -> memref<1x640xf32, #tpu.memory_space<vmem>>
      %dma_start3A_94 = tpu.memref_squeeze %dma_start3A_93 : memref<1x640xf32, #tpu.memory_space<vmem>> -> memref<640xf32, #tpu.memory_space<vmem>>
      %dma_start3A_95 = tpu.memref_slice %arg8[%run_scoped3A_24, %mul3A_23] : memref<16x10240xf32, #tpu.memory_space<vmem_shared>> -> memref<1x640xf32, #tpu.memory_space<vmem_shared>>
      %dma_start3A_96 = tpu.memref_squeeze %dma_start3A_95 : memref<1x640xf32, #tpu.memory_space<vmem_shared>> -> memref<640xf32, #tpu.memory_space<vmem_shared>>
      tpu.enqueue_dma source(%dma_start3A_96 : memref<640xf32, #tpu.memory_space<vmem_shared>>) target(%dma_start3A_94 : memref<640xf32, #tpu.memory_space<vmem>>) target_semaphore(%run_scoped3A_87 : memref<!tpu.dma_semaphore, #tpu.memory_space<semaphore_mem>>)
      %dma_wait3A = arith.constant 0 : i32
      %dma_wait3A_97 = tpu.memref_slice %arg6[%run_scoped3A_25, %dma_wait3A] : memref<16x640xf32, #tpu.memory_space<vmem>> -> memref<1x640xf32, #tpu.memory_space<vmem>>
      %dma_wait3A_98 = tpu.memref_squeeze %dma_wait3A_97 : memref<1x640xf32, #tpu.memory_space<vmem>> -> memref<640xf32, #tpu.memory_space<vmem>>
      %dma_wait3A_99 = tpu.memref_slice %arg8[%run_scoped3A_24, %mul3A_23] : memref<16x10240xf32, #tpu.memory_space<vmem_shared>> -> memref<1x640xf32, #tpu.memory_space<vmem_shared>>
      %dma_wait3A_100 = tpu.memref_squeeze %dma_wait3A_99 : memref<1x640xf32, #tpu.memory_space<vmem_shared>> -> memref<640xf32, #tpu.memory_space<vmem_shared>>
      %dma_wait3A_101 = arith.constant 0 : i32
      %dma_wait3A_102 = tpu.memref_slice %arg6[%run_scoped3A_25, %dma_wait3A_101] : memref<16x640xf32, #tpu.memory_space<vmem>> -> memref<1x640xf32, #tpu.memory_space<vmem>>
      %dma_wait3A_103 = tpu.memref_squeeze %dma_wait3A_102 : memref<1x640xf32, #tpu.memory_space<vmem>> -> memref<640xf32, #tpu.memory_space<vmem>>
      %dma_wait3A_104 = tpu.memref_slice %arg8[%run_scoped3A_24, %mul3A_23] : memref<16x10240xf32, #tpu.memory_space<vmem_shared>> -> memref<1x640xf32, #tpu.memory_space<vmem_shared>>
      %dma_wait3A_105 = tpu.memref_squeeze %dma_wait3A_104 : memref<1x640xf32, #tpu.memory_space<vmem_shared>> -> memref<640xf32, #tpu.memory_space<vmem_shared>>
      tpu.wait_dma2 semaphore(%run_scoped3A_87 : memref<!tpu.dma_semaphore, #tpu.memory_space<semaphore_mem>>) src(%dma_wait3A_105 : memref<640xf32, #tpu.memory_space<vmem_shared>>) dst(%dma_wait3A_103 : memref<640xf32, #tpu.memory_space<vmem>>)
      tpu.yield
    }) : () -> ()
    %mul3A_26 = arith.constant 640 : i32
    %mul3A_27 = arith.muli %arg1, %mul3A_26 : i32
    %run_scoped3A_28 = arith.constant 3 : i32
    %run_scoped3A_29 = arith.constant 3 : i32
    "tpu.region"() ({
      %run_scoped3A_87 = tpu.sem_alloc : memref<!tpu.dma_semaphore, #tpu.memory_space<semaphore_mem>>
      %dma_start3A = arith.constant 0 : i32
      %dma_start3A_88 = tpu.memref_slice %arg6[%run_scoped3A_29, %dma_start3A] : memref<16x640xf32, #tpu.memory_space<vmem>> -> memref<1x640xf32, #tpu.memory_space<vmem>>
      %dma_start3A_89 = tpu.memref_squeeze %dma_start3A_88 : memref<1x640xf32, #tpu.memory_space<vmem>> -> memref<640xf32, #tpu.memory_space<vmem>>
      %dma_start3A_90 = tpu.memref_slice %arg8[%run_scoped3A_28, %mul3A_27] : memref<16x10240xf32, #tpu.memory_space<vmem_shared>> -> memref<1x640xf32, #tpu.memory_space<vmem_shared>>
      %dma_start3A_91 = tpu.memref_squeeze %dma_start3A_90 : memref<1x640xf32, #tpu.memory_space<vmem_shared>> -> memref<640xf32, #tpu.memory_space<vmem_shared>>
      %dma_start3A_92 = arith.constant 0 : i32
      %dma_start3A_93 = tpu.memref_slice %arg6[%run_scoped3A_29, %dma_start3A_92] : memref<16x640xf32, #tpu.memory_space<vmem>> -> memref<1x640xf32, #tpu.memory_space<vmem>>
      %dma_start3A_94 = tpu.memref_squeeze %dma_start3A_93 : memref<1x640xf32, #tpu.memory_space<vmem>> -> memref<640xf32, #tpu.memory_space<vmem>>
      %dma_start3A_95 = tpu.memref_slice %arg8[%run_scoped3A_28, %mul3A_27] : memref<16x10240xf32, #tpu.memory_space<vmem_shared>> -> memref<1x640xf32, #tpu.memory_space<vmem_shared>>
      %dma_start3A_96 = tpu.memref_squeeze %dma_start3A_95 : memref<1x640xf32, #tpu.memory_space<vmem_shared>> -> memref<640xf32, #tpu.memory_space<vmem_shared>>
      tpu.enqueue_dma source(%dma_start3A_96 : memref<640xf32, #tpu.memory_space<vmem_shared>>) target(%dma_start3A_94 : memref<640xf32, #tpu.memory_space<vmem>>) target_semaphore(%run_scoped3A_87 : memref<!tpu.dma_semaphore, #tpu.memory_space<semaphore_mem>>)
      %dma_wait3A = arith.constant 0 : i32
      %dma_wait3A_97 = tpu.memref_slice %arg6[%run_scoped3A_29, %dma_wait3A] : memref<16x640xf32, #tpu.memory_space<vmem>> -> memref<1x640xf32, #tpu.memory_space<vmem>>
      %dma_wait3A_98 = tpu.memref_squeeze %dma_wait3A_97 : memref<1x640xf32, #tpu.memory_space<vmem>> -> memref<640xf32, #tpu.memory_space<vmem>>
      %dma_wait3A_99 = tpu.memref_slice %arg8[%run_scoped3A_28, %mul3A_27] : memref<16x10240xf32, #tpu.memory_space<vmem_shared>> -> memref<1x640xf32, #tpu.memory_space<vmem_shared>>
      %dma_wait3A_100 = tpu.memref_squeeze %dma_wait3A_99 : memref<1x640xf32, #tpu.memory_space<vmem_shared>> -> memref<640xf32, #tpu.memory_space<vmem_shared>>
      %dma_wait3A_101 = arith.constant 0 : i32
      %dma_wait3A_102 = tpu.memref_slice %arg6[%run_scoped3A_29, %dma_wait3A_101] : memref<16x640xf32, #tpu.memory_space<vmem>> -> memref<1x640xf32, #tpu.memory_space<vmem>>
      %dma_wait3A_103 = tpu.memref_squeeze %dma_wait3A_102 : memref<1x640xf32, #tpu.memory_space<vmem>> -> memref<640xf32, #tpu.memory_space<vmem>>
      %dma_wait3A_104 = tpu.memref_slice %arg8[%run_scoped3A_28, %mul3A_27] : memref<16x10240xf32, #tpu.memory_space<vmem_shared>> -> memref<1x640xf32, #tpu.memory_space<vmem_shared>>
      %dma_wait3A_105 = tpu.memref_squeeze %dma_wait3A_104 : memref<1x640xf32, #tpu.memory_space<vmem_shared>> -> memref<640xf32, #tpu.memory_space<vmem_shared>>
      tpu.wait_dma2 semaphore(%run_scoped3A_87 : memref<!tpu.dma_semaphore, #tpu.memory_space<semaphore_mem>>) src(%dma_wait3A_105 : memref<640xf32, #tpu.memory_space<vmem_shared>>) dst(%dma_wait3A_103 : memref<640xf32, #tpu.memory_space<vmem>>)
      tpu.yield
    }) : () -> ()
    %mul3A_30 = arith.constant 640 : i32
    %mul3A_31 = arith.muli %arg1, %mul3A_30 : i32
    %run_scoped3A_32 = arith.constant 4 : i32
    %run_scoped3A_33 = arith.constant 4 : i32
    "tpu.region"() ({
      %run_scoped3A_87 = tpu.sem_alloc : memref<!tpu.dma_semaphore, #tpu.memory_space<semaphore_mem>>
      %dma_start3A = arith.constant 0 : i32
      %dma_start3A_88 = tpu.memref_slice %arg6[%run_scoped3A_33, %dma_start3A] : memref<16x640xf32, #tpu.memory_space<vmem>> -> memref<1x640xf32, #tpu.memory_space<vmem>>
      %dma_start3A_89 = tpu.memref_squeeze %dma_start3A_88 : memref<1x640xf32, #tpu.memory_space<vmem>> -> memref<640xf32, #tpu.memory_space<vmem>>
      %dma_start3A_90 = tpu.memref_slice %arg8[%run_scoped3A_32, %mul3A_31] : memref<16x10240xf32, #tpu.memory_space<vmem_shared>> -> memref<1x640xf32, #tpu.memory_space<vmem_shared>>
      %dma_start3A_91 = tpu.memref_squeeze %dma_start3A_90 : memref<1x640xf32, #tpu.memory_space<vmem_shared>> -> memref<640xf32, #tpu.memory_space<vmem_shared>>
      %dma_start3A_92 = arith.constant 0 : i32
      %dma_start3A_93 = tpu.memref_slice %arg6[%run_scoped3A_33, %dma_start3A_92] : memref<16x640xf32, #tpu.memory_space<vmem>> -> memref<1x640xf32, #tpu.memory_space<vmem>>
      %dma_start3A_94 = tpu.memref_squeeze %dma_start3A_93 : memref<1x640xf32, #tpu.memory_space<vmem>> -> memref<640xf32, #tpu.memory_space<vmem>>
      %dma_start3A_95 = tpu.memref_slice %arg8[%run_scoped3A_32, %mul3A_31] : memref<16x10240xf32, #tpu.memory_space<vmem_shared>> -> memref<1x640xf32, #tpu.memory_space<vmem_shared>>
      %dma_start3A_96 = tpu.memref_squeeze %dma_start3A_95 : memref<1x640xf32, #tpu.memory_space<vmem_shared>> -> memref<640xf32, #tpu.memory_space<vmem_shared>>
      tpu.enqueue_dma source(%dma_start3A_96 : memref<640xf32, #tpu.memory_space<vmem_shared>>) target(%dma_start3A_94 : memref<640xf32, #tpu.memory_space<vmem>>) target_semaphore(%run_scoped3A_87 : memref<!tpu.dma_semaphore, #tpu.memory_space<semaphore_mem>>)
      %dma_wait3A = arith.constant 0 : i32
      %dma_wait3A_97 = tpu.memref_slice %arg6[%run_scoped3A_33, %dma_wait3A] : memref<16x640xf32, #tpu.memory_space<vmem>> -> memref<1x640xf32, #tpu.memory_space<vmem>>
      %dma_wait3A_98 = tpu.memref_squeeze %dma_wait3A_97 : memref<1x640xf32, #tpu.memory_space<vmem>> -> memref<640xf32, #tpu.memory_space<vmem>>
      %dma_wait3A_99 = tpu.memref_slice %arg8[%run_scoped3A_32, %mul3A_31] : memref<16x10240xf32, #tpu.memory_space<vmem_shared>> -> memref<1x640xf32, #tpu.memory_space<vmem_shared>>
      %dma_wait3A_100 = tpu.memref_squeeze %dma_wait3A_99 : memref<1x640xf32, #tpu.memory_space<vmem_shared>> -> memref<640xf32, #tpu.memory_space<vmem_shared>>
      %dma_wait3A_101 = arith.constant 0 : i32
      %dma_wait3A_102 = tpu.memref_slice %arg6[%run_scoped3A_33, %dma_wait3A_101] : memref<16x640xf32, #tpu.memory_space<vmem>> -> memref<1x640xf32, #tpu.memory_space<vmem>>
      %dma_wait3A_103 = tpu.memref_squeeze %dma_wait3A_102 : memref<1x640xf32, #tpu.memory_space<vmem>> -> memref<640xf32, #tpu.memory_space<vmem>>
      %dma_wait3A_104 = tpu.memref_slice %arg8[%run_scoped3A_32, %mul3A_31] : memref<16x10240xf32, #tpu.memory_space<vmem_shared>> -> memref<1x640xf32, #tpu.memory_space<vmem_shared>>
      %dma_wait3A_105 = tpu.memref_squeeze %dma_wait3A_104 : memref<1x640xf32, #tpu.memory_space<vmem_shared>> -> memref<640xf32, #tpu.memory_space<vmem_shared>>
      tpu.wait_dma2 semaphore(%run_scoped3A_87 : memref<!tpu.dma_semaphore, #tpu.memory_space<semaphore_mem>>) src(%dma_wait3A_105 : memref<640xf32, #tpu.memory_space<vmem_shared>>) dst(%dma_wait3A_103 : memref<640xf32, #tpu.memory_space<vmem>>)
      tpu.yield
    }) : () -> ()
    %mul3A_34 = arith.constant 640 : i32
    %mul3A_35 = arith.muli %arg1, %mul3A_34 : i32
    %run_scoped3A_36 = arith.constant 5 : i32
    %run_scoped3A_37 = arith.constant 5 : i32
    "tpu.region"() ({
      %run_scoped3A_87 = tpu.sem_alloc : memref<!tpu.dma_semaphore, #tpu.memory_space<semaphore_mem>>
      %dma_start3A = arith.constant 0 : i32
      %dma_start3A_88 = tpu.memref_slice %arg6[%run_scoped3A_37, %dma_start3A] : memref<16x640xf32, #tpu.memory_space<vmem>> -> memref<1x640xf32, #tpu.memory_space<vmem>>
      %dma_start3A_89 = tpu.memref_squeeze %dma_start3A_88 : memref<1x640xf32, #tpu.memory_space<vmem>> -> memref<640xf32, #tpu.memory_space<vmem>>
      %dma_start3A_90 = tpu.memref_slice %arg8[%run_scoped3A_36, %mul3A_35] : memref<16x10240xf32, #tpu.memory_space<vmem_shared>> -> memref<1x640xf32, #tpu.memory_space<vmem_shared>>
      %dma_start3A_91 = tpu.memref_squeeze %dma_start3A_90 : memref<1x640xf32, #tpu.memory_space<vmem_shared>> -> memref<640xf32, #tpu.memory_space<vmem_shared>>
      %dma_start3A_92 = arith.constant 0 : i32
      %dma_start3A_93 = tpu.memref_slice %arg6[%run_scoped3A_37, %dma_start3A_92] : memref<16x640xf32, #tpu.memory_space<vmem>> -> memref<1x640xf32, #tpu.memory_space<vmem>>
      %dma_start3A_94 = tpu.memref_squeeze %dma_start3A_93 : memref<1x640xf32, #tpu.memory_space<vmem>> -> memref<640xf32, #tpu.memory_space<vmem>>
      %dma_start3A_95 = tpu.memref_slice %arg8[%run_scoped3A_36, %mul3A_35] : memref<16x10240xf32, #tpu.memory_space<vmem_shared>> -> memref<1x640xf32, #tpu.memory_space<vmem_shared>>
      %dma_start3A_96 = tpu.memref_squeeze %dma_start3A_95 : memref<1x640xf32, #tpu.memory_space<vmem_shared>> -> memref<640xf32, #tpu.memory_space<vmem_shared>>
      tpu.enqueue_dma source(%dma_start3A_96 : memref<640xf32, #tpu.memory_space<vmem_shared>>) target(%dma_start3A_94 : memref<640xf32, #tpu.memory_space<vmem>>) target_semaphore(%run_scoped3A_87 : memref<!tpu.dma_semaphore, #tpu.memory_space<semaphore_mem>>)
      %dma_wait3A = arith.constant 0 : i32
      %dma_wait3A_97 = tpu.memref_slice %arg6[%run_scoped3A_37, %dma_wait3A] : memref<16x640xf32, #tpu.memory_space<vmem>> -> memref<1x640xf32, #tpu.memory_space<vmem>>
      %dma_wait3A_98 = tpu.memref_squeeze %dma_wait3A_97 : memref<1x640xf32, #tpu.memory_space<vmem>> -> memref<640xf32, #tpu.memory_space<vmem>>
      %dma_wait3A_99 = tpu.memref_slice %arg8[%run_scoped3A_36, %mul3A_35] : memref<16x10240xf32, #tpu.memory_space<vmem_shared>> -> memref<1x640xf32, #tpu.memory_space<vmem_shared>>
      %dma_wait3A_100 = tpu.memref_squeeze %dma_wait3A_99 : memref<1x640xf32, #tpu.memory_space<vmem_shared>> -> memref<640xf32, #tpu.memory_space<vmem_shared>>
      %dma_wait3A_101 = arith.constant 0 : i32
      %dma_wait3A_102 = tpu.memref_slice %arg6[%run_scoped3A_37, %dma_wait3A_101] : memref<16x640xf32, #tpu.memory_space<vmem>> -> memref<1x640xf32, #tpu.memory_space<vmem>>
      %dma_wait3A_103 = tpu.memref_squeeze %dma_wait3A_102 : memref<1x640xf32, #tpu.memory_space<vmem>> -> memref<640xf32, #tpu.memory_space<vmem>>
      %dma_wait3A_104 = tpu.memref_slice %arg8[%run_scoped3A_36, %mul3A_35] : memref<16x10240xf32, #tpu.memory_space<vmem_shared>> -> memref<1x640xf32, #tpu.memory_space<vmem_shared>>
      %dma_wait3A_105 = tpu.memref_squeeze %dma_wait3A_104 : memref<1x640xf32, #tpu.memory_space<vmem_shared>> -> memref<640xf32, #tpu.memory_space<vmem_shared>>
      tpu.wait_dma2 semaphore(%run_scoped3A_87 : memref<!tpu.dma_semaphore, #tpu.memory_space<semaphore_mem>>) src(%dma_wait3A_105 : memref<640xf32, #tpu.memory_space<vmem_shared>>) dst(%dma_wait3A_103 : memref<640xf32, #tpu.memory_space<vmem>>)
      tpu.yield
    }) : () -> ()
    %mul3A_38 = arith.constant 640 : i32
    %mul3A_39 = arith.muli %arg1, %mul3A_38 : i32
    %run_scoped3A_40 = arith.constant 6 : i32
    %run_scoped3A_41 = arith.constant 6 : i32
    "tpu.region"() ({
      %run_scoped3A_87 = tpu.sem_alloc : memref<!tpu.dma_semaphore, #tpu.memory_space<semaphore_mem>>
      %dma_start3A = arith.constant 0 : i32
      %dma_start3A_88 = tpu.memref_slice %arg6[%run_scoped3A_41, %dma_start3A] : memref<16x640xf32, #tpu.memory_space<vmem>> -> memref<1x640xf32, #tpu.memory_space<vmem>>
      %dma_start3A_89 = tpu.memref_squeeze %dma_start3A_88 : memref<1x640xf32, #tpu.memory_space<vmem>> -> memref<640xf32, #tpu.memory_space<vmem>>
      %dma_start3A_90 = tpu.memref_slice %arg8[%run_scoped3A_40, %mul3A_39] : memref<16x10240xf32, #tpu.memory_space<vmem_shared>> -> memref<1x640xf32, #tpu.memory_space<vmem_shared>>
      %dma_start3A_91 = tpu.memref_squeeze %dma_start3A_90 : memref<1x640xf32, #tpu.memory_space<vmem_shared>> -> memref<640xf32, #tpu.memory_space<vmem_shared>>
      %dma_start3A_92 = arith.constant 0 : i32
      %dma_start3A_93 = tpu.memref_slice %arg6[%run_scoped3A_41, %dma_start3A_92] : memref<16x640xf32, #tpu.memory_space<vmem>> -> memref<1x640xf32, #tpu.memory_space<vmem>>
      %dma_start3A_94 = tpu.memref_squeeze %dma_start3A_93 : memref<1x640xf32, #tpu.memory_space<vmem>> -> memref<640xf32, #tpu.memory_space<vmem>>
      %dma_start3A_95 = tpu.memref_slice %arg8[%run_scoped3A_40, %mul3A_39] : memref<16x10240xf32, #tpu.memory_space<vmem_shared>> -> memref<1x640xf32, #tpu.memory_space<vmem_shared>>
      %dma_start3A_96 = tpu.memref_squeeze %dma_start3A_95 : memref<1x640xf32, #tpu.memory_space<vmem_shared>> -> memref<640xf32, #tpu.memory_space<vmem_shared>>
      tpu.enqueue_dma source(%dma_start3A_96 : memref<640xf32, #tpu.memory_space<vmem_shared>>) target(%dma_start3A_94 : memref<640xf32, #tpu.memory_space<vmem>>) target_semaphore(%run_scoped3A_87 : memref<!tpu.dma_semaphore, #tpu.memory_space<semaphore_mem>>)
      %dma_wait3A = arith.constant 0 : i32
      %dma_wait3A_97 = tpu.memref_slice %arg6[%run_scoped3A_41, %dma_wait3A] : memref<16x640xf32, #tpu.memory_space<vmem>> -> memref<1x640xf32, #tpu.memory_space<vmem>>
      %dma_wait3A_98 = tpu.memref_squeeze %dma_wait3A_97 : memref<1x640xf32, #tpu.memory_space<vmem>> -> memref<640xf32, #tpu.memory_space<vmem>>
      %dma_wait3A_99 = tpu.memref_slice %arg8[%run_scoped3A_40, %mul3A_39] : memref<16x10240xf32, #tpu.memory_space<vmem_shared>> -> memref<1x640xf32, #tpu.memory_space<vmem_shared>>
      %dma_wait3A_100 = tpu.memref_squeeze %dma_wait3A_99 : memref<1x640xf32, #tpu.memory_space<vmem_shared>> -> memref<640xf32, #tpu.memory_space<vmem_shared>>
      %dma_wait3A_101 = arith.constant 0 : i32
      %dma_wait3A_102 = tpu.memref_slice %arg6[%run_scoped3A_41, %dma_wait3A_101] : memref<16x640xf32, #tpu.memory_space<vmem>> -> memref<1x640xf32, #tpu.memory_space<vmem>>
      %dma_wait3A_103 = tpu.memref_squeeze %dma_wait3A_102 : memref<1x640xf32, #tpu.memory_space<vmem>> -> memref<640xf32, #tpu.memory_space<vmem>>
      %dma_wait3A_104 = tpu.memref_slice %arg8[%run_scoped3A_40, %mul3A_39] : memref<16x10240xf32, #tpu.memory_space<vmem_shared>> -> memref<1x640xf32, #tpu.memory_space<vmem_shared>>
      %dma_wait3A_105 = tpu.memref_squeeze %dma_wait3A_104 : memref<1x640xf32, #tpu.memory_space<vmem_shared>> -> memref<640xf32, #tpu.memory_space<vmem_shared>>
      tpu.wait_dma2 semaphore(%run_scoped3A_87 : memref<!tpu.dma_semaphore, #tpu.memory_space<semaphore_mem>>) src(%dma_wait3A_105 : memref<640xf32, #tpu.memory_space<vmem_shared>>) dst(%dma_wait3A_103 : memref<640xf32, #tpu.memory_space<vmem>>)
      tpu.yield
    }) : () -> ()
    %mul3A_42 = arith.constant 640 : i32
    %mul3A_43 = arith.muli %arg1, %mul3A_42 : i32
    %run_scoped3A_44 = arith.constant 7 : i32
    %run_scoped3A_45 = arith.constant 7 : i32
    "tpu.region"() ({
      %run_scoped3A_87 = tpu.sem_alloc : memref<!tpu.dma_semaphore, #tpu.memory_space<semaphore_mem>>
      %dma_start3A = arith.constant 0 : i32
      %dma_start3A_88 = tpu.memref_slice %arg6[%run_scoped3A_45, %dma_start3A] : memref<16x640xf32, #tpu.memory_space<vmem>> -> memref<1x640xf32, #tpu.memory_space<vmem>>
      %dma_start3A_89 = tpu.memref_squeeze %dma_start3A_88 : memref<1x640xf32, #tpu.memory_space<vmem>> -> memref<640xf32, #tpu.memory_space<vmem>>
      %dma_start3A_90 = tpu.memref_slice %arg8[%run_scoped3A_44, %mul3A_43] : memref<16x10240xf32, #tpu.memory_space<vmem_shared>> -> memref<1x640xf32, #tpu.memory_space<vmem_shared>>
      %dma_start3A_91 = tpu.memref_squeeze %dma_start3A_90 : memref<1x640xf32, #tpu.memory_space<vmem_shared>> -> memref<640xf32, #tpu.memory_space<vmem_shared>>
      %dma_start3A_92 = arith.constant 0 : i32
      %dma_start3A_93 = tpu.memref_slice %arg6[%run_scoped3A_45, %dma_start3A_92] : memref<16x640xf32, #tpu.memory_space<vmem>> -> memref<1x640xf32, #tpu.memory_space<vmem>>
      %dma_start3A_94 = tpu.memref_squeeze %dma_start3A_93 : memref<1x640xf32, #tpu.memory_space<vmem>> -> memref<640xf32, #tpu.memory_space<vmem>>
      %dma_start3A_95 = tpu.memref_slice %arg8[%run_scoped3A_44, %mul3A_43] : memref<16x10240xf32, #tpu.memory_space<vmem_shared>> -> memref<1x640xf32, #tpu.memory_space<vmem_shared>>
      %dma_start3A_96 = tpu.memref_squeeze %dma_start3A_95 : memref<1x640xf32, #tpu.memory_space<vmem_shared>> -> memref<640xf32, #tpu.memory_space<vmem_shared>>
      tpu.enqueue_dma source(%dma_start3A_96 : memref<640xf32, #tpu.memory_space<vmem_shared>>) target(%dma_start3A_94 : memref<640xf32, #tpu.memory_space<vmem>>) target_semaphore(%run_scoped3A_87 : memref<!tpu.dma_semaphore, #tpu.memory_space<semaphore_mem>>)
      %dma_wait3A = arith.constant 0 : i32
      %dma_wait3A_97 = tpu.memref_slice %arg6[%run_scoped3A_45, %dma_wait3A] : memref<16x640xf32, #tpu.memory_space<vmem>> -> memref<1x640xf32, #tpu.memory_space<vmem>>
      %dma_wait3A_98 = tpu.memref_squeeze %dma_wait3A_97 : memref<1x640xf32, #tpu.memory_space<vmem>> -> memref<640xf32, #tpu.memory_space<vmem>>
      %dma_wait3A_99 = tpu.memref_slice %arg8[%run_scoped3A_44, %mul3A_43] : memref<16x10240xf32, #tpu.memory_space<vmem_shared>> -> memref<1x640xf32, #tpu.memory_space<vmem_shared>>
      %dma_wait3A_100 = tpu.memref_squeeze %dma_wait3A_99 : memref<1x640xf32, #tpu.memory_space<vmem_shared>> -> memref<640xf32, #tpu.memory_space<vmem_shared>>
      %dma_wait3A_101 = arith.constant 0 : i32
      %dma_wait3A_102 = tpu.memref_slice %arg6[%run_scoped3A_45, %dma_wait3A_101] : memref<16x640xf32, #tpu.memory_space<vmem>> -> memref<1x640xf32, #tpu.memory_space<vmem>>
      %dma_wait3A_103 = tpu.memref_squeeze %dma_wait3A_102 : memref<1x640xf32, #tpu.memory_space<vmem>> -> memref<640xf32, #tpu.memory_space<vmem>>
      %dma_wait3A_104 = tpu.memref_slice %arg8[%run_scoped3A_44, %mul3A_43] : memref<16x10240xf32, #tpu.memory_space<vmem_shared>> -> memref<1x640xf32, #tpu.memory_space<vmem_shared>>
      %dma_wait3A_105 = tpu.memref_squeeze %dma_wait3A_104 : memref<1x640xf32, #tpu.memory_space<vmem_shared>> -> memref<640xf32, #tpu.memory_space<vmem_shared>>
      tpu.wait_dma2 semaphore(%run_scoped3A_87 : memref<!tpu.dma_semaphore, #tpu.memory_space<semaphore_mem>>) src(%dma_wait3A_105 : memref<640xf32, #tpu.memory_space<vmem_shared>>) dst(%dma_wait3A_103 : memref<640xf32, #tpu.memory_space<vmem>>)
      tpu.yield
    }) : () -> ()
    %mul3A_46 = arith.constant 640 : i32
    %mul3A_47 = arith.muli %arg1, %mul3A_46 : i32
    %run_scoped3A_48 = arith.constant 8 : i32
    %run_scoped3A_49 = arith.constant 8 : i32
    "tpu.region"() ({
      %run_scoped3A_87 = tpu.sem_alloc : memref<!tpu.dma_semaphore, #tpu.memory_space<semaphore_mem>>
      %dma_start3A = arith.constant 0 : i32
      %dma_start3A_88 = tpu.memref_slice %arg6[%run_scoped3A_49, %dma_start3A] : memref<16x640xf32, #tpu.memory_space<vmem>> -> memref<1x640xf32, #tpu.memory_space<vmem>>
      %dma_start3A_89 = tpu.memref_squeeze %dma_start3A_88 : memref<1x640xf32, #tpu.memory_space<vmem>> -> memref<640xf32, #tpu.memory_space<vmem>>
      %dma_start3A_90 = tpu.memref_slice %arg8[%run_scoped3A_48, %mul3A_47] : memref<16x10240xf32, #tpu.memory_space<vmem_shared>> -> memref<1x640xf32, #tpu.memory_space<vmem_shared>>
      %dma_start3A_91 = tpu.memref_squeeze %dma_start3A_90 : memref<1x640xf32, #tpu.memory_space<vmem_shared>> -> memref<640xf32, #tpu.memory_space<vmem_shared>>
      %dma_start3A_92 = arith.constant 0 : i32
      %dma_start3A_93 = tpu.memref_slice %arg6[%run_scoped3A_49, %dma_start3A_92] : memref<16x640xf32, #tpu.memory_space<vmem>> -> memref<1x640xf32, #tpu.memory_space<vmem>>
      %dma_start3A_94 = tpu.memref_squeeze %dma_start3A_93 : memref<1x640xf32, #tpu.memory_space<vmem>> -> memref<640xf32, #tpu.memory_space<vmem>>
      %dma_start3A_95 = tpu.memref_slice %arg8[%run_scoped3A_48, %mul3A_47] : memref<16x10240xf32, #tpu.memory_space<vmem_shared>> -> memref<1x640xf32, #tpu.memory_space<vmem_shared>>
      %dma_start3A_96 = tpu.memref_squeeze %dma_start3A_95 : memref<1x640xf32, #tpu.memory_space<vmem_shared>> -> memref<640xf32, #tpu.memory_space<vmem_shared>>
      tpu.enqueue_dma source(%dma_start3A_96 : memref<640xf32, #tpu.memory_space<vmem_shared>>) target(%dma_start3A_94 : memref<640xf32, #tpu.memory_space<vmem>>) target_semaphore(%run_scoped3A_87 : memref<!tpu.dma_semaphore, #tpu.memory_space<semaphore_mem>>)
      %dma_wait3A = arith.constant 0 : i32
      %dma_wait3A_97 = tpu.memref_slice %arg6[%run_scoped3A_49, %dma_wait3A] : memref<16x640xf32, #tpu.memory_space<vmem>> -> memref<1x640xf32, #tpu.memory_space<vmem>>
      %dma_wait3A_98 = tpu.memref_squeeze %dma_wait3A_97 : memref<1x640xf32, #tpu.memory_space<vmem>> -> memref<640xf32, #tpu.memory_space<vmem>>
      %dma_wait3A_99 = tpu.memref_slice %arg8[%run_scoped3A_48, %mul3A_47] : memref<16x10240xf32, #tpu.memory_space<vmem_shared>> -> memref<1x640xf32, #tpu.memory_space<vmem_shared>>
      %dma_wait3A_100 = tpu.memref_squeeze %dma_wait3A_99 : memref<1x640xf32, #tpu.memory_space<vmem_shared>> -> memref<640xf32, #tpu.memory_space<vmem_shared>>
      %dma_wait3A_101 = arith.constant 0 : i32
      %dma_wait3A_102 = tpu.memref_slice %arg6[%run_scoped3A_49, %dma_wait3A_101] : memref<16x640xf32, #tpu.memory_space<vmem>> -> memref<1x640xf32, #tpu.memory_space<vmem>>
      %dma_wait3A_103 = tpu.memref_squeeze %dma_wait3A_102 : memref<1x640xf32, #tpu.memory_space<vmem>> -> memref<640xf32, #tpu.memory_space<vmem>>
      %dma_wait3A_104 = tpu.memref_slice %arg8[%run_scoped3A_48, %mul3A_47] : memref<16x10240xf32, #tpu.memory_space<vmem_shared>> -> memref<1x640xf32, #tpu.memory_space<vmem_shared>>
      %dma_wait3A_105 = tpu.memref_squeeze %dma_wait3A_104 : memref<1x640xf32, #tpu.memory_space<vmem_shared>> -> memref<640xf32, #tpu.memory_space<vmem_shared>>
      tpu.wait_dma2 semaphore(%run_scoped3A_87 : memref<!tpu.dma_semaphore, #tpu.memory_space<semaphore_mem>>) src(%dma_wait3A_105 : memref<640xf32, #tpu.memory_space<vmem_shared>>) dst(%dma_wait3A_103 : memref<640xf32, #tpu.memory_space<vmem>>)
      tpu.yield
    }) : () -> ()
    %mul3A_50 = arith.constant 640 : i32
    %mul3A_51 = arith.muli %arg1, %mul3A_50 : i32
    %run_scoped3A_52 = arith.constant 9 : i32
    %run_scoped3A_53 = arith.constant 9 : i32
    "tpu.region"() ({
      %run_scoped3A_87 = tpu.sem_alloc : memref<!tpu.dma_semaphore, #tpu.memory_space<semaphore_mem>>
      %dma_start3A = arith.constant 0 : i32
      %dma_start3A_88 = tpu.memref_slice %arg6[%run_scoped3A_53, %dma_start3A] : memref<16x640xf32, #tpu.memory_space<vmem>> -> memref<1x640xf32, #tpu.memory_space<vmem>>
      %dma_start3A_89 = tpu.memref_squeeze %dma_start3A_88 : memref<1x640xf32, #tpu.memory_space<vmem>> -> memref<640xf32, #tpu.memory_space<vmem>>
      %dma_start3A_90 = tpu.memref_slice %arg8[%run_scoped3A_52, %mul3A_51] : memref<16x10240xf32, #tpu.memory_space<vmem_shared>> -> memref<1x640xf32, #tpu.memory_space<vmem_shared>>
      %dma_start3A_91 = tpu.memref_squeeze %dma_start3A_90 : memref<1x640xf32, #tpu.memory_space<vmem_shared>> -> memref<640xf32, #tpu.memory_space<vmem_shared>>
      %dma_start3A_92 = arith.constant 0 : i32
      %dma_start3A_93 = tpu.memref_slice %arg6[%run_scoped3A_53, %dma_start3A_92] : memref<16x640xf32, #tpu.memory_space<vmem>> -> memref<1x640xf32, #tpu.memory_space<vmem>>
      %dma_start3A_94 = tpu.memref_squeeze %dma_start3A_93 : memref<1x640xf32, #tpu.memory_space<vmem>> -> memref<640xf32, #tpu.memory_space<vmem>>
      %dma_start3A_95 = tpu.memref_slice %arg8[%run_scoped3A_52, %mul3A_51] : memref<16x10240xf32, #tpu.memory_space<vmem_shared>> -> memref<1x640xf32, #tpu.memory_space<vmem_shared>>
      %dma_start3A_96 = tpu.memref_squeeze %dma_start3A_95 : memref<1x640xf32, #tpu.memory_space<vmem_shared>> -> memref<640xf32, #tpu.memory_space<vmem_shared>>
      tpu.enqueue_dma source(%dma_start3A_96 : memref<640xf32, #tpu.memory_space<vmem_shared>>) target(%dma_start3A_94 : memref<640xf32, #tpu.memory_space<vmem>>) target_semaphore(%run_scoped3A_87 : memref<!tpu.dma_semaphore, #tpu.memory_space<semaphore_mem>>)
      %dma_wait3A = arith.constant 0 : i32
      %dma_wait3A_97 = tpu.memref_slice %arg6[%run_scoped3A_53, %dma_wait3A] : memref<16x640xf32, #tpu.memory_space<vmem>> -> memref<1x640xf32, #tpu.memory_space<vmem>>
      %dma_wait3A_98 = tpu.memref_squeeze %dma_wait3A_97 : memref<1x640xf32, #tpu.memory_space<vmem>> -> memref<640xf32, #tpu.memory_space<vmem>>
      %dma_wait3A_99 = tpu.memref_slice %arg8[%run_scoped3A_52, %mul3A_51] : memref<16x10240xf32, #tpu.memory_space<vmem_shared>> -> memref<1x640xf32, #tpu.memory_space<vmem_shared>>
      %dma_wait3A_100 = tpu.memref_squeeze %dma_wait3A_99 : memref<1x640xf32, #tpu.memory_space<vmem_shared>> -> memref<640xf32, #tpu.memory_space<vmem_shared>>
      %dma_wait3A_101 = arith.constant 0 : i32
      %dma_wait3A_102 = tpu.memref_slice %arg6[%run_scoped3A_53, %dma_wait3A_101] : memref<16x640xf32, #tpu.memory_space<vmem>> -> memref<1x640xf32, #tpu.memory_space<vmem>>
      %dma_wait3A_103 = tpu.memref_squeeze %dma_wait3A_102 : memref<1x640xf32, #tpu.memory_space<vmem>> -> memref<640xf32, #tpu.memory_space<vmem>>
      %dma_wait3A_104 = tpu.memref_slice %arg8[%run_scoped3A_52, %mul3A_51] : memref<16x10240xf32, #tpu.memory_space<vmem_shared>> -> memref<1x640xf32, #tpu.memory_space<vmem_shared>>
      %dma_wait3A_105 = tpu.memref_squeeze %dma_wait3A_104 : memref<1x640xf32, #tpu.memory_space<vmem_shared>> -> memref<640xf32, #tpu.memory_space<vmem_shared>>
      tpu.wait_dma2 semaphore(%run_scoped3A_87 : memref<!tpu.dma_semaphore, #tpu.memory_space<semaphore_mem>>) src(%dma_wait3A_105 : memref<640xf32, #tpu.memory_space<vmem_shared>>) dst(%dma_wait3A_103 : memref<640xf32, #tpu.memory_space<vmem>>)
      tpu.yield
    }) : () -> ()
    %mul3A_54 = arith.constant 640 : i32
    %mul3A_55 = arith.muli %arg1, %mul3A_54 : i32
    %run_scoped3A_56 = arith.constant 10 : i32
    %run_scoped3A_57 = arith.constant 10 : i32
    "tpu.region"() ({
      %run_scoped3A_87 = tpu.sem_alloc : memref<!tpu.dma_semaphore, #tpu.memory_space<semaphore_mem>>
      %dma_start3A = arith.constant 0 : i32
      %dma_start3A_88 = tpu.memref_slice %arg6[%run_scoped3A_57, %dma_start3A] : memref<16x640xf32, #tpu.memory_space<vmem>> -> memref<1x640xf32, #tpu.memory_space<vmem>>
      %dma_start3A_89 = tpu.memref_squeeze %dma_start3A_88 : memref<1x640xf32, #tpu.memory_space<vmem>> -> memref<640xf32, #tpu.memory_space<vmem>>
      %dma_start3A_90 = tpu.memref_slice %arg8[%run_scoped3A_56, %mul3A_55] : memref<16x10240xf32, #tpu.memory_space<vmem_shared>> -> memref<1x640xf32, #tpu.memory_space<vmem_shared>>
      %dma_start3A_91 = tpu.memref_squeeze %dma_start3A_90 : memref<1x640xf32, #tpu.memory_space<vmem_shared>> -> memref<640xf32, #tpu.memory_space<vmem_shared>>
      %dma_start3A_92 = arith.constant 0 : i32
      %dma_start3A_93 = tpu.memref_slice %arg6[%run_scoped3A_57, %dma_start3A_92] : memref<16x640xf32, #tpu.memory_space<vmem>> -> memref<1x640xf32, #tpu.memory_space<vmem>>
      %dma_start3A_94 = tpu.memref_squeeze %dma_start3A_93 : memref<1x640xf32, #tpu.memory_space<vmem>> -> memref<640xf32, #tpu.memory_space<vmem>>
      %dma_start3A_95 = tpu.memref_slice %arg8[%run_scoped3A_56, %mul3A_55] : memref<16x10240xf32, #tpu.memory_space<vmem_shared>> -> memref<1x640xf32, #tpu.memory_space<vmem_shared>>
      %dma_start3A_96 = tpu.memref_squeeze %dma_start3A_95 : memref<1x640xf32, #tpu.memory_space<vmem_shared>> -> memref<640xf32, #tpu.memory_space<vmem_shared>>
      tpu.enqueue_dma source(%dma_start3A_96 : memref<640xf32, #tpu.memory_space<vmem_shared>>) target(%dma_start3A_94 : memref<640xf32, #tpu.memory_space<vmem>>) target_semaphore(%run_scoped3A_87 : memref<!tpu.dma_semaphore, #tpu.memory_space<semaphore_mem>>)
      %dma_wait3A = arith.constant 0 : i32
      %dma_wait3A_97 = tpu.memref_slice %arg6[%run_scoped3A_57, %dma_wait3A] : memref<16x640xf32, #tpu.memory_space<vmem>> -> memref<1x640xf32, #tpu.memory_space<vmem>>
      %dma_wait3A_98 = tpu.memref_squeeze %dma_wait3A_97 : memref<1x640xf32, #tpu.memory_space<vmem>> -> memref<640xf32, #tpu.memory_space<vmem>>
      %dma_wait3A_99 = tpu.memref_slice %arg8[%run_scoped3A_56, %mul3A_55] : memref<16x10240xf32, #tpu.memory_space<vmem_shared>> -> memref<1x640xf32, #tpu.memory_space<vmem_shared>>
      %dma_wait3A_100 = tpu.memref_squeeze %dma_wait3A_99 : memref<1x640xf32, #tpu.memory_space<vmem_shared>> -> memref<640xf32, #tpu.memory_space<vmem_shared>>
      %dma_wait3A_101 = arith.constant 0 : i32
      %dma_wait3A_102 = tpu.memref_slice %arg6[%run_scoped3A_57, %dma_wait3A_101] : memref<16x640xf32, #tpu.memory_space<vmem>> -> memref<1x640xf32, #tpu.memory_space<vmem>>
      %dma_wait3A_103 = tpu.memref_squeeze %dma_wait3A_102 : memref<1x640xf32, #tpu.memory_space<vmem>> -> memref<640xf32, #tpu.memory_space<vmem>>
      %dma_wait3A_104 = tpu.memref_slice %arg8[%run_scoped3A_56, %mul3A_55] : memref<16x10240xf32, #tpu.memory_space<vmem_shared>> -> memref<1x640xf32, #tpu.memory_space<vmem_shared>>
      %dma_wait3A_105 = tpu.memref_squeeze %dma_wait3A_104 : memref<1x640xf32, #tpu.memory_space<vmem_shared>> -> memref<640xf32, #tpu.memory_space<vmem_shared>>
      tpu.wait_dma2 semaphore(%run_scoped3A_87 : memref<!tpu.dma_semaphore, #tpu.memory_space<semaphore_mem>>) src(%dma_wait3A_105 : memref<640xf32, #tpu.memory_space<vmem_shared>>) dst(%dma_wait3A_103 : memref<640xf32, #tpu.memory_space<vmem>>)
      tpu.yield
    }) : () -> ()
    %mul3A_58 = arith.constant 640 : i32
    %mul3A_59 = arith.muli %arg1, %mul3A_58 : i32
    %run_scoped3A_60 = arith.constant 11 : i32
    %run_scoped3A_61 = arith.constant 11 : i32
    "tpu.region"() ({
      %run_scoped3A_87 = tpu.sem_alloc : memref<!tpu.dma_semaphore, #tpu.memory_space<semaphore_mem>>
      %dma_start3A = arith.constant 0 : i32
      %dma_start3A_88 = tpu.memref_slice %arg6[%run_scoped3A_61, %dma_start3A] : memref<16x640xf32, #tpu.memory_space<vmem>> -> memref<1x640xf32, #tpu.memory_space<vmem>>
      %dma_start3A_89 = tpu.memref_squeeze %dma_start3A_88 : memref<1x640xf32, #tpu.memory_space<vmem>> -> memref<640xf32, #tpu.memory_space<vmem>>
      %dma_start3A_90 = tpu.memref_slice %arg8[%run_scoped3A_60, %mul3A_59] : memref<16x10240xf32, #tpu.memory_space<vmem_shared>> -> memref<1x640xf32, #tpu.memory_space<vmem_shared>>
      %dma_start3A_91 = tpu.memref_squeeze %dma_start3A_90 : memref<1x640xf32, #tpu.memory_space<vmem_shared>> -> memref<640xf32, #tpu.memory_space<vmem_shared>>
      %dma_start3A_92 = arith.constant 0 : i32
      %dma_start3A_93 = tpu.memref_slice %arg6[%run_scoped3A_61, %dma_start3A_92] : memref<16x640xf32, #tpu.memory_space<vmem>> -> memref<1x640xf32, #tpu.memory_space<vmem>>
      %dma_start3A_94 = tpu.memref_squeeze %dma_start3A_93 : memref<1x640xf32, #tpu.memory_space<vmem>> -> memref<640xf32, #tpu.memory_space<vmem>>
      %dma_start3A_95 = tpu.memref_slice %arg8[%run_scoped3A_60, %mul3A_59] : memref<16x10240xf32, #tpu.memory_space<vmem_shared>> -> memref<1x640xf32, #tpu.memory_space<vmem_shared>>
      %dma_start3A_96 = tpu.memref_squeeze %dma_start3A_95 : memref<1x640xf32, #tpu.memory_space<vmem_shared>> -> memref<640xf32, #tpu.memory_space<vmem_shared>>
      tpu.enqueue_dma source(%dma_start3A_96 : memref<640xf32, #tpu.memory_space<vmem_shared>>) target(%dma_start3A_94 : memref<640xf32, #tpu.memory_space<vmem>>) target_semaphore(%run_scoped3A_87 : memref<!tpu.dma_semaphore, #tpu.memory_space<semaphore_mem>>)
      %dma_wait3A = arith.constant 0 : i32
      %dma_wait3A_97 = tpu.memref_slice %arg6[%run_scoped3A_61, %dma_wait3A] : memref<16x640xf32, #tpu.memory_space<vmem>> -> memref<1x640xf32, #tpu.memory_space<vmem>>
      %dma_wait3A_98 = tpu.memref_squeeze %dma_wait3A_97 : memref<1x640xf32, #tpu.memory_space<vmem>> -> memref<640xf32, #tpu.memory_space<vmem>>
      %dma_wait3A_99 = tpu.memref_slice %arg8[%run_scoped3A_60, %mul3A_59] : memref<16x10240xf32, #tpu.memory_space<vmem_shared>> -> memref<1x640xf32, #tpu.memory_space<vmem_shared>>
      %dma_wait3A_100 = tpu.memref_squeeze %dma_wait3A_99 : memref<1x640xf32, #tpu.memory_space<vmem_shared>> -> memref<640xf32, #tpu.memory_space<vmem_shared>>
      %dma_wait3A_101 = arith.constant 0 : i32
      %dma_wait3A_102 = tpu.memref_slice %arg6[%run_scoped3A_61, %dma_wait3A_101] : memref<16x640xf32, #tpu.memory_space<vmem>> -> memref<1x640xf32, #tpu.memory_space<vmem>>
      %dma_wait3A_103 = tpu.memref_squeeze %dma_wait3A_102 : memref<1x640xf32, #tpu.memory_space<vmem>> -> memref<640xf32, #tpu.memory_space<vmem>>
      %dma_wait3A_104 = tpu.memref_slice %arg8[%run_scoped3A_60, %mul3A_59] : memref<16x10240xf32, #tpu.memory_space<vmem_shared>> -> memref<1x640xf32, #tpu.memory_space<vmem_shared>>
      %dma_wait3A_105 = tpu.memref_squeeze %dma_wait3A_104 : memref<1x640xf32, #tpu.memory_space<vmem_shared>> -> memref<640xf32, #tpu.memory_space<vmem_shared>>
      tpu.wait_dma2 semaphore(%run_scoped3A_87 : memref<!tpu.dma_semaphore, #tpu.memory_space<semaphore_mem>>) src(%dma_wait3A_105 : memref<640xf32, #tpu.memory_space<vmem_shared>>) dst(%dma_wait3A_103 : memref<640xf32, #tpu.memory_space<vmem>>)
      tpu.yield
    }) : () -> ()
    %mul3A_62 = arith.constant 640 : i32
    %mul3A_63 = arith.muli %arg1, %mul3A_62 : i32
    %run_scoped3A_64 = arith.constant 12 : i32
    %run_scoped3A_65 = arith.constant 12 : i32
    "tpu.region"() ({
      %run_scoped3A_87 = tpu.sem_alloc : memref<!tpu.dma_semaphore, #tpu.memory_space<semaphore_mem>>
      %dma_start3A = arith.constant 0 : i32
      %dma_start3A_88 = tpu.memref_slice %arg6[%run_scoped3A_65, %dma_start3A] : memref<16x640xf32, #tpu.memory_space<vmem>> -> memref<1x640xf32, #tpu.memory_space<vmem>>
      %dma_start3A_89 = tpu.memref_squeeze %dma_start3A_88 : memref<1x640xf32, #tpu.memory_space<vmem>> -> memref<640xf32, #tpu.memory_space<vmem>>
      %dma_start3A_90 = tpu.memref_slice %arg8[%run_scoped3A_64, %mul3A_63] : memref<16x10240xf32, #tpu.memory_space<vmem_shared>> -> memref<1x640xf32, #tpu.memory_space<vmem_shared>>
      %dma_start3A_91 = tpu.memref_squeeze %dma_start3A_90 : memref<1x640xf32, #tpu.memory_space<vmem_shared>> -> memref<640xf32, #tpu.memory_space<vmem_shared>>
      %dma_start3A_92 = arith.constant 0 : i32
      %dma_start3A_93 = tpu.memref_slice %arg6[%run_scoped3A_65, %dma_start3A_92] : memref<16x640xf32, #tpu.memory_space<vmem>> -> memref<1x640xf32, #tpu.memory_space<vmem>>
      %dma_start3A_94 = tpu.memref_squeeze %dma_start3A_93 : memref<1x640xf32, #tpu.memory_space<vmem>> -> memref<640xf32, #tpu.memory_space<vmem>>
      %dma_start3A_95 = tpu.memref_slice %arg8[%run_scoped3A_64, %mul3A_63] : memref<16x10240xf32, #tpu.memory_space<vmem_shared>> -> memref<1x640xf32, #tpu.memory_space<vmem_shared>>
      %dma_start3A_96 = tpu.memref_squeeze %dma_start3A_95 : memref<1x640xf32, #tpu.memory_space<vmem_shared>> -> memref<640xf32, #tpu.memory_space<vmem_shared>>
      tpu.enqueue_dma source(%dma_start3A_96 : memref<640xf32, #tpu.memory_space<vmem_shared>>) target(%dma_start3A_94 : memref<640xf32, #tpu.memory_space<vmem>>) target_semaphore(%run_scoped3A_87 : memref<!tpu.dma_semaphore, #tpu.memory_space<semaphore_mem>>)
      %dma_wait3A = arith.constant 0 : i32
      %dma_wait3A_97 = tpu.memref_slice %arg6[%run_scoped3A_65, %dma_wait3A] : memref<16x640xf32, #tpu.memory_space<vmem>> -> memref<1x640xf32, #tpu.memory_space<vmem>>
      %dma_wait3A_98 = tpu.memref_squeeze %dma_wait3A_97 : memref<1x640xf32, #tpu.memory_space<vmem>> -> memref<640xf32, #tpu.memory_space<vmem>>
      %dma_wait3A_99 = tpu.memref_slice %arg8[%run_scoped3A_64, %mul3A_63] : memref<16x10240xf32, #tpu.memory_space<vmem_shared>> -> memref<1x640xf32, #tpu.memory_space<vmem_shared>>
      %dma_wait3A_100 = tpu.memref_squeeze %dma_wait3A_99 : memref<1x640xf32, #tpu.memory_space<vmem_shared>> -> memref<640xf32, #tpu.memory_space<vmem_shared>>
      %dma_wait3A_101 = arith.constant 0 : i32
      %dma_wait3A_102 = tpu.memref_slice %arg6[%run_scoped3A_65, %dma_wait3A_101] : memref<16x640xf32, #tpu.memory_space<vmem>> -> memref<1x640xf32, #tpu.memory_space<vmem>>
      %dma_wait3A_103 = tpu.memref_squeeze %dma_wait3A_102 : memref<1x640xf32, #tpu.memory_space<vmem>> -> memref<640xf32, #tpu.memory_space<vmem>>
      %dma_wait3A_104 = tpu.memref_slice %arg8[%run_scoped3A_64, %mul3A_63] : memref<16x10240xf32, #tpu.memory_space<vmem_shared>> -> memref<1x640xf32, #tpu.memory_space<vmem_shared>>
      %dma_wait3A_105 = tpu.memref_squeeze %dma_wait3A_104 : memref<1x640xf32, #tpu.memory_space<vmem_shared>> -> memref<640xf32, #tpu.memory_space<vmem_shared>>
      tpu.wait_dma2 semaphore(%run_scoped3A_87 : memref<!tpu.dma_semaphore, #tpu.memory_space<semaphore_mem>>) src(%dma_wait3A_105 : memref<640xf32, #tpu.memory_space<vmem_shared>>) dst(%dma_wait3A_103 : memref<640xf32, #tpu.memory_space<vmem>>)
      tpu.yield
    }) : () -> ()
    %mul3A_66 = arith.constant 640 : i32
    %mul3A_67 = arith.muli %arg1, %mul3A_66 : i32
    %run_scoped3A_68 = arith.constant 13 : i32
    %run_scoped3A_69 = arith.constant 13 : i32
    "tpu.region"() ({
      %run_scoped3A_87 = tpu.sem_alloc : memref<!tpu.dma_semaphore, #tpu.memory_space<semaphore_mem>>
      %dma_start3A = arith.constant 0 : i32
      %dma_start3A_88 = tpu.memref_slice %arg6[%run_scoped3A_69, %dma_start3A] : memref<16x640xf32, #tpu.memory_space<vmem>> -> memref<1x640xf32, #tpu.memory_space<vmem>>
      %dma_start3A_89 = tpu.memref_squeeze %dma_start3A_88 : memref<1x640xf32, #tpu.memory_space<vmem>> -> memref<640xf32, #tpu.memory_space<vmem>>
      %dma_start3A_90 = tpu.memref_slice %arg8[%run_scoped3A_68, %mul3A_67] : memref<16x10240xf32, #tpu.memory_space<vmem_shared>> -> memref<1x640xf32, #tpu.memory_space<vmem_shared>>
      %dma_start3A_91 = tpu.memref_squeeze %dma_start3A_90 : memref<1x640xf32, #tpu.memory_space<vmem_shared>> -> memref<640xf32, #tpu.memory_space<vmem_shared>>
      %dma_start3A_92 = arith.constant 0 : i32
      %dma_start3A_93 = tpu.memref_slice %arg6[%run_scoped3A_69, %dma_start3A_92] : memref<16x640xf32, #tpu.memory_space<vmem>> -> memref<1x640xf32, #tpu.memory_space<vmem>>
      %dma_start3A_94 = tpu.memref_squeeze %dma_start3A_93 : memref<1x640xf32, #tpu.memory_space<vmem>> -> memref<640xf32, #tpu.memory_space<vmem>>
      %dma_start3A_95 = tpu.memref_slice %arg8[%run_scoped3A_68, %mul3A_67] : memref<16x10240xf32, #tpu.memory_space<vmem_shared>> -> memref<1x640xf32, #tpu.memory_space<vmem_shared>>
      %dma_start3A_96 = tpu.memref_squeeze %dma_start3A_95 : memref<1x640xf32, #tpu.memory_space<vmem_shared>> -> memref<640xf32, #tpu.memory_space<vmem_shared>>
      tpu.enqueue_dma source(%dma_start3A_96 : memref<640xf32, #tpu.memory_space<vmem_shared>>) target(%dma_start3A_94 : memref<640xf32, #tpu.memory_space<vmem>>) target_semaphore(%run_scoped3A_87 : memref<!tpu.dma_semaphore, #tpu.memory_space<semaphore_mem>>)
      %dma_wait3A = arith.constant 0 : i32
      %dma_wait3A_97 = tpu.memref_slice %arg6[%run_scoped3A_69, %dma_wait3A] : memref<16x640xf32, #tpu.memory_space<vmem>> -> memref<1x640xf32, #tpu.memory_space<vmem>>
      %dma_wait3A_98 = tpu.memref_squeeze %dma_wait3A_97 : memref<1x640xf32, #tpu.memory_space<vmem>> -> memref<640xf32, #tpu.memory_space<vmem>>
      %dma_wait3A_99 = tpu.memref_slice %arg8[%run_scoped3A_68, %mul3A_67] : memref<16x10240xf32, #tpu.memory_space<vmem_shared>> -> memref<1x640xf32, #tpu.memory_space<vmem_shared>>
      %dma_wait3A_100 = tpu.memref_squeeze %dma_wait3A_99 : memref<1x640xf32, #tpu.memory_space<vmem_shared>> -> memref<640xf32, #tpu.memory_space<vmem_shared>>
      %dma_wait3A_101 = arith.constant 0 : i32
      %dma_wait3A_102 = tpu.memref_slice %arg6[%run_scoped3A_69, %dma_wait3A_101] : memref<16x640xf32, #tpu.memory_space<vmem>> -> memref<1x640xf32, #tpu.memory_space<vmem>>
      %dma_wait3A_103 = tpu.memref_squeeze %dma_wait3A_102 : memref<1x640xf32, #tpu.memory_space<vmem>> -> memref<640xf32, #tpu.memory_space<vmem>>
      %dma_wait3A_104 = tpu.memref_slice %arg8[%run_scoped3A_68, %mul3A_67] : memref<16x10240xf32, #tpu.memory_space<vmem_shared>> -> memref<1x640xf32, #tpu.memory_space<vmem_shared>>
      %dma_wait3A_105 = tpu.memref_squeeze %dma_wait3A_104 : memref<1x640xf32, #tpu.memory_space<vmem_shared>> -> memref<640xf32, #tpu.memory_space<vmem_shared>>
      tpu.wait_dma2 semaphore(%run_scoped3A_87 : memref<!tpu.dma_semaphore, #tpu.memory_space<semaphore_mem>>) src(%dma_wait3A_105 : memref<640xf32, #tpu.memory_space<vmem_shared>>) dst(%dma_wait3A_103 : memref<640xf32, #tpu.memory_space<vmem>>)
      tpu.yield
    }) : () -> ()
    %mul3A_70 = arith.constant 640 : i32
    %mul3A_71 = arith.muli %arg1, %mul3A_70 : i32
    %run_scoped3A_72 = arith.constant 14 : i32
    %run_scoped3A_73 = arith.constant 14 : i32
    "tpu.region"() ({
      %run_scoped3A_87 = tpu.sem_alloc : memref<!tpu.dma_semaphore, #tpu.memory_space<semaphore_mem>>
      %dma_start3A = arith.constant 0 : i32
      %dma_start3A_88 = tpu.memref_slice %arg6[%run_scoped3A_73, %dma_start3A] : memref<16x640xf32, #tpu.memory_space<vmem>> -> memref<1x640xf32, #tpu.memory_space<vmem>>
      %dma_start3A_89 = tpu.memref_squeeze %dma_start3A_88 : memref<1x640xf32, #tpu.memory_space<vmem>> -> memref<640xf32, #tpu.memory_space<vmem>>
      %dma_start3A_90 = tpu.memref_slice %arg8[%run_scoped3A_72, %mul3A_71] : memref<16x10240xf32, #tpu.memory_space<vmem_shared>> -> memref<1x640xf32, #tpu.memory_space<vmem_shared>>
      %dma_start3A_91 = tpu.memref_squeeze %dma_start3A_90 : memref<1x640xf32, #tpu.memory_space<vmem_shared>> -> memref<640xf32, #tpu.memory_space<vmem_shared>>
      %dma_start3A_92 = arith.constant 0 : i32
      %dma_start3A_93 = tpu.memref_slice %arg6[%run_scoped3A_73, %dma_start3A_92] : memref<16x640xf32, #tpu.memory_space<vmem>> -> memref<1x640xf32, #tpu.memory_space<vmem>>
      %dma_start3A_94 = tpu.memref_squeeze %dma_start3A_93 : memref<1x640xf32, #tpu.memory_space<vmem>> -> memref<640xf32, #tpu.memory_space<vmem>>
      %dma_start3A_95 = tpu.memref_slice %arg8[%run_scoped3A_72, %mul3A_71] : memref<16x10240xf32, #tpu.memory_space<vmem_shared>> -> memref<1x640xf32, #tpu.memory_space<vmem_shared>>
      %dma_start3A_96 = tpu.memref_squeeze %dma_start3A_95 : memref<1x640xf32, #tpu.memory_space<vmem_shared>> -> memref<640xf32, #tpu.memory_space<vmem_shared>>
      tpu.enqueue_dma source(%dma_start3A_96 : memref<640xf32, #tpu.memory_space<vmem_shared>>) target(%dma_start3A_94 : memref<640xf32, #tpu.memory_space<vmem>>) target_semaphore(%run_scoped3A_87 : memref<!tpu.dma_semaphore, #tpu.memory_space<semaphore_mem>>)
      %dma_wait3A = arith.constant 0 : i32
      %dma_wait3A_97 = tpu.memref_slice %arg6[%run_scoped3A_73, %dma_wait3A] : memref<16x640xf32, #tpu.memory_space<vmem>> -> memref<1x640xf32, #tpu.memory_space<vmem>>
      %dma_wait3A_98 = tpu.memref_squeeze %dma_wait3A_97 : memref<1x640xf32, #tpu.memory_space<vmem>> -> memref<640xf32, #tpu.memory_space<vmem>>
      %dma_wait3A_99 = tpu.memref_slice %arg8[%run_scoped3A_72, %mul3A_71] : memref<16x10240xf32, #tpu.memory_space<vmem_shared>> -> memref<1x640xf32, #tpu.memory_space<vmem_shared>>
      %dma_wait3A_100 = tpu.memref_squeeze %dma_wait3A_99 : memref<1x640xf32, #tpu.memory_space<vmem_shared>> -> memref<640xf32, #tpu.memory_space<vmem_shared>>
      %dma_wait3A_101 = arith.constant 0 : i32
      %dma_wait3A_102 = tpu.memref_slice %arg6[%run_scoped3A_73, %dma_wait3A_101] : memref<16x640xf32, #tpu.memory_space<vmem>> -> memref<1x640xf32, #tpu.memory_space<vmem>>
      %dma_wait3A_103 = tpu.memref_squeeze %dma_wait3A_102 : memref<1x640xf32, #tpu.memory_space<vmem>> -> memref<640xf32, #tpu.memory_space<vmem>>
      %dma_wait3A_104 = tpu.memref_slice %arg8[%run_scoped3A_72, %mul3A_71] : memref<16x10240xf32, #tpu.memory_space<vmem_shared>> -> memref<1x640xf32, #tpu.memory_space<vmem_shared>>
      %dma_wait3A_105 = tpu.memref_squeeze %dma_wait3A_104 : memref<1x640xf32, #tpu.memory_space<vmem_shared>> -> memref<640xf32, #tpu.memory_space<vmem_shared>>
      tpu.wait_dma2 semaphore(%run_scoped3A_87 : memref<!tpu.dma_semaphore, #tpu.memory_space<semaphore_mem>>) src(%dma_wait3A_105 : memref<640xf32, #tpu.memory_space<vmem_shared>>) dst(%dma_wait3A_103 : memref<640xf32, #tpu.memory_space<vmem>>)
      tpu.yield
    }) : () -> ()
    %mul3A_74 = arith.constant 640 : i32
    %mul3A_75 = arith.muli %arg1, %mul3A_74 : i32
    %run_scoped3A_76 = arith.constant 15 : i32
    %run_scoped3A_77 = arith.constant 15 : i32
    "tpu.region"() ({
      %run_scoped3A_87 = tpu.sem_alloc : memref<!tpu.dma_semaphore, #tpu.memory_space<semaphore_mem>>
      %dma_start3A = arith.constant 0 : i32
      %dma_start3A_88 = tpu.memref_slice %arg6[%run_scoped3A_77, %dma_start3A] : memref<16x640xf32, #tpu.memory_space<vmem>> -> memref<1x640xf32, #tpu.memory_space<vmem>>
      %dma_start3A_89 = tpu.memref_squeeze %dma_start3A_88 : memref<1x640xf32, #tpu.memory_space<vmem>> -> memref<640xf32, #tpu.memory_space<vmem>>
      %dma_start3A_90 = tpu.memref_slice %arg8[%run_scoped3A_76, %mul3A_75] : memref<16x10240xf32, #tpu.memory_space<vmem_shared>> -> memref<1x640xf32, #tpu.memory_space<vmem_shared>>
      %dma_start3A_91 = tpu.memref_squeeze %dma_start3A_90 : memref<1x640xf32, #tpu.memory_space<vmem_shared>> -> memref<640xf32, #tpu.memory_space<vmem_shared>>
      %dma_start3A_92 = arith.constant 0 : i32
      %dma_start3A_93 = tpu.memref_slice %arg6[%run_scoped3A_77, %dma_start3A_92] : memref<16x640xf32, #tpu.memory_space<vmem>> -> memref<1x640xf32, #tpu.memory_space<vmem>>
      %dma_start3A_94 = tpu.memref_squeeze %dma_start3A_93 : memref<1x640xf32, #tpu.memory_space<vmem>> -> memref<640xf32, #tpu.memory_space<vmem>>
      %dma_start3A_95 = tpu.memref_slice %arg8[%run_scoped3A_76, %mul3A_75] : memref<16x10240xf32, #tpu.memory_space<vmem_shared>> -> memref<1x640xf32, #tpu.memory_space<vmem_shared>>
      %dma_start3A_96 = tpu.memref_squeeze %dma_start3A_95 : memref<1x640xf32, #tpu.memory_space<vmem_shared>> -> memref<640xf32, #tpu.memory_space<vmem_shared>>
      tpu.enqueue_dma source(%dma_start3A_96 : memref<640xf32, #tpu.memory_space<vmem_shared>>) target(%dma_start3A_94 : memref<640xf32, #tpu.memory_space<vmem>>) target_semaphore(%run_scoped3A_87 : memref<!tpu.dma_semaphore, #tpu.memory_space<semaphore_mem>>)
      %dma_wait3A = arith.constant 0 : i32
      %dma_wait3A_97 = tpu.memref_slice %arg6[%run_scoped3A_77, %dma_wait3A] : memref<16x640xf32, #tpu.memory_space<vmem>> -> memref<1x640xf32, #tpu.memory_space<vmem>>
      %dma_wait3A_98 = tpu.memref_squeeze %dma_wait3A_97 : memref<1x640xf32, #tpu.memory_space<vmem>> -> memref<640xf32, #tpu.memory_space<vmem>>
      %dma_wait3A_99 = tpu.memref_slice %arg8[%run_scoped3A_76, %mul3A_75] : memref<16x10240xf32, #tpu.memory_space<vmem_shared>> -> memref<1x640xf32, #tpu.memory_space<vmem_shared>>
      %dma_wait3A_100 = tpu.memref_squeeze %dma_wait3A_99 : memref<1x640xf32, #tpu.memory_space<vmem_shared>> -> memref<640xf32, #tpu.memory_space<vmem_shared>>
      %dma_wait3A_101 = arith.constant 0 : i32
      %dma_wait3A_102 = tpu.memref_slice %arg6[%run_scoped3A_77, %dma_wait3A_101] : memref<16x640xf32, #tpu.memory_space<vmem>> -> memref<1x640xf32, #tpu.memory_space<vmem>>
      %dma_wait3A_103 = tpu.memref_squeeze %dma_wait3A_102 : memref<1x640xf32, #tpu.memory_space<vmem>> -> memref<640xf32, #tpu.memory_space<vmem>>
      %dma_wait3A_104 = tpu.memref_slice %arg8[%run_scoped3A_76, %mul3A_75] : memref<16x10240xf32, #tpu.memory_space<vmem_shared>> -> memref<1x640xf32, #tpu.memory_space<vmem_shared>>
      %dma_wait3A_105 = tpu.memref_squeeze %dma_wait3A_104 : memref<1x640xf32, #tpu.memory_space<vmem_shared>> -> memref<640xf32, #tpu.memory_space<vmem_shared>>
      tpu.wait_dma2 semaphore(%run_scoped3A_87 : memref<!tpu.dma_semaphore, #tpu.memory_space<semaphore_mem>>) src(%dma_wait3A_105 : memref<640xf32, #tpu.memory_space<vmem_shared>>) dst(%dma_wait3A_103 : memref<640xf32, #tpu.memory_space<vmem>>)
      tpu.yield
    }) : () -> ()
    %scan3A_78 = arith.constant 0 : i32
    %scan3A_79 = arith.constant 0 : i32
    %scan3A_80 = arith.constant 40 : i32
    %scan3A_81 = arith.addi %scan3A_79, %scan3A_80 : i32
    %scan3A_82 = arith.constant 1 : i32
    %scan3A_83 = scf.for %scan3A_87 = %scan3A_79 to %scan3A_81 step %scan3A_82 iter_args(%scan3A_88 = %scan3A_78) -> (i32)  : i32 {
      %broadcast_in_dim3A_89 = arith.constant 0.000000e+00 : f32
      %broadcast_in_dim3A_90 = vector.broadcast %broadcast_in_dim3A_89 : f32 to vector<16xf32>
      %mul3A_91 = arith.constant 16 : i32
      %mul3A_92 = arith.muli %scan3A_87, %mul3A_91 : i32
      %get3A = arith.constant 0 : i32
      %get3A_93 = arith.index_cast %get3A : i32 to index
      %get3A_94 = arith.index_cast %mul3A_92 : i32 to index
      %get3A_95 = tpu.vector_load %arg6[%get3A_93, %get3A_94] {strides = array<i32>} : memref<16x640xf32, #tpu.memory_space<vmem>>, vector<16xf32>,
      %add3A = arith.addf %broadcast_in_dim3A_90, %get3A_95 : vector<16xf32>
      %mul3A_96 = arith.constant 16 : i32
      %mul3A_97 = arith.muli %scan3A_87, %mul3A_96 : i32
      %get3A_98 = arith.constant 1 : i32
      %get3A_99 = arith.index_cast %get3A_98 : i32 to index
      %get3A_100 = arith.index_cast %mul3A_97 : i32 to index
      %get3A_101 = tpu.vector_load %arg6[%get3A_99, %get3A_100] {strides = array<i32>} : memref<16x640xf32, #tpu.memory_space<vmem>>, vector<16xf32>,
      %add3A_102 = arith.addf %add3A, %get3A_101 : vector<16xf32>
      %mul3A_103 = arith.constant 16 : i32
      %mul3A_104 = arith.muli %scan3A_87, %mul3A_103 : i32
      %get3A_105 = arith.constant 2 : i32
      %get3A_106 = arith.index_cast %get3A_105 : i32 to index
      %get3A_107 = arith.index_cast %mul3A_104 : i32 to index
      %get3A_108 = tpu.vector_load %arg6[%get3A_106, %get3A_107] {strides = array<i32>} : memref<16x640xf32, #tpu.memory_space<vmem>>, vector<16xf32>,
      %add3A_109 = arith.addf %add3A_102, %get3A_108 : vector<16xf32>
      %mul3A_110 = arith.constant 16 : i32
      %mul3A_111 = arith.muli %scan3A_87, %mul3A_110 : i32
      %get3A_112 = arith.constant 3 : i32
      %get3A_113 = arith.index_cast %get3A_112 : i32 to index
      %get3A_114 = arith.index_cast %mul3A_111 : i32 to index
      %get3A_115 = tpu.vector_load %arg6[%get3A_113, %get3A_114] {strides = array<i32>} : memref<16x640xf32, #tpu.memory_space<vmem>>, vector<16xf32>,
      %add3A_116 = arith.addf %add3A_109, %get3A_115 : vector<16xf32>
      %mul3A_117 = arith.constant 16 : i32
      %mul3A_118 = arith.muli %scan3A_87, %mul3A_117 : i32
      %get3A_119 = arith.constant 4 : i32
      %get3A_120 = arith.index_cast %get3A_119 : i32 to index
      %get3A_121 = arith.index_cast %mul3A_118 : i32 to index
      %get3A_122 = tpu.vector_load %arg6[%get3A_120, %get3A_121] {strides = array<i32>} : memref<16x640xf32, #tpu.memory_space<vmem>>, vector<16xf32>,
      %add3A_123 = arith.addf %add3A_116, %get3A_122 : vector<16xf32>
      %mul3A_124 = arith.constant 16 : i32
      %mul3A_125 = arith.muli %scan3A_87, %mul3A_124 : i32
      %get3A_126 = arith.constant 5 : i32
      %get3A_127 = arith.index_cast %get3A_126 : i32 to index
      %get3A_128 = arith.index_cast %mul3A_125 : i32 to index
      %get3A_129 = tpu.vector_load %arg6[%get3A_127, %get3A_128] {strides = array<i32>} : memref<16x640xf32, #tpu.memory_space<vmem>>, vector<16xf32>,
      %add3A_130 = arith.addf %add3A_123, %get3A_129 : vector<16xf32>
      %mul3A_131 = arith.constant 16 : i32
      %mul3A_132 = arith.muli %scan3A_87, %mul3A_131 : i32
      %get3A_133 = arith.constant 6 : i32
      %get3A_134 = arith.index_cast %get3A_133 : i32 to index
      %get3A_135 = arith.index_cast %mul3A_132 : i32 to index
      %get3A_136 = tpu.vector_load %arg6[%get3A_134, %get3A_135] {strides = array<i32>} : memref<16x640xf32, #tpu.memory_space<vmem>>, vector<16xf32>,
      %add3A_137 = arith.addf %add3A_130, %get3A_136 : vector<16xf32>
      %mul3A_138 = arith.constant 16 : i32
      %mul3A_139 = arith.muli %scan3A_87, %mul3A_138 : i32
      %get3A_140 = arith.constant 7 : i32
      %get3A_141 = arith.index_cast %get3A_140 : i32 to index
      %get3A_142 = arith.index_cast %mul3A_139 : i32 to index
      %get3A_143 = tpu.vector_load %arg6[%get3A_141, %get3A_142] {strides = array<i32>} : memref<16x640xf32, #tpu.memory_space<vmem>>, vector<16xf32>,
      %add3A_144 = arith.addf %add3A_137, %get3A_143 : vector<16xf32>
      %mul3A_145 = arith.constant 16 : i32
      %mul3A_146 = arith.muli %scan3A_87, %mul3A_145 : i32
      %get3A_147 = arith.constant 8 : i32
      %get3A_148 = arith.index_cast %get3A_147 : i32 to index
      %get3A_149 = arith.index_cast %mul3A_146 : i32 to index
      %get3A_150 = tpu.vector_load %arg6[%get3A_148, %get3A_149] {strides = array<i32>} : memref<16x640xf32, #tpu.memory_space<vmem>>, vector<16xf32>,
      %add3A_151 = arith.addf %add3A_144, %get3A_150 : vector<16xf32>
      %mul3A_152 = arith.constant 16 : i32
      %mul3A_153 = arith.muli %scan3A_87, %mul3A_152 : i32
      %get3A_154 = arith.constant 9 : i32
      %get3A_155 = arith.index_cast %get3A_154 : i32 to index
      %get3A_156 = arith.index_cast %mul3A_153 : i32 to index
      %get3A_157 = tpu.vector_load %arg6[%get3A_155, %get3A_156] {strides = array<i32>} : memref<16x640xf32, #tpu.memory_space<vmem>>, vector<16xf32>,
      %add3A_158 = arith.addf %add3A_151, %get3A_157 : vector<16xf32>
      %mul3A_159 = arith.constant 16 : i32
      %mul3A_160 = arith.muli %scan3A_87, %mul3A_159 : i32
      %get3A_161 = arith.constant 10 : i32
      %get3A_162 = arith.index_cast %get3A_161 : i32 to index
      %get3A_163 = arith.index_cast %mul3A_160 : i32 to index
      %get3A_164 = tpu.vector_load %arg6[%get3A_162, %get3A_163] {strides = array<i32>} : memref<16x640xf32, #tpu.memory_space<vmem>>, vector<16xf32>,
      %add3A_165 = arith.addf %add3A_158, %get3A_164 : vector<16xf32>
      %mul3A_166 = arith.constant 16 : i32
      %mul3A_167 = arith.muli %scan3A_87, %mul3A_166 : i32
      %get3A_168 = arith.constant 11 : i32
      %get3A_169 = arith.index_cast %get3A_168 : i32 to index
      %get3A_170 = arith.index_cast %mul3A_167 : i32 to index
      %get3A_171 = tpu.vector_load %arg6[%get3A_169, %get3A_170] {strides = array<i32>} : memref<16x640xf32, #tpu.memory_space<vmem>>, vector<16xf32>,
      %add3A_172 = arith.addf %add3A_165, %get3A_171 : vector<16xf32>
      %mul3A_173 = arith.constant 16 : i32
      %mul3A_174 = arith.muli %scan3A_87, %mul3A_173 : i32
      %get3A_175 = arith.constant 12 : i32
      %get3A_176 = arith.index_cast %get3A_175 : i32 to index
      %get3A_177 = arith.index_cast %mul3A_174 : i32 to index
      %get3A_178 = tpu.vector_load %arg6[%get3A_176, %get3A_177] {strides = array<i32>} : memref<16x640xf32, #tpu.memory_space<vmem>>, vector<16xf32>,
      %add3A_179 = arith.addf %add3A_172, %get3A_178 : vector<16xf32>
      %mul3A_180 = arith.constant 16 : i32
      %mul3A_181 = arith.muli %scan3A_87, %mul3A_180 : i32
      %get3A_182 = arith.constant 13 : i32
      %get3A_183 = arith.index_cast %get3A_182 : i32 to index
      %get3A_184 = arith.index_cast %mul3A_181 : i32 to index
      %get3A_185 = tpu.vector_load %arg6[%get3A_183, %get3A_184] {strides = array<i32>} : memref<16x640xf32, #tpu.memory_space<vmem>>, vector<16xf32>,
      %add3A_186 = arith.addf %add3A_179, %get3A_185 : vector<16xf32>
      %mul3A_187 = arith.constant 16 : i32
      %mul3A_188 = arith.muli %scan3A_87, %mul3A_187 : i32
      %get3A_189 = arith.constant 14 : i32
      %get3A_190 = arith.index_cast %get3A_189 : i32 to index
      %get3A_191 = arith.index_cast %mul3A_188 : i32 to index
      %get3A_192 = tpu.vector_load %arg6[%get3A_190, %get3A_191] {strides = array<i32>} : memref<16x640xf32, #tpu.memory_space<vmem>>, vector<16xf32>,
      %add3A_193 = arith.addf %add3A_186, %get3A_192 : vector<16xf32>
      %mul3A_194 = arith.constant 16 : i32
      %mul3A_195 = arith.muli %scan3A_87, %mul3A_194 : i32
      %get3A_196 = arith.constant 15 : i32
      %get3A_197 = arith.index_cast %get3A_196 : i32 to index
      %get3A_198 = arith.index_cast %mul3A_195 : i32 to index
      %get3A_199 = tpu.vector_load %arg6[%get3A_197, %get3A_198] {strides = array<i32>} : memref<16x640xf32, #tpu.memory_space<vmem>>, vector<16xf32>,
      %add3A_200 = arith.addf %add3A_193, %get3A_199 : vector<16xf32>
      %mul3A_201 = arith.constant 16 : i32
      %mul3A_202 = arith.muli %scan3A_87, %mul3A_201 : i32
      %swap3A = arith.index_cast %mul3A_202 : i32 to index
      %swap3A_203 = tpu.vector_load %arg7[%swap3A] {strides = array<i32>} : memref<640xf32, #tpu.memory_space<vmem>>, vector<16xf32>,
      tpu.vector_store %arg7[%swap3A], %add3A_200 {strides = array<i32>} : memref<640xf32, #tpu.memory_space<vmem>>, vector<16xf32>,
      %scan3A_204 = arith.constant 0 : i32
      scf.yield %scan3A_204 : i32
    }
    %scan3A_84 = arith.constant 40 : i32
    %mul3A_85 = arith.constant 640 : i32
    %mul3A_86 = arith.muli %arg1, %mul3A_85 : i32
    "tpu.region"() ({
      %run_scoped3A_87 = tpu.sem_alloc : memref<!tpu.dma_semaphore, #tpu.memory_space<semaphore_mem>>
      %dma_start3A = tpu.memref_slice %arg3[%arg0, %mul3A_86] : memref<2x10240xf32, #tpu.memory_space<hbm>> -> memref<1x640xf32, #tpu.memory_space<hbm>>
      %dma_start3A_88 = tpu.memref_squeeze %dma_start3A : memref<1x640xf32, #tpu.memory_space<hbm>> -> memref<640xf32, #tpu.memory_space<hbm>>
      %dma_start3A_89 = tpu.memref_slice %arg3[%arg0, %mul3A_86] : memref<2x10240xf32, #tpu.memory_space<hbm>> -> memref<1x640xf32, #tpu.memory_space<hbm>>
      %dma_start3A_90 = tpu.memref_squeeze %dma_start3A_89 : memref<1x640xf32, #tpu.memory_space<hbm>> -> memref<640xf32, #tpu.memory_space<hbm>>
      tpu.enqueue_dma source(%arg7 : memref<640xf32, #tpu.memory_space<vmem>>) target(%dma_start3A_90 : memref<640xf32, #tpu.memory_space<hbm>>) target_semaphore(%run_scoped3A_87 : memref<!tpu.dma_semaphore, #tpu.memory_space<semaphore_mem>>)
      %dma_wait3A = tpu.memref_slice %arg3[%arg0, %mul3A_86] : memref<2x10240xf32, #tpu.memory_space<hbm>> -> memref<1x640xf32, #tpu.memory_space<hbm>>
      %dma_wait3A_91 = tpu.memref_squeeze %dma_wait3A : memref<1x640xf32, #tpu.memory_space<hbm>> -> memref<640xf32, #tpu.memory_space<hbm>>
      %dma_wait3A_92 = tpu.memref_slice %arg3[%arg0, %mul3A_86] : memref<2x10240xf32, #tpu.memory_space<hbm>> -> memref<1x640xf32, #tpu.memory_space<hbm>>
      %dma_wait3A_93 = tpu.memref_squeeze %dma_wait3A_92 : memref<1x640xf32, #tpu.memory_space<hbm>> -> memref<640xf32, #tpu.memory_space<hbm>>
      tpu.wait_dma2 semaphore(%run_scoped3A_87 : memref<!tpu.dma_semaphore, #tpu.memory_space<semaphore_mem>>) src(%arg7 : memref<640xf32, #tpu.memory_space<vmem>>) dst(%dma_wait3A_93 : memref<640xf32, #tpu.memory_space<hbm>>)
      tpu.yield
    }) : () -> ()
    return
  }
}

#map = affine_map<(d0, d1) -> (0, 0)>
#map1 = affine_map<(d0, d1) -> (0, 0, 0, 0)>
#map2 = affine_map<(d0, d1) -> (0, 0, 0)>
module attributes {stable_mosaic.version = 14 : i64} {
  func.func @_segsum_es(%arg0: i32, %arg1: i32, %arg2: memref<10240x128xf32, #tpu.memory_space<hbm>>, %arg3: memref<2x16x79x128xi32, #tpu.memory_space<hbm>>, %arg4: memref<2x16x79x128xi32, #tpu.memory_space<hbm>>, %arg5: memref<2x10240x128xf32, #tpu.memory_space<hbm>>, %arg6: memref<79x128xi32, #tpu.memory_space<vmem>>, %arg7: memref<79x128xi32, #tpu.memory_space<vmem>>, %arg8: memref<128x128xf32, #tpu.memory_space<vmem>>, %arg9: memref<10112x128xf32, #tpu.memory_space<vmem_shared>>, %arg10: memref<!tpu.dma_semaphore, #tpu.memory_space<semaphore_mem>>) attributes {dimension_semantics = [#tpu.dimension_semantics<core_parallel>, #tpu.dimension_semantics<subcore_parallel>], iteration_bounds = array<i64: 2, 16>, scalar_prefetch = 0 : i64, scratch_operands = 5 : i64, tpu.core_type = #tpu.core_type<sc_vector_subcore>, window_params = [{transform_indices = #map}, {transform_indices = #map1}, {transform_indices = #map1}, {transform_indices = #map2}]} {
    %mul3A = arith.constant 632 : i32
    %mul3A_0 = arith.muli %arg1, %mul3A : i32
    "tpu.region"() ({
      %run_scoped3A = tpu.sem_alloc : memref<!tpu.dma_semaphore, #tpu.memory_space<semaphore_mem>>
      %dma_start3A = arith.constant 0 : i32
      %dma_start3A_44 = arith.constant 0 : i32
      %dma_start3A_45 = tpu.memref_slice %arg3[%arg0, %arg1, %dma_start3A, %dma_start3A_44] : memref<2x16x79x128xi32, #tpu.memory_space<hbm>> -> memref<1x1x79x128xi32, #tpu.memory_space<hbm>>
      %dma_start3A_46 = tpu.memref_squeeze %dma_start3A_45 : memref<1x1x79x128xi32, #tpu.memory_space<hbm>> -> memref<79x128xi32, #tpu.memory_space<hbm>>
      %dma_start3A_47 = arith.constant 0 : i32
      %dma_start3A_48 = arith.constant 0 : i32
      %dma_start3A_49 = tpu.memref_slice %arg3[%arg0, %arg1, %dma_start3A_47, %dma_start3A_48] : memref<2x16x79x128xi32, #tpu.memory_space<hbm>> -> memref<1x1x79x128xi32, #tpu.memory_space<hbm>>
      %dma_start3A_50 = tpu.memref_squeeze %dma_start3A_49 : memref<1x1x79x128xi32, #tpu.memory_space<hbm>> -> memref<79x128xi32, #tpu.memory_space<hbm>>
      tpu.enqueue_dma source(%dma_start3A_50 : memref<79x128xi32, #tpu.memory_space<hbm>>) target(%arg6 : memref<79x128xi32, #tpu.memory_space<vmem>>) target_semaphore(%run_scoped3A : memref<!tpu.dma_semaphore, #tpu.memory_space<semaphore_mem>>)
      %dma_wait3A = arith.constant 0 : i32
      %dma_wait3A_51 = arith.constant 0 : i32
      %dma_wait3A_52 = tpu.memref_slice %arg3[%arg0, %arg1, %dma_wait3A, %dma_wait3A_51] : memref<2x16x79x128xi32, #tpu.memory_space<hbm>> -> memref<1x1x79x128xi32, #tpu.memory_space<hbm>>
      %dma_wait3A_53 = tpu.memref_squeeze %dma_wait3A_52 : memref<1x1x79x128xi32, #tpu.memory_space<hbm>> -> memref<79x128xi32, #tpu.memory_space<hbm>>
      %dma_wait3A_54 = arith.constant 0 : i32
      %dma_wait3A_55 = arith.constant 0 : i32
      %dma_wait3A_56 = tpu.memref_slice %arg3[%arg0, %arg1, %dma_wait3A_54, %dma_wait3A_55] : memref<2x16x79x128xi32, #tpu.memory_space<hbm>> -> memref<1x1x79x128xi32, #tpu.memory_space<hbm>>
      %dma_wait3A_57 = tpu.memref_squeeze %dma_wait3A_56 : memref<1x1x79x128xi32, #tpu.memory_space<hbm>> -> memref<79x128xi32, #tpu.memory_space<hbm>>
      tpu.wait_dma2 semaphore(%run_scoped3A : memref<!tpu.dma_semaphore, #tpu.memory_space<semaphore_mem>>) src(%dma_wait3A_57 : memref<79x128xi32, #tpu.memory_space<hbm>>) dst(%arg6 : memref<79x128xi32, #tpu.memory_space<vmem>>)
      tpu.yield
    }) : () -> ()
    "tpu.region"() ({
      %run_scoped3A = tpu.sem_alloc : memref<!tpu.dma_semaphore, #tpu.memory_space<semaphore_mem>>
      %dma_start3A = arith.constant 0 : i32
      %dma_start3A_44 = arith.constant 0 : i32
      %dma_start3A_45 = tpu.memref_slice %arg4[%arg0, %arg1, %dma_start3A, %dma_start3A_44] : memref<2x16x79x128xi32, #tpu.memory_space<hbm>> -> memref<1x1x79x128xi32, #tpu.memory_space<hbm>>
      %dma_start3A_46 = tpu.memref_squeeze %dma_start3A_45 : memref<1x1x79x128xi32, #tpu.memory_space<hbm>> -> memref<79x128xi32, #tpu.memory_space<hbm>>
      %dma_start3A_47 = arith.constant 0 : i32
      %dma_start3A_48 = arith.constant 0 : i32
      %dma_start3A_49 = tpu.memref_slice %arg4[%arg0, %arg1, %dma_start3A_47, %dma_start3A_48] : memref<2x16x79x128xi32, #tpu.memory_space<hbm>> -> memref<1x1x79x128xi32, #tpu.memory_space<hbm>>
      %dma_start3A_50 = tpu.memref_squeeze %dma_start3A_49 : memref<1x1x79x128xi32, #tpu.memory_space<hbm>> -> memref<79x128xi32, #tpu.memory_space<hbm>>
      tpu.enqueue_dma source(%dma_start3A_50 : memref<79x128xi32, #tpu.memory_space<hbm>>) target(%arg7 : memref<79x128xi32, #tpu.memory_space<vmem>>) target_semaphore(%run_scoped3A : memref<!tpu.dma_semaphore, #tpu.memory_space<semaphore_mem>>)
      %dma_wait3A = arith.constant 0 : i32
      %dma_wait3A_51 = arith.constant 0 : i32
      %dma_wait3A_52 = tpu.memref_slice %arg4[%arg0, %arg1, %dma_wait3A, %dma_wait3A_51] : memref<2x16x79x128xi32, #tpu.memory_space<hbm>> -> memref<1x1x79x128xi32, #tpu.memory_space<hbm>>
      %dma_wait3A_53 = tpu.memref_squeeze %dma_wait3A_52 : memref<1x1x79x128xi32, #tpu.memory_space<hbm>> -> memref<79x128xi32, #tpu.memory_space<hbm>>
      %dma_wait3A_54 = arith.constant 0 : i32
      %dma_wait3A_55 = arith.constant 0 : i32
      %dma_wait3A_56 = tpu.memref_slice %arg4[%arg0, %arg1, %dma_wait3A_54, %dma_wait3A_55] : memref<2x16x79x128xi32, #tpu.memory_space<hbm>> -> memref<1x1x79x128xi32, #tpu.memory_space<hbm>>
      %dma_wait3A_57 = tpu.memref_squeeze %dma_wait3A_56 : memref<1x1x79x128xi32, #tpu.memory_space<hbm>> -> memref<79x128xi32, #tpu.memory_space<hbm>>
      tpu.wait_dma2 semaphore(%run_scoped3A : memref<!tpu.dma_semaphore, #tpu.memory_space<semaphore_mem>>) src(%dma_wait3A_57 : memref<79x128xi32, #tpu.memory_space<hbm>>) dst(%arg7 : memref<79x128xi32, #tpu.memory_space<vmem>>)
      tpu.yield
    }) : () -> ()
    %scan3A = arith.constant 0 : i32
    %scan3A_1 = arith.constant 0 : i32
    %scan3A_2 = arith.constant 128 : i32
    %scan3A_3 = arith.addi %scan3A_1, %scan3A_2 : i32
    %scan3A_4 = arith.constant 1 : i32
    %scan3A_5 = scf.for %scan3A_44 = %scan3A_1 to %scan3A_3 step %scan3A_4 iter_args(%scan3A_45 = %scan3A) -> (i32)  : i32 {
      %broadcast_in_dim3A = arith.constant 0.000000e+00 : f32
      %broadcast_in_dim3A_46 = vector.broadcast %broadcast_in_dim3A : f32 to vector<16xf32>
      %swap3A = arith.index_cast %scan3A_44 : i32 to index
      %swap3A_47 = arith.constant 0 : index
      %swap3A_48 = tpu.vector_load %arg8[%swap3A, %swap3A_47] {strides = array<i32>} : memref<128x128xf32, #tpu.memory_space<vmem>>, vector<1x16xf32>,
      %swap3A_49 = vector.shape_cast %swap3A_48 : vector<1x16xf32> to vector<16xf32>
      %swap3A_50 = vector.shape_cast %broadcast_in_dim3A_46 : vector<16xf32> to vector<1x16xf32>
      tpu.vector_store %arg8[%swap3A, %swap3A_47], %swap3A_50 {strides = array<i32>} : memref<128x128xf32, #tpu.memory_space<vmem>>, vector<1x16xf32>,
      %broadcast_in_dim3A_51 = arith.constant 0.000000e+00 : f32
      %broadcast_in_dim3A_52 = vector.broadcast %broadcast_in_dim3A_51 : f32 to vector<16xf32>
      %swap3A_53 = arith.index_cast %scan3A_44 : i32 to index
      %swap3A_54 = arith.constant 16 : index
      %swap3A_55 = tpu.vector_load %arg8[%swap3A_53, %swap3A_54] {strides = array<i32>} : memref<128x128xf32, #tpu.memory_space<vmem>>, vector<1x16xf32>,
      %swap3A_56 = vector.shape_cast %swap3A_55 : vector<1x16xf32> to vector<16xf32>
      %swap3A_57 = vector.shape_cast %broadcast_in_dim3A_52 : vector<16xf32> to vector<1x16xf32>
      tpu.vector_store %arg8[%swap3A_53, %swap3A_54], %swap3A_57 {strides = array<i32>} : memref<128x128xf32, #tpu.memory_space<vmem>>, vector<1x16xf32>,
      %broadcast_in_dim3A_58 = arith.constant 0.000000e+00 : f32
      %broadcast_in_dim3A_59 = vector.broadcast %broadcast_in_dim3A_58 : f32 to vector<16xf32>
      %swap3A_60 = arith.index_cast %scan3A_44 : i32 to index
      %swap3A_61 = arith.constant 32 : index
      %swap3A_62 = tpu.vector_load %arg8[%swap3A_60, %swap3A_61] {strides = array<i32>} : memref<128x128xf32, #tpu.memory_space<vmem>>, vector<1x16xf32>,
      %swap3A_63 = vector.shape_cast %swap3A_62 : vector<1x16xf32> to vector<16xf32>
      %swap3A_64 = vector.shape_cast %broadcast_in_dim3A_59 : vector<16xf32> to vector<1x16xf32>
      tpu.vector_store %arg8[%swap3A_60, %swap3A_61], %swap3A_64 {strides = array<i32>} : memref<128x128xf32, #tpu.memory_space<vmem>>, vector<1x16xf32>,
      %broadcast_in_dim3A_65 = arith.constant 0.000000e+00 : f32
      %broadcast_in_dim3A_66 = vector.broadcast %broadcast_in_dim3A_65 : f32 to vector<16xf32>
      %swap3A_67 = arith.index_cast %scan3A_44 : i32 to index
      %swap3A_68 = arith.constant 48 : index
      %swap3A_69 = tpu.vector_load %arg8[%swap3A_67, %swap3A_68] {strides = array<i32>} : memref<128x128xf32, #tpu.memory_space<vmem>>, vector<1x16xf32>,
      %swap3A_70 = vector.shape_cast %swap3A_69 : vector<1x16xf32> to vector<16xf32>
      %swap3A_71 = vector.shape_cast %broadcast_in_dim3A_66 : vector<16xf32> to vector<1x16xf32>
      tpu.vector_store %arg8[%swap3A_67, %swap3A_68], %swap3A_71 {strides = array<i32>} : memref<128x128xf32, #tpu.memory_space<vmem>>, vector<1x16xf32>,
      %broadcast_in_dim3A_72 = arith.constant 0.000000e+00 : f32
      %broadcast_in_dim3A_73 = vector.broadcast %broadcast_in_dim3A_72 : f32 to vector<16xf32>
      %swap3A_74 = arith.index_cast %scan3A_44 : i32 to index
      %swap3A_75 = arith.constant 64 : index
      %swap3A_76 = tpu.vector_load %arg8[%swap3A_74, %swap3A_75] {strides = array<i32>} : memref<128x128xf32, #tpu.memory_space<vmem>>, vector<1x16xf32>,
      %swap3A_77 = vector.shape_cast %swap3A_76 : vector<1x16xf32> to vector<16xf32>
      %swap3A_78 = vector.shape_cast %broadcast_in_dim3A_73 : vector<16xf32> to vector<1x16xf32>
      tpu.vector_store %arg8[%swap3A_74, %swap3A_75], %swap3A_78 {strides = array<i32>} : memref<128x128xf32, #tpu.memory_space<vmem>>, vector<1x16xf32>,
      %broadcast_in_dim3A_79 = arith.constant 0.000000e+00 : f32
      %broadcast_in_dim3A_80 = vector.broadcast %broadcast_in_dim3A_79 : f32 to vector<16xf32>
      %swap3A_81 = arith.index_cast %scan3A_44 : i32 to index
      %swap3A_82 = arith.constant 80 : index
      %swap3A_83 = tpu.vector_load %arg8[%swap3A_81, %swap3A_82] {strides = array<i32>} : memref<128x128xf32, #tpu.memory_space<vmem>>, vector<1x16xf32>,
      %swap3A_84 = vector.shape_cast %swap3A_83 : vector<1x16xf32> to vector<16xf32>
      %swap3A_85 = vector.shape_cast %broadcast_in_dim3A_80 : vector<16xf32> to vector<1x16xf32>
      tpu.vector_store %arg8[%swap3A_81, %swap3A_82], %swap3A_85 {strides = array<i32>} : memref<128x128xf32, #tpu.memory_space<vmem>>, vector<1x16xf32>,
      %broadcast_in_dim3A_86 = arith.constant 0.000000e+00 : f32
      %broadcast_in_dim3A_87 = vector.broadcast %broadcast_in_dim3A_86 : f32 to vector<16xf32>
      %swap3A_88 = arith.index_cast %scan3A_44 : i32 to index
      %swap3A_89 = arith.constant 96 : index
      %swap3A_90 = tpu.vector_load %arg8[%swap3A_88, %swap3A_89] {strides = array<i32>} : memref<128x128xf32, #tpu.memory_space<vmem>>, vector<1x16xf32>,
      %swap3A_91 = vector.shape_cast %swap3A_90 : vector<1x16xf32> to vector<16xf32>
      %swap3A_92 = vector.shape_cast %broadcast_in_dim3A_87 : vector<16xf32> to vector<1x16xf32>
      tpu.vector_store %arg8[%swap3A_88, %swap3A_89], %swap3A_92 {strides = array<i32>} : memref<128x128xf32, #tpu.memory_space<vmem>>, vector<1x16xf32>,
      %broadcast_in_dim3A_93 = arith.constant 0.000000e+00 : f32
      %broadcast_in_dim3A_94 = vector.broadcast %broadcast_in_dim3A_93 : f32 to vector<16xf32>
      %swap3A_95 = arith.index_cast %scan3A_44 : i32 to index
      %swap3A_96 = arith.constant 112 : index
      %swap3A_97 = tpu.vector_load %arg8[%swap3A_95, %swap3A_96] {strides = array<i32>} : memref<128x128xf32, #tpu.memory_space<vmem>>, vector<1x16xf32>,
      %swap3A_98 = vector.shape_cast %swap3A_97 : vector<1x16xf32> to vector<16xf32>
      %swap3A_99 = vector.shape_cast %broadcast_in_dim3A_94 : vector<16xf32> to vector<1x16xf32>
      tpu.vector_store %arg8[%swap3A_95, %swap3A_96], %swap3A_99 {strides = array<i32>} : memref<128x128xf32, #tpu.memory_space<vmem>>, vector<1x16xf32>,
      %scan3A_100 = arith.constant 0 : i32
      scf.yield %scan3A_100 : i32
    }
    %scan3A_6 = arith.constant 128 : i32
    %add3A = arith.constant 0 : i32
    %add3A_7 = arith.addi %mul3A_0, %add3A : i32
    "tpu.region"() ({
      %run_scoped3A = tpu.sem_alloc : memref<!tpu.dma_semaphore, #tpu.memory_space<semaphore_mem>>
      %dma_start3A = arith.constant 0 : i32
      %dma_start3A_44 = arith.constant 0 : i32
      %dma_start3A_45 = tpu.memref_slice %arg8[%dma_start3A, %dma_start3A_44] : memref<128x128xf32, #tpu.memory_space<vmem>> -> memref<128x128xf32, #tpu.memory_space<vmem>>
      %dma_start3A_46 = arith.constant 0 : i32
      %dma_start3A_47 = tpu.memref_slice %arg9[%add3A_7, %dma_start3A_46] : memref<10112x128xf32, #tpu.memory_space<vmem_shared>> -> memref<128x128xf32, #tpu.memory_space<vmem_shared>>
      %dma_start3A_48 = arith.constant 0 : i32
      %dma_start3A_49 = tpu.memref_slice %arg9[%add3A_7, %dma_start3A_48] : memref<10112x128xf32, #tpu.memory_space<vmem_shared>> -> memref<128x128xf32, #tpu.memory_space<vmem_shared>>
      %dma_start3A_50 = arith.constant 0 : i32
      %dma_start3A_51 = arith.constant 0 : i32
      %dma_start3A_52 = tpu.memref_slice %arg8[%dma_start3A_50, %dma_start3A_51] : memref<128x128xf32, #tpu.memory_space<vmem>> -> memref<128x128xf32, #tpu.memory_space<vmem>>
      tpu.enqueue_dma source(%dma_start3A_52 : memref<128x128xf32, #tpu.memory_space<vmem>>) target(%dma_start3A_49 : memref<128x128xf32, #tpu.memory_space<vmem_shared>>) target_semaphore(%run_scoped3A : memref<!tpu.dma_semaphore, #tpu.memory_space<semaphore_mem>>)
      %dma_wait3A = arith.constant 0 : i32
      %dma_wait3A_53 = arith.constant 0 : i32
      %dma_wait3A_54 = tpu.memref_slice %arg8[%dma_wait3A, %dma_wait3A_53] : memref<128x128xf32, #tpu.memory_space<vmem>> -> memref<128x128xf32, #tpu.memory_space<vmem>>
      %dma_wait3A_55 = arith.constant 0 : i32
      %dma_wait3A_56 = tpu.memref_slice %arg9[%add3A_7, %dma_wait3A_55] : memref<10112x128xf32, #tpu.memory_space<vmem_shared>> -> memref<128x128xf32, #tpu.memory_space<vmem_shared>>
      %dma_wait3A_57 = arith.constant 0 : i32
      %dma_wait3A_58 = tpu.memref_slice %arg9[%add3A_7, %dma_wait3A_57] : memref<10112x128xf32, #tpu.memory_space<vmem_shared>> -> memref<128x128xf32, #tpu.memory_space<vmem_shared>>
      %dma_wait3A_59 = arith.constant 0 : i32
      %dma_wait3A_60 = arith.constant 0 : i32
      %dma_wait3A_61 = tpu.memref_slice %arg8[%dma_wait3A_59, %dma_wait3A_60] : memref<128x128xf32, #tpu.memory_space<vmem>> -> memref<128x128xf32, #tpu.memory_space<vmem>>
      tpu.wait_dma2 semaphore(%run_scoped3A : memref<!tpu.dma_semaphore, #tpu.memory_space<semaphore_mem>>) src(%dma_wait3A_61 : memref<128x128xf32, #tpu.memory_space<vmem>>) dst(%dma_wait3A_58 : memref<128x128xf32, #tpu.memory_space<vmem_shared>>)
      tpu.yield
    }) : () -> ()
    %add3A_8 = arith.constant 128 : i32
    %add3A_9 = arith.addi %mul3A_0, %add3A_8 : i32
    "tpu.region"() ({
      %run_scoped3A = tpu.sem_alloc : memref<!tpu.dma_semaphore, #tpu.memory_space<semaphore_mem>>
      %dma_start3A = arith.constant 0 : i32
      %dma_start3A_44 = arith.constant 0 : i32
      %dma_start3A_45 = tpu.memref_slice %arg8[%dma_start3A, %dma_start3A_44] : memref<128x128xf32, #tpu.memory_space<vmem>> -> memref<128x128xf32, #tpu.memory_space<vmem>>
      %dma_start3A_46 = arith.constant 0 : i32
      %dma_start3A_47 = tpu.memref_slice %arg9[%add3A_9, %dma_start3A_46] : memref<10112x128xf32, #tpu.memory_space<vmem_shared>> -> memref<128x128xf32, #tpu.memory_space<vmem_shared>>
      %dma_start3A_48 = arith.constant 0 : i32
      %dma_start3A_49 = tpu.memref_slice %arg9[%add3A_9, %dma_start3A_48] : memref<10112x128xf32, #tpu.memory_space<vmem_shared>> -> memref<128x128xf32, #tpu.memory_space<vmem_shared>>
      %dma_start3A_50 = arith.constant 0 : i32
      %dma_start3A_51 = arith.constant 0 : i32
      %dma_start3A_52 = tpu.memref_slice %arg8[%dma_start3A_50, %dma_start3A_51] : memref<128x128xf32, #tpu.memory_space<vmem>> -> memref<128x128xf32, #tpu.memory_space<vmem>>
      tpu.enqueue_dma source(%dma_start3A_52 : memref<128x128xf32, #tpu.memory_space<vmem>>) target(%dma_start3A_49 : memref<128x128xf32, #tpu.memory_space<vmem_shared>>) target_semaphore(%run_scoped3A : memref<!tpu.dma_semaphore, #tpu.memory_space<semaphore_mem>>)
      %dma_wait3A = arith.constant 0 : i32
      %dma_wait3A_53 = arith.constant 0 : i32
      %dma_wait3A_54 = tpu.memref_slice %arg8[%dma_wait3A, %dma_wait3A_53] : memref<128x128xf32, #tpu.memory_space<vmem>> -> memref<128x128xf32, #tpu.memory_space<vmem>>
      %dma_wait3A_55 = arith.constant 0 : i32
      %dma_wait3A_56 = tpu.memref_slice %arg9[%add3A_9, %dma_wait3A_55] : memref<10112x128xf32, #tpu.memory_space<vmem_shared>> -> memref<128x128xf32, #tpu.memory_space<vmem_shared>>
      %dma_wait3A_57 = arith.constant 0 : i32
      %dma_wait3A_58 = tpu.memref_slice %arg9[%add3A_9, %dma_wait3A_57] : memref<10112x128xf32, #tpu.memory_space<vmem_shared>> -> memref<128x128xf32, #tpu.memory_space<vmem_shared>>
      %dma_wait3A_59 = arith.constant 0 : i32
      %dma_wait3A_60 = arith.constant 0 : i32
      %dma_wait3A_61 = tpu.memref_slice %arg8[%dma_wait3A_59, %dma_wait3A_60] : memref<128x128xf32, #tpu.memory_space<vmem>> -> memref<128x128xf32, #tpu.memory_space<vmem>>
      tpu.wait_dma2 semaphore(%run_scoped3A : memref<!tpu.dma_semaphore, #tpu.memory_space<semaphore_mem>>) src(%dma_wait3A_61 : memref<128x128xf32, #tpu.memory_space<vmem>>) dst(%dma_wait3A_58 : memref<128x128xf32, #tpu.memory_space<vmem_shared>>)
      tpu.yield
    }) : () -> ()
    %add3A_10 = arith.constant 256 : i32
    %add3A_11 = arith.addi %mul3A_0, %add3A_10 : i32
    "tpu.region"() ({
      %run_scoped3A = tpu.sem_alloc : memref<!tpu.dma_semaphore, #tpu.memory_space<semaphore_mem>>
      %dma_start3A = arith.constant 0 : i32
      %dma_start3A_44 = arith.constant 0 : i32
      %dma_start3A_45 = tpu.memref_slice %arg8[%dma_start3A, %dma_start3A_44] : memref<128x128xf32, #tpu.memory_space<vmem>> -> memref<128x128xf32, #tpu.memory_space<vmem>>
      %dma_start3A_46 = arith.constant 0 : i32
      %dma_start3A_47 = tpu.memref_slice %arg9[%add3A_11, %dma_start3A_46] : memref<10112x128xf32, #tpu.memory_space<vmem_shared>> -> memref<128x128xf32, #tpu.memory_space<vmem_shared>>
      %dma_start3A_48 = arith.constant 0 : i32
      %dma_start3A_49 = tpu.memref_slice %arg9[%add3A_11, %dma_start3A_48] : memref<10112x128xf32, #tpu.memory_space<vmem_shared>> -> memref<128x128xf32, #tpu.memory_space<vmem_shared>>
      %dma_start3A_50 = arith.constant 0 : i32
      %dma_start3A_51 = arith.constant 0 : i32
      %dma_start3A_52 = tpu.memref_slice %arg8[%dma_start3A_50, %dma_start3A_51] : memref<128x128xf32, #tpu.memory_space<vmem>> -> memref<128x128xf32, #tpu.memory_space<vmem>>
      tpu.enqueue_dma source(%dma_start3A_52 : memref<128x128xf32, #tpu.memory_space<vmem>>) target(%dma_start3A_49 : memref<128x128xf32, #tpu.memory_space<vmem_shared>>) target_semaphore(%run_scoped3A : memref<!tpu.dma_semaphore, #tpu.memory_space<semaphore_mem>>)
      %dma_wait3A = arith.constant 0 : i32
      %dma_wait3A_53 = arith.constant 0 : i32
      %dma_wait3A_54 = tpu.memref_slice %arg8[%dma_wait3A, %dma_wait3A_53] : memref<128x128xf32, #tpu.memory_space<vmem>> -> memref<128x128xf32, #tpu.memory_space<vmem>>
      %dma_wait3A_55 = arith.constant 0 : i32
      %dma_wait3A_56 = tpu.memref_slice %arg9[%add3A_11, %dma_wait3A_55] : memref<10112x128xf32, #tpu.memory_space<vmem_shared>> -> memref<128x128xf32, #tpu.memory_space<vmem_shared>>
      %dma_wait3A_57 = arith.constant 0 : i32
      %dma_wait3A_58 = tpu.memref_slice %arg9[%add3A_11, %dma_wait3A_57] : memref<10112x128xf32, #tpu.memory_space<vmem_shared>> -> memref<128x128xf32, #tpu.memory_space<vmem_shared>>
      %dma_wait3A_59 = arith.constant 0 : i32
      %dma_wait3A_60 = arith.constant 0 : i32
      %dma_wait3A_61 = tpu.memref_slice %arg8[%dma_wait3A_59, %dma_wait3A_60] : memref<128x128xf32, #tpu.memory_space<vmem>> -> memref<128x128xf32, #tpu.memory_space<vmem>>
      tpu.wait_dma2 semaphore(%run_scoped3A : memref<!tpu.dma_semaphore, #tpu.memory_space<semaphore_mem>>) src(%dma_wait3A_61 : memref<128x128xf32, #tpu.memory_space<vmem>>) dst(%dma_wait3A_58 : memref<128x128xf32, #tpu.memory_space<vmem_shared>>)
      tpu.yield
    }) : () -> ()
    %add3A_12 = arith.constant 384 : i32
    %add3A_13 = arith.addi %mul3A_0, %add3A_12 : i32
    "tpu.region"() ({
      %run_scoped3A = tpu.sem_alloc : memref<!tpu.dma_semaphore, #tpu.memory_space<semaphore_mem>>
      %dma_start3A = arith.constant 0 : i32
      %dma_start3A_44 = arith.constant 0 : i32
      %dma_start3A_45 = tpu.memref_slice %arg8[%dma_start3A, %dma_start3A_44] : memref<128x128xf32, #tpu.memory_space<vmem>> -> memref<128x128xf32, #tpu.memory_space<vmem>>
      %dma_start3A_46 = arith.constant 0 : i32
      %dma_start3A_47 = tpu.memref_slice %arg9[%add3A_13, %dma_start3A_46] : memref<10112x128xf32, #tpu.memory_space<vmem_shared>> -> memref<128x128xf32, #tpu.memory_space<vmem_shared>>
      %dma_start3A_48 = arith.constant 0 : i32
      %dma_start3A_49 = tpu.memref_slice %arg9[%add3A_13, %dma_start3A_48] : memref<10112x128xf32, #tpu.memory_space<vmem_shared>> -> memref<128x128xf32, #tpu.memory_space<vmem_shared>>
      %dma_start3A_50 = arith.constant 0 : i32
      %dma_start3A_51 = arith.constant 0 : i32
      %dma_start3A_52 = tpu.memref_slice %arg8[%dma_start3A_50, %dma_start3A_51] : memref<128x128xf32, #tpu.memory_space<vmem>> -> memref<128x128xf32, #tpu.memory_space<vmem>>
      tpu.enqueue_dma source(%dma_start3A_52 : memref<128x128xf32, #tpu.memory_space<vmem>>) target(%dma_start3A_49 : memref<128x128xf32, #tpu.memory_space<vmem_shared>>) target_semaphore(%run_scoped3A : memref<!tpu.dma_semaphore, #tpu.memory_space<semaphore_mem>>)
      %dma_wait3A = arith.constant 0 : i32
      %dma_wait3A_53 = arith.constant 0 : i32
      %dma_wait3A_54 = tpu.memref_slice %arg8[%dma_wait3A, %dma_wait3A_53] : memref<128x128xf32, #tpu.memory_space<vmem>> -> memref<128x128xf32, #tpu.memory_space<vmem>>
      %dma_wait3A_55 = arith.constant 0 : i32
      %dma_wait3A_56 = tpu.memref_slice %arg9[%add3A_13, %dma_wait3A_55] : memref<10112x128xf32, #tpu.memory_space<vmem_shared>> -> memref<128x128xf32, #tpu.memory_space<vmem_shared>>
      %dma_wait3A_57 = arith.constant 0 : i32
      %dma_wait3A_58 = tpu.memref_slice %arg9[%add3A_13, %dma_wait3A_57] : memref<10112x128xf32, #tpu.memory_space<vmem_shared>> -> memref<128x128xf32, #tpu.memory_space<vmem_shared>>
      %dma_wait3A_59 = arith.constant 0 : i32
      %dma_wait3A_60 = arith.constant 0 : i32
      %dma_wait3A_61 = tpu.memref_slice %arg8[%dma_wait3A_59, %dma_wait3A_60] : memref<128x128xf32, #tpu.memory_space<vmem>> -> memref<128x128xf32, #tpu.memory_space<vmem>>
      tpu.wait_dma2 semaphore(%run_scoped3A : memref<!tpu.dma_semaphore, #tpu.memory_space<semaphore_mem>>) src(%dma_wait3A_61 : memref<128x128xf32, #tpu.memory_space<vmem>>) dst(%dma_wait3A_58 : memref<128x128xf32, #tpu.memory_space<vmem_shared>>)
      tpu.yield
    }) : () -> ()
    %add3A_14 = arith.constant 512 : i32
    %add3A_15 = arith.addi %mul3A_0, %add3A_14 : i32
    "tpu.region"() ({
      %run_scoped3A = tpu.sem_alloc : memref<!tpu.dma_semaphore, #tpu.memory_space<semaphore_mem>>
      %dma_start3A = arith.constant 0 : i32
      %dma_start3A_44 = arith.constant 0 : i32
      %dma_start3A_45 = tpu.memref_slice %arg8[%dma_start3A, %dma_start3A_44] : memref<128x128xf32, #tpu.memory_space<vmem>> -> memref<120x128xf32, #tpu.memory_space<vmem>>
      %dma_start3A_46 = arith.constant 0 : i32
      %dma_start3A_47 = tpu.memref_slice %arg9[%add3A_15, %dma_start3A_46] : memref<10112x128xf32, #tpu.memory_space<vmem_shared>> -> memref<120x128xf32, #tpu.memory_space<vmem_shared>>
      %dma_start3A_48 = arith.constant 0 : i32
      %dma_start3A_49 = tpu.memref_slice %arg9[%add3A_15, %dma_start3A_48] : memref<10112x128xf32, #tpu.memory_space<vmem_shared>> -> memref<120x128xf32, #tpu.memory_space<vmem_shared>>
      %dma_start3A_50 = arith.constant 0 : i32
      %dma_start3A_51 = arith.constant 0 : i32
      %dma_start3A_52 = tpu.memref_slice %arg8[%dma_start3A_50, %dma_start3A_51] : memref<128x128xf32, #tpu.memory_space<vmem>> -> memref<120x128xf32, #tpu.memory_space<vmem>>
      tpu.enqueue_dma source(%dma_start3A_52 : memref<120x128xf32, #tpu.memory_space<vmem>>) target(%dma_start3A_49 : memref<120x128xf32, #tpu.memory_space<vmem_shared>>) target_semaphore(%run_scoped3A : memref<!tpu.dma_semaphore, #tpu.memory_space<semaphore_mem>>)
      %dma_wait3A = arith.constant 0 : i32
      %dma_wait3A_53 = arith.constant 0 : i32
      %dma_wait3A_54 = tpu.memref_slice %arg8[%dma_wait3A, %dma_wait3A_53] : memref<128x128xf32, #tpu.memory_space<vmem>> -> memref<120x128xf32, #tpu.memory_space<vmem>>
      %dma_wait3A_55 = arith.constant 0 : i32
      %dma_wait3A_56 = tpu.memref_slice %arg9[%add3A_15, %dma_wait3A_55] : memref<10112x128xf32, #tpu.memory_space<vmem_shared>> -> memref<120x128xf32, #tpu.memory_space<vmem_shared>>
      %dma_wait3A_57 = arith.constant 0 : i32
      %dma_wait3A_58 = tpu.memref_slice %arg9[%add3A_15, %dma_wait3A_57] : memref<10112x128xf32, #tpu.memory_space<vmem_shared>> -> memref<120x128xf32, #tpu.memory_space<vmem_shared>>
      %dma_wait3A_59 = arith.constant 0 : i32
      %dma_wait3A_60 = arith.constant 0 : i32
      %dma_wait3A_61 = tpu.memref_slice %arg8[%dma_wait3A_59, %dma_wait3A_60] : memref<128x128xf32, #tpu.memory_space<vmem>> -> memref<120x128xf32, #tpu.memory_space<vmem>>
      tpu.wait_dma2 semaphore(%run_scoped3A : memref<!tpu.dma_semaphore, #tpu.memory_space<semaphore_mem>>) src(%dma_wait3A_61 : memref<120x128xf32, #tpu.memory_space<vmem>>) dst(%dma_wait3A_58 : memref<120x128xf32, #tpu.memory_space<vmem_shared>>)
      tpu.yield
    }) : () -> ()
    %barrier3A = arith.constant 0 : index
    tpu.barrier barrier_id(%barrier3A)
    %scan3A_16 = arith.constant 0 : i32
    %scan3A_17 = arith.constant 0 : i32
    %scan3A_18 = arith.constant 79 : i32
    %scan3A_19 = arith.addi %scan3A_17, %scan3A_18 : i32
    %scan3A_20 = arith.constant 1 : i32
    %scan3A_21 = scf.for %scan3A_44 = %scan3A_17 to %scan3A_19 step %scan3A_20 iter_args(%scan3A_45 = %scan3A_16) -> (i32)  : i32 {
      %dma_start3A = arith.constant 0 : i32
      %dma_start3A_46 = tpu.memref_slice %arg6[%scan3A_44, %dma_start3A] : memref<79x128xi32, #tpu.memory_space<vmem>> -> memref<1x128xi32, #tpu.memory_space<vmem>>
      %dma_start3A_47 = tpu.memref_squeeze %dma_start3A_46 : memref<1x128xi32, #tpu.memory_space<vmem>> -> memref<128xi32, #tpu.memory_space<vmem>>
      %dma_start3A_48 = arith.constant 0 : i32
      %dma_start3A_49 = arith.constant 0 : i32
      %dma_start3A_50 = tpu.memref_slice %arg2[%dma_start3A_48, %dma_start3A_49] : memref<10240x128xf32, #tpu.memory_space<hbm>> -> memref<10240x128xf32, #tpu.memory_space<hbm>>
      tpu.enqueue_indirect_dma source(%dma_start3A_50 : memref<10240x128xf32, #tpu.memory_space<hbm>>) target(%arg8 : memref<128x128xf32, #tpu.memory_space<vmem>>) offsets(%dma_start3A_47 : memref<128xi32, #tpu.memory_space<vmem>>) semaphore(%arg10 : memref<!tpu.dma_semaphore, #tpu.memory_space<semaphore_mem>>)
      %dma_wait3A = arith.constant 0 : i32
      %dma_wait3A_51 = tpu.memref_slice %arg6[%scan3A_44, %dma_wait3A] : memref<79x128xi32, #tpu.memory_space<vmem>> -> memref<1x128xi32, #tpu.memory_space<vmem>>
      %dma_wait3A_52 = tpu.memref_squeeze %dma_wait3A_51 : memref<1x128xi32, #tpu.memory_space<vmem>> -> memref<128xi32, #tpu.memory_space<vmem>>
      %dma_wait3A_53 = arith.constant 0 : i32
      %dma_wait3A_54 = arith.constant 0 : i32
      %dma_wait3A_55 = tpu.memref_slice %arg2[%dma_wait3A_53, %dma_wait3A_54] : memref<10240x128xf32, #tpu.memory_space<hbm>> -> memref<10240x128xf32, #tpu.memory_space<hbm>>
      tpu.wait_indirect_dma semaphore(%arg10 : memref<!tpu.dma_semaphore, #tpu.memory_space<semaphore_mem>>) src(%dma_wait3A_55 : memref<10240x128xf32, #tpu.memory_space<hbm>>) dst(%arg8 : memref<128x128xf32, #tpu.memory_space<vmem>>)
      "tpu.region"() ({
        %run_scoped3A = tpu.sem_alloc : memref<!tpu.dma_semaphore, #tpu.memory_space<semaphore_mem>>
        %dma_start3A_57 = arith.constant 0 : i32
        %dma_start3A_58 = tpu.memref_slice %arg7[%scan3A_44, %dma_start3A_57] : memref<79x128xi32, #tpu.memory_space<vmem>> -> memref<1x128xi32, #tpu.memory_space<vmem>>
        %dma_start3A_59 = tpu.memref_squeeze %dma_start3A_58 : memref<1x128xi32, #tpu.memory_space<vmem>> -> memref<128xi32, #tpu.memory_space<vmem>>
        %dma_start3A_60 = arith.constant 0 : i32
        %dma_start3A_61 = arith.constant 0 : i32
        %dma_start3A_62 = tpu.memref_slice %arg9[%dma_start3A_60, %dma_start3A_61] : memref<10112x128xf32, #tpu.memory_space<vmem_shared>> -> memref<10112x128xf32, #tpu.memory_space<vmem_shared>>
        tpu.enqueue_indirect_dma source(%arg8 : memref<128x128xf32, #tpu.memory_space<vmem>>) target(%dma_start3A_62 : memref<10112x128xf32, #tpu.memory_space<vmem_shared>>) offsets(%dma_start3A_59 : memref<128xi32, #tpu.memory_space<vmem>>) semaphore(%run_scoped3A : memref<!tpu.dma_semaphore, #tpu.memory_space<semaphore_mem>>) {add = true}
        %dma_wait3A_63 = arith.constant 0 : i32
        %dma_wait3A_64 = tpu.memref_slice %arg7[%scan3A_44, %dma_wait3A_63] : memref<79x128xi32, #tpu.memory_space<vmem>> -> memref<1x128xi32, #tpu.memory_space<vmem>>
        %dma_wait3A_65 = tpu.memref_squeeze %dma_wait3A_64 : memref<1x128xi32, #tpu.memory_space<vmem>> -> memref<128xi32, #tpu.memory_space<vmem>>
        %dma_wait3A_66 = arith.constant 0 : i32
        %dma_wait3A_67 = arith.constant 0 : i32
        %dma_wait3A_68 = tpu.memref_slice %arg9[%dma_wait3A_66, %dma_wait3A_67] : memref<10112x128xf32, #tpu.memory_space<vmem_shared>> -> memref<10112x128xf32, #tpu.memory_space<vmem_shared>>
        tpu.wait_indirect_dma semaphore(%run_scoped3A : memref<!tpu.dma_semaphore, #tpu.memory_space<semaphore_mem>>) src(%arg8 : memref<128x128xf32, #tpu.memory_space<vmem>>) dst(%dma_wait3A_68 : memref<10112x128xf32, #tpu.memory_space<vmem_shared>>)
        tpu.yield
      }) : () -> ()
      %scan3A_56 = arith.constant 0 : i32
      scf.yield %scan3A_56 : i32
    }
    %scan3A_22 = arith.constant 79 : i32
    %barrier3A_23 = arith.constant 0 : index
    tpu.barrier barrier_id(%barrier3A_23)
    %add3A_24 = arith.constant 0 : i32
    %add3A_25 = arith.addi %mul3A_0, %add3A_24 : i32
    "tpu.region"() ({
      %run_scoped3A = tpu.sem_alloc : memref<!tpu.dma_semaphore, #tpu.memory_space<semaphore_mem>>
      %dma_start3A = arith.constant 0 : i32
      %dma_start3A_44 = arith.constant 0 : i32
      %dma_start3A_45 = tpu.memref_slice %arg8[%dma_start3A, %dma_start3A_44] : memref<128x128xf32, #tpu.memory_space<vmem>> -> memref<128x128xf32, #tpu.memory_space<vmem>>
      %dma_start3A_46 = arith.constant 0 : i32
      %dma_start3A_47 = tpu.memref_slice %arg9[%add3A_25, %dma_start3A_46] : memref<10112x128xf32, #tpu.memory_space<vmem_shared>> -> memref<128x128xf32, #tpu.memory_space<vmem_shared>>
      %dma_start3A_48 = arith.constant 0 : i32
      %dma_start3A_49 = arith.constant 0 : i32
      %dma_start3A_50 = tpu.memref_slice %arg8[%dma_start3A_48, %dma_start3A_49] : memref<128x128xf32, #tpu.memory_space<vmem>> -> memref<128x128xf32, #tpu.memory_space<vmem>>
      %dma_start3A_51 = arith.constant 0 : i32
      %dma_start3A_52 = tpu.memref_slice %arg9[%add3A_25, %dma_start3A_51] : memref<10112x128xf32, #tpu.memory_space<vmem_shared>> -> memref<128x128xf32, #tpu.memory_space<vmem_shared>>
      tpu.enqueue_dma source(%dma_start3A_52 : memref<128x128xf32, #tpu.memory_space<vmem_shared>>) target(%dma_start3A_50 : memref<128x128xf32, #tpu.memory_space<vmem>>) target_semaphore(%run_scoped3A : memref<!tpu.dma_semaphore, #tpu.memory_space<semaphore_mem>>)
      %dma_wait3A = arith.constant 0 : i32
      %dma_wait3A_53 = arith.constant 0 : i32
      %dma_wait3A_54 = tpu.memref_slice %arg8[%dma_wait3A, %dma_wait3A_53] : memref<128x128xf32, #tpu.memory_space<vmem>> -> memref<128x128xf32, #tpu.memory_space<vmem>>
      %dma_wait3A_55 = arith.constant 0 : i32
      %dma_wait3A_56 = tpu.memref_slice %arg9[%add3A_25, %dma_wait3A_55] : memref<10112x128xf32, #tpu.memory_space<vmem_shared>> -> memref<128x128xf32, #tpu.memory_space<vmem_shared>>
      %dma_wait3A_57 = arith.constant 0 : i32
      %dma_wait3A_58 = arith.constant 0 : i32
      %dma_wait3A_59 = tpu.memref_slice %arg8[%dma_wait3A_57, %dma_wait3A_58] : memref<128x128xf32, #tpu.memory_space<vmem>> -> memref<128x128xf32, #tpu.memory_space<vmem>>
      %dma_wait3A_60 = arith.constant 0 : i32
      %dma_wait3A_61 = tpu.memref_slice %arg9[%add3A_25, %dma_wait3A_60] : memref<10112x128xf32, #tpu.memory_space<vmem_shared>> -> memref<128x128xf32, #tpu.memory_space<vmem_shared>>
      tpu.wait_dma2 semaphore(%run_scoped3A : memref<!tpu.dma_semaphore, #tpu.memory_space<semaphore_mem>>) src(%dma_wait3A_61 : memref<128x128xf32, #tpu.memory_space<vmem_shared>>) dst(%dma_wait3A_59 : memref<128x128xf32, #tpu.memory_space<vmem>>)
      tpu.yield
    }) : () -> ()
    %add3A_26 = arith.constant 0 : i32
    %add3A_27 = arith.addi %mul3A_0, %add3A_26 : i32
    "tpu.region"() ({
      %run_scoped3A = tpu.sem_alloc : memref<!tpu.dma_semaphore, #tpu.memory_space<semaphore_mem>>
      %dma_start3A = arith.constant 0 : i32
      %dma_start3A_44 = arith.constant 0 : i32
      %dma_start3A_45 = tpu.memref_slice %arg8[%dma_start3A, %dma_start3A_44] : memref<128x128xf32, #tpu.memory_space<vmem>> -> memref<128x128xf32, #tpu.memory_space<vmem>>
      %dma_start3A_46 = arith.constant 0 : i32
      %dma_start3A_47 = tpu.memref_slice %arg5[%arg0, %add3A_27, %dma_start3A_46] : memref<2x10240x128xf32, #tpu.memory_space<hbm>> -> memref<1x128x128xf32, #tpu.memory_space<hbm>>
      %dma_start3A_48 = tpu.memref_squeeze %dma_start3A_47 : memref<1x128x128xf32, #tpu.memory_space<hbm>> -> memref<128x128xf32, #tpu.memory_space<hbm>>
      %dma_start3A_49 = arith.constant 0 : i32
      %dma_start3A_50 = tpu.memref_slice %arg5[%arg0, %add3A_27, %dma_start3A_49] : memref<2x10240x128xf32, #tpu.memory_space<hbm>> -> memref<1x128x128xf32, #tpu.memory_space<hbm>>
      %dma_start3A_51 = tpu.memref_squeeze %dma_start3A_50 : memref<1x128x128xf32, #tpu.memory_space<hbm>> -> memref<128x128xf32, #tpu.memory_space<hbm>>
      %dma_start3A_52 = arith.constant 0 : i32
      %dma_start3A_53 = arith.constant 0 : i32
      %dma_start3A_54 = tpu.memref_slice %arg8[%dma_start3A_52, %dma_start3A_53] : memref<128x128xf32, #tpu.memory_space<vmem>> -> memref<128x128xf32, #tpu.memory_space<vmem>>
      tpu.enqueue_dma source(%dma_start3A_54 : memref<128x128xf32, #tpu.memory_space<vmem>>) target(%dma_start3A_51 : memref<128x128xf32, #tpu.memory_space<hbm>>) target_semaphore(%run_scoped3A : memref<!tpu.dma_semaphore, #tpu.memory_space<semaphore_mem>>)
      %dma_wait3A = arith.constant 0 : i32
      %dma_wait3A_55 = arith.constant 0 : i32
      %dma_wait3A_56 = tpu.memref_slice %arg8[%dma_wait3A, %dma_wait3A_55] : memref<128x128xf32, #tpu.memory_space<vmem>> -> memref<128x128xf32, #tpu.memory_space<vmem>>
      %dma_wait3A_57 = arith.constant 0 : i32
      %dma_wait3A_58 = tpu.memref_slice %arg5[%arg0, %add3A_27, %dma_wait3A_57] : memref<2x10240x128xf32, #tpu.memory_space<hbm>> -> memref<1x128x128xf32, #tpu.memory_space<hbm>>
      %dma_wait3A_59 = tpu.memref_squeeze %dma_wait3A_58 : memref<1x128x128xf32, #tpu.memory_space<hbm>> -> memref<128x128xf32, #tpu.memory_space<hbm>>
      %dma_wait3A_60 = arith.constant 0 : i32
      %dma_wait3A_61 = tpu.memref_slice %arg5[%arg0, %add3A_27, %dma_wait3A_60] : memref<2x10240x128xf32, #tpu.memory_space<hbm>> -> memref<1x128x128xf32, #tpu.memory_space<hbm>>
      %dma_wait3A_62 = tpu.memref_squeeze %dma_wait3A_61 : memref<1x128x128xf32, #tpu.memory_space<hbm>> -> memref<128x128xf32, #tpu.memory_space<hbm>>
      %dma_wait3A_63 = arith.constant 0 : i32
      %dma_wait3A_64 = arith.constant 0 : i32
      %dma_wait3A_65 = tpu.memref_slice %arg8[%dma_wait3A_63, %dma_wait3A_64] : memref<128x128xf32, #tpu.memory_space<vmem>> -> memref<128x128xf32, #tpu.memory_space<vmem>>
      tpu.wait_dma2 semaphore(%run_scoped3A : memref<!tpu.dma_semaphore, #tpu.memory_space<semaphore_mem>>) src(%dma_wait3A_65 : memref<128x128xf32, #tpu.memory_space<vmem>>) dst(%dma_wait3A_62 : memref<128x128xf32, #tpu.memory_space<hbm>>)
      tpu.yield
    }) : () -> ()
    %add3A_28 = arith.constant 128 : i32
    %add3A_29 = arith.addi %mul3A_0, %add3A_28 : i32
    "tpu.region"() ({
      %run_scoped3A = tpu.sem_alloc : memref<!tpu.dma_semaphore, #tpu.memory_space<semaphore_mem>>
      %dma_start3A = arith.constant 0 : i32
      %dma_start3A_44 = arith.constant 0 : i32
      %dma_start3A_45 = tpu.memref_slice %arg8[%dma_start3A, %dma_start3A_44] : memref<128x128xf32, #tpu.memory_space<vmem>> -> memref<128x128xf32, #tpu.memory_space<vmem>>
      %dma_start3A_46 = arith.constant 0 : i32
      %dma_start3A_47 = tpu.memref_slice %arg9[%add3A_29, %dma_start3A_46] : memref<10112x128xf32, #tpu.memory_space<vmem_shared>> -> memref<128x128xf32, #tpu.memory_space<vmem_shared>>
      %dma_start3A_48 = arith.constant 0 : i32
      %dma_start3A_49 = arith.constant 0 : i32
      %dma_start3A_50 = tpu.memref_slice %arg8[%dma_start3A_48, %dma_start3A_49] : memref<128x128xf32, #tpu.memory_space<vmem>> -> memref<128x128xf32, #tpu.memory_space<vmem>>
      %dma_start3A_51 = arith.constant 0 : i32
      %dma_start3A_52 = tpu.memref_slice %arg9[%add3A_29, %dma_start3A_51] : memref<10112x128xf32, #tpu.memory_space<vmem_shared>> -> memref<128x128xf32, #tpu.memory_space<vmem_shared>>
      tpu.enqueue_dma source(%dma_start3A_52 : memref<128x128xf32, #tpu.memory_space<vmem_shared>>) target(%dma_start3A_50 : memref<128x128xf32, #tpu.memory_space<vmem>>) target_semaphore(%run_scoped3A : memref<!tpu.dma_semaphore, #tpu.memory_space<semaphore_mem>>)
      %dma_wait3A = arith.constant 0 : i32
      %dma_wait3A_53 = arith.constant 0 : i32
      %dma_wait3A_54 = tpu.memref_slice %arg8[%dma_wait3A, %dma_wait3A_53] : memref<128x128xf32, #tpu.memory_space<vmem>> -> memref<128x128xf32, #tpu.memory_space<vmem>>
      %dma_wait3A_55 = arith.constant 0 : i32
      %dma_wait3A_56 = tpu.memref_slice %arg9[%add3A_29, %dma_wait3A_55] : memref<10112x128xf32, #tpu.memory_space<vmem_shared>> -> memref<128x128xf32, #tpu.memory_space<vmem_shared>>
      %dma_wait3A_57 = arith.constant 0 : i32
      %dma_wait3A_58 = arith.constant 0 : i32
      %dma_wait3A_59 = tpu.memref_slice %arg8[%dma_wait3A_57, %dma_wait3A_58] : memref<128x128xf32, #tpu.memory_space<vmem>> -> memref<128x128xf32, #tpu.memory_space<vmem>>
      %dma_wait3A_60 = arith.constant 0 : i32
      %dma_wait3A_61 = tpu.memref_slice %arg9[%add3A_29, %dma_wait3A_60] : memref<10112x128xf32, #tpu.memory_space<vmem_shared>> -> memref<128x128xf32, #tpu.memory_space<vmem_shared>>
      tpu.wait_dma2 semaphore(%run_scoped3A : memref<!tpu.dma_semaphore, #tpu.memory_space<semaphore_mem>>) src(%dma_wait3A_61 : memref<128x128xf32, #tpu.memory_space<vmem_shared>>) dst(%dma_wait3A_59 : memref<128x128xf32, #tpu.memory_space<vmem>>)
      tpu.yield
    }) : () -> ()
    %add3A_30 = arith.constant 128 : i32
    %add3A_31 = arith.addi %mul3A_0, %add3A_30 : i32
    "tpu.region"() ({
      %run_scoped3A = tpu.sem_alloc : memref<!tpu.dma_semaphore, #tpu.memory_space<semaphore_mem>>
      %dma_start3A = arith.constant 0 : i32
      %dma_start3A_44 = arith.constant 0 : i32
      %dma_start3A_45 = tpu.memref_slice %arg8[%dma_start3A, %dma_start3A_44] : memref<128x128xf32, #tpu.memory_space<vmem>> -> memref<128x128xf32, #tpu.memory_space<vmem>>
      %dma_start3A_46 = arith.constant 0 : i32
      %dma_start3A_47 = tpu.memref_slice %arg5[%arg0, %add3A_31, %dma_start3A_46] : memref<2x10240x128xf32, #tpu.memory_space<hbm>> -> memref<1x128x128xf32, #tpu.memory_space<hbm>>
      %dma_start3A_48 = tpu.memref_squeeze %dma_start3A_47 : memref<1x128x128xf32, #tpu.memory_space<hbm>> -> memref<128x128xf32, #tpu.memory_space<hbm>>
      %dma_start3A_49 = arith.constant 0 : i32
      %dma_start3A_50 = tpu.memref_slice %arg5[%arg0, %add3A_31, %dma_start3A_49] : memref<2x10240x128xf32, #tpu.memory_space<hbm>> -> memref<1x128x128xf32, #tpu.memory_space<hbm>>
      %dma_start3A_51 = tpu.memref_squeeze %dma_start3A_50 : memref<1x128x128xf32, #tpu.memory_space<hbm>> -> memref<128x128xf32, #tpu.memory_space<hbm>>
      %dma_start3A_52 = arith.constant 0 : i32
      %dma_start3A_53 = arith.constant 0 : i32
      %dma_start3A_54 = tpu.memref_slice %arg8[%dma_start3A_52, %dma_start3A_53] : memref<128x128xf32, #tpu.memory_space<vmem>> -> memref<128x128xf32, #tpu.memory_space<vmem>>
      tpu.enqueue_dma source(%dma_start3A_54 : memref<128x128xf32, #tpu.memory_space<vmem>>) target(%dma_start3A_51 : memref<128x128xf32, #tpu.memory_space<hbm>>) target_semaphore(%run_scoped3A : memref<!tpu.dma_semaphore, #tpu.memory_space<semaphore_mem>>)
      %dma_wait3A = arith.constant 0 : i32
      %dma_wait3A_55 = arith.constant 0 : i32
      %dma_wait3A_56 = tpu.memref_slice %arg8[%dma_wait3A, %dma_wait3A_55] : memref<128x128xf32, #tpu.memory_space<vmem>> -> memref<128x128xf32, #tpu.memory_space<vmem>>
      %dma_wait3A_57 = arith.constant 0 : i32
      %dma_wait3A_58 = tpu.memref_slice %arg5[%arg0, %add3A_31, %dma_wait3A_57] : memref<2x10240x128xf32, #tpu.memory_space<hbm>> -> memref<1x128x128xf32, #tpu.memory_space<hbm>>
      %dma_wait3A_59 = tpu.memref_squeeze %dma_wait3A_58 : memref<1x128x128xf32, #tpu.memory_space<hbm>> -> memref<128x128xf32, #tpu.memory_space<hbm>>
      %dma_wait3A_60 = arith.constant 0 : i32
      %dma_wait3A_61 = tpu.memref_slice %arg5[%arg0, %add3A_31, %dma_wait3A_60] : memref<2x10240x128xf32, #tpu.memory_space<hbm>> -> memref<1x128x128xf32, #tpu.memory_space<hbm>>
      %dma_wait3A_62 = tpu.memref_squeeze %dma_wait3A_61 : memref<1x128x128xf32, #tpu.memory_space<hbm>> -> memref<128x128xf32, #tpu.memory_space<hbm>>
      %dma_wait3A_63 = arith.constant 0 : i32
      %dma_wait3A_64 = arith.constant 0 : i32
      %dma_wait3A_65 = tpu.memref_slice %arg8[%dma_wait3A_63, %dma_wait3A_64] : memref<128x128xf32, #tpu.memory_space<vmem>> -> memref<128x128xf32, #tpu.memory_space<vmem>>
      tpu.wait_dma2 semaphore(%run_scoped3A : memref<!tpu.dma_semaphore, #tpu.memory_space<semaphore_mem>>) src(%dma_wait3A_65 : memref<128x128xf32, #tpu.memory_space<vmem>>) dst(%dma_wait3A_62 : memref<128x128xf32, #tpu.memory_space<hbm>>)
      tpu.yield
    }) : () -> ()
    %add3A_32 = arith.constant 256 : i32
    %add3A_33 = arith.addi %mul3A_0, %add3A_32 : i32
    "tpu.region"() ({
      %run_scoped3A = tpu.sem_alloc : memref<!tpu.dma_semaphore, #tpu.memory_space<semaphore_mem>>
      %dma_start3A = arith.constant 0 : i32
      %dma_start3A_44 = arith.constant 0 : i32
      %dma_start3A_45 = tpu.memref_slice %arg8[%dma_start3A, %dma_start3A_44] : memref<128x128xf32, #tpu.memory_space<vmem>> -> memref<128x128xf32, #tpu.memory_space<vmem>>
      %dma_start3A_46 = arith.constant 0 : i32
      %dma_start3A_47 = tpu.memref_slice %arg9[%add3A_33, %dma_start3A_46] : memref<10112x128xf32, #tpu.memory_space<vmem_shared>> -> memref<128x128xf32, #tpu.memory_space<vmem_shared>>
      %dma_start3A_48 = arith.constant 0 : i32
      %dma_start3A_49 = arith.constant 0 : i32
      %dma_start3A_50 = tpu.memref_slice %arg8[%dma_start3A_48, %dma_start3A_49] : memref<128x128xf32, #tpu.memory_space<vmem>> -> memref<128x128xf32, #tpu.memory_space<vmem>>
      %dma_start3A_51 = arith.constant 0 : i32
      %dma_start3A_52 = tpu.memref_slice %arg9[%add3A_33, %dma_start3A_51] : memref<10112x128xf32, #tpu.memory_space<vmem_shared>> -> memref<128x128xf32, #tpu.memory_space<vmem_shared>>
      tpu.enqueue_dma source(%dma_start3A_52 : memref<128x128xf32, #tpu.memory_space<vmem_shared>>) target(%dma_start3A_50 : memref<128x128xf32, #tpu.memory_space<vmem>>) target_semaphore(%run_scoped3A : memref<!tpu.dma_semaphore, #tpu.memory_space<semaphore_mem>>)
      %dma_wait3A = arith.constant 0 : i32
      %dma_wait3A_53 = arith.constant 0 : i32
      %dma_wait3A_54 = tpu.memref_slice %arg8[%dma_wait3A, %dma_wait3A_53] : memref<128x128xf32, #tpu.memory_space<vmem>> -> memref<128x128xf32, #tpu.memory_space<vmem>>
      %dma_wait3A_55 = arith.constant 0 : i32
      %dma_wait3A_56 = tpu.memref_slice %arg9[%add3A_33, %dma_wait3A_55] : memref<10112x128xf32, #tpu.memory_space<vmem_shared>> -> memref<128x128xf32, #tpu.memory_space<vmem_shared>>
      %dma_wait3A_57 = arith.constant 0 : i32
      %dma_wait3A_58 = arith.constant 0 : i32
      %dma_wait3A_59 = tpu.memref_slice %arg8[%dma_wait3A_57, %dma_wait3A_58] : memref<128x128xf32, #tpu.memory_space<vmem>> -> memref<128x128xf32, #tpu.memory_space<vmem>>
      %dma_wait3A_60 = arith.constant 0 : i32
      %dma_wait3A_61 = tpu.memref_slice %arg9[%add3A_33, %dma_wait3A_60] : memref<10112x128xf32, #tpu.memory_space<vmem_shared>> -> memref<128x128xf32, #tpu.memory_space<vmem_shared>>
      tpu.wait_dma2 semaphore(%run_scoped3A : memref<!tpu.dma_semaphore, #tpu.memory_space<semaphore_mem>>) src(%dma_wait3A_61 : memref<128x128xf32, #tpu.memory_space<vmem_shared>>) dst(%dma_wait3A_59 : memref<128x128xf32, #tpu.memory_space<vmem>>)
      tpu.yield
    }) : () -> ()
    %add3A_34 = arith.constant 256 : i32
    %add3A_35 = arith.addi %mul3A_0, %add3A_34 : i32
    "tpu.region"() ({
      %run_scoped3A = tpu.sem_alloc : memref<!tpu.dma_semaphore, #tpu.memory_space<semaphore_mem>>
      %dma_start3A = arith.constant 0 : i32
      %dma_start3A_44 = arith.constant 0 : i32
      %dma_start3A_45 = tpu.memref_slice %arg8[%dma_start3A, %dma_start3A_44] : memref<128x128xf32, #tpu.memory_space<vmem>> -> memref<128x128xf32, #tpu.memory_space<vmem>>
      %dma_start3A_46 = arith.constant 0 : i32
      %dma_start3A_47 = tpu.memref_slice %arg5[%arg0, %add3A_35, %dma_start3A_46] : memref<2x10240x128xf32, #tpu.memory_space<hbm>> -> memref<1x128x128xf32, #tpu.memory_space<hbm>>
      %dma_start3A_48 = tpu.memref_squeeze %dma_start3A_47 : memref<1x128x128xf32, #tpu.memory_space<hbm>> -> memref<128x128xf32, #tpu.memory_space<hbm>>
      %dma_start3A_49 = arith.constant 0 : i32
      %dma_start3A_50 = tpu.memref_slice %arg5[%arg0, %add3A_35, %dma_start3A_49] : memref<2x10240x128xf32, #tpu.memory_space<hbm>> -> memref<1x128x128xf32, #tpu.memory_space<hbm>>
      %dma_start3A_51 = tpu.memref_squeeze %dma_start3A_50 : memref<1x128x128xf32, #tpu.memory_space<hbm>> -> memref<128x128xf32, #tpu.memory_space<hbm>>
      %dma_start3A_52 = arith.constant 0 : i32
      %dma_start3A_53 = arith.constant 0 : i32
      %dma_start3A_54 = tpu.memref_slice %arg8[%dma_start3A_52, %dma_start3A_53] : memref<128x128xf32, #tpu.memory_space<vmem>> -> memref<128x128xf32, #tpu.memory_space<vmem>>
      tpu.enqueue_dma source(%dma_start3A_54 : memref<128x128xf32, #tpu.memory_space<vmem>>) target(%dma_start3A_51 : memref<128x128xf32, #tpu.memory_space<hbm>>) target_semaphore(%run_scoped3A : memref<!tpu.dma_semaphore, #tpu.memory_space<semaphore_mem>>)
      %dma_wait3A = arith.constant 0 : i32
      %dma_wait3A_55 = arith.constant 0 : i32
      %dma_wait3A_56 = tpu.memref_slice %arg8[%dma_wait3A, %dma_wait3A_55] : memref<128x128xf32, #tpu.memory_space<vmem>> -> memref<128x128xf32, #tpu.memory_space<vmem>>
      %dma_wait3A_57 = arith.constant 0 : i32
      %dma_wait3A_58 = tpu.memref_slice %arg5[%arg0, %add3A_35, %dma_wait3A_57] : memref<2x10240x128xf32, #tpu.memory_space<hbm>> -> memref<1x128x128xf32, #tpu.memory_space<hbm>>
      %dma_wait3A_59 = tpu.memref_squeeze %dma_wait3A_58 : memref<1x128x128xf32, #tpu.memory_space<hbm>> -> memref<128x128xf32, #tpu.memory_space<hbm>>
      %dma_wait3A_60 = arith.constant 0 : i32
      %dma_wait3A_61 = tpu.memref_slice %arg5[%arg0, %add3A_35, %dma_wait3A_60] : memref<2x10240x128xf32, #tpu.memory_space<hbm>> -> memref<1x128x128xf32, #tpu.memory_space<hbm>>
      %dma_wait3A_62 = tpu.memref_squeeze %dma_wait3A_61 : memref<1x128x128xf32, #tpu.memory_space<hbm>> -> memref<128x128xf32, #tpu.memory_space<hbm>>
      %dma_wait3A_63 = arith.constant 0 : i32
      %dma_wait3A_64 = arith.constant 0 : i32
      %dma_wait3A_65 = tpu.memref_slice %arg8[%dma_wait3A_63, %dma_wait3A_64] : memref<128x128xf32, #tpu.memory_space<vmem>> -> memref<128x128xf32, #tpu.memory_space<vmem>>
      tpu.wait_dma2 semaphore(%run_scoped3A : memref<!tpu.dma_semaphore, #tpu.memory_space<semaphore_mem>>) src(%dma_wait3A_65 : memref<128x128xf32, #tpu.memory_space<vmem>>) dst(%dma_wait3A_62 : memref<128x128xf32, #tpu.memory_space<hbm>>)
      tpu.yield
    }) : () -> ()
    %add3A_36 = arith.constant 384 : i32
    %add3A_37 = arith.addi %mul3A_0, %add3A_36 : i32
    "tpu.region"() ({
      %run_scoped3A = tpu.sem_alloc : memref<!tpu.dma_semaphore, #tpu.memory_space<semaphore_mem>>
      %dma_start3A = arith.constant 0 : i32
      %dma_start3A_44 = arith.constant 0 : i32
      %dma_start3A_45 = tpu.memref_slice %arg8[%dma_start3A, %dma_start3A_44] : memref<128x128xf32, #tpu.memory_space<vmem>> -> memref<128x128xf32, #tpu.memory_space<vmem>>
      %dma_start3A_46 = arith.constant 0 : i32
      %dma_start3A_47 = tpu.memref_slice %arg9[%add3A_37, %dma_start3A_46] : memref<10112x128xf32, #tpu.memory_space<vmem_shared>> -> memref<128x128xf32, #tpu.memory_space<vmem_shared>>
      %dma_start3A_48 = arith.constant 0 : i32
      %dma_start3A_49 = arith.constant 0 : i32
      %dma_start3A_50 = tpu.memref_slice %arg8[%dma_start3A_48, %dma_start3A_49] : memref<128x128xf32, #tpu.memory_space<vmem>> -> memref<128x128xf32, #tpu.memory_space<vmem>>
      %dma_start3A_51 = arith.constant 0 : i32
      %dma_start3A_52 = tpu.memref_slice %arg9[%add3A_37, %dma_start3A_51] : memref<10112x128xf32, #tpu.memory_space<vmem_shared>> -> memref<128x128xf32, #tpu.memory_space<vmem_shared>>
      tpu.enqueue_dma source(%dma_start3A_52 : memref<128x128xf32, #tpu.memory_space<vmem_shared>>) target(%dma_start3A_50 : memref<128x128xf32, #tpu.memory_space<vmem>>) target_semaphore(%run_scoped3A : memref<!tpu.dma_semaphore, #tpu.memory_space<semaphore_mem>>)
      %dma_wait3A = arith.constant 0 : i32
      %dma_wait3A_53 = arith.constant 0 : i32
      %dma_wait3A_54 = tpu.memref_slice %arg8[%dma_wait3A, %dma_wait3A_53] : memref<128x128xf32, #tpu.memory_space<vmem>> -> memref<128x128xf32, #tpu.memory_space<vmem>>
      %dma_wait3A_55 = arith.constant 0 : i32
      %dma_wait3A_56 = tpu.memref_slice %arg9[%add3A_37, %dma_wait3A_55] : memref<10112x128xf32, #tpu.memory_space<vmem_shared>> -> memref<128x128xf32, #tpu.memory_space<vmem_shared>>
      %dma_wait3A_57 = arith.constant 0 : i32
      %dma_wait3A_58 = arith.constant 0 : i32
      %dma_wait3A_59 = tpu.memref_slice %arg8[%dma_wait3A_57, %dma_wait3A_58] : memref<128x128xf32, #tpu.memory_space<vmem>> -> memref<128x128xf32, #tpu.memory_space<vmem>>
      %dma_wait3A_60 = arith.constant 0 : i32
      %dma_wait3A_61 = tpu.memref_slice %arg9[%add3A_37, %dma_wait3A_60] : memref<10112x128xf32, #tpu.memory_space<vmem_shared>> -> memref<128x128xf32, #tpu.memory_space<vmem_shared>>
      tpu.wait_dma2 semaphore(%run_scoped3A : memref<!tpu.dma_semaphore, #tpu.memory_space<semaphore_mem>>) src(%dma_wait3A_61 : memref<128x128xf32, #tpu.memory_space<vmem_shared>>) dst(%dma_wait3A_59 : memref<128x128xf32, #tpu.memory_space<vmem>>)
      tpu.yield
    }) : () -> ()
    %add3A_38 = arith.constant 384 : i32
    %add3A_39 = arith.addi %mul3A_0, %add3A_38 : i32
    "tpu.region"() ({
      %run_scoped3A = tpu.sem_alloc : memref<!tpu.dma_semaphore, #tpu.memory_space<semaphore_mem>>
      %dma_start3A = arith.constant 0 : i32
      %dma_start3A_44 = arith.constant 0 : i32
      %dma_start3A_45 = tpu.memref_slice %arg8[%dma_start3A, %dma_start3A_44] : memref<128x128xf32, #tpu.memory_space<vmem>> -> memref<128x128xf32, #tpu.memory_space<vmem>>
      %dma_start3A_46 = arith.constant 0 : i32
      %dma_start3A_47 = tpu.memref_slice %arg5[%arg0, %add3A_39, %dma_start3A_46] : memref<2x10240x128xf32, #tpu.memory_space<hbm>> -> memref<1x128x128xf32, #tpu.memory_space<hbm>>
      %dma_start3A_48 = tpu.memref_squeeze %dma_start3A_47 : memref<1x128x128xf32, #tpu.memory_space<hbm>> -> memref<128x128xf32, #tpu.memory_space<hbm>>
      %dma_start3A_49 = arith.constant 0 : i32
      %dma_start3A_50 = tpu.memref_slice %arg5[%arg0, %add3A_39, %dma_start3A_49] : memref<2x10240x128xf32, #tpu.memory_space<hbm>> -> memref<1x128x128xf32, #tpu.memory_space<hbm>>
      %dma_start3A_51 = tpu.memref_squeeze %dma_start3A_50 : memref<1x128x128xf32, #tpu.memory_space<hbm>> -> memref<128x128xf32, #tpu.memory_space<hbm>>
      %dma_start3A_52 = arith.constant 0 : i32
      %dma_start3A_53 = arith.constant 0 : i32
      %dma_start3A_54 = tpu.memref_slice %arg8[%dma_start3A_52, %dma_start3A_53] : memref<128x128xf32, #tpu.memory_space<vmem>> -> memref<128x128xf32, #tpu.memory_space<vmem>>
      tpu.enqueue_dma source(%dma_start3A_54 : memref<128x128xf32, #tpu.memory_space<vmem>>) target(%dma_start3A_51 : memref<128x128xf32, #tpu.memory_space<hbm>>) target_semaphore(%run_scoped3A : memref<!tpu.dma_semaphore, #tpu.memory_space<semaphore_mem>>)
      %dma_wait3A = arith.constant 0 : i32
      %dma_wait3A_55 = arith.constant 0 : i32
      %dma_wait3A_56 = tpu.memref_slice %arg8[%dma_wait3A, %dma_wait3A_55] : memref<128x128xf32, #tpu.memory_space<vmem>> -> memref<128x128xf32, #tpu.memory_space<vmem>>
      %dma_wait3A_57 = arith.constant 0 : i32
      %dma_wait3A_58 = tpu.memref_slice %arg5[%arg0, %add3A_39, %dma_wait3A_57] : memref<2x10240x128xf32, #tpu.memory_space<hbm>> -> memref<1x128x128xf32, #tpu.memory_space<hbm>>
      %dma_wait3A_59 = tpu.memref_squeeze %dma_wait3A_58 : memref<1x128x128xf32, #tpu.memory_space<hbm>> -> memref<128x128xf32, #tpu.memory_space<hbm>>
      %dma_wait3A_60 = arith.constant 0 : i32
      %dma_wait3A_61 = tpu.memref_slice %arg5[%arg0, %add3A_39, %dma_wait3A_60] : memref<2x10240x128xf32, #tpu.memory_space<hbm>> -> memref<1x128x128xf32, #tpu.memory_space<hbm>>
      %dma_wait3A_62 = tpu.memref_squeeze %dma_wait3A_61 : memref<1x128x128xf32, #tpu.memory_space<hbm>> -> memref<128x128xf32, #tpu.memory_space<hbm>>
      %dma_wait3A_63 = arith.constant 0 : i32
      %dma_wait3A_64 = arith.constant 0 : i32
      %dma_wait3A_65 = tpu.memref_slice %arg8[%dma_wait3A_63, %dma_wait3A_64] : memref<128x128xf32, #tpu.memory_space<vmem>> -> memref<128x128xf32, #tpu.memory_space<vmem>>
      tpu.wait_dma2 semaphore(%run_scoped3A : memref<!tpu.dma_semaphore, #tpu.memory_space<semaphore_mem>>) src(%dma_wait3A_65 : memref<128x128xf32, #tpu.memory_space<vmem>>) dst(%dma_wait3A_62 : memref<128x128xf32, #tpu.memory_space<hbm>>)
      tpu.yield
    }) : () -> ()
    %add3A_40 = arith.constant 512 : i32
    %add3A_41 = arith.addi %mul3A_0, %add3A_40 : i32
    "tpu.region"() ({
      %run_scoped3A = tpu.sem_alloc : memref<!tpu.dma_semaphore, #tpu.memory_space<semaphore_mem>>
      %dma_start3A = arith.constant 0 : i32
      %dma_start3A_44 = arith.constant 0 : i32
      %dma_start3A_45 = tpu.memref_slice %arg8[%dma_start3A, %dma_start3A_44] : memref<128x128xf32, #tpu.memory_space<vmem>> -> memref<120x128xf32, #tpu.memory_space<vmem>>
      %dma_start3A_46 = arith.constant 0 : i32
      %dma_start3A_47 = tpu.memref_slice %arg9[%add3A_41, %dma_start3A_46] : memref<10112x128xf32, #tpu.memory_space<vmem_shared>> -> memref<120x128xf32, #tpu.memory_space<vmem_shared>>
      %dma_start3A_48 = arith.constant 0 : i32
      %dma_start3A_49 = arith.constant 0 : i32
      %dma_start3A_50 = tpu.memref_slice %arg8[%dma_start3A_48, %dma_start3A_49] : memref<128x128xf32, #tpu.memory_space<vmem>> -> memref<120x128xf32, #tpu.memory_space<vmem>>
      %dma_start3A_51 = arith.constant 0 : i32
      %dma_start3A_52 = tpu.memref_slice %arg9[%add3A_41, %dma_start3A_51] : memref<10112x128xf32, #tpu.memory_space<vmem_shared>> -> memref<120x128xf32, #tpu.memory_space<vmem_shared>>
      tpu.enqueue_dma source(%dma_start3A_52 : memref<120x128xf32, #tpu.memory_space<vmem_shared>>) target(%dma_start3A_50 : memref<120x128xf32, #tpu.memory_space<vmem>>) target_semaphore(%run_scoped3A : memref<!tpu.dma_semaphore, #tpu.memory_space<semaphore_mem>>)
      %dma_wait3A = arith.constant 0 : i32
      %dma_wait3A_53 = arith.constant 0 : i32
      %dma_wait3A_54 = tpu.memref_slice %arg8[%dma_wait3A, %dma_wait3A_53] : memref<128x128xf32, #tpu.memory_space<vmem>> -> memref<120x128xf32, #tpu.memory_space<vmem>>
      %dma_wait3A_55 = arith.constant 0 : i32
      %dma_wait3A_56 = tpu.memref_slice %arg9[%add3A_41, %dma_wait3A_55] : memref<10112x128xf32, #tpu.memory_space<vmem_shared>> -> memref<120x128xf32, #tpu.memory_space<vmem_shared>>
      %dma_wait3A_57 = arith.constant 0 : i32
      %dma_wait3A_58 = arith.constant 0 : i32
      %dma_wait3A_59 = tpu.memref_slice %arg8[%dma_wait3A_57, %dma_wait3A_58] : memref<128x128xf32, #tpu.memory_space<vmem>> -> memref<120x128xf32, #tpu.memory_space<vmem>>
      %dma_wait3A_60 = arith.constant 0 : i32
      %dma_wait3A_61 = tpu.memref_slice %arg9[%add3A_41, %dma_wait3A_60] : memref<10112x128xf32, #tpu.memory_space<vmem_shared>> -> memref<120x128xf32, #tpu.memory_space<vmem_shared>>
      tpu.wait_dma2 semaphore(%run_scoped3A : memref<!tpu.dma_semaphore, #tpu.memory_space<semaphore_mem>>) src(%dma_wait3A_61 : memref<120x128xf32, #tpu.memory_space<vmem_shared>>) dst(%dma_wait3A_59 : memref<120x128xf32, #tpu.memory_space<vmem>>)
      tpu.yield
    }) : () -> ()
    %add3A_42 = arith.constant 512 : i32
    %add3A_43 = arith.addi %mul3A_0, %add3A_42 : i32
    "tpu.region"() ({
      %run_scoped3A = tpu.sem_alloc : memref<!tpu.dma_semaphore, #tpu.memory_space<semaphore_mem>>
      %dma_start3A = arith.constant 0 : i32
      %dma_start3A_44 = arith.constant 0 : i32
      %dma_start3A_45 = tpu.memref_slice %arg8[%dma_start3A, %dma_start3A_44] : memref<128x128xf32, #tpu.memory_space<vmem>> -> memref<120x128xf32, #tpu.memory_space<vmem>>
      %dma_start3A_46 = arith.constant 0 : i32
      %dma_start3A_47 = tpu.memref_slice %arg5[%arg0, %add3A_43, %dma_start3A_46] : memref<2x10240x128xf32, #tpu.memory_space<hbm>> -> memref<1x120x128xf32, #tpu.memory_space<hbm>>
      %dma_start3A_48 = tpu.memref_squeeze %dma_start3A_47 : memref<1x120x128xf32, #tpu.memory_space<hbm>> -> memref<120x128xf32, #tpu.memory_space<hbm>>
      %dma_start3A_49 = arith.constant 0 : i32
      %dma_start3A_50 = tpu.memref_slice %arg5[%arg0, %add3A_43, %dma_start3A_49] : memref<2x10240x128xf32, #tpu.memory_space<hbm>> -> memref<1x120x128xf32, #tpu.memory_space<hbm>>
      %dma_start3A_51 = tpu.memref_squeeze %dma_start3A_50 : memref<1x120x128xf32, #tpu.memory_space<hbm>> -> memref<120x128xf32, #tpu.memory_space<hbm>>
      %dma_start3A_52 = arith.constant 0 : i32
      %dma_start3A_53 = arith.constant 0 : i32
      %dma_start3A_54 = tpu.memref_slice %arg8[%dma_start3A_52, %dma_start3A_53] : memref<128x128xf32, #tpu.memory_space<vmem>> -> memref<120x128xf32, #tpu.memory_space<vmem>>
      tpu.enqueue_dma source(%dma_start3A_54 : memref<120x128xf32, #tpu.memory_space<vmem>>) target(%dma_start3A_51 : memref<120x128xf32, #tpu.memory_space<hbm>>) target_semaphore(%run_scoped3A : memref<!tpu.dma_semaphore, #tpu.memory_space<semaphore_mem>>)
      %dma_wait3A = arith.constant 0 : i32
      %dma_wait3A_55 = arith.constant 0 : i32
      %dma_wait3A_56 = tpu.memref_slice %arg8[%dma_wait3A, %dma_wait3A_55] : memref<128x128xf32, #tpu.memory_space<vmem>> -> memref<120x128xf32, #tpu.memory_space<vmem>>
      %dma_wait3A_57 = arith.constant 0 : i32
      %dma_wait3A_58 = tpu.memref_slice %arg5[%arg0, %add3A_43, %dma_wait3A_57] : memref<2x10240x128xf32, #tpu.memory_space<hbm>> -> memref<1x120x128xf32, #tpu.memory_space<hbm>>
      %dma_wait3A_59 = tpu.memref_squeeze %dma_wait3A_58 : memref<1x120x128xf32, #tpu.memory_space<hbm>> -> memref<120x128xf32, #tpu.memory_space<hbm>>
      %dma_wait3A_60 = arith.constant 0 : i32
      %dma_wait3A_61 = tpu.memref_slice %arg5[%arg0, %add3A_43, %dma_wait3A_60] : memref<2x10240x128xf32, #tpu.memory_space<hbm>> -> memref<1x120x128xf32, #tpu.memory_space<hbm>>
      %dma_wait3A_62 = tpu.memref_squeeze %dma_wait3A_61 : memref<1x120x128xf32, #tpu.memory_space<hbm>> -> memref<120x128xf32, #tpu.memory_space<hbm>>
      %dma_wait3A_63 = arith.constant 0 : i32
      %dma_wait3A_64 = arith.constant 0 : i32
      %dma_wait3A_65 = tpu.memref_slice %arg8[%dma_wait3A_63, %dma_wait3A_64] : memref<128x128xf32, #tpu.memory_space<vmem>> -> memref<120x128xf32, #tpu.memory_space<vmem>>
      tpu.wait_dma2 semaphore(%run_scoped3A : memref<!tpu.dma_semaphore, #tpu.memory_space<semaphore_mem>>) src(%dma_wait3A_65 : memref<120x128xf32, #tpu.memory_space<vmem>>) dst(%dma_wait3A_62 : memref<120x128xf32, #tpu.memory_space<hbm>>)
      tpu.yield
    }) : () -> ()
    return
  }
}

#map = affine_map<(d0, d1) -> (0, 0)>
#map1 = affine_map<(d0, d1) -> (0, 0, 0, 0)>
#map2 = affine_map<(d0, d1) -> (0, 0, 0)>
module attributes {stable_mosaic.version = 14 : i64} {
  func.func @_segsum(%arg0: i32, %arg1: i32, %arg2: memref<20480x128xf32, #tpu.memory_space<hbm>>, %arg3: memref<2x16x160x128xi32, #tpu.memory_space<hbm>>, %arg4: memref<16x160x128xi32, #tpu.memory_space<hbm>>, %arg5: memref<2x10240x128xf32, #tpu.memory_space<hbm>>, %arg6: memref<80x128xi32, #tpu.memory_space<vmem>>, %arg7: memref<80x128xi32, #tpu.memory_space<vmem>>, %arg8: memref<128x128xf32, #tpu.memory_space<vmem>>, %arg9: memref<10112x128xf32, #tpu.memory_space<vmem_shared>>, %arg10: memref<!tpu.dma_semaphore, #tpu.memory_space<semaphore_mem>>) attributes {dimension_semantics = [#tpu.dimension_semantics<core_parallel>, #tpu.dimension_semantics<subcore_parallel>], iteration_bounds = array<i64: 2, 16>, scalar_prefetch = 0 : i64, scratch_operands = 5 : i64, tpu.core_type = #tpu.core_type<sc_vector_subcore>, window_params = [{transform_indices = #map}, {transform_indices = #map1}, {transform_indices = #map2}, {transform_indices = #map2}]} {
    %mul3A = arith.constant 632 : i32
    %mul3A_0 = arith.muli %arg1, %mul3A : i32
    %scan3A = arith.constant 0 : i32
    %scan3A_1 = arith.constant 0 : i32
    %scan3A_2 = arith.constant 128 : i32
    %scan3A_3 = arith.addi %scan3A_1, %scan3A_2 : i32
    %scan3A_4 = arith.constant 1 : i32
    %scan3A_5 = scf.for %scan3A_51 = %scan3A_1 to %scan3A_3 step %scan3A_4 iter_args(%scan3A_52 = %scan3A) -> (i32)  : i32 {
      %broadcast_in_dim3A = arith.constant 0.000000e+00 : f32
      %broadcast_in_dim3A_53 = vector.broadcast %broadcast_in_dim3A : f32 to vector<16xf32>
      %swap3A = arith.index_cast %scan3A_51 : i32 to index
      %swap3A_54 = arith.constant 0 : index
      %swap3A_55 = tpu.vector_load %arg8[%swap3A, %swap3A_54] {strides = array<i32>} : memref<128x128xf32, #tpu.memory_space<vmem>>, vector<1x16xf32>,
      %swap3A_56 = vector.shape_cast %swap3A_55 : vector<1x16xf32> to vector<16xf32>
      %swap3A_57 = vector.shape_cast %broadcast_in_dim3A_53 : vector<16xf32> to vector<1x16xf32>
      tpu.vector_store %arg8[%swap3A, %swap3A_54], %swap3A_57 {strides = array<i32>} : memref<128x128xf32, #tpu.memory_space<vmem>>, vector<1x16xf32>,
      %broadcast_in_dim3A_58 = arith.constant 0.000000e+00 : f32
      %broadcast_in_dim3A_59 = vector.broadcast %broadcast_in_dim3A_58 : f32 to vector<16xf32>
      %swap3A_60 = arith.index_cast %scan3A_51 : i32 to index
      %swap3A_61 = arith.constant 16 : index
      %swap3A_62 = tpu.vector_load %arg8[%swap3A_60, %swap3A_61] {strides = array<i32>} : memref<128x128xf32, #tpu.memory_space<vmem>>, vector<1x16xf32>,
      %swap3A_63 = vector.shape_cast %swap3A_62 : vector<1x16xf32> to vector<16xf32>
      %swap3A_64 = vector.shape_cast %broadcast_in_dim3A_59 : vector<16xf32> to vector<1x16xf32>
      tpu.vector_store %arg8[%swap3A_60, %swap3A_61], %swap3A_64 {strides = array<i32>} : memref<128x128xf32, #tpu.memory_space<vmem>>, vector<1x16xf32>,
      %broadcast_in_dim3A_65 = arith.constant 0.000000e+00 : f32
      %broadcast_in_dim3A_66 = vector.broadcast %broadcast_in_dim3A_65 : f32 to vector<16xf32>
      %swap3A_67 = arith.index_cast %scan3A_51 : i32 to index
      %swap3A_68 = arith.constant 32 : index
      %swap3A_69 = tpu.vector_load %arg8[%swap3A_67, %swap3A_68] {strides = array<i32>} : memref<128x128xf32, #tpu.memory_space<vmem>>, vector<1x16xf32>,
      %swap3A_70 = vector.shape_cast %swap3A_69 : vector<1x16xf32> to vector<16xf32>
      %swap3A_71 = vector.shape_cast %broadcast_in_dim3A_66 : vector<16xf32> to vector<1x16xf32>
      tpu.vector_store %arg8[%swap3A_67, %swap3A_68], %swap3A_71 {strides = array<i32>} : memref<128x128xf32, #tpu.memory_space<vmem>>, vector<1x16xf32>,
      %broadcast_in_dim3A_72 = arith.constant 0.000000e+00 : f32
      %broadcast_in_dim3A_73 = vector.broadcast %broadcast_in_dim3A_72 : f32 to vector<16xf32>
      %swap3A_74 = arith.index_cast %scan3A_51 : i32 to index
      %swap3A_75 = arith.constant 48 : index
      %swap3A_76 = tpu.vector_load %arg8[%swap3A_74, %swap3A_75] {strides = array<i32>} : memref<128x128xf32, #tpu.memory_space<vmem>>, vector<1x16xf32>,
      %swap3A_77 = vector.shape_cast %swap3A_76 : vector<1x16xf32> to vector<16xf32>
      %swap3A_78 = vector.shape_cast %broadcast_in_dim3A_73 : vector<16xf32> to vector<1x16xf32>
      tpu.vector_store %arg8[%swap3A_74, %swap3A_75], %swap3A_78 {strides = array<i32>} : memref<128x128xf32, #tpu.memory_space<vmem>>, vector<1x16xf32>,
      %broadcast_in_dim3A_79 = arith.constant 0.000000e+00 : f32
      %broadcast_in_dim3A_80 = vector.broadcast %broadcast_in_dim3A_79 : f32 to vector<16xf32>
      %swap3A_81 = arith.index_cast %scan3A_51 : i32 to index
      %swap3A_82 = arith.constant 64 : index
      %swap3A_83 = tpu.vector_load %arg8[%swap3A_81, %swap3A_82] {strides = array<i32>} : memref<128x128xf32, #tpu.memory_space<vmem>>, vector<1x16xf32>,
      %swap3A_84 = vector.shape_cast %swap3A_83 : vector<1x16xf32> to vector<16xf32>
      %swap3A_85 = vector.shape_cast %broadcast_in_dim3A_80 : vector<16xf32> to vector<1x16xf32>
      tpu.vector_store %arg8[%swap3A_81, %swap3A_82], %swap3A_85 {strides = array<i32>} : memref<128x128xf32, #tpu.memory_space<vmem>>, vector<1x16xf32>,
      %broadcast_in_dim3A_86 = arith.constant 0.000000e+00 : f32
      %broadcast_in_dim3A_87 = vector.broadcast %broadcast_in_dim3A_86 : f32 to vector<16xf32>
      %swap3A_88 = arith.index_cast %scan3A_51 : i32 to index
      %swap3A_89 = arith.constant 80 : index
      %swap3A_90 = tpu.vector_load %arg8[%swap3A_88, %swap3A_89] {strides = array<i32>} : memref<128x128xf32, #tpu.memory_space<vmem>>, vector<1x16xf32>,
      %swap3A_91 = vector.shape_cast %swap3A_90 : vector<1x16xf32> to vector<16xf32>
      %swap3A_92 = vector.shape_cast %broadcast_in_dim3A_87 : vector<16xf32> to vector<1x16xf32>
      tpu.vector_store %arg8[%swap3A_88, %swap3A_89], %swap3A_92 {strides = array<i32>} : memref<128x128xf32, #tpu.memory_space<vmem>>, vector<1x16xf32>,
      %broadcast_in_dim3A_93 = arith.constant 0.000000e+00 : f32
      %broadcast_in_dim3A_94 = vector.broadcast %broadcast_in_dim3A_93 : f32 to vector<16xf32>
      %swap3A_95 = arith.index_cast %scan3A_51 : i32 to index
      %swap3A_96 = arith.constant 96 : index
      %swap3A_97 = tpu.vector_load %arg8[%swap3A_95, %swap3A_96] {strides = array<i32>} : memref<128x128xf32, #tpu.memory_space<vmem>>, vector<1x16xf32>,
      %swap3A_98 = vector.shape_cast %swap3A_97 : vector<1x16xf32> to vector<16xf32>
      %swap3A_99 = vector.shape_cast %broadcast_in_dim3A_94 : vector<16xf32> to vector<1x16xf32>
      tpu.vector_store %arg8[%swap3A_95, %swap3A_96], %swap3A_99 {strides = array<i32>} : memref<128x128xf32, #tpu.memory_space<vmem>>, vector<1x16xf32>,
      %broadcast_in_dim3A_100 = arith.constant 0.000000e+00 : f32
      %broadcast_in_dim3A_101 = vector.broadcast %broadcast_in_dim3A_100 : f32 to vector<16xf32>
      %swap3A_102 = arith.index_cast %scan3A_51 : i32 to index
      %swap3A_103 = arith.constant 112 : index
      %swap3A_104 = tpu.vector_load %arg8[%swap3A_102, %swap3A_103] {strides = array<i32>} : memref<128x128xf32, #tpu.memory_space<vmem>>, vector<1x16xf32>,
      %swap3A_105 = vector.shape_cast %swap3A_104 : vector<1x16xf32> to vector<16xf32>
      %swap3A_106 = vector.shape_cast %broadcast_in_dim3A_101 : vector<16xf32> to vector<1x16xf32>
      tpu.vector_store %arg8[%swap3A_102, %swap3A_103], %swap3A_106 {strides = array<i32>} : memref<128x128xf32, #tpu.memory_space<vmem>>, vector<1x16xf32>,
      %scan3A_107 = arith.constant 0 : i32
      scf.yield %scan3A_107 : i32
    }
    %scan3A_6 = arith.constant 128 : i32
    %add3A = arith.constant 0 : i32
    %add3A_7 = arith.addi %mul3A_0, %add3A : i32
    "tpu.region"() ({
      %run_scoped3A = tpu.sem_alloc : memref<!tpu.dma_semaphore, #tpu.memory_space<semaphore_mem>>
      %dma_start3A = arith.constant 0 : i32
      %dma_start3A_51 = arith.constant 0 : i32
      %dma_start3A_52 = tpu.memref_slice %arg8[%dma_start3A, %dma_start3A_51] : memref<128x128xf32, #tpu.memory_space<vmem>> -> memref<128x128xf32, #tpu.memory_space<vmem>>
      %dma_start3A_53 = arith.constant 0 : i32
      %dma_start3A_54 = tpu.memref_slice %arg9[%add3A_7, %dma_start3A_53] : memref<10112x128xf32, #tpu.memory_space<vmem_shared>> -> memref<128x128xf32, #tpu.memory_space<vmem_shared>>
      %dma_start3A_55 = arith.constant 0 : i32
      %dma_start3A_56 = tpu.memref_slice %arg9[%add3A_7, %dma_start3A_55] : memref<10112x128xf32, #tpu.memory_space<vmem_shared>> -> memref<128x128xf32, #tpu.memory_space<vmem_shared>>
      %dma_start3A_57 = arith.constant 0 : i32
      %dma_start3A_58 = arith.constant 0 : i32
      %dma_start3A_59 = tpu.memref_slice %arg8[%dma_start3A_57, %dma_start3A_58] : memref<128x128xf32, #tpu.memory_space<vmem>> -> memref<128x128xf32, #tpu.memory_space<vmem>>
      tpu.enqueue_dma source(%dma_start3A_59 : memref<128x128xf32, #tpu.memory_space<vmem>>) target(%dma_start3A_56 : memref<128x128xf32, #tpu.memory_space<vmem_shared>>) target_semaphore(%run_scoped3A : memref<!tpu.dma_semaphore, #tpu.memory_space<semaphore_mem>>)
      %dma_wait3A = arith.constant 0 : i32
      %dma_wait3A_60 = arith.constant 0 : i32
      %dma_wait3A_61 = tpu.memref_slice %arg8[%dma_wait3A, %dma_wait3A_60] : memref<128x128xf32, #tpu.memory_space<vmem>> -> memref<128x128xf32, #tpu.memory_space<vmem>>
      %dma_wait3A_62 = arith.constant 0 : i32
      %dma_wait3A_63 = tpu.memref_slice %arg9[%add3A_7, %dma_wait3A_62] : memref<10112x128xf32, #tpu.memory_space<vmem_shared>> -> memref<128x128xf32, #tpu.memory_space<vmem_shared>>
      %dma_wait3A_64 = arith.constant 0 : i32
      %dma_wait3A_65 = tpu.memref_slice %arg9[%add3A_7, %dma_wait3A_64] : memref<10112x128xf32, #tpu.memory_space<vmem_shared>> -> memref<128x128xf32, #tpu.memory_space<vmem_shared>>
      %dma_wait3A_66 = arith.constant 0 : i32
      %dma_wait3A_67 = arith.constant 0 : i32
      %dma_wait3A_68 = tpu.memref_slice %arg8[%dma_wait3A_66, %dma_wait3A_67] : memref<128x128xf32, #tpu.memory_space<vmem>> -> memref<128x128xf32, #tpu.memory_space<vmem>>
      tpu.wait_dma2 semaphore(%run_scoped3A : memref<!tpu.dma_semaphore, #tpu.memory_space<semaphore_mem>>) src(%dma_wait3A_68 : memref<128x128xf32, #tpu.memory_space<vmem>>) dst(%dma_wait3A_65 : memref<128x128xf32, #tpu.memory_space<vmem_shared>>)
      tpu.yield
    }) : () -> ()
    %add3A_8 = arith.constant 128 : i32
    %add3A_9 = arith.addi %mul3A_0, %add3A_8 : i32
    "tpu.region"() ({
      %run_scoped3A = tpu.sem_alloc : memref<!tpu.dma_semaphore, #tpu.memory_space<semaphore_mem>>
      %dma_start3A = arith.constant 0 : i32
      %dma_start3A_51 = arith.constant 0 : i32
      %dma_start3A_52 = tpu.memref_slice %arg8[%dma_start3A, %dma_start3A_51] : memref<128x128xf32, #tpu.memory_space<vmem>> -> memref<128x128xf32, #tpu.memory_space<vmem>>
      %dma_start3A_53 = arith.constant 0 : i32
      %dma_start3A_54 = tpu.memref_slice %arg9[%add3A_9, %dma_start3A_53] : memref<10112x128xf32, #tpu.memory_space<vmem_shared>> -> memref<128x128xf32, #tpu.memory_space<vmem_shared>>
      %dma_start3A_55 = arith.constant 0 : i32
      %dma_start3A_56 = tpu.memref_slice %arg9[%add3A_9, %dma_start3A_55] : memref<10112x128xf32, #tpu.memory_space<vmem_shared>> -> memref<128x128xf32, #tpu.memory_space<vmem_shared>>
      %dma_start3A_57 = arith.constant 0 : i32
      %dma_start3A_58 = arith.constant 0 : i32
      %dma_start3A_59 = tpu.memref_slice %arg8[%dma_start3A_57, %dma_start3A_58] : memref<128x128xf32, #tpu.memory_space<vmem>> -> memref<128x128xf32, #tpu.memory_space<vmem>>
      tpu.enqueue_dma source(%dma_start3A_59 : memref<128x128xf32, #tpu.memory_space<vmem>>) target(%dma_start3A_56 : memref<128x128xf32, #tpu.memory_space<vmem_shared>>) target_semaphore(%run_scoped3A : memref<!tpu.dma_semaphore, #tpu.memory_space<semaphore_mem>>)
      %dma_wait3A = arith.constant 0 : i32
      %dma_wait3A_60 = arith.constant 0 : i32
      %dma_wait3A_61 = tpu.memref_slice %arg8[%dma_wait3A, %dma_wait3A_60] : memref<128x128xf32, #tpu.memory_space<vmem>> -> memref<128x128xf32, #tpu.memory_space<vmem>>
      %dma_wait3A_62 = arith.constant 0 : i32
      %dma_wait3A_63 = tpu.memref_slice %arg9[%add3A_9, %dma_wait3A_62] : memref<10112x128xf32, #tpu.memory_space<vmem_shared>> -> memref<128x128xf32, #tpu.memory_space<vmem_shared>>
      %dma_wait3A_64 = arith.constant 0 : i32
      %dma_wait3A_65 = tpu.memref_slice %arg9[%add3A_9, %dma_wait3A_64] : memref<10112x128xf32, #tpu.memory_space<vmem_shared>> -> memref<128x128xf32, #tpu.memory_space<vmem_shared>>
      %dma_wait3A_66 = arith.constant 0 : i32
      %dma_wait3A_67 = arith.constant 0 : i32
      %dma_wait3A_68 = tpu.memref_slice %arg8[%dma_wait3A_66, %dma_wait3A_67] : memref<128x128xf32, #tpu.memory_space<vmem>> -> memref<128x128xf32, #tpu.memory_space<vmem>>
      tpu.wait_dma2 semaphore(%run_scoped3A : memref<!tpu.dma_semaphore, #tpu.memory_space<semaphore_mem>>) src(%dma_wait3A_68 : memref<128x128xf32, #tpu.memory_space<vmem>>) dst(%dma_wait3A_65 : memref<128x128xf32, #tpu.memory_space<vmem_shared>>)
      tpu.yield
    }) : () -> ()
    %add3A_10 = arith.constant 256 : i32
    %add3A_11 = arith.addi %mul3A_0, %add3A_10 : i32
    "tpu.region"() ({
      %run_scoped3A = tpu.sem_alloc : memref<!tpu.dma_semaphore, #tpu.memory_space<semaphore_mem>>
      %dma_start3A = arith.constant 0 : i32
      %dma_start3A_51 = arith.constant 0 : i32
      %dma_start3A_52 = tpu.memref_slice %arg8[%dma_start3A, %dma_start3A_51] : memref<128x128xf32, #tpu.memory_space<vmem>> -> memref<128x128xf32, #tpu.memory_space<vmem>>
      %dma_start3A_53 = arith.constant 0 : i32
      %dma_start3A_54 = tpu.memref_slice %arg9[%add3A_11, %dma_start3A_53] : memref<10112x128xf32, #tpu.memory_space<vmem_shared>> -> memref<128x128xf32, #tpu.memory_space<vmem_shared>>
      %dma_start3A_55 = arith.constant 0 : i32
      %dma_start3A_56 = tpu.memref_slice %arg9[%add3A_11, %dma_start3A_55] : memref<10112x128xf32, #tpu.memory_space<vmem_shared>> -> memref<128x128xf32, #tpu.memory_space<vmem_shared>>
      %dma_start3A_57 = arith.constant 0 : i32
      %dma_start3A_58 = arith.constant 0 : i32
      %dma_start3A_59 = tpu.memref_slice %arg8[%dma_start3A_57, %dma_start3A_58] : memref<128x128xf32, #tpu.memory_space<vmem>> -> memref<128x128xf32, #tpu.memory_space<vmem>>
      tpu.enqueue_dma source(%dma_start3A_59 : memref<128x128xf32, #tpu.memory_space<vmem>>) target(%dma_start3A_56 : memref<128x128xf32, #tpu.memory_space<vmem_shared>>) target_semaphore(%run_scoped3A : memref<!tpu.dma_semaphore, #tpu.memory_space<semaphore_mem>>)
      %dma_wait3A = arith.constant 0 : i32
      %dma_wait3A_60 = arith.constant 0 : i32
      %dma_wait3A_61 = tpu.memref_slice %arg8[%dma_wait3A, %dma_wait3A_60] : memref<128x128xf32, #tpu.memory_space<vmem>> -> memref<128x128xf32, #tpu.memory_space<vmem>>
      %dma_wait3A_62 = arith.constant 0 : i32
      %dma_wait3A_63 = tpu.memref_slice %arg9[%add3A_11, %dma_wait3A_62] : memref<10112x128xf32, #tpu.memory_space<vmem_shared>> -> memref<128x128xf32, #tpu.memory_space<vmem_shared>>
      %dma_wait3A_64 = arith.constant 0 : i32
      %dma_wait3A_65 = tpu.memref_slice %arg9[%add3A_11, %dma_wait3A_64] : memref<10112x128xf32, #tpu.memory_space<vmem_shared>> -> memref<128x128xf32, #tpu.memory_space<vmem_shared>>
      %dma_wait3A_66 = arith.constant 0 : i32
      %dma_wait3A_67 = arith.constant 0 : i32
      %dma_wait3A_68 = tpu.memref_slice %arg8[%dma_wait3A_66, %dma_wait3A_67] : memref<128x128xf32, #tpu.memory_space<vmem>> -> memref<128x128xf32, #tpu.memory_space<vmem>>
      tpu.wait_dma2 semaphore(%run_scoped3A : memref<!tpu.dma_semaphore, #tpu.memory_space<semaphore_mem>>) src(%dma_wait3A_68 : memref<128x128xf32, #tpu.memory_space<vmem>>) dst(%dma_wait3A_65 : memref<128x128xf32, #tpu.memory_space<vmem_shared>>)
      tpu.yield
    }) : () -> ()
    %add3A_12 = arith.constant 384 : i32
    %add3A_13 = arith.addi %mul3A_0, %add3A_12 : i32
    "tpu.region"() ({
      %run_scoped3A = tpu.sem_alloc : memref<!tpu.dma_semaphore, #tpu.memory_space<semaphore_mem>>
      %dma_start3A = arith.constant 0 : i32
      %dma_start3A_51 = arith.constant 0 : i32
      %dma_start3A_52 = tpu.memref_slice %arg8[%dma_start3A, %dma_start3A_51] : memref<128x128xf32, #tpu.memory_space<vmem>> -> memref<128x128xf32, #tpu.memory_space<vmem>>
      %dma_start3A_53 = arith.constant 0 : i32
      %dma_start3A_54 = tpu.memref_slice %arg9[%add3A_13, %dma_start3A_53] : memref<10112x128xf32, #tpu.memory_space<vmem_shared>> -> memref<128x128xf32, #tpu.memory_space<vmem_shared>>
      %dma_start3A_55 = arith.constant 0 : i32
      %dma_start3A_56 = tpu.memref_slice %arg9[%add3A_13, %dma_start3A_55] : memref<10112x128xf32, #tpu.memory_space<vmem_shared>> -> memref<128x128xf32, #tpu.memory_space<vmem_shared>>
      %dma_start3A_57 = arith.constant 0 : i32
      %dma_start3A_58 = arith.constant 0 : i32
      %dma_start3A_59 = tpu.memref_slice %arg8[%dma_start3A_57, %dma_start3A_58] : memref<128x128xf32, #tpu.memory_space<vmem>> -> memref<128x128xf32, #tpu.memory_space<vmem>>
      tpu.enqueue_dma source(%dma_start3A_59 : memref<128x128xf32, #tpu.memory_space<vmem>>) target(%dma_start3A_56 : memref<128x128xf32, #tpu.memory_space<vmem_shared>>) target_semaphore(%run_scoped3A : memref<!tpu.dma_semaphore, #tpu.memory_space<semaphore_mem>>)
      %dma_wait3A = arith.constant 0 : i32
      %dma_wait3A_60 = arith.constant 0 : i32
      %dma_wait3A_61 = tpu.memref_slice %arg8[%dma_wait3A, %dma_wait3A_60] : memref<128x128xf32, #tpu.memory_space<vmem>> -> memref<128x128xf32, #tpu.memory_space<vmem>>
      %dma_wait3A_62 = arith.constant 0 : i32
      %dma_wait3A_63 = tpu.memref_slice %arg9[%add3A_13, %dma_wait3A_62] : memref<10112x128xf32, #tpu.memory_space<vmem_shared>> -> memref<128x128xf32, #tpu.memory_space<vmem_shared>>
      %dma_wait3A_64 = arith.constant 0 : i32
      %dma_wait3A_65 = tpu.memref_slice %arg9[%add3A_13, %dma_wait3A_64] : memref<10112x128xf32, #tpu.memory_space<vmem_shared>> -> memref<128x128xf32, #tpu.memory_space<vmem_shared>>
      %dma_wait3A_66 = arith.constant 0 : i32
      %dma_wait3A_67 = arith.constant 0 : i32
      %dma_wait3A_68 = tpu.memref_slice %arg8[%dma_wait3A_66, %dma_wait3A_67] : memref<128x128xf32, #tpu.memory_space<vmem>> -> memref<128x128xf32, #tpu.memory_space<vmem>>
      tpu.wait_dma2 semaphore(%run_scoped3A : memref<!tpu.dma_semaphore, #tpu.memory_space<semaphore_mem>>) src(%dma_wait3A_68 : memref<128x128xf32, #tpu.memory_space<vmem>>) dst(%dma_wait3A_65 : memref<128x128xf32, #tpu.memory_space<vmem_shared>>)
      tpu.yield
    }) : () -> ()
    %add3A_14 = arith.constant 512 : i32
    %add3A_15 = arith.addi %mul3A_0, %add3A_14 : i32
    "tpu.region"() ({
      %run_scoped3A = tpu.sem_alloc : memref<!tpu.dma_semaphore, #tpu.memory_space<semaphore_mem>>
      %dma_start3A = arith.constant 0 : i32
      %dma_start3A_51 = arith.constant 0 : i32
      %dma_start3A_52 = tpu.memref_slice %arg8[%dma_start3A, %dma_start3A_51] : memref<128x128xf32, #tpu.memory_space<vmem>> -> memref<120x128xf32, #tpu.memory_space<vmem>>
      %dma_start3A_53 = arith.constant 0 : i32
      %dma_start3A_54 = tpu.memref_slice %arg9[%add3A_15, %dma_start3A_53] : memref<10112x128xf32, #tpu.memory_space<vmem_shared>> -> memref<120x128xf32, #tpu.memory_space<vmem_shared>>
      %dma_start3A_55 = arith.constant 0 : i32
      %dma_start3A_56 = tpu.memref_slice %arg9[%add3A_15, %dma_start3A_55] : memref<10112x128xf32, #tpu.memory_space<vmem_shared>> -> memref<120x128xf32, #tpu.memory_space<vmem_shared>>
      %dma_start3A_57 = arith.constant 0 : i32
      %dma_start3A_58 = arith.constant 0 : i32
      %dma_start3A_59 = tpu.memref_slice %arg8[%dma_start3A_57, %dma_start3A_58] : memref<128x128xf32, #tpu.memory_space<vmem>> -> memref<120x128xf32, #tpu.memory_space<vmem>>
      tpu.enqueue_dma source(%dma_start3A_59 : memref<120x128xf32, #tpu.memory_space<vmem>>) target(%dma_start3A_56 : memref<120x128xf32, #tpu.memory_space<vmem_shared>>) target_semaphore(%run_scoped3A : memref<!tpu.dma_semaphore, #tpu.memory_space<semaphore_mem>>)
      %dma_wait3A = arith.constant 0 : i32
      %dma_wait3A_60 = arith.constant 0 : i32
      %dma_wait3A_61 = tpu.memref_slice %arg8[%dma_wait3A, %dma_wait3A_60] : memref<128x128xf32, #tpu.memory_space<vmem>> -> memref<120x128xf32, #tpu.memory_space<vmem>>
      %dma_wait3A_62 = arith.constant 0 : i32
      %dma_wait3A_63 = tpu.memref_slice %arg9[%add3A_15, %dma_wait3A_62] : memref<10112x128xf32, #tpu.memory_space<vmem_shared>> -> memref<120x128xf32, #tpu.memory_space<vmem_shared>>
      %dma_wait3A_64 = arith.constant 0 : i32
      %dma_wait3A_65 = tpu.memref_slice %arg9[%add3A_15, %dma_wait3A_64] : memref<10112x128xf32, #tpu.memory_space<vmem_shared>> -> memref<120x128xf32, #tpu.memory_space<vmem_shared>>
      %dma_wait3A_66 = arith.constant 0 : i32
      %dma_wait3A_67 = arith.constant 0 : i32
      %dma_wait3A_68 = tpu.memref_slice %arg8[%dma_wait3A_66, %dma_wait3A_67] : memref<128x128xf32, #tpu.memory_space<vmem>> -> memref<120x128xf32, #tpu.memory_space<vmem>>
      tpu.wait_dma2 semaphore(%run_scoped3A : memref<!tpu.dma_semaphore, #tpu.memory_space<semaphore_mem>>) src(%dma_wait3A_68 : memref<120x128xf32, #tpu.memory_space<vmem>>) dst(%dma_wait3A_65 : memref<120x128xf32, #tpu.memory_space<vmem_shared>>)
      tpu.yield
    }) : () -> ()
    %barrier3A = arith.constant 0 : index
    tpu.barrier barrier_id(%barrier3A)
    "tpu.region"() ({
      %run_scoped3A = tpu.sem_alloc : memref<!tpu.dma_semaphore, #tpu.memory_space<semaphore_mem>>
      %dma_start3A = arith.constant 0 : i32
      %dma_start3A_51 = arith.constant 0 : i32
      %dma_start3A_52 = tpu.memref_slice %arg3[%arg0, %arg1, %dma_start3A, %dma_start3A_51] : memref<2x16x160x128xi32, #tpu.memory_space<hbm>> -> memref<1x1x80x128xi32, #tpu.memory_space<hbm>>
      %dma_start3A_53 = tpu.memref_squeeze %dma_start3A_52 : memref<1x1x80x128xi32, #tpu.memory_space<hbm>> -> memref<80x128xi32, #tpu.memory_space<hbm>>
      %dma_start3A_54 = arith.constant 0 : i32
      %dma_start3A_55 = arith.constant 0 : i32
      %dma_start3A_56 = tpu.memref_slice %arg3[%arg0, %arg1, %dma_start3A_54, %dma_start3A_55] : memref<2x16x160x128xi32, #tpu.memory_space<hbm>> -> memref<1x1x80x128xi32, #tpu.memory_space<hbm>>
      %dma_start3A_57 = tpu.memref_squeeze %dma_start3A_56 : memref<1x1x80x128xi32, #tpu.memory_space<hbm>> -> memref<80x128xi32, #tpu.memory_space<hbm>>
      tpu.enqueue_dma source(%dma_start3A_57 : memref<80x128xi32, #tpu.memory_space<hbm>>) target(%arg6 : memref<80x128xi32, #tpu.memory_space<vmem>>) target_semaphore(%run_scoped3A : memref<!tpu.dma_semaphore, #tpu.memory_space<semaphore_mem>>)
      %dma_wait3A = arith.constant 0 : i32
      %dma_wait3A_58 = arith.constant 0 : i32
      %dma_wait3A_59 = tpu.memref_slice %arg3[%arg0, %arg1, %dma_wait3A, %dma_wait3A_58] : memref<2x16x160x128xi32, #tpu.memory_space<hbm>> -> memref<1x1x80x128xi32, #tpu.memory_space<hbm>>
      %dma_wait3A_60 = tpu.memref_squeeze %dma_wait3A_59 : memref<1x1x80x128xi32, #tpu.memory_space<hbm>> -> memref<80x128xi32, #tpu.memory_space<hbm>>
      %dma_wait3A_61 = arith.constant 0 : i32
      %dma_wait3A_62 = arith.constant 0 : i32
      %dma_wait3A_63 = tpu.memref_slice %arg3[%arg0, %arg1, %dma_wait3A_61, %dma_wait3A_62] : memref<2x16x160x128xi32, #tpu.memory_space<hbm>> -> memref<1x1x80x128xi32, #tpu.memory_space<hbm>>
      %dma_wait3A_64 = tpu.memref_squeeze %dma_wait3A_63 : memref<1x1x80x128xi32, #tpu.memory_space<hbm>> -> memref<80x128xi32, #tpu.memory_space<hbm>>
      tpu.wait_dma2 semaphore(%run_scoped3A : memref<!tpu.dma_semaphore, #tpu.memory_space<semaphore_mem>>) src(%dma_wait3A_64 : memref<80x128xi32, #tpu.memory_space<hbm>>) dst(%arg6 : memref<80x128xi32, #tpu.memory_space<vmem>>)
      tpu.yield
    }) : () -> ()
    "tpu.region"() ({
      %run_scoped3A = tpu.sem_alloc : memref<!tpu.dma_semaphore, #tpu.memory_space<semaphore_mem>>
      %dma_start3A = arith.constant 0 : i32
      %dma_start3A_51 = arith.constant 0 : i32
      %dma_start3A_52 = tpu.memref_slice %arg4[%arg1, %dma_start3A, %dma_start3A_51] : memref<16x160x128xi32, #tpu.memory_space<hbm>> -> memref<1x80x128xi32, #tpu.memory_space<hbm>>
      %dma_start3A_53 = tpu.memref_squeeze %dma_start3A_52 : memref<1x80x128xi32, #tpu.memory_space<hbm>> -> memref<80x128xi32, #tpu.memory_space<hbm>>
      %dma_start3A_54 = arith.constant 0 : i32
      %dma_start3A_55 = arith.constant 0 : i32
      %dma_start3A_56 = tpu.memref_slice %arg4[%arg1, %dma_start3A_54, %dma_start3A_55] : memref<16x160x128xi32, #tpu.memory_space<hbm>> -> memref<1x80x128xi32, #tpu.memory_space<hbm>>
      %dma_start3A_57 = tpu.memref_squeeze %dma_start3A_56 : memref<1x80x128xi32, #tpu.memory_space<hbm>> -> memref<80x128xi32, #tpu.memory_space<hbm>>
      tpu.enqueue_dma source(%dma_start3A_57 : memref<80x128xi32, #tpu.memory_space<hbm>>) target(%arg7 : memref<80x128xi32, #tpu.memory_space<vmem>>) target_semaphore(%run_scoped3A : memref<!tpu.dma_semaphore, #tpu.memory_space<semaphore_mem>>)
      %dma_wait3A = arith.constant 0 : i32
      %dma_wait3A_58 = arith.constant 0 : i32
      %dma_wait3A_59 = tpu.memref_slice %arg4[%arg1, %dma_wait3A, %dma_wait3A_58] : memref<16x160x128xi32, #tpu.memory_space<hbm>> -> memref<1x80x128xi32, #tpu.memory_space<hbm>>
      %dma_wait3A_60 = tpu.memref_squeeze %dma_wait3A_59 : memref<1x80x128xi32, #tpu.memory_space<hbm>> -> memref<80x128xi32, #tpu.memory_space<hbm>>
      %dma_wait3A_61 = arith.constant 0 : i32
      %dma_wait3A_62 = arith.constant 0 : i32
      %dma_wait3A_63 = tpu.memref_slice %arg4[%arg1, %dma_wait3A_61, %dma_wait3A_62] : memref<16x160x128xi32, #tpu.memory_space<hbm>> -> memref<1x80x128xi32, #tpu.memory_space<hbm>>
      %dma_wait3A_64 = tpu.memref_squeeze %dma_wait3A_63 : memref<1x80x128xi32, #tpu.memory_space<hbm>> -> memref<80x128xi32, #tpu.memory_space<hbm>>
      tpu.wait_dma2 semaphore(%run_scoped3A : memref<!tpu.dma_semaphore, #tpu.memory_space<semaphore_mem>>) src(%dma_wait3A_64 : memref<80x128xi32, #tpu.memory_space<hbm>>) dst(%arg7 : memref<80x128xi32, #tpu.memory_space<vmem>>)
      tpu.yield
    }) : () -> ()
    %scan3A_16 = arith.constant 0 : i32
    %scan3A_17 = arith.constant 0 : i32
    %scan3A_18 = arith.constant 80 : i32
    %scan3A_19 = arith.addi %scan3A_17, %scan3A_18 : i32
    %scan3A_20 = arith.constant 1 : i32
    %scan3A_21 = scf.for %scan3A_51 = %scan3A_17 to %scan3A_19 step %scan3A_20 iter_args(%scan3A_52 = %scan3A_16) -> (i32)  : i32 {
      %dma_start3A = arith.constant 0 : i32
      %dma_start3A_53 = tpu.memref_slice %arg6[%scan3A_51, %dma_start3A] : memref<80x128xi32, #tpu.memory_space<vmem>> -> memref<1x128xi32, #tpu.memory_space<vmem>>
      %dma_start3A_54 = tpu.memref_squeeze %dma_start3A_53 : memref<1x128xi32, #tpu.memory_space<vmem>> -> memref<128xi32, #tpu.memory_space<vmem>>
      %dma_start3A_55 = arith.constant 0 : i32
      %dma_start3A_56 = arith.constant 0 : i32
      %dma_start3A_57 = tpu.memref_slice %arg2[%dma_start3A_55, %dma_start3A_56] : memref<20480x128xf32, #tpu.memory_space<hbm>> -> memref<20480x128xf32, #tpu.memory_space<hbm>>
      tpu.enqueue_indirect_dma source(%dma_start3A_57 : memref<20480x128xf32, #tpu.memory_space<hbm>>) target(%arg8 : memref<128x128xf32, #tpu.memory_space<vmem>>) offsets(%dma_start3A_54 : memref<128xi32, #tpu.memory_space<vmem>>) semaphore(%arg10 : memref<!tpu.dma_semaphore, #tpu.memory_space<semaphore_mem>>)
      %dma_wait3A = arith.constant 0 : i32
      %dma_wait3A_58 = tpu.memref_slice %arg6[%scan3A_51, %dma_wait3A] : memref<80x128xi32, #tpu.memory_space<vmem>> -> memref<1x128xi32, #tpu.memory_space<vmem>>
      %dma_wait3A_59 = tpu.memref_squeeze %dma_wait3A_58 : memref<1x128xi32, #tpu.memory_space<vmem>> -> memref<128xi32, #tpu.memory_space<vmem>>
      %dma_wait3A_60 = arith.constant 0 : i32
      %dma_wait3A_61 = arith.constant 0 : i32
      %dma_wait3A_62 = tpu.memref_slice %arg2[%dma_wait3A_60, %dma_wait3A_61] : memref<20480x128xf32, #tpu.memory_space<hbm>> -> memref<20480x128xf32, #tpu.memory_space<hbm>>
      tpu.wait_indirect_dma semaphore(%arg10 : memref<!tpu.dma_semaphore, #tpu.memory_space<semaphore_mem>>) src(%dma_wait3A_62 : memref<20480x128xf32, #tpu.memory_space<hbm>>) dst(%arg8 : memref<128x128xf32, #tpu.memory_space<vmem>>)
      "tpu.region"() ({
        %run_scoped3A = tpu.sem_alloc : memref<!tpu.dma_semaphore, #tpu.memory_space<semaphore_mem>>
        %dma_start3A_64 = arith.constant 0 : i32
        %dma_start3A_65 = tpu.memref_slice %arg7[%scan3A_51, %dma_start3A_64] : memref<80x128xi32, #tpu.memory_space<vmem>> -> memref<1x128xi32, #tpu.memory_space<vmem>>
        %dma_start3A_66 = tpu.memref_squeeze %dma_start3A_65 : memref<1x128xi32, #tpu.memory_space<vmem>> -> memref<128xi32, #tpu.memory_space<vmem>>
        %dma_start3A_67 = arith.constant 0 : i32
        %dma_start3A_68 = arith.constant 0 : i32
        %dma_start3A_69 = tpu.memref_slice %arg9[%dma_start3A_67, %dma_start3A_68] : memref<10112x128xf32, #tpu.memory_space<vmem_shared>> -> memref<10112x128xf32, #tpu.memory_space<vmem_shared>>
        tpu.enqueue_indirect_dma source(%arg8 : memref<128x128xf32, #tpu.memory_space<vmem>>) target(%dma_start3A_69 : memref<10112x128xf32, #tpu.memory_space<vmem_shared>>) offsets(%dma_start3A_66 : memref<128xi32, #tpu.memory_space<vmem>>) semaphore(%run_scoped3A : memref<!tpu.dma_semaphore, #tpu.memory_space<semaphore_mem>>) {add = true}
        %dma_wait3A_70 = arith.constant 0 : i32
        %dma_wait3A_71 = tpu.memref_slice %arg7[%scan3A_51, %dma_wait3A_70] : memref<80x128xi32, #tpu.memory_space<vmem>> -> memref<1x128xi32, #tpu.memory_space<vmem>>
        %dma_wait3A_72 = tpu.memref_squeeze %dma_wait3A_71 : memref<1x128xi32, #tpu.memory_space<vmem>> -> memref<128xi32, #tpu.memory_space<vmem>>
        %dma_wait3A_73 = arith.constant 0 : i32
        %dma_wait3A_74 = arith.constant 0 : i32
        %dma_wait3A_75 = tpu.memref_slice %arg9[%dma_wait3A_73, %dma_wait3A_74] : memref<10112x128xf32, #tpu.memory_space<vmem_shared>> -> memref<10112x128xf32, #tpu.memory_space<vmem_shared>>
        tpu.wait_indirect_dma semaphore(%run_scoped3A : memref<!tpu.dma_semaphore, #tpu.memory_space<semaphore_mem>>) src(%arg8 : memref<128x128xf32, #tpu.memory_space<vmem>>) dst(%dma_wait3A_75 : memref<10112x128xf32, #tpu.memory_space<vmem_shared>>)
        tpu.yield
      }) : () -> ()
      %scan3A_63 = arith.constant 0 : i32
      scf.yield %scan3A_63 : i32
    }
    %scan3A_22 = arith.constant 80 : i32
    "tpu.region"() ({
      %run_scoped3A = tpu.sem_alloc : memref<!tpu.dma_semaphore, #tpu.memory_space<semaphore_mem>>
      %dma_start3A = arith.constant 80 : i32
      %dma_start3A_51 = arith.constant 0 : i32
      %dma_start3A_52 = tpu.memref_slice %arg3[%arg0, %arg1, %dma_start3A, %dma_start3A_51] : memref<2x16x160x128xi32, #tpu.memory_space<hbm>> -> memref<1x1x80x128xi32, #tpu.memory_space<hbm>>
      %dma_start3A_53 = tpu.memref_squeeze %dma_start3A_52 : memref<1x1x80x128xi32, #tpu.memory_space<hbm>> -> memref<80x128xi32, #tpu.memory_space<hbm>>
      %dma_start3A_54 = arith.constant 80 : i32
      %dma_start3A_55 = arith.constant 0 : i32
      %dma_start3A_56 = tpu.memref_slice %arg3[%arg0, %arg1, %dma_start3A_54, %dma_start3A_55] : memref<2x16x160x128xi32, #tpu.memory_space<hbm>> -> memref<1x1x80x128xi32, #tpu.memory_space<hbm>>
      %dma_start3A_57 = tpu.memref_squeeze %dma_start3A_56 : memref<1x1x80x128xi32, #tpu.memory_space<hbm>> -> memref<80x128xi32, #tpu.memory_space<hbm>>
      tpu.enqueue_dma source(%dma_start3A_57 : memref<80x128xi32, #tpu.memory_space<hbm>>) target(%arg6 : memref<80x128xi32, #tpu.memory_space<vmem>>) target_semaphore(%run_scoped3A : memref<!tpu.dma_semaphore, #tpu.memory_space<semaphore_mem>>)
      %dma_wait3A = arith.constant 80 : i32
      %dma_wait3A_58 = arith.constant 0 : i32
      %dma_wait3A_59 = tpu.memref_slice %arg3[%arg0, %arg1, %dma_wait3A, %dma_wait3A_58] : memref<2x16x160x128xi32, #tpu.memory_space<hbm>> -> memref<1x1x80x128xi32, #tpu.memory_space<hbm>>
      %dma_wait3A_60 = tpu.memref_squeeze %dma_wait3A_59 : memref<1x1x80x128xi32, #tpu.memory_space<hbm>> -> memref<80x128xi32, #tpu.memory_space<hbm>>
      %dma_wait3A_61 = arith.constant 80 : i32
      %dma_wait3A_62 = arith.constant 0 : i32
      %dma_wait3A_63 = tpu.memref_slice %arg3[%arg0, %arg1, %dma_wait3A_61, %dma_wait3A_62] : memref<2x16x160x128xi32, #tpu.memory_space<hbm>> -> memref<1x1x80x128xi32, #tpu.memory_space<hbm>>
      %dma_wait3A_64 = tpu.memref_squeeze %dma_wait3A_63 : memref<1x1x80x128xi32, #tpu.memory_space<hbm>> -> memref<80x128xi32, #tpu.memory_space<hbm>>
      tpu.wait_dma2 semaphore(%run_scoped3A : memref<!tpu.dma_semaphore, #tpu.memory_space<semaphore_mem>>) src(%dma_wait3A_64 : memref<80x128xi32, #tpu.memory_space<hbm>>) dst(%arg6 : memref<80x128xi32, #tpu.memory_space<vmem>>)
      tpu.yield
    }) : () -> ()
    "tpu.region"() ({
      %run_scoped3A = tpu.sem_alloc : memref<!tpu.dma_semaphore, #tpu.memory_space<semaphore_mem>>
      %dma_start3A = arith.constant 80 : i32
      %dma_start3A_51 = arith.constant 0 : i32
      %dma_start3A_52 = tpu.memref_slice %arg4[%arg1, %dma_start3A, %dma_start3A_51] : memref<16x160x128xi32, #tpu.memory_space<hbm>> -> memref<1x80x128xi32, #tpu.memory_space<hbm>>
      %dma_start3A_53 = tpu.memref_squeeze %dma_start3A_52 : memref<1x80x128xi32, #tpu.memory_space<hbm>> -> memref<80x128xi32, #tpu.memory_space<hbm>>
      %dma_start3A_54 = arith.constant 80 : i32
      %dma_start3A_55 = arith.constant 0 : i32
      %dma_start3A_56 = tpu.memref_slice %arg4[%arg1, %dma_start3A_54, %dma_start3A_55] : memref<16x160x128xi32, #tpu.memory_space<hbm>> -> memref<1x80x128xi32, #tpu.memory_space<hbm>>
      %dma_start3A_57 = tpu.memref_squeeze %dma_start3A_56 : memref<1x80x128xi32, #tpu.memory_space<hbm>> -> memref<80x128xi32, #tpu.memory_space<hbm>>
      tpu.enqueue_dma source(%dma_start3A_57 : memref<80x128xi32, #tpu.memory_space<hbm>>) target(%arg7 : memref<80x128xi32, #tpu.memory_space<vmem>>) target_semaphore(%run_scoped3A : memref<!tpu.dma_semaphore, #tpu.memory_space<semaphore_mem>>)
      %dma_wait3A = arith.constant 80 : i32
      %dma_wait3A_58 = arith.constant 0 : i32
      %dma_wait3A_59 = tpu.memref_slice %arg4[%arg1, %dma_wait3A, %dma_wait3A_58] : memref<16x160x128xi32, #tpu.memory_space<hbm>> -> memref<1x80x128xi32, #tpu.memory_space<hbm>>
      %dma_wait3A_60 = tpu.memref_squeeze %dma_wait3A_59 : memref<1x80x128xi32, #tpu.memory_space<hbm>> -> memref<80x128xi32, #tpu.memory_space<hbm>>
      %dma_wait3A_61 = arith.constant 80 : i32
      %dma_wait3A_62 = arith.constant 0 : i32
      %dma_wait3A_63 = tpu.memref_slice %arg4[%arg1, %dma_wait3A_61, %dma_wait3A_62] : memref<16x160x128xi32, #tpu.memory_space<hbm>> -> memref<1x80x128xi32, #tpu.memory_space<hbm>>
      %dma_wait3A_64 = tpu.memref_squeeze %dma_wait3A_63 : memref<1x80x128xi32, #tpu.memory_space<hbm>> -> memref<80x128xi32, #tpu.memory_space<hbm>>
      tpu.wait_dma2 semaphore(%run_scoped3A : memref<!tpu.dma_semaphore, #tpu.memory_space<semaphore_mem>>) src(%dma_wait3A_64 : memref<80x128xi32, #tpu.memory_space<hbm>>) dst(%arg7 : memref<80x128xi32, #tpu.memory_space<vmem>>)
      tpu.yield
    }) : () -> ()
    %scan3A_23 = arith.constant 0 : i32
    %scan3A_24 = arith.constant 0 : i32
    %scan3A_25 = arith.constant 80 : i32
    %scan3A_26 = arith.addi %scan3A_24, %scan3A_25 : i32
    %scan3A_27 = arith.constant 1 : i32
    %scan3A_28 = scf.for %scan3A_51 = %scan3A_24 to %scan3A_26 step %scan3A_27 iter_args(%scan3A_52 = %scan3A_23) -> (i32)  : i32 {
      %dma_start3A = arith.constant 0 : i32
      %dma_start3A_53 = tpu.memref_slice %arg6[%scan3A_51, %dma_start3A] : memref<80x128xi32, #tpu.memory_space<vmem>> -> memref<1x128xi32, #tpu.memory_space<vmem>>
      %dma_start3A_54 = tpu.memref_squeeze %dma_start3A_53 : memref<1x128xi32, #tpu.memory_space<vmem>> -> memref<128xi32, #tpu.memory_space<vmem>>
      %dma_start3A_55 = arith.constant 0 : i32
      %dma_start3A_56 = arith.constant 0 : i32
      %dma_start3A_57 = tpu.memref_slice %arg2[%dma_start3A_55, %dma_start3A_56] : memref<20480x128xf32, #tpu.memory_space<hbm>> -> memref<20480x128xf32, #tpu.memory_space<hbm>>
      tpu.enqueue_indirect_dma source(%dma_start3A_57 : memref<20480x128xf32, #tpu.memory_space<hbm>>) target(%arg8 : memref<128x128xf32, #tpu.memory_space<vmem>>) offsets(%dma_start3A_54 : memref<128xi32, #tpu.memory_space<vmem>>) semaphore(%arg10 : memref<!tpu.dma_semaphore, #tpu.memory_space<semaphore_mem>>)
      %dma_wait3A = arith.constant 0 : i32
      %dma_wait3A_58 = tpu.memref_slice %arg6[%scan3A_51, %dma_wait3A] : memref<80x128xi32, #tpu.memory_space<vmem>> -> memref<1x128xi32, #tpu.memory_space<vmem>>
      %dma_wait3A_59 = tpu.memref_squeeze %dma_wait3A_58 : memref<1x128xi32, #tpu.memory_space<vmem>> -> memref<128xi32, #tpu.memory_space<vmem>>
      %dma_wait3A_60 = arith.constant 0 : i32
      %dma_wait3A_61 = arith.constant 0 : i32
      %dma_wait3A_62 = tpu.memref_slice %arg2[%dma_wait3A_60, %dma_wait3A_61] : memref<20480x128xf32, #tpu.memory_space<hbm>> -> memref<20480x128xf32, #tpu.memory_space<hbm>>
      tpu.wait_indirect_dma semaphore(%arg10 : memref<!tpu.dma_semaphore, #tpu.memory_space<semaphore_mem>>) src(%dma_wait3A_62 : memref<20480x128xf32, #tpu.memory_space<hbm>>) dst(%arg8 : memref<128x128xf32, #tpu.memory_space<vmem>>)
      "tpu.region"() ({
        %run_scoped3A = tpu.sem_alloc : memref<!tpu.dma_semaphore, #tpu.memory_space<semaphore_mem>>
        %dma_start3A_64 = arith.constant 0 : i32
        %dma_start3A_65 = tpu.memref_slice %arg7[%scan3A_51, %dma_start3A_64] : memref<80x128xi32, #tpu.memory_space<vmem>> -> memref<1x128xi32, #tpu.memory_space<vmem>>
        %dma_start3A_66 = tpu.memref_squeeze %dma_start3A_65 : memref<1x128xi32, #tpu.memory_space<vmem>> -> memref<128xi32, #tpu.memory_space<vmem>>
        %dma_start3A_67 = arith.constant 0 : i32
        %dma_start3A_68 = arith.constant 0 : i32
        %dma_start3A_69 = tpu.memref_slice %arg9[%dma_start3A_67, %dma_start3A_68] : memref<10112x128xf32, #tpu.memory_space<vmem_shared>> -> memref<10112x128xf32, #tpu.memory_space<vmem_shared>>
        tpu.enqueue_indirect_dma source(%arg8 : memref<128x128xf32, #tpu.memory_space<vmem>>) target(%dma_start3A_69 : memref<10112x128xf32, #tpu.memory_space<vmem_shared>>) offsets(%dma_start3A_66 : memref<128xi32, #tpu.memory_space<vmem>>) semaphore(%run_scoped3A : memref<!tpu.dma_semaphore, #tpu.memory_space<semaphore_mem>>) {add = true}
        %dma_wait3A_70 = arith.constant 0 : i32
        %dma_wait3A_71 = tpu.memref_slice %arg7[%scan3A_51, %dma_wait3A_70] : memref<80x128xi32, #tpu.memory_space<vmem>> -> memref<1x128xi32, #tpu.memory_space<vmem>>
        %dma_wait3A_72 = tpu.memref_squeeze %dma_wait3A_71 : memref<1x128xi32, #tpu.memory_space<vmem>> -> memref<128xi32, #tpu.memory_space<vmem>>
        %dma_wait3A_73 = arith.constant 0 : i32
        %dma_wait3A_74 = arith.constant 0 : i32
        %dma_wait3A_75 = tpu.memref_slice %arg9[%dma_wait3A_73, %dma_wait3A_74] : memref<10112x128xf32, #tpu.memory_space<vmem_shared>> -> memref<10112x128xf32, #tpu.memory_space<vmem_shared>>
        tpu.wait_indirect_dma semaphore(%run_scoped3A : memref<!tpu.dma_semaphore, #tpu.memory_space<semaphore_mem>>) src(%arg8 : memref<128x128xf32, #tpu.memory_space<vmem>>) dst(%dma_wait3A_75 : memref<10112x128xf32, #tpu.memory_space<vmem_shared>>)
        tpu.yield
      }) : () -> ()
      %scan3A_63 = arith.constant 0 : i32
      scf.yield %scan3A_63 : i32
    }
    %scan3A_29 = arith.constant 80 : i32
    %barrier3A_30 = arith.constant 0 : index
    tpu.barrier barrier_id(%barrier3A_30)
    %add3A_31 = arith.constant 0 : i32
    %add3A_32 = arith.addi %mul3A_0, %add3A_31 : i32
    "tpu.region"() ({
      %run_scoped3A = tpu.sem_alloc : memref<!tpu.dma_semaphore, #tpu.memory_space<semaphore_mem>>
      %dma_start3A = arith.constant 0 : i32
      %dma_start3A_51 = arith.constant 0 : i32
      %dma_start3A_52 = tpu.memref_slice %arg8[%dma_start3A, %dma_start3A_51] : memref<128x128xf32, #tpu.memory_space<vmem>> -> memref<128x128xf32, #tpu.memory_space<vmem>>
      %dma_start3A_53 = arith.constant 0 : i32
      %dma_start3A_54 = tpu.memref_slice %arg9[%add3A_32, %dma_start3A_53] : memref<10112x128xf32, #tpu.memory_space<vmem_shared>> -> memref<128x128xf32, #tpu.memory_space<vmem_shared>>
      %dma_start3A_55 = arith.constant 0 : i32
      %dma_start3A_56 = arith.constant 0 : i32
      %dma_start3A_57 = tpu.memref_slice %arg8[%dma_start3A_55, %dma_start3A_56] : memref<128x128xf32, #tpu.memory_space<vmem>> -> memref<128x128xf32, #tpu.memory_space<vmem>>
      %dma_start3A_58 = arith.constant 0 : i32
      %dma_start3A_59 = tpu.memref_slice %arg9[%add3A_32, %dma_start3A_58] : memref<10112x128xf32, #tpu.memory_space<vmem_shared>> -> memref<128x128xf32, #tpu.memory_space<vmem_shared>>
      tpu.enqueue_dma source(%dma_start3A_59 : memref<128x128xf32, #tpu.memory_space<vmem_shared>>) target(%dma_start3A_57 : memref<128x128xf32, #tpu.memory_space<vmem>>) target_semaphore(%run_scoped3A : memref<!tpu.dma_semaphore, #tpu.memory_space<semaphore_mem>>)
      %dma_wait3A = arith.constant 0 : i32
      %dma_wait3A_60 = arith.constant 0 : i32
      %dma_wait3A_61 = tpu.memref_slice %arg8[%dma_wait3A, %dma_wait3A_60] : memref<128x128xf32, #tpu.memory_space<vmem>> -> memref<128x128xf32, #tpu.memory_space<vmem>>
      %dma_wait3A_62 = arith.constant 0 : i32
      %dma_wait3A_63 = tpu.memref_slice %arg9[%add3A_32, %dma_wait3A_62] : memref<10112x128xf32, #tpu.memory_space<vmem_shared>> -> memref<128x128xf32, #tpu.memory_space<vmem_shared>>
      %dma_wait3A_64 = arith.constant 0 : i32
      %dma_wait3A_65 = arith.constant 0 : i32
      %dma_wait3A_66 = tpu.memref_slice %arg8[%dma_wait3A_64, %dma_wait3A_65] : memref<128x128xf32, #tpu.memory_space<vmem>> -> memref<128x128xf32, #tpu.memory_space<vmem>>
      %dma_wait3A_67 = arith.constant 0 : i32
      %dma_wait3A_68 = tpu.memref_slice %arg9[%add3A_32, %dma_wait3A_67] : memref<10112x128xf32, #tpu.memory_space<vmem_shared>> -> memref<128x128xf32, #tpu.memory_space<vmem_shared>>
      tpu.wait_dma2 semaphore(%run_scoped3A : memref<!tpu.dma_semaphore, #tpu.memory_space<semaphore_mem>>) src(%dma_wait3A_68 : memref<128x128xf32, #tpu.memory_space<vmem_shared>>) dst(%dma_wait3A_66 : memref<128x128xf32, #tpu.memory_space<vmem>>)
      tpu.yield
    }) : () -> ()
    %add3A_33 = arith.constant 0 : i32
    %add3A_34 = arith.addi %mul3A_0, %add3A_33 : i32
    "tpu.region"() ({
      %run_scoped3A = tpu.sem_alloc : memref<!tpu.dma_semaphore, #tpu.memory_space<semaphore_mem>>
      %dma_start3A = arith.constant 0 : i32
      %dma_start3A_51 = arith.constant 0 : i32
      %dma_start3A_52 = tpu.memref_slice %arg8[%dma_start3A, %dma_start3A_51] : memref<128x128xf32, #tpu.memory_space<vmem>> -> memref<128x128xf32, #tpu.memory_space<vmem>>
      %dma_start3A_53 = arith.constant 0 : i32
      %dma_start3A_54 = tpu.memref_slice %arg5[%arg0, %add3A_34, %dma_start3A_53] : memref<2x10240x128xf32, #tpu.memory_space<hbm>> -> memref<1x128x128xf32, #tpu.memory_space<hbm>>
      %dma_start3A_55 = tpu.memref_squeeze %dma_start3A_54 : memref<1x128x128xf32, #tpu.memory_space<hbm>> -> memref<128x128xf32, #tpu.memory_space<hbm>>
      %dma_start3A_56 = arith.constant 0 : i32
      %dma_start3A_57 = tpu.memref_slice %arg5[%arg0, %add3A_34, %dma_start3A_56] : memref<2x10240x128xf32, #tpu.memory_space<hbm>> -> memref<1x128x128xf32, #tpu.memory_space<hbm>>
      %dma_start3A_58 = tpu.memref_squeeze %dma_start3A_57 : memref<1x128x128xf32, #tpu.memory_space<hbm>> -> memref<128x128xf32, #tpu.memory_space<hbm>>
      %dma_start3A_59 = arith.constant 0 : i32
      %dma_start3A_60 = arith.constant 0 : i32
      %dma_start3A_61 = tpu.memref_slice %arg8[%dma_start3A_59, %dma_start3A_60] : memref<128x128xf32, #tpu.memory_space<vmem>> -> memref<128x128xf32, #tpu.memory_space<vmem>>
      tpu.enqueue_dma source(%dma_start3A_61 : memref<128x128xf32, #tpu.memory_space<vmem>>) target(%dma_start3A_58 : memref<128x128xf32, #tpu.memory_space<hbm>>) target_semaphore(%run_scoped3A : memref<!tpu.dma_semaphore, #tpu.memory_space<semaphore_mem>>)
      %dma_wait3A = arith.constant 0 : i32
      %dma_wait3A_62 = arith.constant 0 : i32
      %dma_wait3A_63 = tpu.memref_slice %arg8[%dma_wait3A, %dma_wait3A_62] : memref<128x128xf32, #tpu.memory_space<vmem>> -> memref<128x128xf32, #tpu.memory_space<vmem>>
      %dma_wait3A_64 = arith.constant 0 : i32
      %dma_wait3A_65 = tpu.memref_slice %arg5[%arg0, %add3A_34, %dma_wait3A_64] : memref<2x10240x128xf32, #tpu.memory_space<hbm>> -> memref<1x128x128xf32, #tpu.memory_space<hbm>>
      %dma_wait3A_66 = tpu.memref_squeeze %dma_wait3A_65 : memref<1x128x128xf32, #tpu.memory_space<hbm>> -> memref<128x128xf32, #tpu.memory_space<hbm>>
      %dma_wait3A_67 = arith.constant 0 : i32
      %dma_wait3A_68 = tpu.memref_slice %arg5[%arg0, %add3A_34, %dma_wait3A_67] : memref<2x10240x128xf32, #tpu.memory_space<hbm>> -> memref<1x128x128xf32, #tpu.memory_space<hbm>>
      %dma_wait3A_69 = tpu.memref_squeeze %dma_wait3A_68 : memref<1x128x128xf32, #tpu.memory_space<hbm>> -> memref<128x128xf32, #tpu.memory_space<hbm>>
      %dma_wait3A_70 = arith.constant 0 : i32
      %dma_wait3A_71 = arith.constant 0 : i32
      %dma_wait3A_72 = tpu.memref_slice %arg8[%dma_wait3A_70, %dma_wait3A_71] : memref<128x128xf32, #tpu.memory_space<vmem>> -> memref<128x128xf32, #tpu.memory_space<vmem>>
      tpu.wait_dma2 semaphore(%run_scoped3A : memref<!tpu.dma_semaphore, #tpu.memory_space<semaphore_mem>>) src(%dma_wait3A_72 : memref<128x128xf32, #tpu.memory_space<vmem>>) dst(%dma_wait3A_69 : memref<128x128xf32, #tpu.memory_space<hbm>>)
      tpu.yield
    }) : () -> ()
    %add3A_35 = arith.constant 128 : i32
    %add3A_36 = arith.addi %mul3A_0, %add3A_35 : i32
    "tpu.region"() ({
      %run_scoped3A = tpu.sem_alloc : memref<!tpu.dma_semaphore, #tpu.memory_space<semaphore_mem>>
      %dma_start3A = arith.constant 0 : i32
      %dma_start3A_51 = arith.constant 0 : i32
      %dma_start3A_52 = tpu.memref_slice %arg8[%dma_start3A, %dma_start3A_51] : memref<128x128xf32, #tpu.memory_space<vmem>> -> memref<128x128xf32, #tpu.memory_space<vmem>>
      %dma_start3A_53 = arith.constant 0 : i32
      %dma_start3A_54 = tpu.memref_slice %arg9[%add3A_36, %dma_start3A_53] : memref<10112x128xf32, #tpu.memory_space<vmem_shared>> -> memref<128x128xf32, #tpu.memory_space<vmem_shared>>
      %dma_start3A_55 = arith.constant 0 : i32
      %dma_start3A_56 = arith.constant 0 : i32
      %dma_start3A_57 = tpu.memref_slice %arg8[%dma_start3A_55, %dma_start3A_56] : memref<128x128xf32, #tpu.memory_space<vmem>> -> memref<128x128xf32, #tpu.memory_space<vmem>>
      %dma_start3A_58 = arith.constant 0 : i32
      %dma_start3A_59 = tpu.memref_slice %arg9[%add3A_36, %dma_start3A_58] : memref<10112x128xf32, #tpu.memory_space<vmem_shared>> -> memref<128x128xf32, #tpu.memory_space<vmem_shared>>
      tpu.enqueue_dma source(%dma_start3A_59 : memref<128x128xf32, #tpu.memory_space<vmem_shared>>) target(%dma_start3A_57 : memref<128x128xf32, #tpu.memory_space<vmem>>) target_semaphore(%run_scoped3A : memref<!tpu.dma_semaphore, #tpu.memory_space<semaphore_mem>>)
      %dma_wait3A = arith.constant 0 : i32
      %dma_wait3A_60 = arith.constant 0 : i32
      %dma_wait3A_61 = tpu.memref_slice %arg8[%dma_wait3A, %dma_wait3A_60] : memref<128x128xf32, #tpu.memory_space<vmem>> -> memref<128x128xf32, #tpu.memory_space<vmem>>
      %dma_wait3A_62 = arith.constant 0 : i32
      %dma_wait3A_63 = tpu.memref_slice %arg9[%add3A_36, %dma_wait3A_62] : memref<10112x128xf32, #tpu.memory_space<vmem_shared>> -> memref<128x128xf32, #tpu.memory_space<vmem_shared>>
      %dma_wait3A_64 = arith.constant 0 : i32
      %dma_wait3A_65 = arith.constant 0 : i32
      %dma_wait3A_66 = tpu.memref_slice %arg8[%dma_wait3A_64, %dma_wait3A_65] : memref<128x128xf32, #tpu.memory_space<vmem>> -> memref<128x128xf32, #tpu.memory_space<vmem>>
      %dma_wait3A_67 = arith.constant 0 : i32
      %dma_wait3A_68 = tpu.memref_slice %arg9[%add3A_36, %dma_wait3A_67] : memref<10112x128xf32, #tpu.memory_space<vmem_shared>> -> memref<128x128xf32, #tpu.memory_space<vmem_shared>>
      tpu.wait_dma2 semaphore(%run_scoped3A : memref<!tpu.dma_semaphore, #tpu.memory_space<semaphore_mem>>) src(%dma_wait3A_68 : memref<128x128xf32, #tpu.memory_space<vmem_shared>>) dst(%dma_wait3A_66 : memref<128x128xf32, #tpu.memory_space<vmem>>)
      tpu.yield
    }) : () -> ()
    %add3A_37 = arith.constant 128 : i32
    %add3A_38 = arith.addi %mul3A_0, %add3A_37 : i32
    "tpu.region"() ({
      %run_scoped3A = tpu.sem_alloc : memref<!tpu.dma_semaphore, #tpu.memory_space<semaphore_mem>>
      %dma_start3A = arith.constant 0 : i32
      %dma_start3A_51 = arith.constant 0 : i32
      %dma_start3A_52 = tpu.memref_slice %arg8[%dma_start3A, %dma_start3A_51] : memref<128x128xf32, #tpu.memory_space<vmem>> -> memref<128x128xf32, #tpu.memory_space<vmem>>
      %dma_start3A_53 = arith.constant 0 : i32
      %dma_start3A_54 = tpu.memref_slice %arg5[%arg0, %add3A_38, %dma_start3A_53] : memref<2x10240x128xf32, #tpu.memory_space<hbm>> -> memref<1x128x128xf32, #tpu.memory_space<hbm>>
      %dma_start3A_55 = tpu.memref_squeeze %dma_start3A_54 : memref<1x128x128xf32, #tpu.memory_space<hbm>> -> memref<128x128xf32, #tpu.memory_space<hbm>>
      %dma_start3A_56 = arith.constant 0 : i32
      %dma_start3A_57 = tpu.memref_slice %arg5[%arg0, %add3A_38, %dma_start3A_56] : memref<2x10240x128xf32, #tpu.memory_space<hbm>> -> memref<1x128x128xf32, #tpu.memory_space<hbm>>
      %dma_start3A_58 = tpu.memref_squeeze %dma_start3A_57 : memref<1x128x128xf32, #tpu.memory_space<hbm>> -> memref<128x128xf32, #tpu.memory_space<hbm>>
      %dma_start3A_59 = arith.constant 0 : i32
      %dma_start3A_60 = arith.constant 0 : i32
      %dma_start3A_61 = tpu.memref_slice %arg8[%dma_start3A_59, %dma_start3A_60] : memref<128x128xf32, #tpu.memory_space<vmem>> -> memref<128x128xf32, #tpu.memory_space<vmem>>
      tpu.enqueue_dma source(%dma_start3A_61 : memref<128x128xf32, #tpu.memory_space<vmem>>) target(%dma_start3A_58 : memref<128x128xf32, #tpu.memory_space<hbm>>) target_semaphore(%run_scoped3A : memref<!tpu.dma_semaphore, #tpu.memory_space<semaphore_mem>>)
      %dma_wait3A = arith.constant 0 : i32
      %dma_wait3A_62 = arith.constant 0 : i32
      %dma_wait3A_63 = tpu.memref_slice %arg8[%dma_wait3A, %dma_wait3A_62] : memref<128x128xf32, #tpu.memory_space<vmem>> -> memref<128x128xf32, #tpu.memory_space<vmem>>
      %dma_wait3A_64 = arith.constant 0 : i32
      %dma_wait3A_65 = tpu.memref_slice %arg5[%arg0, %add3A_38, %dma_wait3A_64] : memref<2x10240x128xf32, #tpu.memory_space<hbm>> -> memref<1x128x128xf32, #tpu.memory_space<hbm>>
      %dma_wait3A_66 = tpu.memref_squeeze %dma_wait3A_65 : memref<1x128x128xf32, #tpu.memory_space<hbm>> -> memref<128x128xf32, #tpu.memory_space<hbm>>
      %dma_wait3A_67 = arith.constant 0 : i32
      %dma_wait3A_68 = tpu.memref_slice %arg5[%arg0, %add3A_38, %dma_wait3A_67] : memref<2x10240x128xf32, #tpu.memory_space<hbm>> -> memref<1x128x128xf32, #tpu.memory_space<hbm>>
      %dma_wait3A_69 = tpu.memref_squeeze %dma_wait3A_68 : memref<1x128x128xf32, #tpu.memory_space<hbm>> -> memref<128x128xf32, #tpu.memory_space<hbm>>
      %dma_wait3A_70 = arith.constant 0 : i32
      %dma_wait3A_71 = arith.constant 0 : i32
      %dma_wait3A_72 = tpu.memref_slice %arg8[%dma_wait3A_70, %dma_wait3A_71] : memref<128x128xf32, #tpu.memory_space<vmem>> -> memref<128x128xf32, #tpu.memory_space<vmem>>
      tpu.wait_dma2 semaphore(%run_scoped3A : memref<!tpu.dma_semaphore, #tpu.memory_space<semaphore_mem>>) src(%dma_wait3A_72 : memref<128x128xf32, #tpu.memory_space<vmem>>) dst(%dma_wait3A_69 : memref<128x128xf32, #tpu.memory_space<hbm>>)
      tpu.yield
    }) : () -> ()
    %add3A_39 = arith.constant 256 : i32
    %add3A_40 = arith.addi %mul3A_0, %add3A_39 : i32
    "tpu.region"() ({
      %run_scoped3A = tpu.sem_alloc : memref<!tpu.dma_semaphore, #tpu.memory_space<semaphore_mem>>
      %dma_start3A = arith.constant 0 : i32
      %dma_start3A_51 = arith.constant 0 : i32
      %dma_start3A_52 = tpu.memref_slice %arg8[%dma_start3A, %dma_start3A_51] : memref<128x128xf32, #tpu.memory_space<vmem>> -> memref<128x128xf32, #tpu.memory_space<vmem>>
      %dma_start3A_53 = arith.constant 0 : i32
      %dma_start3A_54 = tpu.memref_slice %arg9[%add3A_40, %dma_start3A_53] : memref<10112x128xf32, #tpu.memory_space<vmem_shared>> -> memref<128x128xf32, #tpu.memory_space<vmem_shared>>
      %dma_start3A_55 = arith.constant 0 : i32
      %dma_start3A_56 = arith.constant 0 : i32
      %dma_start3A_57 = tpu.memref_slice %arg8[%dma_start3A_55, %dma_start3A_56] : memref<128x128xf32, #tpu.memory_space<vmem>> -> memref<128x128xf32, #tpu.memory_space<vmem>>
      %dma_start3A_58 = arith.constant 0 : i32
      %dma_start3A_59 = tpu.memref_slice %arg9[%add3A_40, %dma_start3A_58] : memref<10112x128xf32, #tpu.memory_space<vmem_shared>> -> memref<128x128xf32, #tpu.memory_space<vmem_shared>>
      tpu.enqueue_dma source(%dma_start3A_59 : memref<128x128xf32, #tpu.memory_space<vmem_shared>>) target(%dma_start3A_57 : memref<128x128xf32, #tpu.memory_space<vmem>>) target_semaphore(%run_scoped3A : memref<!tpu.dma_semaphore, #tpu.memory_space<semaphore_mem>>)
      %dma_wait3A = arith.constant 0 : i32
      %dma_wait3A_60 = arith.constant 0 : i32
      %dma_wait3A_61 = tpu.memref_slice %arg8[%dma_wait3A, %dma_wait3A_60] : memref<128x128xf32, #tpu.memory_space<vmem>> -> memref<128x128xf32, #tpu.memory_space<vmem>>
      %dma_wait3A_62 = arith.constant 0 : i32
      %dma_wait3A_63 = tpu.memref_slice %arg9[%add3A_40, %dma_wait3A_62] : memref<10112x128xf32, #tpu.memory_space<vmem_shared>> -> memref<128x128xf32, #tpu.memory_space<vmem_shared>>
      %dma_wait3A_64 = arith.constant 0 : i32
      %dma_wait3A_65 = arith.constant 0 : i32
      %dma_wait3A_66 = tpu.memref_slice %arg8[%dma_wait3A_64, %dma_wait3A_65] : memref<128x128xf32, #tpu.memory_space<vmem>> -> memref<128x128xf32, #tpu.memory_space<vmem>>
      %dma_wait3A_67 = arith.constant 0 : i32
      %dma_wait3A_68 = tpu.memref_slice %arg9[%add3A_40, %dma_wait3A_67] : memref<10112x128xf32, #tpu.memory_space<vmem_shared>> -> memref<128x128xf32, #tpu.memory_space<vmem_shared>>
      tpu.wait_dma2 semaphore(%run_scoped3A : memref<!tpu.dma_semaphore, #tpu.memory_space<semaphore_mem>>) src(%dma_wait3A_68 : memref<128x128xf32, #tpu.memory_space<vmem_shared>>) dst(%dma_wait3A_66 : memref<128x128xf32, #tpu.memory_space<vmem>>)
      tpu.yield
    }) : () -> ()
    %add3A_41 = arith.constant 256 : i32
    %add3A_42 = arith.addi %mul3A_0, %add3A_41 : i32
    "tpu.region"() ({
      %run_scoped3A = tpu.sem_alloc : memref<!tpu.dma_semaphore, #tpu.memory_space<semaphore_mem>>
      %dma_start3A = arith.constant 0 : i32
      %dma_start3A_51 = arith.constant 0 : i32
      %dma_start3A_52 = tpu.memref_slice %arg8[%dma_start3A, %dma_start3A_51] : memref<128x128xf32, #tpu.memory_space<vmem>> -> memref<128x128xf32, #tpu.memory_space<vmem>>
      %dma_start3A_53 = arith.constant 0 : i32
      %dma_start3A_54 = tpu.memref_slice %arg5[%arg0, %add3A_42, %dma_start3A_53] : memref<2x10240x128xf32, #tpu.memory_space<hbm>> -> memref<1x128x128xf32, #tpu.memory_space<hbm>>
      %dma_start3A_55 = tpu.memref_squeeze %dma_start3A_54 : memref<1x128x128xf32, #tpu.memory_space<hbm>> -> memref<128x128xf32, #tpu.memory_space<hbm>>
      %dma_start3A_56 = arith.constant 0 : i32
      %dma_start3A_57 = tpu.memref_slice %arg5[%arg0, %add3A_42, %dma_start3A_56] : memref<2x10240x128xf32, #tpu.memory_space<hbm>> -> memref<1x128x128xf32, #tpu.memory_space<hbm>>
      %dma_start3A_58 = tpu.memref_squeeze %dma_start3A_57 : memref<1x128x128xf32, #tpu.memory_space<hbm>> -> memref<128x128xf32, #tpu.memory_space<hbm>>
      %dma_start3A_59 = arith.constant 0 : i32
      %dma_start3A_60 = arith.constant 0 : i32
      %dma_start3A_61 = tpu.memref_slice %arg8[%dma_start3A_59, %dma_start3A_60] : memref<128x128xf32, #tpu.memory_space<vmem>> -> memref<128x128xf32, #tpu.memory_space<vmem>>
      tpu.enqueue_dma source(%dma_start3A_61 : memref<128x128xf32, #tpu.memory_space<vmem>>) target(%dma_start3A_58 : memref<128x128xf32, #tpu.memory_space<hbm>>) target_semaphore(%run_scoped3A : memref<!tpu.dma_semaphore, #tpu.memory_space<semaphore_mem>>)
      %dma_wait3A = arith.constant 0 : i32
      %dma_wait3A_62 = arith.constant 0 : i32
      %dma_wait3A_63 = tpu.memref_slice %arg8[%dma_wait3A, %dma_wait3A_62] : memref<128x128xf32, #tpu.memory_space<vmem>> -> memref<128x128xf32, #tpu.memory_space<vmem>>
      %dma_wait3A_64 = arith.constant 0 : i32
      %dma_wait3A_65 = tpu.memref_slice %arg5[%arg0, %add3A_42, %dma_wait3A_64] : memref<2x10240x128xf32, #tpu.memory_space<hbm>> -> memref<1x128x128xf32, #tpu.memory_space<hbm>>
      %dma_wait3A_66 = tpu.memref_squeeze %dma_wait3A_65 : memref<1x128x128xf32, #tpu.memory_space<hbm>> -> memref<128x128xf32, #tpu.memory_space<hbm>>
      %dma_wait3A_67 = arith.constant 0 : i32
      %dma_wait3A_68 = tpu.memref_slice %arg5[%arg0, %add3A_42, %dma_wait3A_67] : memref<2x10240x128xf32, #tpu.memory_space<hbm>> -> memref<1x128x128xf32, #tpu.memory_space<hbm>>
      %dma_wait3A_69 = tpu.memref_squeeze %dma_wait3A_68 : memref<1x128x128xf32, #tpu.memory_space<hbm>> -> memref<128x128xf32, #tpu.memory_space<hbm>>
      %dma_wait3A_70 = arith.constant 0 : i32
      %dma_wait3A_71 = arith.constant 0 : i32
      %dma_wait3A_72 = tpu.memref_slice %arg8[%dma_wait3A_70, %dma_wait3A_71] : memref<128x128xf32, #tpu.memory_space<vmem>> -> memref<128x128xf32, #tpu.memory_space<vmem>>
      tpu.wait_dma2 semaphore(%run_scoped3A : memref<!tpu.dma_semaphore, #tpu.memory_space<semaphore_mem>>) src(%dma_wait3A_72 : memref<128x128xf32, #tpu.memory_space<vmem>>) dst(%dma_wait3A_69 : memref<128x128xf32, #tpu.memory_space<hbm>>)
      tpu.yield
    }) : () -> ()
    %add3A_43 = arith.constant 384 : i32
    %add3A_44 = arith.addi %mul3A_0, %add3A_43 : i32
    "tpu.region"() ({
      %run_scoped3A = tpu.sem_alloc : memref<!tpu.dma_semaphore, #tpu.memory_space<semaphore_mem>>
      %dma_start3A = arith.constant 0 : i32
      %dma_start3A_51 = arith.constant 0 : i32
      %dma_start3A_52 = tpu.memref_slice %arg8[%dma_start3A, %dma_start3A_51] : memref<128x128xf32, #tpu.memory_space<vmem>> -> memref<128x128xf32, #tpu.memory_space<vmem>>
      %dma_start3A_53 = arith.constant 0 : i32
      %dma_start3A_54 = tpu.memref_slice %arg9[%add3A_44, %dma_start3A_53] : memref<10112x128xf32, #tpu.memory_space<vmem_shared>> -> memref<128x128xf32, #tpu.memory_space<vmem_shared>>
      %dma_start3A_55 = arith.constant 0 : i32
      %dma_start3A_56 = arith.constant 0 : i32
      %dma_start3A_57 = tpu.memref_slice %arg8[%dma_start3A_55, %dma_start3A_56] : memref<128x128xf32, #tpu.memory_space<vmem>> -> memref<128x128xf32, #tpu.memory_space<vmem>>
      %dma_start3A_58 = arith.constant 0 : i32
      %dma_start3A_59 = tpu.memref_slice %arg9[%add3A_44, %dma_start3A_58] : memref<10112x128xf32, #tpu.memory_space<vmem_shared>> -> memref<128x128xf32, #tpu.memory_space<vmem_shared>>
      tpu.enqueue_dma source(%dma_start3A_59 : memref<128x128xf32, #tpu.memory_space<vmem_shared>>) target(%dma_start3A_57 : memref<128x128xf32, #tpu.memory_space<vmem>>) target_semaphore(%run_scoped3A : memref<!tpu.dma_semaphore, #tpu.memory_space<semaphore_mem>>)
      %dma_wait3A = arith.constant 0 : i32
      %dma_wait3A_60 = arith.constant 0 : i32
      %dma_wait3A_61 = tpu.memref_slice %arg8[%dma_wait3A, %dma_wait3A_60] : memref<128x128xf32, #tpu.memory_space<vmem>> -> memref<128x128xf32, #tpu.memory_space<vmem>>
      %dma_wait3A_62 = arith.constant 0 : i32
      %dma_wait3A_63 = tpu.memref_slice %arg9[%add3A_44, %dma_wait3A_62] : memref<10112x128xf32, #tpu.memory_space<vmem_shared>> -> memref<128x128xf32, #tpu.memory_space<vmem_shared>>
      %dma_wait3A_64 = arith.constant 0 : i32
      %dma_wait3A_65 = arith.constant 0 : i32
      %dma_wait3A_66 = tpu.memref_slice %arg8[%dma_wait3A_64, %dma_wait3A_65] : memref<128x128xf32, #tpu.memory_space<vmem>> -> memref<128x128xf32, #tpu.memory_space<vmem>>
      %dma_wait3A_67 = arith.constant 0 : i32
      %dma_wait3A_68 = tpu.memref_slice %arg9[%add3A_44, %dma_wait3A_67] : memref<10112x128xf32, #tpu.memory_space<vmem_shared>> -> memref<128x128xf32, #tpu.memory_space<vmem_shared>>
      tpu.wait_dma2 semaphore(%run_scoped3A : memref<!tpu.dma_semaphore, #tpu.memory_space<semaphore_mem>>) src(%dma_wait3A_68 : memref<128x128xf32, #tpu.memory_space<vmem_shared>>) dst(%dma_wait3A_66 : memref<128x128xf32, #tpu.memory_space<vmem>>)
      tpu.yield
    }) : () -> ()
    %add3A_45 = arith.constant 384 : i32
    %add3A_46 = arith.addi %mul3A_0, %add3A_45 : i32
    "tpu.region"() ({
      %run_scoped3A = tpu.sem_alloc : memref<!tpu.dma_semaphore, #tpu.memory_space<semaphore_mem>>
      %dma_start3A = arith.constant 0 : i32
      %dma_start3A_51 = arith.constant 0 : i32
      %dma_start3A_52 = tpu.memref_slice %arg8[%dma_start3A, %dma_start3A_51] : memref<128x128xf32, #tpu.memory_space<vmem>> -> memref<128x128xf32, #tpu.memory_space<vmem>>
      %dma_start3A_53 = arith.constant 0 : i32
      %dma_start3A_54 = tpu.memref_slice %arg5[%arg0, %add3A_46, %dma_start3A_53] : memref<2x10240x128xf32, #tpu.memory_space<hbm>> -> memref<1x128x128xf32, #tpu.memory_space<hbm>>
      %dma_start3A_55 = tpu.memref_squeeze %dma_start3A_54 : memref<1x128x128xf32, #tpu.memory_space<hbm>> -> memref<128x128xf32, #tpu.memory_space<hbm>>
      %dma_start3A_56 = arith.constant 0 : i32
      %dma_start3A_57 = tpu.memref_slice %arg5[%arg0, %add3A_46, %dma_start3A_56] : memref<2x10240x128xf32, #tpu.memory_space<hbm>> -> memref<1x128x128xf32, #tpu.memory_space<hbm>>
      %dma_start3A_58 = tpu.memref_squeeze %dma_start3A_57 : memref<1x128x128xf32, #tpu.memory_space<hbm>> -> memref<128x128xf32, #tpu.memory_space<hbm>>
      %dma_start3A_59 = arith.constant 0 : i32
      %dma_start3A_60 = arith.constant 0 : i32
      %dma_start3A_61 = tpu.memref_slice %arg8[%dma_start3A_59, %dma_start3A_60] : memref<128x128xf32, #tpu.memory_space<vmem>> -> memref<128x128xf32, #tpu.memory_space<vmem>>
      tpu.enqueue_dma source(%dma_start3A_61 : memref<128x128xf32, #tpu.memory_space<vmem>>) target(%dma_start3A_58 : memref<128x128xf32, #tpu.memory_space<hbm>>) target_semaphore(%run_scoped3A : memref<!tpu.dma_semaphore, #tpu.memory_space<semaphore_mem>>)
      %dma_wait3A = arith.constant 0 : i32
      %dma_wait3A_62 = arith.constant 0 : i32
      %dma_wait3A_63 = tpu.memref_slice %arg8[%dma_wait3A, %dma_wait3A_62] : memref<128x128xf32, #tpu.memory_space<vmem>> -> memref<128x128xf32, #tpu.memory_space<vmem>>
      %dma_wait3A_64 = arith.constant 0 : i32
      %dma_wait3A_65 = tpu.memref_slice %arg5[%arg0, %add3A_46, %dma_wait3A_64] : memref<2x10240x128xf32, #tpu.memory_space<hbm>> -> memref<1x128x128xf32, #tpu.memory_space<hbm>>
      %dma_wait3A_66 = tpu.memref_squeeze %dma_wait3A_65 : memref<1x128x128xf32, #tpu.memory_space<hbm>> -> memref<128x128xf32, #tpu.memory_space<hbm>>
      %dma_wait3A_67 = arith.constant 0 : i32
      %dma_wait3A_68 = tpu.memref_slice %arg5[%arg0, %add3A_46, %dma_wait3A_67] : memref<2x10240x128xf32, #tpu.memory_space<hbm>> -> memref<1x128x128xf32, #tpu.memory_space<hbm>>
      %dma_wait3A_69 = tpu.memref_squeeze %dma_wait3A_68 : memref<1x128x128xf32, #tpu.memory_space<hbm>> -> memref<128x128xf32, #tpu.memory_space<hbm>>
      %dma_wait3A_70 = arith.constant 0 : i32
      %dma_wait3A_71 = arith.constant 0 : i32
      %dma_wait3A_72 = tpu.memref_slice %arg8[%dma_wait3A_70, %dma_wait3A_71] : memref<128x128xf32, #tpu.memory_space<vmem>> -> memref<128x128xf32, #tpu.memory_space<vmem>>
      tpu.wait_dma2 semaphore(%run_scoped3A : memref<!tpu.dma_semaphore, #tpu.memory_space<semaphore_mem>>) src(%dma_wait3A_72 : memref<128x128xf32, #tpu.memory_space<vmem>>) dst(%dma_wait3A_69 : memref<128x128xf32, #tpu.memory_space<hbm>>)
      tpu.yield
    }) : () -> ()
    %add3A_47 = arith.constant 512 : i32
    %add3A_48 = arith.addi %mul3A_0, %add3A_47 : i32
    "tpu.region"() ({
      %run_scoped3A = tpu.sem_alloc : memref<!tpu.dma_semaphore, #tpu.memory_space<semaphore_mem>>
      %dma_start3A = arith.constant 0 : i32
      %dma_start3A_51 = arith.constant 0 : i32
      %dma_start3A_52 = tpu.memref_slice %arg8[%dma_start3A, %dma_start3A_51] : memref<128x128xf32, #tpu.memory_space<vmem>> -> memref<120x128xf32, #tpu.memory_space<vmem>>
      %dma_start3A_53 = arith.constant 0 : i32
      %dma_start3A_54 = tpu.memref_slice %arg9[%add3A_48, %dma_start3A_53] : memref<10112x128xf32, #tpu.memory_space<vmem_shared>> -> memref<120x128xf32, #tpu.memory_space<vmem_shared>>
      %dma_start3A_55 = arith.constant 0 : i32
      %dma_start3A_56 = arith.constant 0 : i32
      %dma_start3A_57 = tpu.memref_slice %arg8[%dma_start3A_55, %dma_start3A_56] : memref<128x128xf32, #tpu.memory_space<vmem>> -> memref<120x128xf32, #tpu.memory_space<vmem>>
      %dma_start3A_58 = arith.constant 0 : i32
      %dma_start3A_59 = tpu.memref_slice %arg9[%add3A_48, %dma_start3A_58] : memref<10112x128xf32, #tpu.memory_space<vmem_shared>> -> memref<120x128xf32, #tpu.memory_space<vmem_shared>>
      tpu.enqueue_dma source(%dma_start3A_59 : memref<120x128xf32, #tpu.memory_space<vmem_shared>>) target(%dma_start3A_57 : memref<120x128xf32, #tpu.memory_space<vmem>>) target_semaphore(%run_scoped3A : memref<!tpu.dma_semaphore, #tpu.memory_space<semaphore_mem>>)
      %dma_wait3A = arith.constant 0 : i32
      %dma_wait3A_60 = arith.constant 0 : i32
      %dma_wait3A_61 = tpu.memref_slice %arg8[%dma_wait3A, %dma_wait3A_60] : memref<128x128xf32, #tpu.memory_space<vmem>> -> memref<120x128xf32, #tpu.memory_space<vmem>>
      %dma_wait3A_62 = arith.constant 0 : i32
      %dma_wait3A_63 = tpu.memref_slice %arg9[%add3A_48, %dma_wait3A_62] : memref<10112x128xf32, #tpu.memory_space<vmem_shared>> -> memref<120x128xf32, #tpu.memory_space<vmem_shared>>
      %dma_wait3A_64 = arith.constant 0 : i32
      %dma_wait3A_65 = arith.constant 0 : i32
      %dma_wait3A_66 = tpu.memref_slice %arg8[%dma_wait3A_64, %dma_wait3A_65] : memref<128x128xf32, #tpu.memory_space<vmem>> -> memref<120x128xf32, #tpu.memory_space<vmem>>
      %dma_wait3A_67 = arith.constant 0 : i32
      %dma_wait3A_68 = tpu.memref_slice %arg9[%add3A_48, %dma_wait3A_67] : memref<10112x128xf32, #tpu.memory_space<vmem_shared>> -> memref<120x128xf32, #tpu.memory_space<vmem_shared>>
      tpu.wait_dma2 semaphore(%run_scoped3A : memref<!tpu.dma_semaphore, #tpu.memory_space<semaphore_mem>>) src(%dma_wait3A_68 : memref<120x128xf32, #tpu.memory_space<vmem_shared>>) dst(%dma_wait3A_66 : memref<120x128xf32, #tpu.memory_space<vmem>>)
      tpu.yield
    }) : () -> ()
    %add3A_49 = arith.constant 512 : i32
    %add3A_50 = arith.addi %mul3A_0, %add3A_49 : i32
    "tpu.region"() ({
      %run_scoped3A = tpu.sem_alloc : memref<!tpu.dma_semaphore, #tpu.memory_space<semaphore_mem>>
      %dma_start3A = arith.constant 0 : i32
      %dma_start3A_51 = arith.constant 0 : i32
      %dma_start3A_52 = tpu.memref_slice %arg8[%dma_start3A, %dma_start3A_51] : memref<128x128xf32, #tpu.memory_space<vmem>> -> memref<120x128xf32, #tpu.memory_space<vmem>>
      %dma_start3A_53 = arith.constant 0 : i32
      %dma_start3A_54 = tpu.memref_slice %arg5[%arg0, %add3A_50, %dma_start3A_53] : memref<2x10240x128xf32, #tpu.memory_space<hbm>> -> memref<1x120x128xf32, #tpu.memory_space<hbm>>
      %dma_start3A_55 = tpu.memref_squeeze %dma_start3A_54 : memref<1x120x128xf32, #tpu.memory_space<hbm>> -> memref<120x128xf32, #tpu.memory_space<hbm>>
      %dma_start3A_56 = arith.constant 0 : i32
      %dma_start3A_57 = tpu.memref_slice %arg5[%arg0, %add3A_50, %dma_start3A_56] : memref<2x10240x128xf32, #tpu.memory_space<hbm>> -> memref<1x120x128xf32, #tpu.memory_space<hbm>>
      %dma_start3A_58 = tpu.memref_squeeze %dma_start3A_57 : memref<1x120x128xf32, #tpu.memory_space<hbm>> -> memref<120x128xf32, #tpu.memory_space<hbm>>
      %dma_start3A_59 = arith.constant 0 : i32
      %dma_start3A_60 = arith.constant 0 : i32
      %dma_start3A_61 = tpu.memref_slice %arg8[%dma_start3A_59, %dma_start3A_60] : memref<128x128xf32, #tpu.memory_space<vmem>> -> memref<120x128xf32, #tpu.memory_space<vmem>>
      tpu.enqueue_dma source(%dma_start3A_61 : memref<120x128xf32, #tpu.memory_space<vmem>>) target(%dma_start3A_58 : memref<120x128xf32, #tpu.memory_space<hbm>>) target_semaphore(%run_scoped3A : memref<!tpu.dma_semaphore, #tpu.memory_space<semaphore_mem>>)
      %dma_wait3A = arith.constant 0 : i32
      %dma_wait3A_62 = arith.constant 0 : i32
      %dma_wait3A_63 = tpu.memref_slice %arg8[%dma_wait3A, %dma_wait3A_62] : memref<128x128xf32, #tpu.memory_space<vmem>> -> memref<120x128xf32, #tpu.memory_space<vmem>>
      %dma_wait3A_64 = arith.constant 0 : i32
      %dma_wait3A_65 = tpu.memref_slice %arg5[%arg0, %add3A_50, %dma_wait3A_64] : memref<2x10240x128xf32, #tpu.memory_space<hbm>> -> memref<1x120x128xf32, #tpu.memory_space<hbm>>
      %dma_wait3A_66 = tpu.memref_squeeze %dma_wait3A_65 : memref<1x120x128xf32, #tpu.memory_space<hbm>> -> memref<120x128xf32, #tpu.memory_space<hbm>>
      %dma_wait3A_67 = arith.constant 0 : i32
      %dma_wait3A_68 = tpu.memref_slice %arg5[%arg0, %add3A_50, %dma_wait3A_67] : memref<2x10240x128xf32, #tpu.memory_space<hbm>> -> memref<1x120x128xf32, #tpu.memory_space<hbm>>
      %dma_wait3A_69 = tpu.memref_squeeze %dma_wait3A_68 : memref<1x120x128xf32, #tpu.memory_space<hbm>> -> memref<120x128xf32, #tpu.memory_space<hbm>>
      %dma_wait3A_70 = arith.constant 0 : i32
      %dma_wait3A_71 = arith.constant 0 : i32
      %dma_wait3A_72 = tpu.memref_slice %arg8[%dma_wait3A_70, %dma_wait3A_71] : memref<128x128xf32, #tpu.memory_space<vmem>> -> memref<120x128xf32, #tpu.memory_space<vmem>>
      tpu.wait_dma2 semaphore(%run_scoped3A : memref<!tpu.dma_semaphore, #tpu.memory_space<semaphore_mem>>) src(%dma_wait3A_72 : memref<120x128xf32, #tpu.memory_space<vmem>>) dst(%dma_wait3A_69 : memref<120x128xf32, #tpu.memory_space<hbm>>)
      tpu.yield
    }) : () -> ()
    return
  }
}

module attributes {stable_mosaic.version = 14 : i64} {
  func.func @_tc_a_body(%arg0: i32, %arg1: i32, %arg2: memref<2x1280x16xf32, #tpu.memory_space<vmem>>, %arg3: memref<1280x128xf32, #tpu.memory_space<vmem>>, %arg4: memref<128x128xf32, #tpu.memory_space<vmem>>, %arg5: memref<1x1280x128xf32, #tpu.memory_space<vmem>>) attributes {dimension_semantics = [#tpu.dimension_semantics<arbitrary>, #tpu.dimension_semantics<arbitrary>], iteration_bounds = array<i64: 2, 8>, scalar_prefetch = 0 : i64, scratch_operands = 0 : i64, tpu.core_type = #tpu.core_type<tc>, window_params = [{transform_indices = @transform_0, window_bounds = array<i64: 2, 1280, 16>}, {transform_indices = @transform_1, window_bounds = array<i64: 1280, 128>}, {transform_indices = @transform_2, window_bounds = array<i64: 128, 128>}, {transform_indices = @transform_3, window_bounds = array<i64: 1, 1280, 128>}]} {
    %get3A = arith.constant 0 : index
    %get3A_0 = arith.constant 0 : index
    %get3A_1 = arith.constant 0 : index
    %get3A_2 = vector.load %arg2[%get3A, %get3A_0, %get3A_1] : memref<2x1280x16xf32, #tpu.memory_space<vmem>>, vector<2x1280x16xf32>
    %slice3A = vector.extract_strided_slice %get3A_2 {offsets = [0, 0, 0], sizes = [1, 1280, 1], strides = [1, 1, 1]} : vector<2x1280x16xf32> to vector<1x1280x1xf32>
    %squeeze3A = vector.shape_cast %slice3A : vector<1x1280x1xf32> to vector<1280x1xf32>
    %slice3A_3 = vector.extract_strided_slice %get3A_2 {offsets = [1, 0, 0], sizes = [1, 1280, 1], strides = [1, 1, 1]} : vector<2x1280x16xf32> to vector<1x1280x1xf32>
    %squeeze3A_4 = vector.shape_cast %slice3A_3 : vector<1x1280x1xf32> to vector<1280x1xf32>
    %add3A = arith.addf %squeeze3A, %squeeze3A_4 : vector<1280x1xf32>
    %add3A_5 = arith.constant 1.000000e+00 : f32
    %add3A_6 = vector.broadcast %add3A_5 : f32 to vector<1280x1xf32>
    %add3A_7 = arith.addf %add3A, %add3A_6 : vector<1280x1xf32>
    %rsqrt3A = math.rsqrt %add3A_7 : vector<1280x1xf32>
    %get3A_8 = arith.constant 0 : index
    %get3A_9 = arith.constant 0 : index
    %get3A_10 = vector.load %arg3[%get3A_8, %get3A_9] : memref<1280x128xf32, #tpu.memory_space<vmem>>, vector<1280x128xf32>
    %get3A_11 = arith.constant 0 : index
    %get3A_12 = arith.constant 0 : index
    %get3A_13 = vector.load %arg4[%get3A_11, %get3A_12] : memref<128x128xf32, #tpu.memory_space<vmem>>, vector<128x128xf32>
    %dot_general3A = arith.constant dense<0.000000e+00> : vector<1280x128xf32>
    %dot_general3A_14 = tpu.matmul %get3A_10, %get3A_13, %dot_general3A {dimension_numbers = #tpu.dot_dimension_numbers<[1], [0], [0], [1], [0, 0, 1, 1], [], []>, transpose_lhs_hint = false} : vector<1280x128xf32>, vector<128x128xf32>, vector<1280x128xf32> -> vector<1280x128xf32>
    %mul3A = vector.broadcast %rsqrt3A : vector<1280x1xf32> to vector<1280x128xf32>
    %mul3A_15 = arith.mulf %dot_general3A_14, %mul3A : vector<1280x128xf32>
    %swap3A = arith.constant 0 : index
    %swap3A_16 = arith.constant 0 : index
    %swap3A_17 = arith.constant 0 : index
    %swap3A_18 = vector.load %arg5[%swap3A, %swap3A_16, %swap3A_17] : memref<1x1280x128xf32, #tpu.memory_space<vmem>>, vector<1x1280x128xf32>
    %swap3A_19 = vector.shape_cast %swap3A_18 : vector<1x1280x128xf32> to vector<1280x128xf32>
    %swap3A_20 = vector.shape_cast %mul3A_15 : vector<1280x128xf32> to vector<1x1280x128xf32>
    tpu.vector_store %arg5[%swap3A, %swap3A_16, %swap3A_17], %swap3A_20 {strides = array<i32>} : memref<1x1280x128xf32, #tpu.memory_space<vmem>>, vector<1x1280x128xf32>,
    return
  }
  func.func @transform_0(%arg0: i32, %arg1: i32) -> (i32, i32, i32) {
    %c0_i32 = arith.constant 0 : i32
    %c0_i32_0 = arith.constant 0 : i32
    %c0_i32_1 = arith.constant 0 : i32
    return %c0_i32, %arg1, %c0_i32_0 : i32, i32, i32
  }
  func.func @transform_1(%arg0: i32, %arg1: i32) -> (i32, i32) {
    %c0_i32 = arith.constant 0 : i32
    %c0_i32_0 = arith.constant 0 : i32
    return %arg1, %c0_i32 : i32, i32
  }
  func.func @transform_2(%arg0: i32, %arg1: i32) -> (i32, i32) {
    %c0_i32 = arith.constant 0 : i32
    %c0_i32_0 = arith.constant 0 : i32
    return %c0_i32, %arg0 : i32, i32
  }
  func.func @transform_3(%arg0: i32, %arg1: i32) -> (i32, i32, i32) {
    %c0_i32 = arith.constant 0 : i32
    %c0_i32_0 = arith.constant 0 : i32
    return %arg0, %arg1, %c0_i32 : i32, i32, i32
  }
}

module attributes {stable_mosaic.version = 14 : i64} {
  func.func @_body(%arg0: i32, %arg1: memref<2x1280x128xf32, #tpu.memory_space<vmem>>, %arg2: memref<2x1280x128xf32, #tpu.memory_space<vmem>>, %arg3: memref<2x1280x16xf32, #tpu.memory_space<vmem>>, %arg4: memref<1x256xf32, #tpu.memory_space<vmem>>, %arg5: memref<1280x256xf32, #tpu.memory_space<vmem>>, %arg6: memref<1x1x256xf32, #tpu.memory_space<vmem>>, %arg7: memref<1x1x256xf32, #tpu.memory_space<vmem>>) attributes {dimension_semantics = [#tpu.dimension_semantics<arbitrary>], iteration_bounds = array<i64: 8>, scalar_prefetch = 0 : i64, scratch_operands = 0 : i64, tpu.core_type = #tpu.core_type<tc>, window_params = [{transform_indices = @transform_0, window_bounds = array<i64: 2, 1280, 128>}, {transform_indices = @transform_1, window_bounds = array<i64: 2, 1280, 128>}, {transform_indices = @transform_2, window_bounds = array<i64: 2, 1280, 16>}, {pipeline_mode = #tpu.pipeline_mode<synchronous>, transform_indices = @transform_3, window_bounds = array<i64: 1, 256>}, {transform_indices = @transform_4, window_bounds = array<i64: 1280, 256>}, {transform_indices = @transform_5, window_bounds = array<i64: 1, 1, 256>}, {transform_indices = @transform_6, window_bounds = array<i64: 1, 1, 256>}]} {
    %get3A = arith.constant 0 : index
    %get3A_0 = arith.constant 0 : index
    %get3A_1 = arith.constant 0 : index
    %get3A_2 = vector.load %arg3[%get3A, %get3A_0, %get3A_1] : memref<2x1280x16xf32, #tpu.memory_space<vmem>>, vector<2x1280x16xf32>
    %slice3A = vector.extract_strided_slice %get3A_2 {offsets = [0, 0, 0], sizes = [1, 1280, 1], strides = [1, 1, 1]} : vector<2x1280x16xf32> to vector<1x1280x1xf32>
    %squeeze3A = vector.shape_cast %slice3A : vector<1x1280x1xf32> to vector<1280x1xf32>
    %slice3A_3 = vector.extract_strided_slice %get3A_2 {offsets = [1, 0, 0], sizes = [1, 1280, 1], strides = [1, 1, 1]} : vector<2x1280x16xf32> to vector<1x1280x1xf32>
    %squeeze3A_4 = vector.shape_cast %slice3A_3 : vector<1x1280x1xf32> to vector<1280x1xf32>
    %add3A = arith.addf %squeeze3A, %squeeze3A_4 : vector<1280x1xf32>
    %add3A_5 = arith.constant 1.000000e+00 : f32
    %add3A_6 = vector.broadcast %add3A_5 : f32 to vector<1280x1xf32>
    %add3A_7 = arith.addf %add3A, %add3A_6 : vector<1280x1xf32>
    %rsqrt3A = math.rsqrt %add3A_7 : vector<1280x1xf32>
    %get3A_8 = arith.constant 0 : index
    %get3A_9 = arith.constant 0 : index
    %get3A_10 = arith.constant 0 : index
    %get3A_11 = vector.load %arg1[%get3A_8, %get3A_9, %get3A_10] : memref<2x1280x128xf32, #tpu.memory_space<vmem>>, vector<2x1280x128xf32>
    %get3A_12 = arith.constant 0 : index
    %get3A_13 = arith.constant 0 : index
    %get3A_14 = arith.constant 0 : index
    %get3A_15 = vector.load %arg2[%get3A_12, %get3A_13, %get3A_14] : memref<2x1280x128xf32, #tpu.memory_space<vmem>>, vector<2x1280x128xf32>
    %slice3A_16 = vector.extract_strided_slice %get3A_11 {offsets = [0, 0, 0], sizes = [1, 1280, 128], strides = [1, 1, 1]} : vector<2x1280x128xf32> to vector<1x1280x128xf32>
    %squeeze3A_17 = vector.shape_cast %slice3A_16 : vector<1x1280x128xf32> to vector<1280x128xf32>
    %slice3A_18 = vector.extract_strided_slice %get3A_15 {offsets = [0, 0, 0], sizes = [1, 1280, 128], strides = [1, 1, 1]} : vector<2x1280x128xf32> to vector<1x1280x128xf32>
    %squeeze3A_19 = vector.shape_cast %slice3A_18 : vector<1x1280x128xf32> to vector<1280x128xf32>
    %add3A_20 = arith.addf %squeeze3A_17, %squeeze3A_19 : vector<1280x128xf32>
    %mul3A = vector.broadcast %rsqrt3A : vector<1280x1xf32> to vector<1280x128xf32>
    %mul3A_21 = arith.mulf %add3A_20, %mul3A : vector<1280x128xf32>
    %slice3A_22 = vector.extract_strided_slice %get3A_11 {offsets = [1, 0, 0], sizes = [1, 1280, 128], strides = [1, 1, 1]} : vector<2x1280x128xf32> to vector<1x1280x128xf32>
    %squeeze3A_23 = vector.shape_cast %slice3A_22 : vector<1x1280x128xf32> to vector<1280x128xf32>
    %slice3A_24 = vector.extract_strided_slice %get3A_15 {offsets = [1, 0, 0], sizes = [1, 1280, 128], strides = [1, 1, 1]} : vector<2x1280x128xf32> to vector<1x1280x128xf32>
    %squeeze3A_25 = vector.shape_cast %slice3A_24 : vector<1x1280x128xf32> to vector<1280x128xf32>
    %add3A_26 = arith.addf %squeeze3A_23, %squeeze3A_25 : vector<1280x128xf32>
    %mul3A_27 = vector.broadcast %rsqrt3A : vector<1280x1xf32> to vector<1280x128xf32>
    %mul3A_28 = arith.mulf %add3A_26, %mul3A_27 : vector<1280x128xf32>
    %concatenate3A = tpu.concatenate %mul3A_21, %mul3A_28 in 1 : vector<1280x128xf32>, vector<1280x128xf32> -> vector<1280x256xf32>
    %get3A_29 = arith.constant 0 : index
    %get3A_30 = arith.constant 0 : index
    %get3A_31 = vector.load %arg4[%get3A_29, %get3A_30] : memref<1x256xf32, #tpu.memory_space<vmem>>, vector<1x256xf32>
    %add3A_32 = vector.broadcast %get3A_31 : vector<1x256xf32> to vector<1280x256xf32>
    %add3A_33 = arith.addf %concatenate3A, %add3A_32 : vector<1280x256xf32>
    %swap3A = arith.constant 0 : index
    %swap3A_34 = arith.constant 0 : index
    %swap3A_35 = vector.load %arg5[%swap3A, %swap3A_34] : memref<1280x256xf32, #tpu.memory_space<vmem>>, vector<1280x256xf32>
    tpu.vector_store %arg5[%swap3A, %swap3A_34], %add3A_33 {strides = array<i32>} : memref<1280x256xf32, #tpu.memory_space<vmem>>, vector<1280x256xf32>,
    %mul3A_36 = arith.constant 1280 : i32
    %mul3A_37 = arith.muli %arg0, %mul3A_36 : i32
    %iota3A = tpu.iota {dimensions = array<i32: 0>} : vector<1280x1xi32>
    %add3A_38 = vector.broadcast %mul3A_37 : i32 to vector<1280x1xi32>
    %add3A_39 = arith.addi %add3A_38, %iota3A : vector<1280x1xi32>
    %lt3A = arith.constant 10000 : i32
    %lt3A_40 = vector.broadcast %lt3A : i32 to vector<1280x1xi32>
    %lt3A_41 = arith.cmpi slt, %add3A_39, %lt3A_40 : vector<1280x1xi32>
    %jit3A = arith.constant 0.000000e+00 : f32
    %broadcast_in_dim3A = vector.shape_cast %lt3A_41 : vector<1280x1xi1> to vector<1280x1xi1>
    %broadcast_in_dim3A_42 = vector.broadcast %broadcast_in_dim3A : vector<1280x1xi1> to vector<1280x256xi1>
    %broadcast_in_dim3A_43 = vector.broadcast %jit3A : f32 to vector<1280x256xf32>
    %select_n3A = arith.select %broadcast_in_dim3A_42, %add3A_33, %broadcast_in_dim3A_43 : vector<1280x256xi1>, vector<1280x256xf32>
    %reduce_sum3A = arith.constant dense<0.000000e+00> : vector<256xf32>
    %reduce_sum3A_44 = vector.multi_reduction <add>, %select_n3A, %reduce_sum3A [0] : vector<1280x256xf32> to vector<256xf32>
    %swap3A_45 = arith.constant 0 : index
    %swap3A_46 = arith.constant 0 : index
    %swap3A_47 = arith.constant 0 : index
    %swap3A_48 = vector.load %arg6[%swap3A_45, %swap3A_46, %swap3A_47] : memref<1x1x256xf32, #tpu.memory_space<vmem>>, vector<1x1x256xf32>
    %swap3A_49 = vector.shape_cast %swap3A_48 : vector<1x1x256xf32> to vector<256xf32>
    %swap3A_50 = vector.shape_cast %reduce_sum3A_44 : vector<256xf32> to vector<1x1x256xf32>
    tpu.vector_store %arg6[%swap3A_45, %swap3A_46, %swap3A_47], %swap3A_50 {strides = array<i32>} : memref<1x1x256xf32, #tpu.memory_space<vmem>>, vector<1x1x256xf32>,
    %mul3A_51 = arith.mulf %select_n3A, %select_n3A : vector<1280x256xf32>
    %reduce_sum3A_52 = arith.constant dense<0.000000e+00> : vector<256xf32>
    %reduce_sum3A_53 = vector.multi_reduction <add>, %mul3A_51, %reduce_sum3A_52 [0] : vector<1280x256xf32> to vector<256xf32>
    %swap3A_54 = arith.constant 0 : index
    %swap3A_55 = arith.constant 0 : index
    %swap3A_56 = arith.constant 0 : index
    %swap3A_57 = vector.load %arg7[%swap3A_54, %swap3A_55, %swap3A_56] : memref<1x1x256xf32, #tpu.memory_space<vmem>>, vector<1x1x256xf32>
    %swap3A_58 = vector.shape_cast %swap3A_57 : vector<1x1x256xf32> to vector<256xf32>
    %swap3A_59 = vector.shape_cast %reduce_sum3A_53 : vector<256xf32> to vector<1x1x256xf32>
    tpu.vector_store %arg7[%swap3A_54, %swap3A_55, %swap3A_56], %swap3A_59 {strides = array<i32>} : memref<1x1x256xf32, #tpu.memory_space<vmem>>, vector<1x1x256xf32>,
    return
  }
  func.func @transform_0(%arg0: i32) -> (i32, i32, i32) {
    %c0_i32 = arith.constant 0 : i32
    %c0_i32_0 = arith.constant 0 : i32
    %c0_i32_1 = arith.constant 0 : i32
    return %c0_i32, %arg0, %c0_i32_0 : i32, i32, i32
  }
  func.func @transform_1(%arg0: i32) -> (i32, i32, i32) {
    %c0_i32 = arith.constant 0 : i32
    %c0_i32_0 = arith.constant 0 : i32
    %c0_i32_1 = arith.constant 0 : i32
    return %c0_i32, %arg0, %c0_i32_0 : i32, i32, i32
  }
  func.func @transform_2(%arg0: i32) -> (i32, i32, i32) {
    %c0_i32 = arith.constant 0 : i32
    %c0_i32_0 = arith.constant 0 : i32
    %c0_i32_1 = arith.constant 0 : i32
    return %c0_i32, %arg0, %c0_i32_0 : i32, i32, i32
  }
  func.func @transform_3(%arg0: i32) -> (i32, i32) {
    %c0_i32 = arith.constant 0 : i32
    %c0_i32_0 = arith.constant 0 : i32
    %c0_i32_1 = arith.constant 0 : i32
    return %c0_i32, %c0_i32_0 : i32, i32
  }
  func.func @transform_4(%arg0: i32) -> (i32, i32) {
    %c0_i32 = arith.constant 0 : i32
    %c0_i32_0 = arith.constant 0 : i32
    return %arg0, %c0_i32 : i32, i32
  }
  func.func @transform_5(%arg0: i32) -> (i32, i32, i32) {
    %c0_i32 = arith.constant 0 : i32
    %c0_i32_0 = arith.constant 0 : i32
    %c0_i32_1 = arith.constant 0 : i32
    return %arg0, %c0_i32, %c0_i32_0 : i32, i32, i32
  }
  func.func @transform_6(%arg0: i32) -> (i32, i32, i32) {
    %c0_i32 = arith.constant 0 : i32
    %c0_i32_0 = arith.constant 0 : i32
    %c0_i32_1 = arith.constant 0 : i32
    return %arg0, %c0_i32, %c0_i32_0 : i32, i32, i32
  }
}

module attributes {stable_mosaic.version = 14 : i64} {
  func.func @_tc_b2_body(%arg0: i32, %arg1: memref<1280x256xf32, #tpu.memory_space<vmem>>, %arg2: memref<8x1x256xf32, #tpu.memory_space<vmem>>, %arg3: memref<8x1x256xf32, #tpu.memory_space<vmem>>, %arg4: memref<2x1280x16xf32, #tpu.memory_space<vmem>>, %arg5: memref<1x256xf32, #tpu.memory_space<vmem>>, %arg6: memref<1x256xf32, #tpu.memory_space<vmem>>, %arg7: memref<256x128xf32, #tpu.memory_space<vmem>>, %arg8: memref<1280x128xf32, #tpu.memory_space<vmem>>) attributes {dimension_semantics = [#tpu.dimension_semantics<arbitrary>], iteration_bounds = array<i64: 8>, scalar_prefetch = 0 : i64, scratch_operands = 0 : i64, tpu.core_type = #tpu.core_type<tc>, window_params = [{transform_indices = @transform_0, window_bounds = array<i64: 1280, 256>}, {pipeline_mode = #tpu.pipeline_mode<synchronous>, transform_indices = @transform_1, window_bounds = array<i64: 8, 1, 256>}, {pipeline_mode = #tpu.pipeline_mode<synchronous>, transform_indices = @transform_2, window_bounds = array<i64: 8, 1, 256>}, {transform_indices = @transform_3, window_bounds = array<i64: 2, 1280, 16>}, {pipeline_mode = #tpu.pipeline_mode<synchronous>, transform_indices = @transform_4, window_bounds = array<i64: 1, 256>}, {pipeline_mode = #tpu.pipeline_mode<synchronous>, transform_indices = @transform_5, window_bounds = array<i64: 1, 256>}, {pipeline_mode = #tpu.pipeline_mode<synchronous>, transform_indices = @transform_6, window_bounds = array<i64: 256, 128>}, {transform_indices = @transform_7, window_bounds = array<i64: 1280, 128>}]} {
    %get3A = arith.constant 0 : index
    %get3A_0 = arith.constant 0 : index
    %get3A_1 = arith.constant 0 : index
    %get3A_2 = vector.load %arg2[%get3A, %get3A_0, %get3A_1] : memref<8x1x256xf32, #tpu.memory_space<vmem>>, vector<8x1x256xf32>
    %squeeze3A = vector.shape_cast %get3A_2 : vector<8x1x256xf32> to vector<8x256xf32>
    %reduce_sum3A = arith.constant dense<0.000000e+00> : vector<256xf32>
    %reduce_sum3A_3 = vector.multi_reduction <add>, %squeeze3A, %reduce_sum3A [0] : vector<8x256xf32> to vector<256xf32>
    %broadcast_in_dim3A = vector.shape_cast %reduce_sum3A_3 : vector<256xf32> to vector<1x256xf32>
    %get3A_4 = arith.constant 0 : index
    %get3A_5 = arith.constant 0 : index
    %get3A_6 = arith.constant 0 : index
    %get3A_7 = vector.load %arg3[%get3A_4, %get3A_5, %get3A_6] : memref<8x1x256xf32, #tpu.memory_space<vmem>>, vector<8x1x256xf32>
    %squeeze3A_8 = vector.shape_cast %get3A_7 : vector<8x1x256xf32> to vector<8x256xf32>
    %reduce_sum3A_9 = arith.constant dense<0.000000e+00> : vector<256xf32>
    %reduce_sum3A_10 = vector.multi_reduction <add>, %squeeze3A_8, %reduce_sum3A_9 [0] : vector<8x256xf32> to vector<256xf32>
    %broadcast_in_dim3A_11 = vector.shape_cast %reduce_sum3A_10 : vector<256xf32> to vector<1x256xf32>
    %div3A = arith.constant 1.000000e+04 : f32
    %div3A_12 = vector.broadcast %div3A : f32 to vector<1x256xf32>
    %div3A_13 = arith.divf %broadcast_in_dim3A, %div3A_12 : vector<1x256xf32>
    %div3A_14 = arith.constant 1.000000e+04 : f32
    %div3A_15 = vector.broadcast %div3A_14 : f32 to vector<1x256xf32>
    %div3A_16 = arith.divf %broadcast_in_dim3A_11, %div3A_15 : vector<1x256xf32>
    %mul3A = arith.mulf %div3A_13, %div3A_13 : vector<1x256xf32>
    %sub3A = arith.subf %div3A_16, %mul3A : vector<1x256xf32>
    %add3A = arith.constant 9.99999974E-6 : f32
    %add3A_17 = vector.broadcast %add3A : f32 to vector<1x256xf32>
    %add3A_18 = arith.addf %sub3A, %add3A_17 : vector<1x256xf32>
    %rsqrt3A = math.rsqrt %add3A_18 : vector<1x256xf32>
    %get3A_19 = arith.constant 0 : index
    %get3A_20 = arith.constant 0 : index
    %get3A_21 = vector.load %arg1[%get3A_19, %get3A_20] : memref<1280x256xf32, #tpu.memory_space<vmem>>, vector<1280x256xf32>
    %sub3A_22 = vector.broadcast %div3A_13 : vector<1x256xf32> to vector<1280x256xf32>
    %sub3A_23 = arith.subf %get3A_21, %sub3A_22 : vector<1280x256xf32>
    %mul3A_24 = vector.broadcast %rsqrt3A : vector<1x256xf32> to vector<1280x256xf32>
    %mul3A_25 = arith.mulf %sub3A_23, %mul3A_24 : vector<1280x256xf32>
    %get3A_26 = arith.constant 0 : index
    %get3A_27 = arith.constant 0 : index
    %get3A_28 = vector.load %arg5[%get3A_26, %get3A_27] : memref<1x256xf32, #tpu.memory_space<vmem>>, vector<1x256xf32>
    %mul3A_29 = vector.broadcast %get3A_28 : vector<1x256xf32> to vector<1280x256xf32>
    %mul3A_30 = arith.mulf %mul3A_25, %mul3A_29 : vector<1280x256xf32>
    %get3A_31 = arith.constant 0 : index
    %get3A_32 = arith.constant 0 : index
    %get3A_33 = vector.load %arg6[%get3A_31, %get3A_32] : memref<1x256xf32, #tpu.memory_space<vmem>>, vector<1x256xf32>
    %add3A_34 = vector.broadcast %get3A_33 : vector<1x256xf32> to vector<1280x256xf32>
    %add3A_35 = arith.addf %mul3A_30, %add3A_34 : vector<1280x256xf32>
    %max3A = arith.constant 0.000000e+00 : f32
    %max3A_36 = vector.broadcast %max3A : f32 to vector<1280x256xf32>
    %max3A_37 = arith.maximumf %add3A_35, %max3A_36 : vector<1280x256xf32>
    %get3A_38 = arith.constant 0 : index
    %get3A_39 = arith.constant 0 : index
    %get3A_40 = vector.load %arg7[%get3A_38, %get3A_39] : memref<256x128xf32, #tpu.memory_space<vmem>>, vector<256x128xf32>
    %dot_general3A = arith.constant dense<0.000000e+00> : vector<1280x128xf32>
    %dot_general3A_41 = tpu.matmul %max3A_37, %get3A_40, %dot_general3A {dimension_numbers = #tpu.dot_dimension_numbers<[1], [0], [0], [1], [0, 0, 1, 1], [], []>, transpose_lhs_hint = false} : vector<1280x256xf32>, vector<256x128xf32>, vector<1280x128xf32> -> vector<1280x128xf32>
    %get3A_42 = arith.constant 0 : index
    %get3A_43 = arith.constant 0 : index
    %get3A_44 = arith.constant 0 : index
    %get3A_45 = vector.load %arg4[%get3A_42, %get3A_43, %get3A_44] : memref<2x1280x16xf32, #tpu.memory_space<vmem>>, vector<2x1280x16xf32>
    %slice3A = vector.extract_strided_slice %get3A_45 {offsets = [0, 0, 0], sizes = [1, 1280, 1], strides = [1, 1, 1]} : vector<2x1280x16xf32> to vector<1x1280x1xf32>
    %squeeze3A_46 = vector.shape_cast %slice3A : vector<1x1280x1xf32> to vector<1280x1xf32>
    %slice3A_47 = vector.extract_strided_slice %get3A_45 {offsets = [1, 0, 0], sizes = [1, 1280, 1], strides = [1, 1, 1]} : vector<2x1280x16xf32> to vector<1x1280x1xf32>
    %squeeze3A_48 = vector.shape_cast %slice3A_47 : vector<1x1280x1xf32> to vector<1280x1xf32>
    %add3A_49 = arith.addf %squeeze3A_46, %squeeze3A_48 : vector<1280x1xf32>
    %add3A_50 = arith.constant 1.000000e+00 : f32
    %add3A_51 = vector.broadcast %add3A_50 : f32 to vector<1280x1xf32>
    %add3A_52 = arith.addf %add3A_49, %add3A_51 : vector<1280x1xf32>
    %rsqrt3A_53 = math.rsqrt %add3A_52 : vector<1280x1xf32>
    %mul3A_54 = vector.broadcast %rsqrt3A_53 : vector<1280x1xf32> to vector<1280x128xf32>
    %mul3A_55 = arith.mulf %dot_general3A_41, %mul3A_54 : vector<1280x128xf32>
    %swap3A = arith.constant 0 : index
    %swap3A_56 = arith.constant 0 : index
    %swap3A_57 = vector.load %arg8[%swap3A, %swap3A_56] : memref<1280x128xf32, #tpu.memory_space<vmem>>, vector<1280x128xf32>
    tpu.vector_store %arg8[%swap3A, %swap3A_56], %mul3A_55 {strides = array<i32>} : memref<1280x128xf32, #tpu.memory_space<vmem>>, vector<1280x128xf32>,
    return
  }
  func.func @transform_0(%arg0: i32) -> (i32, i32) {
    %c0_i32 = arith.constant 0 : i32
    %c0_i32_0 = arith.constant 0 : i32
    return %arg0, %c0_i32 : i32, i32
  }
  func.func @transform_1(%arg0: i32) -> (i32, i32, i32) {
    %c0_i32 = arith.constant 0 : i32
    %c0_i32_0 = arith.constant 0 : i32
    %c0_i32_1 = arith.constant 0 : i32
    %c0_i32_2 = arith.constant 0 : i32
    return %c0_i32, %c0_i32_0, %c0_i32_1 : i32, i32, i32
  }
  func.func @transform_2(%arg0: i32) -> (i32, i32, i32) {
    %c0_i32 = arith.constant 0 : i32
    %c0_i32_0 = arith.constant 0 : i32
    %c0_i32_1 = arith.constant 0 : i32
    %c0_i32_2 = arith.constant 0 : i32
    return %c0_i32, %c0_i32_0, %c0_i32_1 : i32, i32, i32
  }
  func.func @transform_3(%arg0: i32) -> (i32, i32, i32) {
    %c0_i32 = arith.constant 0 : i32
    %c0_i32_0 = arith.constant 0 : i32
    %c0_i32_1 = arith.constant 0 : i32
    return %c0_i32, %arg0, %c0_i32_0 : i32, i32, i32
  }
  func.func @transform_4(%arg0: i32) -> (i32, i32) {
    %c0_i32 = arith.constant 0 : i32
    %c0_i32_0 = arith.constant 0 : i32
    %c0_i32_1 = arith.constant 0 : i32
    return %c0_i32, %c0_i32_0 : i32, i32
  }
  func.func @transform_5(%arg0: i32) -> (i32, i32) {
    %c0_i32 = arith.constant 0 : i32
    %c0_i32_0 = arith.constant 0 : i32
    %c0_i32_1 = arith.constant 0 : i32
    return %c0_i32, %c0_i32_0 : i32, i32
  }
  func.func @transform_6(%arg0: i32) -> (i32, i32) {
    %c0_i32 = arith.constant 0 : i32
    %c0_i32_0 = arith.constant 0 : i32
    %c0_i32_1 = arith.constant 0 : i32
    return %c0_i32, %c0_i32_0 : i32, i32
  }
  func.func @transform_7(%arg0: i32) -> (i32, i32) {
    %c0_i32 = arith.constant 0 : i32
    %c0_i32_0 = arith.constant 0 : i32
    return %arg0, %c0_i32 : i32, i32
  }
}

module attributes {stable_mosaic.version = 14 : i64} {
  func.func @_tc_pre2_body(%arg0: i32, %arg1: memref<2x1280x128xf32, #tpu.memory_space<vmem>>, %arg2: memref<1280x128xf32, #tpu.memory_space<vmem>>, %arg3: memref<2x1280x16xf32, #tpu.memory_space<vmem>>, %arg4: memref<1x128xf32, #tpu.memory_space<vmem>>, %arg5: memref<1280x128xf32, #tpu.memory_space<vmem>>, %arg6: memref<1x1x128xf32, #tpu.memory_space<vmem>>, %arg7: memref<1x1x128xf32, #tpu.memory_space<vmem>>) attributes {dimension_semantics = [#tpu.dimension_semantics<arbitrary>], iteration_bounds = array<i64: 8>, scalar_prefetch = 0 : i64, scratch_operands = 0 : i64, tpu.core_type = #tpu.core_type<tc>, window_params = [{transform_indices = @transform_0, window_bounds = array<i64: 2, 1280, 128>}, {transform_indices = @transform_1, window_bounds = array<i64: 1280, 128>}, {transform_indices = @transform_2, window_bounds = array<i64: 2, 1280, 16>}, {pipeline_mode = #tpu.pipeline_mode<synchronous>, transform_indices = @transform_3, window_bounds = array<i64: 1, 128>}, {transform_indices = @transform_4, window_bounds = array<i64: 1280, 128>}, {transform_indices = @transform_5, window_bounds = array<i64: 1, 1, 128>}, {transform_indices = @transform_6, window_bounds = array<i64: 1, 1, 128>}]} {
    %get3A = arith.constant 0 : index
    %get3A_0 = arith.constant 0 : index
    %get3A_1 = arith.constant 0 : index
    %get3A_2 = vector.load %arg3[%get3A, %get3A_0, %get3A_1] : memref<2x1280x16xf32, #tpu.memory_space<vmem>>, vector<2x1280x16xf32>
    %slice3A = vector.extract_strided_slice %get3A_2 {offsets = [0, 0, 0], sizes = [1, 1280, 1], strides = [1, 1, 1]} : vector<2x1280x16xf32> to vector<1x1280x1xf32>
    %squeeze3A = vector.shape_cast %slice3A : vector<1x1280x1xf32> to vector<1280x1xf32>
    %slice3A_3 = vector.extract_strided_slice %get3A_2 {offsets = [1, 0, 0], sizes = [1, 1280, 1], strides = [1, 1, 1]} : vector<2x1280x16xf32> to vector<1x1280x1xf32>
    %squeeze3A_4 = vector.shape_cast %slice3A_3 : vector<1x1280x1xf32> to vector<1280x1xf32>
    %add3A = arith.addf %squeeze3A, %squeeze3A_4 : vector<1280x1xf32>
    %add3A_5 = arith.constant 1.000000e+00 : f32
    %add3A_6 = vector.broadcast %add3A_5 : f32 to vector<1280x1xf32>
    %add3A_7 = arith.addf %add3A, %add3A_6 : vector<1280x1xf32>
    %rsqrt3A = math.rsqrt %add3A_7 : vector<1280x1xf32>
    %get3A_8 = arith.constant 0 : index
    %get3A_9 = arith.constant 0 : index
    %get3A_10 = arith.constant 0 : index
    %get3A_11 = vector.load %arg1[%get3A_8, %get3A_9, %get3A_10] : memref<2x1280x128xf32, #tpu.memory_space<vmem>>, vector<2x1280x128xf32>
    %slice3A_12 = vector.extract_strided_slice %get3A_11 {offsets = [0, 0, 0], sizes = [1, 1280, 128], strides = [1, 1, 1]} : vector<2x1280x128xf32> to vector<1x1280x128xf32>
    %squeeze3A_13 = vector.shape_cast %slice3A_12 : vector<1x1280x128xf32> to vector<1280x128xf32>
    %slice3A_14 = vector.extract_strided_slice %get3A_11 {offsets = [1, 0, 0], sizes = [1, 1280, 128], strides = [1, 1, 1]} : vector<2x1280x128xf32> to vector<1x1280x128xf32>
    %squeeze3A_15 = vector.shape_cast %slice3A_14 : vector<1x1280x128xf32> to vector<1280x128xf32>
    %add3A_16 = arith.addf %squeeze3A_13, %squeeze3A_15 : vector<1280x128xf32>
    %get3A_17 = arith.constant 0 : index
    %get3A_18 = arith.constant 0 : index
    %get3A_19 = vector.load %arg2[%get3A_17, %get3A_18] : memref<1280x128xf32, #tpu.memory_space<vmem>>, vector<1280x128xf32>
    %add3A_20 = arith.addf %add3A_16, %get3A_19 : vector<1280x128xf32>
    %mul3A = vector.broadcast %rsqrt3A : vector<1280x1xf32> to vector<1280x128xf32>
    %mul3A_21 = arith.mulf %add3A_20, %mul3A : vector<1280x128xf32>
    %get3A_22 = arith.constant 0 : index
    %get3A_23 = arith.constant 0 : index
    %get3A_24 = vector.load %arg4[%get3A_22, %get3A_23] : memref<1x128xf32, #tpu.memory_space<vmem>>, vector<1x128xf32>
    %add3A_25 = vector.broadcast %get3A_24 : vector<1x128xf32> to vector<1280x128xf32>
    %add3A_26 = arith.addf %mul3A_21, %add3A_25 : vector<1280x128xf32>
    %swap3A = arith.constant 0 : index
    %swap3A_27 = arith.constant 0 : index
    %swap3A_28 = vector.load %arg5[%swap3A, %swap3A_27] : memref<1280x128xf32, #tpu.memory_space<vmem>>, vector<1280x128xf32>
    tpu.vector_store %arg5[%swap3A, %swap3A_27], %add3A_26 {strides = array<i32>} : memref<1280x128xf32, #tpu.memory_space<vmem>>, vector<1280x128xf32>,
    %mul3A_29 = arith.constant 1280 : i32
    %mul3A_30 = arith.muli %arg0, %mul3A_29 : i32
    %iota3A = tpu.iota {dimensions = array<i32: 0>} : vector<1280x1xi32>
    %add3A_31 = vector.broadcast %mul3A_30 : i32 to vector<1280x1xi32>
    %add3A_32 = arith.addi %add3A_31, %iota3A : vector<1280x1xi32>
    %lt3A = arith.constant 10000 : i32
    %lt3A_33 = vector.broadcast %lt3A : i32 to vector<1280x1xi32>
    %lt3A_34 = arith.cmpi slt, %add3A_32, %lt3A_33 : vector<1280x1xi32>
    %jit3A = arith.constant 0.000000e+00 : f32
    %broadcast_in_dim3A = vector.shape_cast %lt3A_34 : vector<1280x1xi1> to vector<1280x1xi1>
    %broadcast_in_dim3A_35 = vector.broadcast %broadcast_in_dim3A : vector<1280x1xi1> to vector<1280x128xi1>
    %broadcast_in_dim3A_36 = vector.broadcast %jit3A : f32 to vector<1280x128xf32>
    %select_n3A = arith.select %broadcast_in_dim3A_35, %add3A_26, %broadcast_in_dim3A_36 : vector<1280x128xi1>, vector<1280x128xf32>
    %reduce_sum3A = arith.constant dense<0.000000e+00> : vector<128xf32>
    %reduce_sum3A_37 = vector.multi_reduction <add>, %select_n3A, %reduce_sum3A [0] : vector<1280x128xf32> to vector<128xf32>
    %swap3A_38 = arith.constant 0 : index
    %swap3A_39 = arith.constant 0 : index
    %swap3A_40 = arith.constant 0 : index
    %swap3A_41 = vector.load %arg6[%swap3A_38, %swap3A_39, %swap3A_40] : memref<1x1x128xf32, #tpu.memory_space<vmem>>, vector<1x1x128xf32>
    %swap3A_42 = vector.shape_cast %swap3A_41 : vector<1x1x128xf32> to vector<128xf32>
    %swap3A_43 = vector.shape_cast %reduce_sum3A_37 : vector<128xf32> to vector<1x1x128xf32>
    tpu.vector_store %arg6[%swap3A_38, %swap3A_39, %swap3A_40], %swap3A_43 {strides = array<i32>} : memref<1x1x128xf32, #tpu.memory_space<vmem>>, vector<1x1x128xf32>,
    %mul3A_44 = arith.mulf %select_n3A, %select_n3A : vector<1280x128xf32>
    %reduce_sum3A_45 = arith.constant dense<0.000000e+00> : vector<128xf32>
    %reduce_sum3A_46 = vector.multi_reduction <add>, %mul3A_44, %reduce_sum3A_45 [0] : vector<1280x128xf32> to vector<128xf32>
    %swap3A_47 = arith.constant 0 : index
    %swap3A_48 = arith.constant 0 : index
    %swap3A_49 = arith.constant 0 : index
    %swap3A_50 = vector.load %arg7[%swap3A_47, %swap3A_48, %swap3A_49] : memref<1x1x128xf32, #tpu.memory_space<vmem>>, vector<1x1x128xf32>
    %swap3A_51 = vector.shape_cast %swap3A_50 : vector<1x1x128xf32> to vector<128xf32>
    %swap3A_52 = vector.shape_cast %reduce_sum3A_46 : vector<128xf32> to vector<1x1x128xf32>
    tpu.vector_store %arg7[%swap3A_47, %swap3A_48, %swap3A_49], %swap3A_52 {strides = array<i32>} : memref<1x1x128xf32, #tpu.memory_space<vmem>>, vector<1x1x128xf32>,
    return
  }
  func.func @transform_0(%arg0: i32) -> (i32, i32, i32) {
    %c0_i32 = arith.constant 0 : i32
    %c0_i32_0 = arith.constant 0 : i32
    %c0_i32_1 = arith.constant 0 : i32
    return %c0_i32, %arg0, %c0_i32_0 : i32, i32, i32
  }
  func.func @transform_1(%arg0: i32) -> (i32, i32) {
    %c0_i32 = arith.constant 0 : i32
    %c0_i32_0 = arith.constant 0 : i32
    return %arg0, %c0_i32 : i32, i32
  }
  func.func @transform_2(%arg0: i32) -> (i32, i32, i32) {
    %c0_i32 = arith.constant 0 : i32
    %c0_i32_0 = arith.constant 0 : i32
    %c0_i32_1 = arith.constant 0 : i32
    return %c0_i32, %arg0, %c0_i32_0 : i32, i32, i32
  }
  func.func @transform_3(%arg0: i32) -> (i32, i32) {
    %c0_i32 = arith.constant 0 : i32
    %c0_i32_0 = arith.constant 0 : i32
    %c0_i32_1 = arith.constant 0 : i32
    return %c0_i32, %c0_i32_0 : i32, i32
  }
  func.func @transform_4(%arg0: i32) -> (i32, i32) {
    %c0_i32 = arith.constant 0 : i32
    %c0_i32_0 = arith.constant 0 : i32
    return %arg0, %c0_i32 : i32, i32
  }
  func.func @transform_5(%arg0: i32) -> (i32, i32, i32) {
    %c0_i32 = arith.constant 0 : i32
    %c0_i32_0 = arith.constant 0 : i32
    %c0_i32_1 = arith.constant 0 : i32
    return %arg0, %c0_i32, %c0_i32_0 : i32, i32, i32
  }
  func.func @transform_6(%arg0: i32) -> (i32, i32, i32) {
    %c0_i32 = arith.constant 0 : i32
    %c0_i32_0 = arith.constant 0 : i32
    %c0_i32_1 = arith.constant 0 : i32
    return %arg0, %c0_i32, %c0_i32_0 : i32, i32, i32
  }
}

module attributes {stable_mosaic.version = 14 : i64} {
  func.func @_tc_c2_body(%arg0: i32, %arg1: memref<1280x128xf32, #tpu.memory_space<vmem>>, %arg2: memref<8x1x128xf32, #tpu.memory_space<vmem>>, %arg3: memref<8x1x128xf32, #tpu.memory_space<vmem>>, %arg4: memref<1x128xf32, #tpu.memory_space<vmem>>, %arg5: memref<1x128xf32, #tpu.memory_space<vmem>>, %arg6: memref<1280x128xf32, #tpu.memory_space<vmem>>) attributes {dimension_semantics = [#tpu.dimension_semantics<arbitrary>], iteration_bounds = array<i64: 8>, scalar_prefetch = 0 : i64, scratch_operands = 0 : i64, tpu.core_type = #tpu.core_type<tc>, window_params = [{transform_indices = @transform_0, window_bounds = array<i64: 1280, 128>}, {pipeline_mode = #tpu.pipeline_mode<synchronous>, transform_indices = @transform_1, window_bounds = array<i64: 8, 1, 128>}, {pipeline_mode = #tpu.pipeline_mode<synchronous>, transform_indices = @transform_2, window_bounds = array<i64: 8, 1, 128>}, {pipeline_mode = #tpu.pipeline_mode<synchronous>, transform_indices = @transform_3, window_bounds = array<i64: 1, 128>}, {pipeline_mode = #tpu.pipeline_mode<synchronous>, transform_indices = @transform_4, window_bounds = array<i64: 1, 128>}, {transform_indices = @transform_5, window_bounds = array<i64: 1280, 128>}]} {
    %get3A = arith.constant 0 : index
    %get3A_0 = arith.constant 0 : index
    %get3A_1 = arith.constant 0 : index
    %get3A_2 = vector.load %arg2[%get3A, %get3A_0, %get3A_1] : memref<8x1x128xf32, #tpu.memory_space<vmem>>, vector<8x1x128xf32>
    %squeeze3A = vector.shape_cast %get3A_2 : vector<8x1x128xf32> to vector<8x128xf32>
    %reduce_sum3A = arith.constant dense<0.000000e+00> : vector<128xf32>
    %reduce_sum3A_3 = vector.multi_reduction <add>, %squeeze3A, %reduce_sum3A [0] : vector<8x128xf32> to vector<128xf32>
    %broadcast_in_dim3A = vector.shape_cast %reduce_sum3A_3 : vector<128xf32> to vector<1x128xf32>
    %get3A_4 = arith.constant 0 : index
    %get3A_5 = arith.constant 0 : index
    %get3A_6 = arith.constant 0 : index
    %get3A_7 = vector.load %arg3[%get3A_4, %get3A_5, %get3A_6] : memref<8x1x128xf32, #tpu.memory_space<vmem>>, vector<8x1x128xf32>
    %squeeze3A_8 = vector.shape_cast %get3A_7 : vector<8x1x128xf32> to vector<8x128xf32>
    %reduce_sum3A_9 = arith.constant dense<0.000000e+00> : vector<128xf32>
    %reduce_sum3A_10 = vector.multi_reduction <add>, %squeeze3A_8, %reduce_sum3A_9 [0] : vector<8x128xf32> to vector<128xf32>
    %broadcast_in_dim3A_11 = vector.shape_cast %reduce_sum3A_10 : vector<128xf32> to vector<1x128xf32>
    %div3A = arith.constant 1.000000e+04 : f32
    %div3A_12 = vector.broadcast %div3A : f32 to vector<1x128xf32>
    %div3A_13 = arith.divf %broadcast_in_dim3A, %div3A_12 : vector<1x128xf32>
    %div3A_14 = arith.constant 1.000000e+04 : f32
    %div3A_15 = vector.broadcast %div3A_14 : f32 to vector<1x128xf32>
    %div3A_16 = arith.divf %broadcast_in_dim3A_11, %div3A_15 : vector<1x128xf32>
    %mul3A = arith.mulf %div3A_13, %div3A_13 : vector<1x128xf32>
    %sub3A = arith.subf %div3A_16, %mul3A : vector<1x128xf32>
    %add3A = arith.constant 9.99999974E-6 : f32
    %add3A_17 = vector.broadcast %add3A : f32 to vector<1x128xf32>
    %add3A_18 = arith.addf %sub3A, %add3A_17 : vector<1x128xf32>
    %rsqrt3A = math.rsqrt %add3A_18 : vector<1x128xf32>
    %get3A_19 = arith.constant 0 : index
    %get3A_20 = arith.constant 0 : index
    %get3A_21 = vector.load %arg1[%get3A_19, %get3A_20] : memref<1280x128xf32, #tpu.memory_space<vmem>>, vector<1280x128xf32>
    %sub3A_22 = vector.broadcast %div3A_13 : vector<1x128xf32> to vector<1280x128xf32>
    %sub3A_23 = arith.subf %get3A_21, %sub3A_22 : vector<1280x128xf32>
    %mul3A_24 = vector.broadcast %rsqrt3A : vector<1x128xf32> to vector<1280x128xf32>
    %mul3A_25 = arith.mulf %sub3A_23, %mul3A_24 : vector<1280x128xf32>
    %get3A_26 = arith.constant 0 : index
    %get3A_27 = arith.constant 0 : index
    %get3A_28 = vector.load %arg4[%get3A_26, %get3A_27] : memref<1x128xf32, #tpu.memory_space<vmem>>, vector<1x128xf32>
    %mul3A_29 = vector.broadcast %get3A_28 : vector<1x128xf32> to vector<1280x128xf32>
    %mul3A_30 = arith.mulf %mul3A_25, %mul3A_29 : vector<1280x128xf32>
    %get3A_31 = arith.constant 0 : index
    %get3A_32 = arith.constant 0 : index
    %get3A_33 = vector.load %arg5[%get3A_31, %get3A_32] : memref<1x128xf32, #tpu.memory_space<vmem>>, vector<1x128xf32>
    %add3A_34 = vector.broadcast %get3A_33 : vector<1x128xf32> to vector<1280x128xf32>
    %add3A_35 = arith.addf %mul3A_30, %add3A_34 : vector<1280x128xf32>
    %swap3A = arith.constant 0 : index
    %swap3A_36 = arith.constant 0 : index
    %swap3A_37 = vector.load %arg6[%swap3A, %swap3A_36] : memref<1280x128xf32, #tpu.memory_space<vmem>>, vector<1280x128xf32>
    tpu.vector_store %arg6[%swap3A, %swap3A_36], %add3A_35 {strides = array<i32>} : memref<1280x128xf32, #tpu.memory_space<vmem>>, vector<1280x128xf32>,
    return
  }
  func.func @transform_0(%arg0: i32) -> (i32, i32) {
    %c0_i32 = arith.constant 0 : i32
    %c0_i32_0 = arith.constant 0 : i32
    return %arg0, %c0_i32 : i32, i32
  }
  func.func @transform_1(%arg0: i32) -> (i32, i32, i32) {
    %c0_i32 = arith.constant 0 : i32
    %c0_i32_0 = arith.constant 0 : i32
    %c0_i32_1 = arith.constant 0 : i32
    %c0_i32_2 = arith.constant 0 : i32
    return %c0_i32, %c0_i32_0, %c0_i32_1 : i32, i32, i32
  }
  func.func @transform_2(%arg0: i32) -> (i32, i32, i32) {
    %c0_i32 = arith.constant 0 : i32
    %c0_i32_0 = arith.constant 0 : i32
    %c0_i32_1 = arith.constant 0 : i32
    %c0_i32_2 = arith.constant 0 : i32
    return %c0_i32, %c0_i32_0, %c0_i32_1 : i32, i32, i32
  }
  func.func @transform_3(%arg0: i32) -> (i32, i32) {
    %c0_i32 = arith.constant 0 : i32
    %c0_i32_0 = arith.constant 0 : i32
    %c0_i32_1 = arith.constant 0 : i32
    return %c0_i32, %c0_i32_0 : i32, i32
  }
  func.func @transform_4(%arg0: i32) -> (i32, i32) {
    %c0_i32 = arith.constant 0 : i32
    %c0_i32_0 = arith.constant 0 : i32
    %c0_i32_1 = arith.constant 0 : i32
    return %c0_i32, %c0_i32_0 : i32, i32
  }
  func.func @transform_5(%arg0: i32) -> (i32, i32) {
    %c0_i32 = arith.constant 0 : i32
    %c0_i32_0 = arith.constant 0 : i32
    return %arg0, %c0_i32 : i32, i32
  }
}

</mosaic_0001>

<sc_bundles>
// kernel: kernel.10.cloned.1.call-start
scs
__scs_entry_jumppad:
0x0: {  	(pc) =	sbr.rel $0x88, $3  }
0x1: {  	(tag) =	ssettag $0x0;
	lr =	simm.s32 $0x1  }
0x2: {  	[smem:$0x3F97] =	sst lr;
	_ =	strace $0xD0000000  }
0x3: {  	_ = 	snop  }
0x4: {  	_ = 	snop  }
0x5: {  	_ = 	snop  }
0x6: {  	_ = 	snop  }
0x7: {  	_ = 	snop  }
__scs_overlays_trampoline_lowered:
0x8: {  	[smem:$0x3FA6] =	sst s0  }
0x9: {  	[smem:$0x3FA7] =	sst s1  }
0xa: {  	[smem:$0x3FA8] =	sst s2  }
0xb: {  	[smem:$0x3FA9] =	sst s3  }
0xc: {  	[smem:$0x3FAA] =	sst s4  }
0xd: {  	[smem:$0x3FAB] =	sst s5  }
0xe: {  	[smem:$0x3FAC] =	sst s6  }
0xf: {  	[smem:$0x3FAD] =	sst s7  }
0x10: {  	[smem:$0x3FAE] =	sst s8  }
0x11: {  	[smem:$0x3FAF] =	sst s9;
	s0 =	simm.s32 @!p0 $0x0  }
0x12: {  	s1 =	sld [smem:$0x3F95];
	s0 =	simm.s32 @p0 $0x1  }
0x13: {  	[smem:$0x3FB0] =	sst s0;
	s0 =	simm.s32 @!p1 $0x0  }
0x14: {  	s2 =	sld [smem:$0x3F94];
	s0 =	simm.s32 @p1 $0x1  }
0x15: {  	[smem:$0x3FB1] =	sst s0;
	s0 =	simm.s32 @!p2 $0x0  }
0x16: {  	s3 =	sld [smem:$0x3FDB];
	s0 =	simm.s32 @p2 $0x1  }
0x17: {  	s4 =	simm.s32 $0x1BF5;
	[smem:$0x3FB3] =	sst s0  }
0x18: {  	s0 =	sld [smem:$0x3F96];
	_ =	swait.ge [sflag:s4], $0x0  }
0x19: {  	s7 =	sld [smem:$0x3F97]  }
0x1a: {  	s8 =	sadd.s32 $0xFFFFE003, lr  }
0x1b: {  	s9 =	sadd.s32 $0xFFFFFEF7, lr;
	s5 =	simm.s32 $0xFFFFFFFF;
	p2 =	slt.u32 s8, $0xFFFFF086  }
0x1c: {  	p1 =	slt.u32 s9, $0xF7A;
	s5 =	simm.s32 @!p2 $0x0  }
0x1d: {  	s5 =	simm.s32 @p1 $0x1;
	p0 =	seq.s32 s7, s2  }
0x1e: {  	s7 =	smul.u32 @!p0 $0xF7A, s2;
	p2 =	seq.s32 @!p0 s5, $0x0  }
0x1f: {  	s9 =	smul.u32 $0xF7A, s1;
	s8 =	simm.s32 @!p0 $0x1BF5;
	p2 =	por !p2, p0  }
0x20: {  	[sflag:s8] =	ssyncset.s32 @!p0 $0xFFFFF086;
	s6 =	sadd.s32 @!p0 s3, s7;
	s7 =	simm.s32 @!p0 $0x108  }
0x21: {  	s3 =	sadd.s32 s3, s9;
	s6 =	sadd.s32 @!p0 $0x88, s6;
	s7 =	simm.s32 @p2 $0x1082  }
0x22: {  	[simem:s7], [sflag:s8] =	dma.local @!p0 [hbm:s6], $0xF7A  }
0x23: {  	s9 =	sor.u32 $0xD0000000, s2;
	s6 =	simm.s32 $0x108;
	_ =	swait.ge @!p0 [sflag:s8], $0x0  }
0x24: {  	s3 =	sadd.s32 $0x88, s3;
	s6 =	simm.s32 @!p1 $0x1082;
	[sflag:s4] =	ssyncset.s32 $0xFFFFF086  }
0x25: {  	[simem:s6], [sflag:s4] =	dma.local [hbm:s3], $0xF7A  }
0x26: {  	[smem:$0x3F97] =	sst s1;
	(tag) =	ssettag s2;
	_ =	strace s9  }
0x27: {  	s1 =	sld [smem:$0x3FA7]  }
0x28: {  	s2 =	sld [smem:$0x3FA8]  }
0x29: {  	s4 =	sld [smem:$0x3FAA]  }
0x2a: {  	p0 =	seq.s32 s5, $0x0;
	s5 =	sld [smem:$0x3FAB]  }
0x2b: {  	s6 =	sld [smem:$0x3FAC]  }
0x2c: {  	s7 =	sld [smem:$0x3FAD]  }
0x2d: {  	s3 =	simm.s32 $0x108;
	s8 =	sld [smem:$0x3FAE]  }
0x2e: {  	s3 =	simm.s32 @!p0 $0x1082;
	s9 =	sld [smem:$0x3FAF]  }
0x2f: {  	lr =	sadd.s32 s0, s3;
	s0 =	sld [smem:$0x3FA6]  }
0x30: {  	s3 =	sld [smem:$0x3FA9]  }
0x31: {  	[smem:$0x3FB2] =	sst s10  }
0x32: {  	s10 =	sld [smem:$0x3FB0];
	_ =	sdelay $0x3  }
0x33: {  	p0 =	seq.s32 s10, $0x1;
	s10 =	sld [smem:$0x3FB2];
	_ =	sdelay $0x3  }
0x34: {  	[smem:$0x3FB2] =	sst s10  }
0x35: {  	s10 =	sld [smem:$0x3FB1];
	_ =	sdelay $0x3  }
0x36: {  	p1 =	seq.s32 s10, $0x1;
	s10 =	sld [smem:$0x3FB2];
	_ =	sdelay $0x3  }
0x37: {  	[smem:$0x3FB2] =	sst s10  }
0x38: {  	s10 =	sld [smem:$0x3FB3]  }
0x39: {  	_ = 	snop;
	(pc) =	sbr.ind lr, $3  }
0x3a: {  	_ = 	snop  }
0x3b: {  	_ = 	snop  }
0x3c: {  	p2 =	seq.s32 s10, $0x1;
	s10 =	sld [smem:$0x3FB2]  }
0x3d: {  	_ =	shalt  }
0x3e: {  	_ =	shalt  }
0x3f: {  	_ =	shalt  }
0x40: {  	_ =	shalt  }
0x41: {  	_ =	shalt  }
0x42: {  	_ =	shalt  }
0x43: {  	_ =	shalt  }
0x44: {  	_ =	shalt  }
0x45: {  	_ =	shalt  }
0x46: {  	_ =	shalt  }
0x47: {  	_ =	shalt  }
0x48: {  	_ =	shalt  }
0x49: {  	_ =	shalt  }
0x4a: {  	_ =	shalt  }
0x4b: {  	_ =	shalt  }
0x4c: {  	_ =	shalt  }
0x4d: {  	_ =	shalt  }
0x4e: {  	_ =	shalt  }
0x4f: {  	_ =	shalt  }
0x50: {  	_ =	shalt  }
0x51: {  	_ =	shalt  }
0x52: {  	_ =	shalt  }
0x53: {  	_ =	shalt  }
0x54: {  	_ =	shalt  }
0x55: {  	_ =	shalt  }
0x56: {  	_ =	shalt  }
0x57: {  	_ =	shalt  }
0x58: {  	_ =	shalt  }
0x59: {  	_ =	shalt  }
0x5a: {  	_ =	shalt  }
0x5b: {  	_ =	shalt  }
0x5c: {  	_ =	shalt  }
0x5d: {  	_ =	shalt  }
0x5e: {  	_ =	shalt  }
0x5f: {  	_ =	shalt  }
0x60: {  	_ =	shalt  }
0x61: {  	_ =	shalt  }
0x62: {  	_ =	shalt  }
0x63: {  	_ =	shalt  }
0x64: {  	_ =	shalt  }
0x65: {  	_ =	shalt  }
0x66: {  	_ =	shalt  }
0x67: {  	_ =	shalt  }
0x68: {  	_ =	shalt  }
0x69: {  	_ =	shalt  }
0x6a: {  	_ =	shalt  }
0x6b: {  	_ =	shalt  }
0x6c: {  	_ =	shalt  }
0x6d: {  	_ =	shalt  }
0x6e: {  	_ =	shalt  }
0x6f: {  	_ =	shalt  }
0x70: {  	_ =	shalt  }
0x71: {  	_ =	shalt  }
0x72: {  	_ =	shalt  }
0x73: {  	_ =	shalt  }
0x74: {  	_ =	shalt  }
0x75: {  	_ =	shalt  }
0x76: {  	_ =	shalt  }
0x77: {  	_ =	shalt  }
0x78: {  	_ =	shalt  }
0x79: {  	_ =	shalt  }
0x7a: {  	_ =	shalt  }
0x7b: {  	_ =	shalt  }
0x7c: {  	_ =	shalt  }
0x7d: {  	_ =	shalt  }
0x7e: {  	_ =	shalt  }
0x7f: {  	_ =	shalt  }
0x80: {  	_ =	shalt  }
0x81: {  	_ =	shalt  }
0x82: {  	_ =	shalt  }
0x83: {  	_ =	shalt  }
0x84: {  	_ =	shalt  }
0x85: {  	_ =	shalt  }
0x86: {  	_ =	shalt  }
0x87: {  	_ =	shalt  }
.Lfunc_end0:
.L_simem_size_0:
called_computation_lowered:
.L_overlay_start_0:
0x88: {  	s2 =	sld [smem:$0x3FD9]  }
0x89: {  	s3 =	sld [smem:$0x3FFE];
	_ =	sdelay $0x1  }
0x8a: {  	s1 =	srdreg.scid  }
0x8b: {  	s0 =	sand.u32 $0x1, s1  }
0x8c: {  	s16 =	sshll.u32 s0, $0xA;
	s2 =	sadd.s32 s3, s2  }
0x8d: {  	s2 =	sadd.s32 s2, s16  }
0x8e: {  	[smem:$0x3FBE] =	sst s2  }
0x8f: {  	_ = 	snop  }
0x90: {  	(tm) =	ssettm $0x1  }
0x91: {  	s17 =	sld [smem:$0x3FFB];
	_ =	sdelay $0x3  }
0x92: {  	_ =	strace s17  }
0x93: {  	s2 =	sld [smem:$0x3FFC];
	_ =	sdelay $0x3  }
0x94: {  	_ =	strace s2  }
0x95: {  	s2 =	sld [smem:$0x3FFD];
	_ =	sdelay $0x3  }
0x96: {  	_ =	strace s2  }
0x97: {  	_ =	strace $0x8FFFFFFF  }
0x98: {  	s18 =	sld [smem:$0x3FDB];
	_ =	sdelay $0x1  }
0x99: {  	s19 =	simm.s32 $_scs_section_size  }
0x9a: {  	s4 =	simm.s32 $_size__tile_overlayer_lowered;
	s5 =	simm.s32 $_tile_overlayer_lowered  }
0x9b: {  	s22 =	simm.s32 $0x1BFF;
	s21 =	sshll.u32 s5, $0x1;
	s2 =	sadd.s32 s19, s18  }
0x9c: {  	s6 =	simm.s32 $0x0;
	s20 =	sshll.u32 s4, $0x1;
	s4 =	sadd.s32 s21, s2  }
0x9d: {  	[timem:s6], [sflag:s22] =	dma.local [hbm:s4], s20  }
0x9e: {  	_ =	swait.ge [sflag:s22], s20  }
0x9f: {  	s3 =	ssub.s32 $0x0, s20;
	[sflag:s22] =	ssyncset.done $0x0  }
0xa0: {  	[sflag:s22] =	ssyncadd.s32 s3;
	_ =	sdelay $0x1  }
0xa1: {  	s23 =	simm.s32 $0x1B8B  }
0xa2: {  	_ =	swait.ge [sflag:s23], $0x1  }
0xa3: {  	[sflag:s23] =	ssyncset.done $0x0  }
0xa4: {  	s25 =	simm.s32 $0x1B8E;
	s24 =	sld [smem:$0x3FFE];
	[sflag:s23] =	ssyncadd.s32 $0xFFFFFFFF  }
0xa5: {  	s26 =	simm.s32 $execute0_lowered;
	[smem:$0x3FD2] =	sst s25  }
0xa6: {  	s4 =	sshll.u32 s26, $0x1;
	_ =	strace $0x80000046;
	[dreg:$0x1] =	wrdreg $0xFFFFFFFF  }
0xa7: {  	s28 =	simm.s32 $_size_execute0_lowered;
	s2 =	sadd.s32 s2, s4;
	[dreg:$0x0] =	wrdreg $0x0  }
0xa8: {  	s4 =	sshll.u32 s28, $0x1;
	[dreg:$0x2] =	wrdreg s2  }
0xa9: {  	[dreg:$0x3] =	wrdreg s4  }
0xaa: {  	[dreg:$0x4] =	wrdreg $0xC0  }
0xab: {  	_ =	task [dreg:s6], $0x5FFFF  }
0xac: {  	[dreg:$0x1] =	wrdreg $0xFFFFFFFF  }
0xad: {  	[dreg:$0x0] =	wrdreg $0x60  }
0xae: {  	[dreg:$0x2] =	wrdreg s24  }
0xaf: {  	[dreg:$0x3] =	wrdreg $0x7A000  }
0xb0: {  	[dreg:$0x4] =	wrdreg $0x9  }
0xb1: {  	_ =	task.clear_ibuf [dreg:s6], $0x5FFFF;
	_ =	strace $0x90000046  }
0xb2: {  	s29 =	simm.s32 $0x9;
	_ =	strace $0x80000048  }
0xb3: {  	_ =	swait.ge [sflag:s29], $0x1  }
0xb4: {  	[sflag:s29] =	ssyncadd.s32 $0xFFFFFFFF  }
0xb5: {  	_ =	strace $0x90000048  }
0xb6: {  	_ =	sfence  }
0xb7: {  	s30 =	sld [smem:$0x0];
	_ =	sdelay $0x2  }
0xb8: {  	s31 =	sshll.u32 s1, $0xD;
	s1 =	sshrl.u32 s1, $0x2  }
0xb9: {  	s3 =	sand.u32 $0x4000, s31;
	s1 =	sadd.s32 s1, s30  }
0xba: {  	s0 =	sor.u32 s3, s0;
	s1 =	sshll.u32 s1, $0x11  }
0xbb: {  	s0 =	sor.u32 s1, s0  }
0xbc: {  	s0 =	sadd.s32 $0x8F2B, s0  }
0xbd: {  	[sflag:s0] =	ssyncadd.remote.s32 $0x1  }
0xbe: {  	_ =	sfence.sel $0xFFFF  }
0xbf: {  	[dreg:$0x0] =	wrdreg $0xFFFFFFFF;
	(pc) =	sbr.abs _section_cstart, $3  }
0xc0: {  	[dreg:$0x1] =	wrdreg $0xFFFFFFFF  }
0xc1: {  	_ =	task.clear_ibuf [dreg:s6], $0x2FFFF;
	_ =	strace $0x9FFFFFFF  }
0xc2: {  	(tm) =	ssettm $0x7FFFFFFF  }
0xc3: {  	_ =	shalt  }
tec
execute0_lowered:
.L_overlay_start_1:
0x0: {  	(tag) =	ssettag $0x1  }
0x1: {  	s0 =	srdreg.scid  }
0x2: {  	s8 =	stileid.u32;
	s1 =	rddreg [dreg:$0x0]  }
0x3: {  	s4 =	rddreg [dreg:$0x1];
	s7 =	simm.s32 $0x0;
	s11 =	smul.u32 $0x500, s8  }
0x4: {  	s0 =	sand.u32 $0x1, s0;
	s2 =	sshrl.u32 s8, $0x3;
	s13 =	smul.u32 $0x5000, s8  }
0x5: {  	s6 =	sshll.u32 s8, $0x7;
	[smem:$0x7FF] =	sst s7;
	s3 =	smul.u32 $0x27800, s0  }
0x6: {  	s5 =	smul.u32 $0x13C00, s2;
	s6 =	sand.u32 $0x380, s6;
	_ =	strace $0x80000047  }
0x7: {  	s12 =	sshll.u32 s0, $0x7;
	s2 =	smul.u32 $0x50000, s2;
	s0 =	ssub.s32 $0x2, s0  }
0x8: {  	s14 =	sshrl.u32 s0, $0x1;
	s15 =	sshrl.u32 s13, $0x2;
	s3 =	sadd.s32 s3, s5  }
0x9: {  	s5 =	sor.u32 s12, s11;
	s2 =	sshrl.u32 s2, $0x2;
	s0 =	ssub.s32 s0, s14  }
0xa: {  	s3 =	sor.u32 s6, s3;
	s5 =	sshrl.u32 s5, $0x3;
	s2 =	sadd.s32 s2, s4  }
0xb: {  	s0 =	smax.u32 s0, $0x1;
	s3 =	sshrl.u32 s3, $0x3;
	s2 =	sadd.s32 s6, s2  }
0xc: {  	[dreg:$0x15] =	wrdreg s0;
	s3 =	sadd.s32 s3, s1;
	s1 =	sadd.s32 s5, s1  }
0xd: {  	[dreg:$0x4] =	wrdreg s2;
	s5 =	sadd.s32 s15, s4;
	s3 =	sadd.s32 $0x2A00, s3  }
0xe: {  	s16 =	sadd.s32 $0x80, s5;
	[dreg:$0x3] =	wrdreg s3  }
0xf: {  	s17 =	sadd.s32 $0x100, s5;
	[dreg:$0x5] =	wrdreg s16  }
0x10: {  	s18 =	sadd.s32 $0x180, s5;
	[dreg:$0x6] =	wrdreg s17  }
0x11: {  	s19 =	sadd.s32 $0x200, s5;
	[dreg:$0x7] =	wrdreg s18  }
0x12: {  	s20 =	sadd.s32 $0x280, s5;
	[dreg:$0x8] =	wrdreg s19  }
0x13: {  	s21 =	sadd.s32 $0x300, s5;
	[dreg:$0x9] =	wrdreg s20  }
0x14: {  	s22 =	sadd.s32 $0x380, s5;
	[dreg:$0xa] =	wrdreg s21  }
0x15: {  	s23 =	sadd.s32 $0x14000, s5;
	[dreg:$0xb] =	wrdreg s22  }
0x16: {  	s24 =	sadd.s32 $0x14080, s5;
	[dreg:$0xc] =	wrdreg s23  }
0x17: {  	s25 =	sadd.s32 $0x14100, s5;
	[dreg:$0xd] =	wrdreg s24  }
0x18: {  	s26 =	sadd.s32 $0x14180, s5;
	[dreg:$0xe] =	wrdreg s25  }
0x19: {  	s4 =	sadd.s32 $0x14280, s5;
	[dreg:$0xf] =	wrdreg s26  }
0x1a: {  	s6 =	sadd.s32 $0x14300, s5;
	[dreg:$0x11] =	wrdreg s4  }
0x1b: {  	s7 =	sadd.s32 $0x14380, s5;
	[dreg:$0x12] =	wrdreg s6  }
0x1c: {  	s1 =	sadd.s32 $0xC800, s1;
	[dreg:$0x13] =	wrdreg s7  }
0x1d: {  	s8 =	sadd.s32 $0x400, s5;
	[dreg:$0x14] =	wrdreg s1  }
0x1e: {  	s9 =	sadd.s32 $0x800, s5;
	[dreg:$0x16] =	wrdreg s8  }
0x1f: {  	s10 =	sadd.s32 $0xC00, s5;
	[dreg:$0x17] =	wrdreg s9  }
0x20: {  	s11 =	sadd.s32 $0x1000, s5;
	[dreg:$0x18] =	wrdreg s10  }
0x21: {  	s12 =	sadd.s32 $0x480, s5;
	[dreg:$0x19] =	wrdreg s11  }
0x22: {  	s13 =	sadd.s32 $0x880, s5;
	[dreg:$0x1a] =	wrdreg s12  }
0x23: {  	s14 =	sadd.s32 $0xC80, s5;
	[dreg:$0x1b] =	wrdreg s13  }
0x24: {  	s15 =	sadd.s32 $0x1080, s5;
	[dreg:$0x1c] =	wrdreg s14  }
0x25: {  	s2 =	sadd.s32 $0x680, s5;
	[dreg:$0x1d] =	wrdreg s15  }
0x26: {  	s3 =	sadd.s32 $0x14200, s5;
	[smem:$0x7E6] =	sst s2  }
0x27: {  	s16 =	sadd.s32 $0x500, s5;
	[dreg:$0x10] =	wrdreg s3  }
0x28: {  	s17 =	sadd.s32 $0x900, s5;
	[dreg:$0x1e] =	wrdreg s16  }
0x29: {  	s18 =	sadd.s32 $0xD00, s5;
	[dreg:$0x1f] =	wrdreg s17  }
0x2a: {  	s19 =	sadd.s32 $0x1100, s5;
	[smem:$0x7DC] =	sst s18  }
0x2b: {  	s20 =	sadd.s32 $0x580, s5;
	[smem:$0x7DD] =	sst s19  }
0x2c: {  	s21 =	sadd.s32 $0x980, s5;
	[smem:$0x7DE] =	sst s20  }
0x2d: {  	s22 =	sadd.s32 $0xD80, s5;
	[smem:$0x7DF] =	sst s21  }
0x2e: {  	s23 =	sadd.s32 $0x1180, s5;
	[smem:$0x7E0] =	sst s22  }
0x2f: {  	s24 =	sadd.s32 $0x600, s5;
	[smem:$0x7E1] =	sst s23  }
0x30: {  	s25 =	sadd.s32 $0xA00, s5;
	[smem:$0x7E2] =	sst s24  }
0x31: {  	s26 =	sadd.s32 $0xE00, s5;
	[smem:$0x7E3] =	sst s25  }
0x32: {  	s1 =	sadd.s32 $0x1200, s5;
	[smem:$0x7E4] =	sst s26  }
0x33: {  	s4 =	sadd.s32 $0xE80, s5;
	[smem:$0x7E5] =	sst s1  }
0x34: {  	s6 =	sadd.s32 $0x1280, s5;
	[smem:$0x7E8] =	sst s4  }
0x35: {  	s7 =	sadd.s32 $0x700, s5;
	[smem:$0x7E9] =	sst s6  }
0x36: {  	s8 =	sadd.s32 $0xB00, s5;
	[smem:$0x7EA] =	sst s7  }
0x37: {  	s9 =	sadd.s32 $0xF00, s5;
	[smem:$0x7EB] =	sst s8  }
0x38: {  	s10 =	sadd.s32 $0x1300, s5;
	[smem:$0x7EC] =	sst s9  }
0x39: {  	s11 =	sadd.s32 $0x780, s5;
	[smem:$0x7ED] =	sst s10  }
0x3a: {  	s12 =	sadd.s32 $0xB80, s5;
	[smem:$0x7EE] =	sst s11  }
0x3b: {  	s13 =	sadd.s32 $0xF80, s5;
	[smem:$0x7EF] =	sst s12  }
0x3c: {  	s28 =	simm.s32 $0x80;
	s14 =	sadd.s32 $0x1380, s5;
	[smem:$0x7F0] =	sst s13  }
0x3d: {  	s29 =	simm.s32 $0x400;
	s15 =	sadd.s32 $0x14400, s5;
	[smem:$0x7F1] =	sst s14  }
0x3e: {  	s30 =	simm.s32 $0x1;
	s3 =	sadd.s32 $0xA80, s5;
	[smem:$0x7F2] =	sst s15  }
0x3f: {  	s31 =	simm.s32 $0x2780;
	s16 =	sadd.s32 $0x14800, s5;
	[smem:$0x7E7] =	sst s3  }
0x40: {  	s17 =	sadd.s32 $0x14C00, s5;
	s18 =	sadd.s32 $0x15000, s5;
	[smem:$0x7F3] =	sst s16  }
0x41: {  	s19 =	sadd.s32 $0x14480, s5;
	s20 =	sadd.s32 $0x14880, s5;
	[smem:$0x7F4] =	sst s17  }
0x42: {  	s21 =	sadd.s32 $0x14C80, s5;
	s22 =	sadd.s32 $0x15080, s5;
	[smem:$0x7F5] =	sst s18  }
0x43: {  	s23 =	sadd.s32 $0x14500, s5;
	s24 =	sadd.s32 $0x14900, s5;
	[smem:$0x7F6] =	sst s19  }
0x44: {  	s25 =	sadd.s32 $0x14D00, s5;
	s26 =	sadd.s32 $0x15100, s5;
	[smem:$0x7F7] =	sst s20  }
0x45: {  	s7 =	sadd.s32 $0x14580, s5;
	s8 =	sadd.s32 $0x14980, s5;
	[smem:$0x7F8] =	sst s21  }
0x46: {  	s9 =	sadd.s32 $0x14D80, s5;
	s10 =	sadd.s32 $0x15180, s5;
	[smem:$0x7F9] =	sst s22  }
0x47: {  	s11 =	sadd.s32 $0x14600, s5;
	s12 =	sadd.s32 $0x14A00, s5;
	[smem:$0x7FA] =	sst s23  }
0x48: {  	s13 =	sadd.s32 $0x14E00, s5;
	s14 =	sadd.s32 $0x15200, s5;
	[smem:$0x7FB] =	sst s24  }
0x49: {  	s15 =	sadd.s32 $0x14680, s5;
	s1 =	simm.s32 $0x0;
	[smem:$0x7FC] =	sst s25  }
0x4a: {  	[smem:$0x7FD] =	sst s26;
	s16 =	sadd.s32 $0x14A80, s5;
	s17 =	sadd.s32 $0x14E80, s5  }
0x4b: {  	s18 =	sadd.s32 $0x15280, s5;
	s19 =	sadd.s32 $0x14700, s5;
	s20 =	sadd.s32 $0x14B00, s5  }
0x4c: {  	s21 =	sadd.s32 $0x14F00, s5;
	s22 =	sadd.s32 $0x15300, s5;
	s23 =	sadd.s32 $0x14780, s5  }
0x4d: {  	v0 =	vimm.f32 $0.0e+00;
	v1 =	vimm.f32 $1.000000000e+00;
	s24 =	sadd.s32 $0x14B80, s5;
	s25 =	sadd.s32 $0x14F80, s5;
	s26 =	sadd.s32 $0x15380, s5  }
.LBB2_1:
0x4e: {  	s0 =	simm.s32 $0x0;
	s2 =	rddreg [dreg:$0x3]  }
0x4f: {  	[tilespmem:s0], [sflag:$0x1] =	stream.strided.gather [hbm4b:s2+s28], $0x2780, s29, s28, $0x38;
	[tilespmem:$0xA200] =	vst v63  }
0x50: {  	_ =	swait.ge [sflag:s30], $0x2780  }
0x51: {  	[sflag:s30] =	ssyncset.done $0x0  }
0x52: {  	s0 =	simm.s32 $0x0;
	[sflag:s30] =	ssyncadd.s32 $0xFFFFD880  }
.LBB2_2:
0x53: {  	p0 =	sne.s32 s0, $0x9FC0  }
.Ltmp0:
0x54: {  	_ = 	snop;
	(pc) =	sbr.rel @p0 .LBB2_2-.Ltmp0, $3  }
0x55: {  	_ =	sdelay $0x1  }
0x56: {  	s2 =	sshra.s32 s0, $0x2  }
0x57: {  	s0 =	sadd.s32 $0x40, s0;
	[tilespmem:s2+$0x2780] =	vst v0  }
0x58: {  	s2 =	simm.s32 $0x0;
	s0 =	simm.s32 $0x40  }
.LBB2_4:
0x59: {  	p0 =	sne.s32 s0, $0x9DC0;
	v2 =	vld [tilespmem:s2+$0x0];
	_ =	sdelay $0x3  }
.Ltmp1:
0x5a: {  	(pc) =	sbr.rel @p0 .LBB2_4-.Ltmp1, $2  }
0x5b: {  	_ =	sdelay $0x2  }
0x5c: {  	s2 =	sshra.s32 s0, $0x2;
	s0 =	sadd.s32 $0x40, s0;
	[tilespmem:v2+s31+$0x0] =	vst.idx.add.f32.msk $0xffff, v1  }
0x5d: {  	v2 =	vld [tilespmem:s2+$0x0];
	_ =	sdelay $0x7  }
0x5e: {  	s0 =	rddreg [dreg:$0x4];
	[tilespmem:v2+s31+$0x0] =	vst.idx.add.f32.msk $0xffff, v1  }
0x5f: {  	[spmem:s0] =	stream.strided.scatter [tilespmem:s31], [sflag:$0x1], $0x2800, s29, s28, $0x38;
	[tilespmem:$0xA200] =	vst v63  }
0x60: {  	_ =	swait.ge [sflag:s30], $0x2800  }
0x61: {  	[sflag:s30] =	ssyncset.done $0x0  }
0x62: {  	[sflag:s30] =	ssyncadd.s32 $0xFFFFD800  }
0x63: {  	s6 =	simm.s32 $0x4F80;
	[bflag:$0x0] =	sbarrier.arrive $0xFFFF  }
0x64: {  	[tilespmem:s6], [sflag:$0x1] =	stream.linear.gather [spmem:s5], $0x80, $0x38;
	[tilespmem:$0xA200] =	vst v63  }
0x65: {  	s3 =	simm.s32 $0x5380;
	s2 =	rddreg [dreg:$0x16]  }
0x66: {  	[tilespmem:s3], [sflag:$0x1] =	stream.linear.gather [spmem:s2], $0x80, $0x38;
	[tilespmem:$0xA200] =	vst v63  }
0x67: {  	s4 =	rddreg [dreg:$0x17];
	s6 =	simm.s32 $0x5780  }
0x68: {  	[tilespmem:s6], [sflag:$0x1] =	stream.linear.gather [spmem:s4], $0x80, $0x38;
	[tilespmem:$0xA200] =	vst v63  }
0x69: {  	s2 =	rddreg [dreg:$0x18];
	s3 =	simm.s32 $0x5B80  }
0x6a: {  	[tilespmem:s3], [sflag:$0x1] =	stream.linear.gather [spmem:s2], $0x80, $0x38;
	[tilespmem:$0xA200] =	vst v63  }
0x6b: {  	s4 =	rddreg [dreg:$0x19];
	s6 =	simm.s32 $0x5F80  }
0x6c: {  	[tilespmem:s6], [sflag:$0x1] =	stream.linear.gather [spmem:s4], $0x80, $0x38;
	[tilespmem:$0xA200] =	vst v63  }
0x6d: {  	_ =	swait.ge [sflag:s30], $0x280  }
0x6e: {  	[sflag:s30] =	ssyncset.done $0x0  }
0x6f: {  	s3 =	simm.s32 $0x5000;
	s2 =	rddreg [dreg:$0x5];
	[sflag:s30] =	ssyncadd.s32 $0xFFFFFD80  }
0x70: {  	[tilespmem:s3], [sflag:$0x1] =	stream.linear.gather [spmem:s2], $0x80, $0x38;
	[tilespmem:$0xA200] =	vst v63  }
0x71: {  	s6 =	simm.s32 $0x5400;
	s4 =	rddreg [dreg:$0x1a]  }
0x72: {  	[tilespmem:s6], [sflag:$0x1] =	stream.linear.gather [spmem:s4], $0x80, $0x38;
	[tilespmem:$0xA200] =	vst v63  }
0x73: {  	s2 =	rddreg [dreg:$0x1b];
	s3 =	simm.s32 $0x5800  }
0x74: {  	[tilespmem:s3], [sflag:$0x1] =	stream.linear.gather [spmem:s2], $0x80, $0x38;
	[tilespmem:$0xA200] =	vst v63  }
0x75: {  	s4 =	rddreg [dreg:$0x1c];
	s6 =	simm.s32 $0x5C00  }
0x76: {  	[tilespmem:s6], [sflag:$0x1] =	stream.linear.gather [spmem:s4], $0x80, $0x38;
	[tilespmem:$0xA200] =	vst v63  }
0x77: {  	s2 =	rddreg [dreg:$0x1d];
	s3 =	simm.s32 $0x6000  }
0x78: {  	[tilespmem:s3], [sflag:$0x1] =	stream.linear.gather [spmem:s2], $0x80, $0x38;
	[tilespmem:$0xA200] =	vst v63  }
0x79: {  	_ =	swait.ge [sflag:s30], $0x280  }
0x7a: {  	[sflag:s30] =	ssyncset.done $0x0;
	s4 =	rddreg [dreg:$0x6]  }
0x7b: {  	s6 =	simm.s32 $0x5080;
	s2 =	rddreg [dreg:$0x1e];
	[sflag:s30] =	ssyncadd.s32 $0xFFFFFD80  }
0x7c: {  	[tilespmem:s6], [sflag:$0x1] =	stream.linear.gather [spmem:s4], $0x80, $0x38;
	[tilespmem:$0xA200] =	vst v63  }
0x7d: {  	s3 =	simm.s32 $0x5480;
	s4 =	rddreg [dreg:$0x1f]  }
0x7e: {  	[tilespmem:s3], [sflag:$0x1] =	stream.linear.gather [spmem:s2], $0x80, $0x38;
	[tilespmem:$0xA200] =	vst v63  }
0x7f: {  	s6 =	simm.s32 $0x5880;
	s2 =	sld [smem:$0x7DC]  }
0x80: {  	[tilespmem:s6], [sflag:$0x1] =	stream.linear.gather [spmem:s4], $0x80, $0x38;
	[tilespmem:$0xA200] =	vst v63  }
0x81: {  	s3 =	simm.s32 $0x5C80;
	s4 =	sld [smem:$0x7DD]  }
0x82: {  	[tilespmem:s3], [sflag:$0x1] =	stream.linear.gather [spmem:s2], $0x80, $0x38;
	[tilespmem:$0xA200] =	vst v63  }
0x83: {  	s6 =	simm.s32 $0x6080  }
0x84: {  	[tilespmem:s6], [sflag:$0x1] =	stream.linear.gather [spmem:s4], $0x80, $0x38;
	[tilespmem:$0xA200] =	vst v63  }
0x85: {  	_ =	swait.ge [sflag:s30], $0x280  }
0x86: {  	[sflag:s30] =	ssyncset.done $0x0;
	s2 =	rddreg [dreg:$0x7]  }
0x87: {  	s3 =	simm.s32 $0x5100;
	s4 =	sld [smem:$0x7DE];
	[sflag:s30] =	ssyncadd.s32 $0xFFFFFD80  }
0x88: {  	[tilespmem:s3], [sflag:$0x1] =	stream.linear.gather [spmem:s2], $0x80, $0x38;
	[tilespmem:$0xA200] =	vst v63  }
0x89: {  	s6 =	simm.s32 $0x5500;
	s2 =	sld [smem:$0x7DF]  }
0x8a: {  	[tilespmem:s6], [sflag:$0x1] =	stream.linear.gather [spmem:s4], $0x80, $0x38;
	[tilespmem:$0xA200] =	vst v63  }
0x8b: {  	s3 =	simm.s32 $0x5900;
	s4 =	sld [smem:$0x7E0]  }
0x8c: {  	[tilespmem:s3], [sflag:$0x1] =	stream.linear.gather [spmem:s2], $0x80, $0x38;
	[tilespmem:$0xA200] =	vst v63  }
0x8d: {  	s6 =	simm.s32 $0x5D00;
	s2 =	sld [smem:$0x7E1]  }
0x8e: {  	[tilespmem:s6], [sflag:$0x1] =	stream.linear.gather [spmem:s4], $0x80, $0x38;
	[tilespmem:$0xA200] =	vst v63  }
0x8f: {  	s3 =	simm.s32 $0x6100  }
0x90: {  	[tilespmem:s3], [sflag:$0x1] =	stream.linear.gather [spmem:s2], $0x80, $0x38;
	[tilespmem:$0xA200] =	vst v63  }
0x91: {  	_ =	swait.ge [sflag:s30], $0x280  }
0x92: {  	[sflag:s30] =	ssyncset.done $0x0;
	s4 =	rddreg [dreg:$0x8]  }
0x93: {  	s6 =	simm.s32 $0x5180;
	s2 =	sld [smem:$0x7E2];
	[sflag:s30] =	ssyncadd.s32 $0xFFFFFD80  }
0x94: {  	[tilespmem:s6], [sflag:$0x1] =	stream.linear.gather [spmem:s4], $0x80, $0x38;
	[tilespmem:$0xA200] =	vst v63  }
0x95: {  	s3 =	simm.s32 $0x5580;
	s4 =	sld [smem:$0x7E3]  }
0x96: {  	[tilespmem:s3], [sflag:$0x1] =	stream.linear.gather [spmem:s2], $0x80, $0x38;
	[tilespmem:$0xA200] =	vst v63  }
0x97: {  	s6 =	simm.s32 $0x5980;
	s2 =	sld [smem:$0x7E4]  }
0x98: {  	[tilespmem:s6], [sflag:$0x1] =	stream.linear.gather [spmem:s4], $0x80, $0x38;
	[tilespmem:$0xA200] =	vst v63  }
0x99: {  	s3 =	simm.s32 $0x5D80;
	s4 =	sld [smem:$0x7E5]  }
0x9a: {  	[tilespmem:s3], [sflag:$0x1] =	stream.linear.gather [spmem:s2], $0x80, $0x38;
	[tilespmem:$0xA200] =	vst v63  }
0x9b: {  	s6 =	simm.s32 $0x6180  }
0x9c: {  	[tilespmem:s6], [sflag:$0x1] =	stream.linear.gather [spmem:s4], $0x80, $0x38;
	[tilespmem:$0xA200] =	vst v63  }
0x9d: {  	_ =	swait.ge [sflag:s30], $0x280  }
0x9e: {  	[sflag:s30] =	ssyncset.done $0x0;
	s2 =	rddreg [dreg:$0x9]  }
0x9f: {  	s3 =	simm.s32 $0x5200;
	s4 =	sld [smem:$0x7E6];
	[sflag:s30] =	ssyncadd.s32 $0xFFFFFD80  }
0xa0: {  	[tilespmem:s3], [sflag:$0x1] =	stream.linear.gather [spmem:s2], $0x80, $0x38;
	[tilespmem:$0xA200] =	vst v63  }
0xa1: {  	s6 =	simm.s32 $0x5600;
	s2 =	sld [smem:$0x7E7]  }
0xa2: {  	[tilespmem:s6], [sflag:$0x1] =	stream.linear.gather [spmem:s4], $0x80, $0x38;
	[tilespmem:$0xA200] =	vst v63  }
0xa3: {  	s3 =	simm.s32 $0x5A00;
	s4 =	sld [smem:$0x7E8]  }
0xa4: {  	[tilespmem:s3], [sflag:$0x1] =	stream.linear.gather [spmem:s2], $0x80, $0x38;
	[tilespmem:$0xA200] =	vst v63  }
0xa5: {  	s6 =	simm.s32 $0x5E00;
	s2 =	sld [smem:$0x7E9]  }
0xa6: {  	[tilespmem:s6], [sflag:$0x1] =	stream.linear.gather [spmem:s4], $0x80, $0x38;
	[tilespmem:$0xA200] =	vst v63  }
0xa7: {  	s3 =	simm.s32 $0x6200  }
0xa8: {  	[tilespmem:s3], [sflag:$0x1] =	stream.linear.gather [spmem:s2], $0x80, $0x38;
	[tilespmem:$0xA200] =	vst v63  }
0xa9: {  	_ =	swait.ge [sflag:s30], $0x280  }
0xaa: {  	[sflag:s30] =	ssyncset.done $0x0;
	s4 =	rddreg [dreg:$0xa]  }
0xab: {  	s6 =	simm.s32 $0x5280;
	s2 =	sld [smem:$0x7EA];
	[sflag:s30] =	ssyncadd.s32 $0xFFFFFD80  }
0xac: {  	[tilespmem:s6], [sflag:$0x1] =	stream.linear.gather [spmem:s4], $0x80, $0x38;
	[tilespmem:$0xA200] =	vst v63  }
0xad: {  	s3 =	simm.s32 $0x5680;
	s4 =	sld [smem:$0x7EB]  }
0xae: {  	[tilespmem:s3], [sflag:$0x1] =	stream.linear.gather [spmem:s2], $0x80, $0x38;
	[tilespmem:$0xA200] =	vst v63  }
0xaf: {  	s6 =	simm.s32 $0x5A80;
	s2 =	sld [smem:$0x7EC]  }
0xb0: {  	[tilespmem:s6], [sflag:$0x1] =	stream.linear.gather [spmem:s4], $0x80, $0x38;
	[tilespmem:$0xA200] =	vst v63  }
0xb1: {  	s3 =	simm.s32 $0x5E80;
	s4 =	sld [smem:$0x7ED]  }
0xb2: {  	[tilespmem:s3], [sflag:$0x1] =	stream.linear.gather [spmem:s2], $0x80, $0x38;
	[tilespmem:$0xA200] =	vst v63  }
0xb3: {  	s6 =	simm.s32 $0x6280  }
0xb4: {  	[tilespmem:s6], [sflag:$0x1] =	stream.linear.gather [spmem:s4], $0x80, $0x38;
	[tilespmem:$0xA200] =	vst v63  }
0xb5: {  	_ =	swait.ge [sflag:s30], $0x280  }
0xb6: {  	[sflag:s30] =	ssyncset.done $0x0;
	s2 =	rddreg [dreg:$0xb]  }
0xb7: {  	s3 =	simm.s32 $0x5300;
	s4 =	sld [smem:$0x7EE];
	[sflag:s30] =	ssyncadd.s32 $0xFFFFFD80  }
0xb8: {  	[tilespmem:s3], [sflag:$0x1] =	stream.linear.gather [spmem:s2], $0x80, $0x38;
	[tilespmem:$0xA200] =	vst v63  }
0xb9: {  	s6 =	simm.s32 $0x5700;
	s2 =	sld [smem:$0x7EF]  }
0xba: {  	[tilespmem:s6], [sflag:$0x1] =	stream.linear.gather [spmem:s4], $0x80, $0x38;
	[tilespmem:$0xA200] =	vst v63  }
0xbb: {  	s3 =	simm.s32 $0x5B00;
	s4 =	sld [smem:$0x7F0]  }
0xbc: {  	[tilespmem:s3], [sflag:$0x1] =	stream.linear.gather [spmem:s2], $0x80, $0x38;
	[tilespmem:$0xA200] =	vst v63  }
0xbd: {  	s6 =	simm.s32 $0x5F00;
	s2 =	sld [smem:$0x7F1]  }
0xbe: {  	[tilespmem:s6], [sflag:$0x1] =	stream.linear.gather [spmem:s4], $0x80, $0x38;
	[tilespmem:$0xA200] =	vst v63  }
0xbf: {  	s3 =	simm.s32 $0x6300  }
0xc0: {  	[tilespmem:s3], [sflag:$0x1] =	stream.linear.gather [spmem:s2], $0x80, $0x38;
	[tilespmem:$0xA200] =	vst v63  }
0xc1: {  	_ =	swait.ge [sflag:s30], $0x280  }
0xc2: {  	[sflag:s30] =	ssyncset.done $0x0;
	s4 =	rddreg [dreg:$0xc]  }
0xc3: {  	s6 =	simm.s32 $0x6380;
	s2 =	sld [smem:$0x7F2];
	[sflag:s30] =	ssyncadd.s32 $0xFFFFFD80  }
0xc4: {  	[tilespmem:s6], [sflag:$0x1] =	stream.linear.gather [spmem:s4], $0x80, $0x38;
	[tilespmem:$0xA200] =	vst v63  }
0xc5: {  	s3 =	simm.s32 $0x6780;
	s4 =	sld [smem:$0x7F3]  }
0xc6: {  	[tilespmem:s3], [sflag:$0x1] =	stream.linear.gather [spmem:s2], $0x80, $0x38;
	[tilespmem:$0xA200] =	vst v63  }
0xc7: {  	s6 =	simm.s32 $0x6B80;
	s2 =	sld [smem:$0x7F4]  }
0xc8: {  	[tilespmem:s6], [sflag:$0x1] =	stream.linear.gather [spmem:s4], $0x80, $0x38;
	[tilespmem:$0xA200] =	vst v63  }
0xc9: {  	s3 =	simm.s32 $0x6F80;
	s4 =	sld [smem:$0x7F5]  }
0xca: {  	[tilespmem:s3], [sflag:$0x1] =	stream.linear.gather [spmem:s2], $0x80, $0x38;
	[tilespmem:$0xA200] =	vst v63  }
0xcb: {  	s6 =	simm.s32 $0x7380  }
0xcc: {  	[tilespmem:s6], [sflag:$0x1] =	stream.linear.gather [spmem:s4], $0x80, $0x38;
	[tilespmem:$0xA200] =	vst v63  }
0xcd: {  	_ =	swait.ge [sflag:s30], $0x280  }
0xce: {  	[sflag:s30] =	ssyncset.done $0x0;
	s2 =	rddreg [dreg:$0xd]  }
0xcf: {  	s3 =	simm.s32 $0x6400;
	s4 =	sld [smem:$0x7F6];
	[sflag:s30] =	ssyncadd.s32 $0xFFFFFD80  }
0xd0: {  	[tilespmem:s3], [sflag:$0x1] =	stream.linear.gather [spmem:s2], $0x80, $0x38;
	[tilespmem:$0xA200] =	vst v63  }
0xd1: {  	s6 =	simm.s32 $0x6800;
	s2 =	sld [smem:$0x7F7]  }
0xd2: {  	[tilespmem:s6], [sflag:$0x1] =	stream.linear.gather [spmem:s4], $0x80, $0x38;
	[tilespmem:$0xA200] =	vst v63  }
0xd3: {  	s3 =	simm.s32 $0x6C00;
	s4 =	sld [smem:$0x7F8]  }
0xd4: {  	[tilespmem:s3], [sflag:$0x1] =	stream.linear.gather [spmem:s2], $0x80, $0x38;
	[tilespmem:$0xA200] =	vst v63  }
0xd5: {  	s6 =	simm.s32 $0x7000;
	s2 =	sld [smem:$0x7F9]  }
0xd6: {  	[tilespmem:s6], [sflag:$0x1] =	stream.linear.gather [spmem:s4], $0x80, $0x38;
	[tilespmem:$0xA200] =	vst v63  }
0xd7: {  	s3 =	simm.s32 $0x7400  }
0xd8: {  	[tilespmem:s3], [sflag:$0x1] =	stream.linear.gather [spmem:s2], $0x80, $0x38;
	[tilespmem:$0xA200] =	vst v63  }
0xd9: {  	_ =	swait.ge [sflag:s30], $0x280  }
0xda: {  	[sflag:s30] =	ssyncset.done $0x0;
	s4 =	rddreg [dreg:$0xe]  }
0xdb: {  	s6 =	simm.s32 $0x6480;
	s2 =	sld [smem:$0x7FA];
	[sflag:s30] =	ssyncadd.s32 $0xFFFFFD80  }
0xdc: {  	[tilespmem:s6], [sflag:$0x1] =	stream.linear.gather [spmem:s4], $0x80, $0x38;
	[tilespmem:$0xA200] =	vst v63  }
0xdd: {  	s3 =	simm.s32 $0x6880;
	s4 =	sld [smem:$0x7FB]  }
0xde: {  	[tilespmem:s3], [sflag:$0x1] =	stream.linear.gather [spmem:s2], $0x80, $0x38;
	[tilespmem:$0xA200] =	vst v63  }
0xdf: {  	s6 =	simm.s32 $0x6C80;
	s2 =	sld [smem:$0x7FC]  }
0xe0: {  	[tilespmem:s6], [sflag:$0x1] =	stream.linear.gather [spmem:s4], $0x80, $0x38;
	[tilespmem:$0xA200] =	vst v63  }
0xe1: {  	s3 =	simm.s32 $0x7080;
	s4 =	sld [smem:$0x7FD]  }
0xe2: {  	[tilespmem:s3], [sflag:$0x1] =	stream.linear.gather [spmem:s2], $0x80, $0x38;
	[tilespmem:$0xA200] =	vst v63  }
0xe3: {  	s6 =	simm.s32 $0x7480  }
0xe4: {  	[tilespmem:s6], [sflag:$0x1] =	stream.linear.gather [spmem:s4], $0x80, $0x38;
	[tilespmem:$0xA200] =	vst v63  }
0xe5: {  	_ =	swait.ge [sflag:s30], $0x280  }
0xe6: {  	[sflag:s30] =	ssyncset.done $0x0  }
0xe7: {  	s3 =	simm.s32 $0x6500;
	s2 =	rddreg [dreg:$0xf];
	[sflag:s30] =	ssyncadd.s32 $0xFFFFFD80  }
0xe8: {  	[tilespmem:s3], [sflag:$0x1] =	stream.linear.gather [spmem:s2], $0x80, $0x38;
	[tilespmem:$0xA200] =	vst v63  }
0xe9: {  	s4 =	simm.s32 $0x6900  }
0xea: {  	[tilespmem:s4], [sflag:$0x1] =	stream.linear.gather [spmem:s7], $0x80, $0x38;
	[tilespmem:$0xA200] =	vst v63  }
0xeb: {  	s6 =	simm.s32 $0x6D00  }
0xec: {  	[tilespmem:s6], [sflag:$0x1] =	stream.linear.gather [spmem:s8], $0x80, $0x38;
	[tilespmem:$0xA200] =	vst v63  }
0xed: {  	s2 =	simm.s32 $0x7100  }
0xee: {  	[tilespmem:s2], [sflag:$0x1] =	stream.linear.gather [spmem:s9], $0x80, $0x38;
	[tilespmem:$0xA200] =	vst v63  }
0xef: {  	s3 =	simm.s32 $0x7500  }
0xf0: {  	[tilespmem:s3], [sflag:$0x1] =	stream.linear.gather [spmem:s10], $0x80, $0x38;
	[tilespmem:$0xA200] =	vst v63  }
0xf1: {  	_ =	swait.ge [sflag:s30], $0x280  }
0xf2: {  	[sflag:s30] =	ssyncset.done $0x0  }
0xf3: {  	s6 =	simm.s32 $0x6580;
	s4 =	rddreg [dreg:$0x10];
	[sflag:s30] =	ssyncadd.s32 $0xFFFFFD80  }
0xf4: {  	[tilespmem:s6], [sflag:$0x1] =	stream.linear.gather [spmem:s4], $0x80, $0x38;
	[tilespmem:$0xA200] =	vst v63  }
0xf5: {  	s2 =	simm.s32 $0x6980  }
0xf6: {  	[tilespmem:s2], [sflag:$0x1] =	stream.linear.gather [spmem:s11], $0x80, $0x38;
	[tilespmem:$0xA200] =	vst v63  }
0xf7: {  	s3 =	simm.s32 $0x6D80  }
0xf8: {  	[tilespmem:s3], [sflag:$0x1] =	stream.linear.gather [spmem:s12], $0x80, $0x38;
	[tilespmem:$0xA200] =	vst v63  }
0xf9: {  	s4 =	simm.s32 $0x7180  }
0xfa: {  	[tilespmem:s4], [sflag:$0x1] =	stream.linear.gather [spmem:s13], $0x80, $0x38;
	[tilespmem:$0xA200] =	vst v63  }
0xfb: {  	s6 =	simm.s32 $0x7580  }
0xfc: {  	[tilespmem:s6], [sflag:$0x1] =	stream.linear.gather [spmem:s14], $0x80, $0x38;
	[tilespmem:$0xA200] =	vst v63  }
0xfd: {  	_ =	swait.ge [sflag:s30], $0x280  }
0xfe: {  	[sflag:s30] =	ssyncset.done $0x0  }
0xff: {  	s3 =	simm.s32 $0x6600;
	s2 =	rddreg [dreg:$0x11];
	[sflag:s30] =	ssyncadd.s32 $0xFFFFFD80  }
0x100: {  	[tilespmem:s3], [sflag:$0x1] =	stream.linear.gather [spmem:s2], $0x80, $0x38;
	[tilespmem:$0xA200] =	vst v63  }
0x101: {  	s4 =	simm.s32 $0x6A00  }
0x102: {  	[tilespmem:s4], [sflag:$0x1] =	stream.linear.gather [spmem:s15], $0x80, $0x38;
	[tilespmem:$0xA200] =	vst v63  }
0x103: {  	s6 =	simm.s32 $0x6E00  }
0x104: {  	[tilespmem:s6], [sflag:$0x1] =	stream.linear.gather [spmem:s16], $0x80, $0x38;
	[tilespmem:$0xA200] =	vst v63  }
0x105: {  	s2 =	simm.s32 $0x7200  }
0x106: {  	[tilespmem:s2], [sflag:$0x1] =	stream.linear.gather [spmem:s17], $0x80, $0x38;
	[tilespmem:$0xA200] =	vst v63  }
0x107: {  	s3 =	simm.s32 $0x7600  }
0x108: {  	[tilespmem:s3], [sflag:$0x1] =	stream.linear.gather [spmem:s18], $0x80, $0x38;
	[tilespmem:$0xA200] =	vst v63  }
0x109: {  	_ =	swait.ge [sflag:s30], $0x280  }
0x10a: {  	[sflag:s30] =	ssyncset.done $0x0  }
0x10b: {  	s6 =	simm.s32 $0x6680;
	s4 =	rddreg [dreg:$0x12];
	[sflag:s30] =	ssyncadd.s32 $0xFFFFFD80  }
0x10c: {  	[tilespmem:s6], [sflag:$0x1] =	stream.linear.gather [spmem:s4], $0x80, $0x38;
	[tilespmem:$0xA200] =	vst v63  }
0x10d: {  	s2 =	simm.s32 $0x6A80  }
0x10e: {  	[tilespmem:s2], [sflag:$0x1] =	stream.linear.gather [spmem:s19], $0x80, $0x38;
	[tilespmem:$0xA200] =	vst v63  }
0x10f: {  	s3 =	simm.s32 $0x6E80  }
0x110: {  	[tilespmem:s3], [sflag:$0x1] =	stream.linear.gather [spmem:s20], $0x80, $0x38;
	[tilespmem:$0xA200] =	vst v63  }
0x111: {  	s4 =	simm.s32 $0x7280  }
0x112: {  	[tilespmem:s4], [sflag:$0x1] =	stream.linear.gather [spmem:s21], $0x80, $0x38;
	[tilespmem:$0xA200] =	vst v63  }
0x113: {  	s6 =	simm.s32 $0x7680  }
0x114: {  	[tilespmem:s6], [sflag:$0x1] =	stream.linear.gather [spmem:s22], $0x80, $0x38;
	[tilespmem:$0xA200] =	vst v63  }
0x115: {  	_ =	swait.ge [sflag:s30], $0x280  }
0x116: {  	[sflag:s30] =	ssyncset.done $0x0  }
0x117: {  	s3 =	simm.s32 $0x6700;
	s2 =	rddreg [dreg:$0x13];
	[sflag:s30] =	ssyncadd.s32 $0xFFFFFD80  }
0x118: {  	[tilespmem:s3], [sflag:$0x1] =	stream.linear.gather [spmem:s2], $0x80, $0x38;
	[tilespmem:$0xA200] =	vst v63  }
0x119: {  	s4 =	simm.s32 $0x6B00  }
0x11a: {  	[tilespmem:s4], [sflag:$0x1] =	stream.linear.gather [spmem:s23], $0x80, $0x38;
	[tilespmem:$0xA200] =	vst v63  }
0x11b: {  	s6 =	simm.s32 $0x6F00  }
0x11c: {  	[tilespmem:s6], [sflag:$0x1] =	stream.linear.gather [spmem:s24], $0x80, $0x38;
	[tilespmem:$0xA200] =	vst v63  }
0x11d: {  	s2 =	simm.s32 $0x7300  }
0x11e: {  	[tilespmem:s2], [sflag:$0x1] =	stream.linear.gather [spmem:s25], $0x80, $0x38;
	[tilespmem:$0xA200] =	vst v63  }
0x11f: {  	s3 =	simm.s32 $0x7700  }
0x120: {  	[tilespmem:s3], [sflag:$0x1] =	stream.linear.gather [spmem:s26], $0x80, $0x38;
	[tilespmem:$0xA200] =	vst v63  }
0x121: {  	s4 =	simm.s32 $0x0;
	_ =	swait.ge [sflag:s30], $0x280  }
0x122: {  	s0 =	sand.u32 $0x1C00, s4;
	s6 =	sand.u32 $0x70, s4;
	[sflag:s30] =	ssyncset.done $0x0  }
0x123: {  	s0 =	sor.u32 s6, s0;
	[sflag:s30] =	ssyncadd.s32 $0xFFFFFD80  }
0x124: {  	v2 =	vld [tilespmem:s0+$0x4F80];
	_ =	sdelay $0x1  }
0x125: {  	v3 =	vld [tilespmem:s0+$0x5000];
	_ =	sdelay $0x1  }
0x126: {  	v4 =	vld [tilespmem:s0+$0x5080]  }
0x127: {  	v2 =	vadd.f32 $0.0e+00, v2  }
0x128: {  	v5 =	vld [tilespmem:s0+$0x5100]  }
0x129: {  	v2 =	vadd.f32 v3, v2  }
0x12a: {  	v3 =	vld [tilespmem:s0+$0x5180]  }
0x12b: {  	v2 =	vadd.f32 v4, v2  }
0x12c: {  	v56 =	vld [tilespmem:s0+$0x5200]  }
0x12d: {  	v2 =	vadd.f32 v5, v2  }
0x12e: {  	v57 =	vld [tilespmem:s0+$0x5280]  }
0x12f: {  	v2 =	vadd.f32 v3, v2  }
0x130: {  	v3 =	vld [tilespmem:s0+$0x5300]  }
0x131: {  	v2 =	vadd.f32 v56, v2  }
0x132: {  	v58 =	vld [tilespmem:s0+$0x6380]  }
0x133: {  	v2 =	vadd.f32 v57, v2  }
0x134: {  	v59 =	vld [tilespmem:s0+$0x6400]  }
0x135: {  	v2 =	vadd.f32 v3, v2  }
0x136: {  	v3 =	vld [tilespmem:s0+$0x6480]  }
0x137: {  	v2 =	vadd.f32 v58, v2  }
0x138: {  	v60 =	vld [tilespmem:s0+$0x6500]  }
0x139: {  	v2 =	vadd.f32 v59, v2  }
0x13a: {  	v61 =	vld [tilespmem:s0+$0x6580]  }
0x13b: {  	v2 =	vadd.f32 v3, v2  }
0x13c: {  	v3 =	vld [tilespmem:s0+$0x6600]  }
0x13d: {  	v2 =	vadd.f32 v60, v2  }
0x13e: {  	v62 =	vld [tilespmem:s0+$0x6680]  }
0x13f: {  	v2 =	vadd.f32 v61, v2  }
0x140: {  	v63 =	vld [tilespmem:s0+$0x6700]  }
0x141: {  	v2 =	vadd.f32 v3, v2;
	_ =	sdelay $0x1  }
0x142: {  	v2 =	vadd.f32 v62, v2  }
0x143: {  	s2 =	simm.s32 $0x80  }
0x144: {  	s6 =	sand.u32 $0x1C00, s2;
	s3 =	simm.s32 $0x10;
	v2 =	vadd.f32 v63, v2  }
0x145: {  	s4 =	sand.u32 $0x70, s3;
	s3 =	simm.s32 $0x20;
	s0 =	simm.s32 $0x7780  }
.LBB2_6:
0x146: {  	p0 =	sne.s32 s3, $0x270;
	s4 =	sor.u32 s4, s6;
	[tilespmem:s0+$0x0] =	vst v2  }
0x147: {  	v2 =	vld [tilespmem:s4+$0x4F80];
	_ =	sdelay $0x1  }
0x148: {  	v3 =	vld [tilespmem:s4+$0x5000];
	_ =	sdelay $0x1  }
0x149: {  	v4 =	vld [tilespmem:s4+$0x5080]  }
0x14a: {  	v2 =	vadd.f32 $0.0e+00, v2  }
0x14b: {  	v5 =	vld [tilespmem:s4+$0x5100]  }
0x14c: {  	v2 =	vadd.f32 v3, v2  }
0x14d: {  	v3 =	vld [tilespmem:s4+$0x5180]  }
0x14e: {  	v2 =	vadd.f32 v4, v2  }
0x14f: {  	v4 =	vld [tilespmem:s4+$0x5200]  }
0x150: {  	v2 =	vadd.f32 v5, v2  }
0x151: {  	v5 =	vld [tilespmem:s4+$0x5280]  }
0x152: {  	v2 =	vadd.f32 v3, v2  }
0x153: {  	v3 =	vld [tilespmem:s4+$0x5300]  }
0x154: {  	v2 =	vadd.f32 v4, v2  }
0x155: {  	v4 =	vld [tilespmem:s4+$0x6380]  }
0x156: {  	v2 =	vadd.f32 v5, v2  }
0x157: {  	v5 =	vld [tilespmem:s4+$0x6400]  }
0x158: {  	v2 =	vadd.f32 v3, v2  }
0x159: {  	v3 =	vld [tilespmem:s4+$0x6480]  }
0x15a: {  	v2 =	vadd.f32 v4, v2  }
0x15b: {  	v4 =	vld [tilespmem:s4+$0x6500]  }
0x15c: {  	v2 =	vadd.f32 v5, v2  }
0x15d: {  	v5 =	vld [tilespmem:s4+$0x6580]  }
0x15e: {  	v2 =	vadd.f32 v3, v2  }
0x15f: {  	v3 =	vld [tilespmem:s4+$0x6600]  }
0x160: {  	v2 =	vadd.f32 v4, v2  }
0x161: {  	v4 =	vld [tilespmem:s4+$0x6680]  }
0x162: {  	v2 =	vadd.f32 v5, v2  }
0x163: {  	v5 =	vld [tilespmem:s4+$0x6700]  }
0x164: {  	v2 =	vadd.f32 v3, v2  }
.Ltmp2:
0x165: {  	(pc) =	sbr.rel @p0 .LBB2_6-.Ltmp2, $3  }
0x166: {  	v2 =	vadd.f32 v4, v2;
	_ =	sdelay $0x1  }
0x167: {  	s2 =	sadd.s32 $0x80, s2;
	s0 =	sadd.s32 $0x10, s0;
	v2 =	vadd.f32 v5, v2  }
0x168: {  	s6 =	sand.u32 $0x1C00, s2;
	s4 =	sand.u32 $0x70, s3;
	s3 =	sadd.s32 $0x10, s3  }
0x169: {  	s2 =	sor.u32 s4, s6;
	[tilespmem:s0+$0x0] =	vst v2  }
0x16a: {  	v2 =	vld [tilespmem:s2+$0x4F80];
	_ =	sdelay $0x1  }
0x16b: {  	v3 =	vld [tilespmem:s2+$0x5000];
	_ =	sdelay $0x1  }
0x16c: {  	v4 =	vld [tilespmem:s2+$0x5080]  }
0x16d: {  	v2 =	vadd.f32 $0.0e+00, v2  }
0x16e: {  	v5 =	vld [tilespmem:s2+$0x5100]  }
0x16f: {  	v2 =	vadd.f32 v3, v2  }
0x170: {  	v3 =	vld [tilespmem:s2+$0x5180]  }
0x171: {  	v2 =	vadd.f32 v4, v2  }
0x172: {  	v56 =	vld [tilespmem:s2+$0x5200]  }
0x173: {  	v2 =	vadd.f32 v5, v2  }
0x174: {  	v57 =	vld [tilespmem:s2+$0x5280]  }
0x175: {  	v2 =	vadd.f32 v3, v2  }
0x176: {  	v3 =	vld [tilespmem:s2+$0x5300]  }
0x177: {  	v2 =	vadd.f32 v56, v2  }
0x178: {  	v58 =	vld [tilespmem:s2+$0x6380]  }
0x179: {  	v2 =	vadd.f32 v57, v2  }
0x17a: {  	v59 =	vld [tilespmem:s2+$0x6400]  }
0x17b: {  	v2 =	vadd.f32 v3, v2  }
0x17c: {  	v3 =	vld [tilespmem:s2+$0x6480]  }
0x17d: {  	v2 =	vadd.f32 v58, v2  }
0x17e: {  	v60 =	vld [tilespmem:s2+$0x6500]  }
0x17f: {  	v2 =	vadd.f32 v59, v2  }
0x180: {  	v61 =	vld [tilespmem:s2+$0x6580]  }
0x181: {  	v2 =	vadd.f32 v3, v2  }
0x182: {  	v3 =	vld [tilespmem:s2+$0x6600]  }
0x183: {  	v2 =	vadd.f32 v60, v2  }
0x184: {  	v62 =	vld [tilespmem:s2+$0x6680]  }
0x185: {  	v2 =	vadd.f32 v61, v2  }
0x186: {  	v63 =	vld [tilespmem:s2+$0x6700]  }
0x187: {  	v2 =	vadd.f32 v3, v2;
	_ =	sdelay $0x1  }
0x188: {  	v2 =	vadd.f32 v62, v2;
	_ =	sdelay $0x1  }
0x189: {  	v2 =	vadd.f32 v63, v2  }
0x18a: {  	s6 =	sadd.s32 $0x10, s0  }
0x18b: {  	s4 =	simm.s32 $0x100;
	s3 =	simm.s32 $0x7780;
	s2 =	rddreg [dreg:$0x14];
	[tilespmem:s6+$0x0] =	vst v2  }
0x18c: {  	[hbm4b:s2+s28] =	stream.strided.scatter [tilespmem:s3], [sflag:$0x1], $0x280, s4, s28, $0x38;
	[tilespmem:$0xA200] =	vst v63  }
0x18d: {  	_ =	swait.ge [sflag:s30], $0x280  }
0x18e: {  	s1 =	sadd.s32 $0x1, s1;
	s6 =	rddreg [dreg:$0x15]  }
0x18f: {  	p0 =	sne.s32 s1, s6  }
.Ltmp3:
0x190: {  	_ = 	snop;
	(pc) =	sbr.rel @p0 .LBB2_1-.Ltmp3, $3  }
0x191: {  	_ =	sdelay $0x1  }
0x192: {  	[sflag:s30] =	ssyncset.done $0x0  }
0x193: {  	[sflag:s30] =	ssyncadd.s32 $0xFFFFFD80  }
0x194: {  	_ =	sfence.sel $0x180000  }
0x195: {  	[bflag:$0x0] =	sbarrier.arrive $0xFFFF  }
0x196: {  	_ =	strace $0x90000047  }
0x197: {  	s0 =	stileid.u32;
	[bflag:$0x2] =	sbarrier.arrive $0xFFFF  }
0x198: {  	p0 =	sne.s32 s0, $0x0;
	s0 =	rddreg [dreg:$0x2]  }
0x199: {  	s0 =	sadd.s32 @!p0 $0x100000, s0  }
0x19a: {  	[sflag:s0] =	ssyncadd.tile.s32 @!p0 $0x1;
	_ =	shalt  }
.Lfunc_end2:
_tile_overlayer_lowered:
.L_overlay_start_2:
0x19b: {  	(tag) =	ssettag $0x2  }
0x19c: {  	s0 =	rddreg [dreg:$0x0];
	s2 =	stileid.u32  }
0x19d: {  	s1 =	rddreg [dreg:$0x1];
	p0 =	sne.s32 s2, $0x0  }
0x19e: {  	s3 =	rddreg [dreg:$0x2];
	[bflag:$0x3] =	sbarrier.arrive $0xFFFF;
	s2 =	simm.s32 @!p0 $0x1C01  }
0x19f: {  	[timem:s3], [sflag:s2] =	dma.local @!p0 [hbm:s0], s1  }
0x1a0: {  	s0 =	simm.s32 @!p0 $0x1  }
0x1a1: {  	_ =	swait.ge @!p0 [sflag:s0], s1  }
0x1a2: {  	s1 =	ssub.s32 @!p0 $0x0, s1;
	[sflag:s0] =	ssyncset.done @!p0 $0x0  }
0x1a3: {  	[sflag:s0] =	ssyncadd.s32 @!p0 s1  }
0x1a4: {  	[bflag:$0x3] =	sbarrier.arrive $0xFFFF  }
0x1a5: {  	_ =	shalt  }

// kernel: kernel.13.cloned.1.call-start
scs
__scs_entry_jumppad:
0x0: {  	(pc) =	sbr.rel $0x88, $3  }
0x1: {  	(tag) =	ssettag $0x0;
	lr =	simm.s32 $0x1  }
0x2: {  	[smem:$0x3F97] =	sst lr;
	_ =	strace $0xD0000000  }
0x3: {  	_ = 	snop  }
0x4: {  	_ = 	snop  }
0x5: {  	_ = 	snop  }
0x6: {  	_ = 	snop  }
0x7: {  	_ = 	snop  }
__scs_overlays_trampoline_lowered:
0x8: {  	[smem:$0x3FA6] =	sst s0  }
0x9: {  	[smem:$0x3FA7] =	sst s1  }
0xa: {  	[smem:$0x3FA8] =	sst s2  }
0xb: {  	[smem:$0x3FA9] =	sst s3  }
0xc: {  	[smem:$0x3FAA] =	sst s4  }
0xd: {  	[smem:$0x3FAB] =	sst s5  }
0xe: {  	[smem:$0x3FAC] =	sst s6  }
0xf: {  	[smem:$0x3FAD] =	sst s7  }
0x10: {  	[smem:$0x3FAE] =	sst s8  }
0x11: {  	[smem:$0x3FAF] =	sst s9;
	s0 =	simm.s32 @!p0 $0x0  }
0x12: {  	s1 =	sld [smem:$0x3F95];
	s0 =	simm.s32 @p0 $0x1  }
0x13: {  	[smem:$0x3FB0] =	sst s0;
	s0 =	simm.s32 @!p1 $0x0  }
0x14: {  	s2 =	sld [smem:$0x3F94];
	s0 =	simm.s32 @p1 $0x1  }
0x15: {  	[smem:$0x3FB1] =	sst s0;
	s0 =	simm.s32 @!p2 $0x0  }
0x16: {  	s3 =	sld [smem:$0x3FDB];
	s0 =	simm.s32 @p2 $0x1  }
0x17: {  	s4 =	simm.s32 $0x1BF5;
	[smem:$0x3FB3] =	sst s0  }
0x18: {  	s0 =	sld [smem:$0x3F96];
	_ =	swait.ge [sflag:s4], $0x0  }
0x19: {  	s7 =	sld [smem:$0x3F97]  }
0x1a: {  	s8 =	sadd.s32 $0xFFFFE003, lr  }
0x1b: {  	s9 =	sadd.s32 $0xFFFFFEF7, lr;
	s5 =	simm.s32 $0xFFFFFFFF;
	p2 =	slt.u32 s8, $0xFFFFF086  }
0x1c: {  	p1 =	slt.u32 s9, $0xF7A;
	s5 =	simm.s32 @!p2 $0x0  }
0x1d: {  	s5 =	simm.s32 @p1 $0x1;
	p0 =	seq.s32 s7, s2  }
0x1e: {  	s7 =	smul.u32 @!p0 $0xF7A, s2;
	p2 =	seq.s32 @!p0 s5, $0x0  }
0x1f: {  	s9 =	smul.u32 $0xF7A, s1;
	s8 =	simm.s32 @!p0 $0x1BF5;
	p2 =	por !p2, p0  }
0x20: {  	[sflag:s8] =	ssyncset.s32 @!p0 $0xFFFFF086;
	s6 =	sadd.s32 @!p0 s3, s7;
	s7 =	simm.s32 @!p0 $0x108  }
0x21: {  	s3 =	sadd.s32 s3, s9;
	s6 =	sadd.s32 @!p0 $0x88, s6;
	s7 =	simm.s32 @p2 $0x1082  }
0x22: {  	[simem:s7], [sflag:s8] =	dma.local @!p0 [hbm:s6], $0xF7A  }
0x23: {  	s9 =	sor.u32 $0xD0000000, s2;
	s6 =	simm.s32 $0x108;
	_ =	swait.ge @!p0 [sflag:s8], $0x0  }
0x24: {  	s3 =	sadd.s32 $0x88, s3;
	s6 =	simm.s32 @!p1 $0x1082;
	[sflag:s4] =	ssyncset.s32 $0xFFFFF086  }
0x25: {  	[simem:s6], [sflag:s4] =	dma.local [hbm:s3], $0xF7A  }
0x26: {  	[smem:$0x3F97] =	sst s1;
	(tag) =	ssettag s2;
	_ =	strace s9  }
0x27: {  	s1 =	sld [smem:$0x3FA7]  }
0x28: {  	s2 =	sld [smem:$0x3FA8]  }
0x29: {  	s4 =	sld [smem:$0x3FAA]  }
0x2a: {  	p0 =	seq.s32 s5, $0x0;
	s5 =	sld [smem:$0x3FAB]  }
0x2b: {  	s6 =	sld [smem:$0x3FAC]  }
0x2c: {  	s7 =	sld [smem:$0x3FAD]  }
0x2d: {  	s3 =	simm.s32 $0x108;
	s8 =	sld [smem:$0x3FAE]  }
0x2e: {  	s3 =	simm.s32 @!p0 $0x1082;
	s9 =	sld [smem:$0x3FAF]  }
0x2f: {  	lr =	sadd.s32 s0, s3;
	s0 =	sld [smem:$0x3FA6]  }
0x30: {  	s3 =	sld [smem:$0x3FA9]  }
0x31: {  	[smem:$0x3FB2] =	sst s10  }
0x32: {  	s10 =	sld [smem:$0x3FB0];
	_ =	sdelay $0x3  }
0x33: {  	p0 =	seq.s32 s10, $0x1;
	s10 =	sld [smem:$0x3FB2];
	_ =	sdelay $0x3  }
0x34: {  	[smem:$0x3FB2] =	sst s10  }
0x35: {  	s10 =	sld [smem:$0x3FB1];
	_ =	sdelay $0x3  }
0x36: {  	p1 =	seq.s32 s10, $0x1;
	s10 =	sld [smem:$0x3FB2];
	_ =	sdelay $0x3  }
0x37: {  	[smem:$0x3FB2] =	sst s10  }
0x38: {  	s10 =	sld [smem:$0x3FB3]  }
0x39: {  	_ = 	snop;
	(pc) =	sbr.ind lr, $3  }
0x3a: {  	_ = 	snop  }
0x3b: {  	_ = 	snop  }
0x3c: {  	p2 =	seq.s32 s10, $0x1;
	s10 =	sld [smem:$0x3FB2]  }
0x3d: {  	_ =	shalt  }
0x3e: {  	_ =	shalt  }
0x3f: {  	_ =	shalt  }
0x40: {  	_ =	shalt  }
0x41: {  	_ =	shalt  }
0x42: {  	_ =	shalt  }
0x43: {  	_ =	shalt  }
0x44: {  	_ =	shalt  }
0x45: {  	_ =	shalt  }
0x46: {  	_ =	shalt  }
0x47: {  	_ =	shalt  }
0x48: {  	_ =	shalt  }
0x49: {  	_ =	shalt  }
0x4a: {  	_ =	shalt  }
0x4b: {  	_ =	shalt  }
0x4c: {  	_ =	shalt  }
0x4d: {  	_ =	shalt  }
0x4e: {  	_ =	shalt  }
0x4f: {  	_ =	shalt  }
0x50: {  	_ =	shalt  }
0x51: {  	_ =	shalt  }
0x52: {  	_ =	shalt  }
0x53: {  	_ =	shalt  }
0x54: {  	_ =	shalt  }
0x55: {  	_ =	shalt  }
0x56: {  	_ =	shalt  }
0x57: {  	_ =	shalt  }
0x58: {  	_ =	shalt  }
0x59: {  	_ =	shalt  }
0x5a: {  	_ =	shalt  }
0x5b: {  	_ =	shalt  }
0x5c: {  	_ =	shalt  }
0x5d: {  	_ =	shalt  }
0x5e: {  	_ =	shalt  }
0x5f: {  	_ =	shalt  }
0x60: {  	_ =	shalt  }
0x61: {  	_ =	shalt  }
0x62: {  	_ =	shalt  }
0x63: {  	_ =	shalt  }
0x64: {  	_ =	shalt  }
0x65: {  	_ =	shalt  }
0x66: {  	_ =	shalt  }
0x67: {  	_ =	shalt  }
0x68: {  	_ =	shalt  }
0x69: {  	_ =	shalt  }
0x6a: {  	_ =	shalt  }
0x6b: {  	_ =	shalt  }
0x6c: {  	_ =	shalt  }
0x6d: {  	_ =	shalt  }
0x6e: {  	_ =	shalt  }
0x6f: {  	_ =	shalt  }
0x70: {  	_ =	shalt  }
0x71: {  	_ =	shalt  }
0x72: {  	_ =	shalt  }
0x73: {  	_ =	shalt  }
0x74: {  	_ =	shalt  }
0x75: {  	_ =	shalt  }
0x76: {  	_ =	shalt  }
0x77: {  	_ =	shalt  }
0x78: {  	_ =	shalt  }
0x79: {  	_ =	shalt  }
0x7a: {  	_ =	shalt  }
0x7b: {  	_ =	shalt  }
0x7c: {  	_ =	shalt  }
0x7d: {  	_ =	shalt  }
0x7e: {  	_ =	shalt  }
0x7f: {  	_ =	shalt  }
0x80: {  	_ =	shalt  }
0x81: {  	_ =	shalt  }
0x82: {  	_ =	shalt  }
0x83: {  	_ =	shalt  }
0x84: {  	_ =	shalt  }
0x85: {  	_ =	shalt  }
0x86: {  	_ =	shalt  }
0x87: {  	_ =	shalt  }
.Lfunc_end0:
.L_simem_size_0:
called_computation.1_lowered:
.L_overlay_start_0:
0x88: {  	s2 =	sld [smem:$0x3FD9]  }
0x89: {  	s3 =	sld [smem:$0x3FFE];
	_ =	sdelay $0x1  }
0x8a: {  	s1 =	srdreg.scid  }
0x8b: {  	s0 =	sand.u32 $0x1, s1  }
0x8c: {  	s17 =	sshll.u32 s0, $0xA;
	s2 =	sadd.s32 s3, s2  }
0x8d: {  	s2 =	sadd.s32 s2, s17  }
0x8e: {  	[smem:$0x3FBE] =	sst s2  }
0x8f: {  	_ = 	snop  }
0x90: {  	s2 =	sld [smem:$0x3FD0];
	(tm) =	ssettm $0x1  }
0x91: {  	s18 =	sld [smem:$0x3FFB];
	_ =	sdelay $0x3  }
0x92: {  	_ =	strace s18  }
0x93: {  	s3 =	sld [smem:$0x3FFC];
	_ =	sdelay $0x3  }
0x94: {  	_ =	strace s3  }
0x95: {  	s3 =	sld [smem:$0x3FFD];
	_ =	sdelay $0x3  }
0x96: {  	_ =	strace s3  }
0x97: {  	_ =	strace $0x8FFFFFFF  }
0x98: {  	s19 =	sld [smem:$0x3FDB];
	_ =	sdelay $0x1  }
0x99: {  	s4 =	simm.s32 $_scs_section_size  }
0x9a: {  	s5 =	simm.s32 $_size__tile_overlayer_lowered;
	s6 =	simm.s32 $_tile_overlayer_lowered  }
0x9b: {  	s22 =	simm.s32 $0x1BFF;
	s21 =	sshll.u32 s6, $0x1;
	s3 =	sadd.s32 s4, s19  }
0x9c: {  	s7 =	simm.s32 $0x0;
	s20 =	sshll.u32 s5, $0x1;
	s5 =	sadd.s32 s21, s3  }
0x9d: {  	[timem:s7], [sflag:s22] =	dma.local [hbm:s5], s20  }
0x9e: {  	_ =	swait.ge [sflag:s22], s20  }
0x9f: {  	s4 =	ssub.s32 $0x0, s20;
	[sflag:s22] =	ssyncset.done $0x0  }
0xa0: {  	[sflag:s22] =	ssyncadd.s32 s4;
	_ =	sdelay $0x1  }
0xa1: {  	s23 =	simm.s32 $0x1B8B  }
0xa2: {  	_ =	swait.ge [sflag:s23], $0x1  }
0xa3: {  	[sflag:s23] =	ssyncset.done $0x0  }
0xa4: {  	s25 =	simm.s32 $0x1B8E;
	s24 =	sld [smem:$0x3FFE];
	[sflag:s23] =	ssyncadd.s32 $0xFFFFFFFF  }
0xa5: {  	s26 =	simm.s32 $execute0_lowered;
	[smem:$0x3FD2] =	sst s25  }
0xa6: {  	s5 =	sshll.u32 s26, $0x1;
	_ =	strace $0x80000049;
	[dreg:$0x1] =	wrdreg $0xFFFFFFFF  }
0xa7: {  	s28 =	simm.s32 $_size_execute0_lowered;
	s3 =	sadd.s32 s3, s5;
	[dreg:$0x0] =	wrdreg $0x0  }
0xa8: {  	s5 =	sshll.u32 s28, $0x1;
	[dreg:$0x2] =	wrdreg s3  }
0xa9: {  	[dreg:$0x3] =	wrdreg s5  }
0xaa: {  	[dreg:$0x4] =	wrdreg $0xC0  }
0xab: {  	_ =	task [dreg:s7], $0x5FFFF  }
0xac: {  	[dreg:$0x1] =	wrdreg $0xFFFFFFFF  }
0xad: {  	[dreg:$0x0] =	wrdreg $0x60  }
0xae: {  	[dreg:$0x2] =	wrdreg s24  }
0xaf: {  	[dreg:$0x3] =	wrdreg s2  }
0xb0: {  	[dreg:$0x4] =	wrdreg $0x90000  }
0xb1: {  	[dreg:$0x5] =	wrdreg $0x9  }
0xb2: {  	_ =	task.clear_ibuf [dreg:s7], $0x6FFFF;
	_ =	strace $0x90000049  }
0xb3: {  	s29 =	simm.s32 $0x9;
	_ =	strace $0x8000004B  }
0xb4: {  	_ =	swait.ge [sflag:s29], $0x1  }
0xb5: {  	[sflag:s29] =	ssyncadd.s32 $0xFFFFFFFF  }
0xb6: {  	_ =	strace $0x9000004B  }
0xb7: {  	_ =	sfence  }
0xb8: {  	s30 =	sld [smem:$0x0];
	_ =	sdelay $0x2  }
0xb9: {  	s31 =	sshll.u32 s1, $0xD;
	s1 =	sshrl.u32 s1, $0x2  }
0xba: {  	s3 =	sand.u32 $0x4000, s31;
	s1 =	sadd.s32 s1, s30  }
0xbb: {  	s0 =	sor.u32 s3, s0;
	s1 =	sshll.u32 s1, $0x11  }
0xbc: {  	s0 =	sor.u32 s1, s0  }
0xbd: {  	s0 =	sadd.s32 $0x8F2B, s0  }
0xbe: {  	[sflag:s0] =	ssyncadd.remote.s32 $0x1  }
0xbf: {  	_ =	sfence.sel $0xFFFF  }
0xc0: {  	[dreg:$0x0] =	wrdreg $0xFFFFFFFF;
	(pc) =	sbr.abs _section_cstart, $3  }
0xc1: {  	[dreg:$0x1] =	wrdreg $0xFFFFFFFF  }
0xc2: {  	_ =	task.clear_ibuf [dreg:s7], $0x2FFFF;
	_ =	strace $0x9FFFFFFF  }
0xc3: {  	(tm) =	ssettm $0x7FFFFFFF  }
tec
execute0_lowered:
.L_overlay_start_1:
0x0: {  	(tag) =	ssettag $0x1  }
0x1: {  	s5 =	rddreg [dreg:$0x0]  }
0x2: {  	s10 =	rddreg [dreg:$0x1]  }
0x3: {  	s2 =	rddreg [dreg:$0x2]  }
0x4: {  	s0 =	rddreg [dreg:$0x3];
	s3 =	simm.s32 $0x0;
	s1 =	stileid.u32  }
0x5: {  	s6 =	srdreg.scid;
	s22 =	simm.s32 $0x2800;
	s23 =	simm.s32 $0x80  }
0x6: {  	s24 =	simm.s32 $0x1;
	s25 =	simm.s32 $0x0;
	s9 =	smul.u32 $0x5000, s1  }
0x7: {  	[smem:$0x7FF] =	sst s3;
	s4 =	sadd.s32 $0x67200, s5;
	s8 =	smul.u32 $0x4F000, s1  }
0x8: {  	s11 =	sand.u32 $0x1, s6;
	s14 =	smul.u32 $0x13C00, s1;
	s18 =	sadd.s32 $0xB7200, s5  }
0x9: {  	_ =	strace $0x8000004A;
	s7 =	ssub.s32 $0x2, s11;
	s12 =	smul.u32 $0x50000, s11  }
0xa: {  	s21 =	smul.u32 $0x140000, s11;
	s29 =	sshrl.u32 s9, $0x3;
	s30 =	sshrl.u32 s7, $0x1  }
0xb: {  	s31 =	sshrl.u32 s8, $0x2;
	s15 =	sadd.s32 $0x4000, s14;
	s16 =	sadd.s32 $0x8000, s14  }
0xc: {  	s17 =	sadd.s32 $0xC000, s14;
	s20 =	sadd.s32 $0x10000, s14;
	s13 =	sadd.s32 s29, s5  }
0xd: {  	s19 =	ssub.s32 s7, s30;
	s5 =	sadd.s32 s31, s2;
	s6 =	sadd.s32 s15, s2  }
0xe: {  	s7 =	sadd.s32 s16, s2;
	s8 =	sadd.s32 s17, s2;
	s9 =	sadd.s32 s9, s12  }
0xf: {  	s14 =	sadd.s32 s14, s21;
	s15 =	sadd.s32 s21, s15;
	s16 =	sadd.s32 s21, s16  }
0x10: {  	s17 =	sadd.s32 s21, s17;
	s12 =	sshrl.u32 s9, $0x3;
	s9 =	sadd.s32 s20, s2  }
0x11: {  	s11 =	sadd.s32 $0xD200, s13;
	s13 =	sadd.s32 $0xD700, s13;
	s14 =	sshrl.u32 s14, $0x3  }
0x12: {  	s15 =	sshrl.u32 s15, $0x3;
	s16 =	sshrl.u32 s16, $0x3;
	s20 =	sadd.s32 s21, s20  }
0x13: {  	s17 =	sshrl.u32 s17, $0x3;
	s19 =	smax.u32 s19, $0x1;
	s21 =	simm.s32 $0x2  }
0x14: {  	s10 =	sadd.s32 s10, s12;
	s14 =	sadd.s32 s18, s14;
	s15 =	sadd.s32 s18, s15  }
0x15: {  	s16 =	sadd.s32 s18, s16;
	s20 =	sshrl.u32 s20, $0x3;
	s17 =	sadd.s32 s18, s17  }
0x16: {  	v0 =	vimm.f32 $0.0e+00;
	s12 =	sadd.s32 $0x500, s10;
	s18 =	sadd.s32 s18, s20;
	s20 =	simm.s32 $0x5000  }
.LBB2_1:
0x17: {  	s26 =	simm.s32 $0x0;
	s28 =	simm.s32 $0x200  }
.LBB2_2:
0x18: {  	p0 =	sne.s32 s28, $0xFE00;
	[tilespmem:s26+$0x5070] =	vst v0  }
0x19: {  	[tilespmem:s26+$0x5000] =	vst v0  }
0x1a: {  	[tilespmem:s26+$0x5010] =	vst v0  }
.Ltmp0:
0x1b: {  	[tilespmem:s26+$0x5020] =	vst v0;
	(pc) =	sbr.rel @p0 .LBB2_2-.Ltmp0, $4  }
0x1c: {  	[tilespmem:s26+$0x5030] =	vst v0  }
0x1d: {  	[tilespmem:s26+$0x5040] =	vst v0  }
0x1e: {  	[tilespmem:s26+$0x5050] =	vst v0  }
0x1f: {  	[tilespmem:s26+$0x5060] =	vst v0;
	s26 =	sshra.s32 s28, $0x2;
	s28 =	sadd.s32 $0x200, s28  }
0x20: {  	[tilespmem:s26+$0x5070] =	vst v0  }
0x21: {  	[tilespmem:s26+$0x5000] =	vst v0  }
0x22: {  	[tilespmem:s26+$0x5010] =	vst v0  }
0x23: {  	[tilespmem:s26+$0x5020] =	vst v0  }
0x24: {  	[tilespmem:s26+$0x5030] =	vst v0  }
0x25: {  	[tilespmem:s26+$0x5040] =	vst v0  }
0x26: {  	[tilespmem:s26+$0x5050] =	vst v0  }
0x27: {  	[tilespmem:s26+$0x5060] =	vst v0  }
0x28: {  	[spmem:s5] =	stream.linear.scatter [tilespmem:s20], [sflag:$0x2], $0x4000, $0x38;
	[tilespmem:$0x1CC00] =	vst v63  }
0x29: {  	_ =	swait.ge [sflag:s21], $0x4000  }
0x2a: {  	[sflag:s21] =	ssyncset.done $0x0  }
0x2b: {  	[sflag:s21] =	ssyncadd.s32 $0xFFFFC000  }
0x2c: {  	[spmem:s6] =	stream.linear.scatter [tilespmem:s20], [sflag:$0x2], $0x4000, $0x38;
	[tilespmem:$0x1CC00] =	vst v63  }
0x2d: {  	_ =	swait.ge [sflag:s21], $0x4000  }
0x2e: {  	[sflag:s21] =	ssyncset.done $0x0  }
0x2f: {  	[sflag:s21] =	ssyncadd.s32 $0xFFFFC000  }
0x30: {  	[spmem:s7] =	stream.linear.scatter [tilespmem:s20], [sflag:$0x2], $0x4000, $0x38;
	[tilespmem:$0x1CC00] =	vst v63  }
0x31: {  	_ =	swait.ge [sflag:s21], $0x4000  }
0x32: {  	[sflag:s21] =	ssyncset.done $0x0  }
0x33: {  	[sflag:s21] =	ssyncadd.s32 $0xFFFFC000  }
0x34: {  	[spmem:s8] =	stream.linear.scatter [tilespmem:s20], [sflag:$0x2], $0x4000, $0x38;
	[tilespmem:$0x1CC00] =	vst v63  }
0x35: {  	_ =	swait.ge [sflag:s21], $0x4000  }
0x36: {  	[sflag:s21] =	ssyncset.done $0x0  }
0x37: {  	[sflag:s21] =	ssyncadd.s32 $0xFFFFC000  }
0x38: {  	[spmem:s9] =	stream.linear.scatter [tilespmem:s20], [sflag:$0x2], $0x3C00, $0x38;
	[tilespmem:$0x1CC00] =	vst v63  }
0x39: {  	_ =	swait.ge [sflag:s21], $0x3C00  }
0x3a: {  	[sflag:s21] =	ssyncset.done $0x0  }
0x3b: {  	[sflag:s21] =	ssyncadd.s32 $0xFFFFC400  }
0x3c: {  	s29 =	simm.s32 $0x0;
	[bflag:$0x0] =	sbarrier.arrive $0xFFFF  }
0x3d: {  	[tilespmem:s29], [sflag:$0x2] =	stream.linear.gather [hbm4b:s10+s29], $0x2800, $0x38;
	[tilespmem:$0x1CC00] =	vst v63  }
0x3e: {  	_ =	swait.ge [sflag:s21], $0x2800  }
0x3f: {  	[sflag:s21] =	ssyncset.done $0x0  }
0x40: {  	[sflag:s21] =	ssyncadd.s32 $0xFFFFD800  }
0x41: {  	[tilespmem:s22], [sflag:$0x2] =	stream.linear.gather [hbm4b:s11+s29], $0x2800, $0x38;
	[tilespmem:$0x1CC00] =	vst v63  }
0x42: {  	_ =	swait.ge [sflag:s21], $0x2800  }
0x43: {  	[sflag:s21] =	ssyncset.done $0x0  }
0x44: {  	s30 =	simm.s32 $0x0;
	[sflag:s21] =	ssyncadd.s32 $0xFFFFD800  }
0x45: {  	[tilespmem:s20], [sflag:$0x1] =	stream.indirect.gather [hbm4b:s4+s23], $0x80, s30, s23, $0xb8;
	[tilespmem:$0x1CC00] =	vst v63  }
0x46: {  	_ =	swait.ge [sflag:s24], $0x4000  }
0x47: {  	[sflag:s24] =	ssyncset.done $0x0  }
0x48: {  	s31 =	simm.s32 $0x2800;
	[sflag:s24] =	ssyncadd.s32 $0xFFFFC000  }
0x49: {  	[spmem:s2] =	stream.indirect.scatter.add.f32 [tilespmem:s20], [sflag:$0x2], $0x80, s31, s23, $0xb8;
	[tilespmem:$0x1CC00] =	vst v63  }
0x4a: {  	_ =	swait.ge [sflag:s21], $0x4000  }
0x4b: {  	s26 =	simm.s32 $0x200;
	s28 =	simm.s32 $0x400;
	[sflag:s21] =	ssyncset.done $0x0  }
.LBB2_4:
0x4c: {  	s29 =	sshra.s32 s26, $0x2  }
0x4d: {  	[sflag:s21] =	ssyncadd.s32 $0xFFFFC000;
	s26 =	smov.u32 s28;
	s30 =	sadd.s32 $0x200, s28  }
0x4e: {  	[tilespmem:s20], [sflag:$0x1] =	stream.indirect.gather [hbm4b:s4+s23], $0x80, s29, s23, $0xb8;
	[tilespmem:$0x1CC00] =	vst v63  }
0x4f: {  	p0 =	sne.s32 s28, $0x9E00;
	_ =	swait.ge [sflag:s24], $0x4000  }
.Ltmp1:
0x50: {  	[sflag:s24] =	ssyncset.done $0x0;
	(pc) =	sbr.rel @p0 .LBB2_4-.Ltmp1, $4  }
0x51: {  	s28 =	sadd.s32 $0x2800, s29;
	[sflag:s24] =	ssyncadd.s32 $0xFFFFC000  }
0x52: {  	[spmem:s2] =	stream.indirect.scatter.add.f32 [tilespmem:s20], [sflag:$0x2], $0x80, s28, s23, $0xb8;
	[tilespmem:$0x1CC00] =	vst v63  }
0x53: {  	_ =	swait.ge [sflag:s21], $0x4000  }
0x54: {  	s28 =	smov.u32 s30;
	[sflag:s21] =	ssyncset.done $0x0  }
0x55: {  	s26 =	sshra.s32 s26, $0x2;
	[sflag:s21] =	ssyncadd.s32 $0xFFFFC000  }
0x56: {  	[tilespmem:s20], [sflag:$0x1] =	stream.indirect.gather [hbm4b:s4+s23], $0x80, s26, s23, $0xb8;
	[tilespmem:$0x1CC00] =	vst v63  }
0x57: {  	_ =	swait.ge [sflag:s24], $0x4000  }
0x58: {  	[sflag:s24] =	ssyncset.done $0x0  }
0x59: {  	s26 =	sadd.s32 $0x2800, s26;
	[sflag:s24] =	ssyncadd.s32 $0xFFFFC000  }
0x5a: {  	[spmem:s2] =	stream.indirect.scatter.add.f32 [tilespmem:s20], [sflag:$0x2], $0x80, s26, s23, $0xb8;
	[tilespmem:$0x1CC00] =	vst v63  }
0x5b: {  	_ =	swait.ge [sflag:s21], $0x4000  }
0x5c: {  	[sflag:s21] =	ssyncset.done $0x0  }
0x5d: {  	s29 =	simm.s32 $0x0;
	[sflag:s21] =	ssyncadd.s32 $0xFFFFC000  }
0x5e: {  	[tilespmem:s29], [sflag:$0x2] =	stream.linear.gather [hbm4b:s12+s29], $0x2800, $0x38;
	[tilespmem:$0x1CC00] =	vst v63  }
0x5f: {  	_ =	swait.ge [sflag:s21], $0x2800  }
0x60: {  	[sflag:s21] =	ssyncset.done $0x0  }
0x61: {  	[sflag:s21] =	ssyncadd.s32 $0xFFFFD800  }
0x62: {  	[tilespmem:s22], [sflag:$0x2] =	stream.linear.gather [hbm4b:s13+s29], $0x2800, $0x38;
	[tilespmem:$0x1CC00] =	vst v63  }
0x63: {  	_ =	swait.ge [sflag:s21], $0x2800  }
0x64: {  	[sflag:s21] =	ssyncset.done $0x0  }
0x65: {  	s30 =	simm.s32 $0x0;
	[sflag:s21] =	ssyncadd.s32 $0xFFFFD800  }
0x66: {  	[tilespmem:s20], [sflag:$0x1] =	stream.indirect.gather [hbm4b:s4+s23], $0x80, s30, s23, $0xb8;
	[tilespmem:$0x1CC00] =	vst v63  }
0x67: {  	_ =	swait.ge [sflag:s24], $0x4000  }
0x68: {  	[sflag:s24] =	ssyncset.done $0x0  }
0x69: {  	s31 =	simm.s32 $0x2800;
	[sflag:s24] =	ssyncadd.s32 $0xFFFFC000  }
0x6a: {  	[spmem:s2] =	stream.indirect.scatter.add.f32 [tilespmem:s20], [sflag:$0x2], $0x80, s31, s23, $0xb8;
	[tilespmem:$0x1CC00] =	vst v63  }
0x6b: {  	_ =	swait.ge [sflag:s21], $0x4000  }
0x6c: {  	s28 =	simm.s32 $0x400;
	s26 =	simm.s32 $0x200;
	[sflag:s21] =	ssyncset.done $0x0  }
.LBB2_6:
0x6d: {  	s29 =	sshra.s32 s26, $0x2  }
0x6e: {  	[sflag:s21] =	ssyncadd.s32 $0xFFFFC000;
	s26 =	smov.u32 s28;
	s30 =	sadd.s32 $0x200, s28  }
0x6f: {  	[tilespmem:s20], [sflag:$0x1] =	stream.indirect.gather [hbm4b:s4+s23], $0x80, s29, s23, $0xb8;
	[tilespmem:$0x1CC00] =	vst v63  }
0x70: {  	p0 =	sne.s32 s28, $0x9E00;
	_ =	swait.ge [sflag:s24], $0x4000  }
.Ltmp2:
0x71: {  	[sflag:s24] =	ssyncset.done $0x0;
	(pc) =	sbr.rel @p0 .LBB2_6-.Ltmp2, $4  }
0x72: {  	s28 =	sadd.s32 $0x2800, s29;
	[sflag:s24] =	ssyncadd.s32 $0xFFFFC000  }
0x73: {  	[spmem:s2] =	stream.indirect.scatter.add.f32 [tilespmem:s20], [sflag:$0x2], $0x80, s28, s23, $0xb8;
	[tilespmem:$0x1CC00] =	vst v63  }
0x74: {  	_ =	swait.ge [sflag:s21], $0x4000  }
0x75: {  	s28 =	smov.u32 s30;
	[sflag:s21] =	ssyncset.done $0x0  }
0x76: {  	s26 =	sshra.s32 s26, $0x2;
	[sflag:s21] =	ssyncadd.s32 $0xFFFFC000  }
0x77: {  	[tilespmem:s20], [sflag:$0x1] =	stream.indirect.gather [hbm4b:s4+s23], $0x80, s26, s23, $0xb8;
	[tilespmem:$0x1CC00] =	vst v63  }
0x78: {  	_ =	swait.ge [sflag:s24], $0x4000  }
0x79: {  	[sflag:s24] =	ssyncset.done $0x0  }
0x7a: {  	s26 =	sadd.s32 $0x2800, s26;
	[sflag:s24] =	ssyncadd.s32 $0xFFFFC000  }
0x7b: {  	[spmem:s2] =	stream.indirect.scatter.add.f32 [tilespmem:s20], [sflag:$0x2], $0x80, s26, s23, $0xb8;
	[tilespmem:$0x1CC00] =	vst v63  }
0x7c: {  	_ =	swait.ge [sflag:s21], $0x4000  }
0x7d: {  	[sflag:s21] =	ssyncset.done $0x0  }
0x7e: {  	[sflag:s21] =	ssyncadd.s32 $0xFFFFC000  }
0x7f: {  	[bflag:$0x0] =	sbarrier.arrive $0xFFFF  }
0x80: {  	[tilespmem:s20], [sflag:$0x2] =	stream.linear.gather [spmem:s5], $0x4000, $0x38;
	[tilespmem:$0x1CC00] =	vst v63  }
0x81: {  	_ =	swait.ge [sflag:s21], $0x4000  }
0x82: {  	[sflag:s21] =	ssyncset.done $0x0  }
0x83: {  	[sflag:s21] =	ssyncadd.s32 $0xFFFFC000  }
0x84: {  	[hbm4b:s14+s3] =	stream.linear.scatter [tilespmem:s20], [sflag:$0x2], $0x4000, $0x38;
	[tilespmem:$0x1CC00] =	vst v63  }
0x85: {  	_ =	swait.ge [sflag:s21], $0x4000  }
0x86: {  	[sflag:s21] =	ssyncset.done $0x0  }
0x87: {  	[sflag:s21] =	ssyncadd.s32 $0xFFFFC000  }
0x88: {  	[tilespmem:s20], [sflag:$0x2] =	stream.linear.gather [spmem:s6], $0x4000, $0x38;
	[tilespmem:$0x1CC00] =	vst v63  }
0x89: {  	_ =	swait.ge [sflag:s21], $0x4000  }
0x8a: {  	[sflag:s21] =	ssyncset.done $0x0  }
0x8b: {  	[sflag:s21] =	ssyncadd.s32 $0xFFFFC000  }
0x8c: {  	[hbm4b:s15+s3] =	stream.linear.scatter [tilespmem:s20], [sflag:$0x2], $0x4000, $0x38;
	[tilespmem:$0x1CC00] =	vst v63  }
0x8d: {  	_ =	swait.ge [sflag:s21], $0x4000  }
0x8e: {  	[sflag:s21] =	ssyncset.done $0x0  }
0x8f: {  	[sflag:s21] =	ssyncadd.s32 $0xFFFFC000  }
0x90: {  	[tilespmem:s20], [sflag:$0x2] =	stream.linear.gather [spmem:s7], $0x4000, $0x38;
	[tilespmem:$0x1CC00] =	vst v63  }
0x91: {  	_ =	swait.ge [sflag:s21], $0x4000  }
0x92: {  	[sflag:s21] =	ssyncset.done $0x0  }
0x93: {  	[sflag:s21] =	ssyncadd.s32 $0xFFFFC000  }
0x94: {  	[hbm4b:s16+s3] =	stream.linear.scatter [tilespmem:s20], [sflag:$0x2], $0x4000, $0x38;
	[tilespmem:$0x1CC00] =	vst v63  }
0x95: {  	_ =	swait.ge [sflag:s21], $0x4000  }
0x96: {  	[sflag:s21] =	ssyncset.done $0x0  }
0x97: {  	[sflag:s21] =	ssyncadd.s32 $0xFFFFC000  }
0x98: {  	[tilespmem:s20], [sflag:$0x2] =	stream.linear.gather [spmem:s8], $0x4000, $0x38;
	[tilespmem:$0x1CC00] =	vst v63  }
0x99: {  	_ =	swait.ge [sflag:s21], $0x4000  }
0x9a: {  	[sflag:s21] =	ssyncset.done $0x0  }
0x9b: {  	[sflag:s21] =	ssyncadd.s32 $0xFFFFC000  }
0x9c: {  	[hbm4b:s17+s3] =	stream.linear.scatter [tilespmem:s20], [sflag:$0x2], $0x4000, $0x38;
	[tilespmem:$0x1CC00] =	vst v63  }
0x9d: {  	_ =	swait.ge [sflag:s21], $0x4000  }
0x9e: {  	[sflag:s21] =	ssyncset.done $0x0  }
0x9f: {  	[sflag:s21] =	ssyncadd.s32 $0xFFFFC000  }
0xa0: {  	[tilespmem:s20], [sflag:$0x2] =	stream.linear.gather [spmem:s9], $0x3C00, $0x38;
	[tilespmem:$0x1CC00] =	vst v63  }
0xa1: {  	s25 =	sadd.s32 $0x1, s25;
	_ =	swait.ge [sflag:s21], $0x3C00  }
0xa2: {  	p0 =	sne.s32 s25, s19;
	[sflag:s21] =	ssyncset.done $0x0  }
.Ltmp3:
0xa3: {  	[sflag:s21] =	ssyncadd.s32 $0xFFFFC400;
	(pc) =	sbr.rel @p0 .LBB2_1-.Ltmp3, $4  }
0xa4: {  	[hbm4b:s18+s3] =	stream.linear.scatter [tilespmem:s20], [sflag:$0x2], $0x3C00, $0x38;
	[tilespmem:$0x1CC00] =	vst v63  }
0xa5: {  	_ =	swait.ge [sflag:s21], $0x3C00  }
0xa6: {  	[sflag:s21] =	ssyncset.done $0x0  }
0xa7: {  	[sflag:s21] =	ssyncadd.s32 $0xFFFFC400  }
0xa8: {  	_ =	sfence.sel $0x180000  }
0xa9: {  	[bflag:$0x0] =	sbarrier.arrive $0xFFFF  }
0xaa: {  	p0 =	sne.s32 s1, $0x0;
	_ =	strace $0x9000004A  }
0xab: {  	s0 =	sadd.s32 @!p0 $0x100000, s0;
	[bflag:$0x2] =	sbarrier.arrive $0xFFFF  }
0xac: {  	[sflag:s0] =	ssyncadd.tile.s32 @!p0 $0x1;
	_ =	shalt  }
.Lfunc_end2:
_tile_overlayer_lowered:
.L_overlay_start_2:
0xad: {  	(tag) =	ssettag $0x2  }
0xae: {  	s0 =	rddreg [dreg:$0x0];
	s2 =	stileid.u32  }
0xaf: {  	s1 =	rddreg [dreg:$0x1];
	p0 =	sne.s32 s2, $0x0  }
0xb0: {  	s3 =	rddreg [dreg:$0x2];
	[bflag:$0x3] =	sbarrier.arrive $0xFFFF;
	s2 =	simm.s32 @!p0 $0x1C02  }
0xb1: {  	[timem:s3], [sflag:s2] =	dma.local @!p0 [hbm:s0], s1  }
0xb2: {  	s0 =	simm.s32 @!p0 $0x2  }
0xb3: {  	_ =	swait.ge @!p0 [sflag:s0], s1  }
0xb4: {  	s1 =	ssub.s32 @!p0 $0x0, s1;
	[sflag:s0] =	ssyncset.done @!p0 $0x0  }
0xb5: {  	[sflag:s0] =	ssyncadd.s32 @!p0 s1  }
0xb6: {  	[bflag:$0x3] =	sbarrier.arrive $0xFFFF  }
0xb7: {  	_ =	shalt  }

// kernel: kernel.16.cloned.1.call-start
scs
__scs_entry_jumppad:
0x0: {  	(pc) =	sbr.rel $0x88, $3  }
0x1: {  	(tag) =	ssettag $0x0;
	lr =	simm.s32 $0x1  }
0x2: {  	[smem:$0x3F97] =	sst lr;
	_ =	strace $0xD0000000  }
0x3: {  	_ = 	snop  }
0x4: {  	_ = 	snop  }
0x5: {  	_ = 	snop  }
0x6: {  	_ = 	snop  }
0x7: {  	_ = 	snop  }
__scs_overlays_trampoline_lowered:
0x8: {  	[smem:$0x3FA6] =	sst s0  }
0x9: {  	[smem:$0x3FA7] =	sst s1  }
0xa: {  	[smem:$0x3FA8] =	sst s2  }
0xb: {  	[smem:$0x3FA9] =	sst s3  }
0xc: {  	[smem:$0x3FAA] =	sst s4  }
0xd: {  	[smem:$0x3FAB] =	sst s5  }
0xe: {  	[smem:$0x3FAC] =	sst s6  }
0xf: {  	[smem:$0x3FAD] =	sst s7  }
0x10: {  	[smem:$0x3FAE] =	sst s8  }
0x11: {  	[smem:$0x3FAF] =	sst s9;
	s0 =	simm.s32 @!p0 $0x0  }
0x12: {  	s1 =	sld [smem:$0x3F95];
	s0 =	simm.s32 @p0 $0x1  }
0x13: {  	[smem:$0x3FB0] =	sst s0;
	s0 =	simm.s32 @!p1 $0x0  }
0x14: {  	s2 =	sld [smem:$0x3F94];
	s0 =	simm.s32 @p1 $0x1  }
0x15: {  	[smem:$0x3FB1] =	sst s0;
	s0 =	simm.s32 @!p2 $0x0  }
0x16: {  	s3 =	sld [smem:$0x3FDB];
	s0 =	simm.s32 @p2 $0x1  }
0x17: {  	s4 =	simm.s32 $0x1BF5;
	[smem:$0x3FB3] =	sst s0  }
0x18: {  	s0 =	sld [smem:$0x3F96];
	_ =	swait.ge [sflag:s4], $0x0  }
0x19: {  	s7 =	sld [smem:$0x3F97]  }
0x1a: {  	s8 =	sadd.s32 $0xFFFFE003, lr  }
0x1b: {  	s9 =	sadd.s32 $0xFFFFFEF7, lr;
	s5 =	simm.s32 $0xFFFFFFFF;
	p2 =	slt.u32 s8, $0xFFFFF086  }
0x1c: {  	p1 =	slt.u32 s9, $0xF7A;
	s5 =	simm.s32 @!p2 $0x0  }
0x1d: {  	s5 =	simm.s32 @p1 $0x1;
	p0 =	seq.s32 s7, s2  }
0x1e: {  	s7 =	smul.u32 @!p0 $0xF7A, s2;
	p2 =	seq.s32 @!p0 s5, $0x0  }
0x1f: {  	s9 =	smul.u32 $0xF7A, s1;
	s8 =	simm.s32 @!p0 $0x1BF5;
	p2 =	por !p2, p0  }
0x20: {  	[sflag:s8] =	ssyncset.s32 @!p0 $0xFFFFF086;
	s6 =	sadd.s32 @!p0 s3, s7;
	s7 =	simm.s32 @!p0 $0x108  }
0x21: {  	s3 =	sadd.s32 s3, s9;
	s6 =	sadd.s32 @!p0 $0x88, s6;
	s7 =	simm.s32 @p2 $0x1082  }
0x22: {  	[simem:s7], [sflag:s8] =	dma.local @!p0 [hbm:s6], $0xF7A  }
0x23: {  	s9 =	sor.u32 $0xD0000000, s2;
	s6 =	simm.s32 $0x108;
	_ =	swait.ge @!p0 [sflag:s8], $0x0  }
0x24: {  	s3 =	sadd.s32 $0x88, s3;
	s6 =	simm.s32 @!p1 $0x1082;
	[sflag:s4] =	ssyncset.s32 $0xFFFFF086  }
0x25: {  	[simem:s6], [sflag:s4] =	dma.local [hbm:s3], $0xF7A  }
0x26: {  	[smem:$0x3F97] =	sst s1;
	(tag) =	ssettag s2;
	_ =	strace s9  }
0x27: {  	s1 =	sld [smem:$0x3FA7]  }
0x28: {  	s2 =	sld [smem:$0x3FA8]  }
0x29: {  	s4 =	sld [smem:$0x3FAA]  }
0x2a: {  	p0 =	seq.s32 s5, $0x0;
	s5 =	sld [smem:$0x3FAB]  }
0x2b: {  	s6 =	sld [smem:$0x3FAC]  }
0x2c: {  	s7 =	sld [smem:$0x3FAD]  }
0x2d: {  	s3 =	simm.s32 $0x108;
	s8 =	sld [smem:$0x3FAE]  }
0x2e: {  	s3 =	simm.s32 @!p0 $0x1082;
	s9 =	sld [smem:$0x3FAF]  }
0x2f: {  	lr =	sadd.s32 s0, s3;
	s0 =	sld [smem:$0x3FA6]  }
0x30: {  	s3 =	sld [smem:$0x3FA9]  }
0x31: {  	[smem:$0x3FB2] =	sst s10  }
0x32: {  	s10 =	sld [smem:$0x3FB0];
	_ =	sdelay $0x3  }
0x33: {  	p0 =	seq.s32 s10, $0x1;
	s10 =	sld [smem:$0x3FB2];
	_ =	sdelay $0x3  }
0x34: {  	[smem:$0x3FB2] =	sst s10  }
0x35: {  	s10 =	sld [smem:$0x3FB1];
	_ =	sdelay $0x3  }
0x36: {  	p1 =	seq.s32 s10, $0x1;
	s10 =	sld [smem:$0x3FB2];
	_ =	sdelay $0x3  }
0x37: {  	[smem:$0x3FB2] =	sst s10  }
0x38: {  	s10 =	sld [smem:$0x3FB3]  }
0x39: {  	_ = 	snop;
	(pc) =	sbr.ind lr, $3  }
0x3a: {  	_ = 	snop  }
0x3b: {  	_ = 	snop  }
0x3c: {  	p2 =	seq.s32 s10, $0x1;
	s10 =	sld [smem:$0x3FB2]  }
0x3d: {  	_ =	shalt  }
0x3e: {  	_ =	shalt  }
0x3f: {  	_ =	shalt  }
0x40: {  	_ =	shalt  }
0x41: {  	_ =	shalt  }
0x42: {  	_ =	shalt  }
0x43: {  	_ =	shalt  }
0x44: {  	_ =	shalt  }
0x45: {  	_ =	shalt  }
0x46: {  	_ =	shalt  }
0x47: {  	_ =	shalt  }
0x48: {  	_ =	shalt  }
0x49: {  	_ =	shalt  }
0x4a: {  	_ =	shalt  }
0x4b: {  	_ =	shalt  }
0x4c: {  	_ =	shalt  }
0x4d: {  	_ =	shalt  }
0x4e: {  	_ =	shalt  }
0x4f: {  	_ =	shalt  }
0x50: {  	_ =	shalt  }
0x51: {  	_ =	shalt  }
0x52: {  	_ =	shalt  }
0x53: {  	_ =	shalt  }
0x54: {  	_ =	shalt  }
0x55: {  	_ =	shalt  }
0x56: {  	_ =	shalt  }
0x57: {  	_ =	shalt  }
0x58: {  	_ =	shalt  }
0x59: {  	_ =	shalt  }
0x5a: {  	_ =	shalt  }
0x5b: {  	_ =	shalt  }
0x5c: {  	_ =	shalt  }
0x5d: {  	_ =	shalt  }
0x5e: {  	_ =	shalt  }
0x5f: {  	_ =	shalt  }
0x60: {  	_ =	shalt  }
0x61: {  	_ =	shalt  }
0x62: {  	_ =	shalt  }
0x63: {  	_ =	shalt  }
0x64: {  	_ =	shalt  }
0x65: {  	_ =	shalt  }
0x66: {  	_ =	shalt  }
0x67: {  	_ =	shalt  }
0x68: {  	_ =	shalt  }
0x69: {  	_ =	shalt  }
0x6a: {  	_ =	shalt  }
0x6b: {  	_ =	shalt  }
0x6c: {  	_ =	shalt  }
0x6d: {  	_ =	shalt  }
0x6e: {  	_ =	shalt  }
0x6f: {  	_ =	shalt  }
0x70: {  	_ =	shalt  }
0x71: {  	_ =	shalt  }
0x72: {  	_ =	shalt  }
0x73: {  	_ =	shalt  }
0x74: {  	_ =	shalt  }
0x75: {  	_ =	shalt  }
0x76: {  	_ =	shalt  }
0x77: {  	_ =	shalt  }
0x78: {  	_ =	shalt  }
0x79: {  	_ =	shalt  }
0x7a: {  	_ =	shalt  }
0x7b: {  	_ =	shalt  }
0x7c: {  	_ =	shalt  }
0x7d: {  	_ =	shalt  }
0x7e: {  	_ =	shalt  }
0x7f: {  	_ =	shalt  }
0x80: {  	_ =	shalt  }
0x81: {  	_ =	shalt  }
0x82: {  	_ =	shalt  }
0x83: {  	_ =	shalt  }
0x84: {  	_ =	shalt  }
0x85: {  	_ =	shalt  }
0x86: {  	_ =	shalt  }
0x87: {  	_ =	shalt  }
.Lfunc_end0:
.L_simem_size_0:
called_computation.2_lowered:
.L_overlay_start_0:
0x88: {  	s2 =	sld [smem:$0x3FD9]  }
0x89: {  	s3 =	sld [smem:$0x3FFE];
	_ =	sdelay $0x1  }
0x8a: {  	s1 =	srdreg.scid  }
0x8b: {  	s0 =	sand.u32 $0x1, s1  }
0x8c: {  	s16 =	sshll.u32 s0, $0xA;
	s2 =	sadd.s32 s3, s2  }
0x8d: {  	s2 =	sadd.s32 s2, s16  }
0x8e: {  	[smem:$0x3FBE] =	sst s2  }
0x8f: {  	_ = 	snop  }
0x90: {  	(tm) =	ssettm $0x1  }
0x91: {  	s17 =	sld [smem:$0x3FFB];
	_ =	sdelay $0x3  }
0x92: {  	_ =	strace s17  }
0x93: {  	s2 =	sld [smem:$0x3FFC];
	_ =	sdelay $0x3  }
0x94: {  	_ =	strace s2  }
0x95: {  	s2 =	sld [smem:$0x3FFD];
	_ =	sdelay $0x3  }
0x96: {  	_ =	strace s2  }
0x97: {  	_ =	strace $0x8FFFFFFF  }
0x98: {  	s18 =	sld [smem:$0x3FDB];
	_ =	sdelay $0x1  }
0x99: {  	s19 =	simm.s32 $_scs_section_size  }
0x9a: {  	s4 =	simm.s32 $_size__tile_overlayer_lowered;
	s5 =	simm.s32 $_tile_overlayer_lowered  }
0x9b: {  	s22 =	simm.s32 $0x1BFF;
	s21 =	sshll.u32 s5, $0x1;
	s2 =	sadd.s32 s19, s18  }
0x9c: {  	s6 =	simm.s32 $0x0;
	s20 =	sshll.u32 s4, $0x1;
	s4 =	sadd.s32 s21, s2  }
0x9d: {  	[timem:s6], [sflag:s22] =	dma.local [hbm:s4], s20  }
0x9e: {  	_ =	swait.ge [sflag:s22], s20  }
0x9f: {  	s3 =	ssub.s32 $0x0, s20;
	[sflag:s22] =	ssyncset.done $0x0  }
0xa0: {  	[sflag:s22] =	ssyncadd.s32 s3;
	_ =	sdelay $0x1  }
0xa1: {  	s23 =	simm.s32 $0x1B8B  }
0xa2: {  	_ =	swait.ge [sflag:s23], $0x1  }
0xa3: {  	[sflag:s23] =	ssyncset.done $0x0  }
0xa4: {  	s25 =	simm.s32 $0x1B8E;
	s24 =	sld [smem:$0x3FFE];
	[sflag:s23] =	ssyncadd.s32 $0xFFFFFFFF  }
0xa5: {  	s26 =	simm.s32 $execute0_lowered;
	[smem:$0x3FD2] =	sst s25  }
0xa6: {  	s4 =	sshll.u32 s26, $0x1;
	_ =	strace $0x8000004C;
	[dreg:$0x1] =	wrdreg $0xFFFFFFFF  }
0xa7: {  	s28 =	simm.s32 $_size_execute0_lowered;
	s2 =	sadd.s32 s2, s4;
	[dreg:$0x0] =	wrdreg $0x0  }
0xa8: {  	s4 =	sshll.u32 s28, $0x1;
	[dreg:$0x2] =	wrdreg s2  }
0xa9: {  	[dreg:$0x3] =	wrdreg s4  }
0xaa: {  	[dreg:$0x4] =	wrdreg $0xC0  }
0xab: {  	_ =	task [dreg:s6], $0x5FFFF  }
0xac: {  	[dreg:$0x1] =	wrdreg $0xFFFFFFFF  }
0xad: {  	[dreg:$0x0] =	wrdreg $0x60  }
0xae: {  	[dreg:$0x2] =	wrdreg s24  }
0xaf: {  	[dreg:$0x3] =	wrdreg $0x90000  }
0xb0: {  	[dreg:$0x4] =	wrdreg $0x9  }
0xb1: {  	_ =	task.clear_ibuf [dreg:s6], $0x5FFFF;
	_ =	strace $0x9000004C  }
0xb2: {  	s29 =	simm.s32 $0x9;
	_ =	strace $0x8000004E  }
0xb3: {  	_ =	swait.ge [sflag:s29], $0x1  }
0xb4: {  	[sflag:s29] =	ssyncadd.s32 $0xFFFFFFFF  }
0xb5: {  	_ =	strace $0x9000004E  }
0xb6: {  	_ =	sfence  }
0xb7: {  	s30 =	sld [smem:$0x0];
	_ =	sdelay $0x2  }
0xb8: {  	s31 =	sshll.u32 s1, $0xD;
	s1 =	sshrl.u32 s1, $0x2  }
0xb9: {  	s3 =	sand.u32 $0x4000, s31;
	s1 =	sadd.s32 s1, s30  }
0xba: {  	s0 =	sor.u32 s3, s0;
	s1 =	sshll.u32 s1, $0x11  }
0xbb: {  	s0 =	sor.u32 s1, s0  }
0xbc: {  	s0 =	sadd.s32 $0x8F2B, s0  }
0xbd: {  	[sflag:s0] =	ssyncadd.remote.s32 $0x1  }
0xbe: {  	_ =	sfence.sel $0xFFFF  }
0xbf: {  	[dreg:$0x0] =	wrdreg $0xFFFFFFFF;
	(pc) =	sbr.abs _section_cstart, $3  }
0xc0: {  	[dreg:$0x1] =	wrdreg $0xFFFFFFFF  }
0xc1: {  	_ =	task.clear_ibuf [dreg:s6], $0x2FFFF;
	_ =	strace $0x9FFFFFFF  }
0xc2: {  	(tm) =	ssettm $0x7FFFFFFF  }
0xc3: {  	_ =	shalt  }
tec
execute0_lowered:
.L_overlay_start_1:
0x0: {  	(tag) =	ssettag $0x1  }
0x1: {  	s5 =	rddreg [dreg:$0x0]  }
0x2: {  	s0 =	srdreg.scid;
	s2 =	rddreg [dreg:$0x1]  }
0x3: {  	s1 =	rddreg [dreg:$0x2];
	s8 =	sand.u32 $0x1, s0  }
0x4: {  	s3 =	simm.s32 $0x0;
	s0 =	stileid.u32;
	s4 =	smul.u32 $0x28000, s8  }
0x5: {  	s21 =	simm.s32 $0x80;
	s22 =	simm.s32 $0x1;
	s6 =	smul.u32 $0x2800, s0  }
0x6: {  	s23 =	simm.s32 $0x0;
	[smem:$0x7FF] =	sst s3;
	s9 =	smul.u32 $0x4F000, s0  }
0x7: {  	s16 =	sadd.s32 $0x8F200, s5;
	s7 =	ssub.s32 $0x2, s8;
	s11 =	smul.u32 $0x13C00, s0  }
0x8: {  	_ =	strace $0x8000004D;
	s18 =	smul.u32 $0x140000, s8;
	s30 =	sshrl.u32 s7, $0x1  }
0x9: {  	s6 =	sadd.s32 s6, s4;
	s4 =	sadd.s32 $0x67200, s5;
	s17 =	ssub.s32 s7, s30  }
0xa: {  	s31 =	sshrl.u32 s9, $0x2;
	s12 =	sadd.s32 $0x4000, s11;
	s14 =	sadd.s32 $0x8000, s11  }
0xb: {  	s15 =	sadd.s32 $0xC000, s11;
	s19 =	sadd.s32 $0x10000, s11;
	s13 =	sadd.s32 s11, s18  }
0xc: {  	s6 =	sshrl.u32 s6, $0x3;
	s7 =	sadd.s32 s31, s2;
	s8 =	sadd.s32 s12, s2  }
0xd: {  	s9 =	sadd.s32 s14, s2;
	s10 =	sadd.s32 s15, s2;
	s12 =	sadd.s32 s18, s12  }
0xe: {  	s11 =	sadd.s32 s19, s2;
	s13 =	sshrl.u32 s13, $0x3;
	s14 =	sadd.s32 s18, s14  }
0xf: {  	s15 =	sadd.s32 s18, s15;
	s18 =	sadd.s32 s18, s19;
	s17 =	smax.u32 s17, $0x1  }
0x10: {  	s19 =	simm.s32 $0x2800;
	s6 =	sadd.s32 s6, s5;
	s20 =	sshrl.u32 s12, $0x3  }
0x11: {  	s12 =	sadd.s32 s16, s13;
	s14 =	sshrl.u32 s14, $0x3;
	s15 =	sshrl.u32 s15, $0x3  }
0x12: {  	s18 =	sshrl.u32 s18, $0x3;
	s5 =	sadd.s32 $0x107200, s6;
	s6 =	sadd.s32 $0x2A00, s6  }
0x13: {  	s13 =	sadd.s32 s16, s20;
	s14 =	sadd.s32 s16, s14;
	s15 =	sadd.s32 s16, s15  }
0x14: {  	v0 =	vimm.f32 $0.0e+00;
	s16 =	sadd.s32 s16, s18;
	s18 =	simm.s32 $0x2;
	s20 =	simm.s32 $0x5000  }
.LBB2_1:
0x15: {  	[tilespmem:s3], [sflag:$0x2] =	stream.linear.gather [hbm4b:s5+s3], $0x2780, $0x38;
	[tilespmem:$0x1CC00] =	vst v63  }
0x16: {  	_ =	swait.ge [sflag:s18], $0x2780  }
0x17: {  	[sflag:s18] =	ssyncset.done $0x0  }
0x18: {  	[sflag:s18] =	ssyncadd.s32 $0xFFFFD880  }
0x19: {  	[tilespmem:s19], [sflag:$0x2] =	stream.linear.gather [hbm4b:s6+s3], $0x2780, $0x38;
	[tilespmem:$0x1CC00] =	vst v63  }
0x1a: {  	_ =	swait.ge [sflag:s18], $0x2780  }
0x1b: {  	[sflag:s18] =	ssyncset.done $0x0  }
0x1c: {  	s24 =	simm.s32 $0x0;
	s25 =	simm.s32 $0x200;
	[sflag:s18] =	ssyncadd.s32 $0xFFFFD880  }
.LBB2_2:
0x1d: {  	p0 =	sne.s32 s25, $0xFE00;
	[tilespmem:s24+$0x5070] =	vst v0  }
0x1e: {  	[tilespmem:s24+$0x5000] =	vst v0  }
0x1f: {  	[tilespmem:s24+$0x5010] =	vst v0  }
.Ltmp0:
0x20: {  	[tilespmem:s24+$0x5020] =	vst v0;
	(pc) =	sbr.rel @p0 .LBB2_2-.Ltmp0, $4  }
0x21: {  	[tilespmem:s24+$0x5030] =	vst v0  }
0x22: {  	[tilespmem:s24+$0x5040] =	vst v0  }
0x23: {  	[tilespmem:s24+$0x5050] =	vst v0  }
0x24: {  	[tilespmem:s24+$0x5060] =	vst v0;
	s24 =	sshra.s32 s25, $0x2;
	s25 =	sadd.s32 $0x200, s25  }
0x25: {  	[tilespmem:s24+$0x5070] =	vst v0  }
0x26: {  	[tilespmem:s24+$0x5000] =	vst v0  }
0x27: {  	[tilespmem:s24+$0x5010] =	vst v0  }
0x28: {  	[tilespmem:s24+$0x5020] =	vst v0  }
0x29: {  	[tilespmem:s24+$0x5030] =	vst v0  }
0x2a: {  	[tilespmem:s24+$0x5040] =	vst v0  }
0x2b: {  	[tilespmem:s24+$0x5050] =	vst v0  }
0x2c: {  	[tilespmem:s24+$0x5060] =	vst v0  }
0x2d: {  	[spmem:s7] =	stream.linear.scatter [tilespmem:s20], [sflag:$0x2], $0x4000, $0x38;
	[tilespmem:$0x1CC00] =	vst v63  }
0x2e: {  	_ =	swait.ge [sflag:s18], $0x4000  }
0x2f: {  	[sflag:s18] =	ssyncset.done $0x0  }
0x30: {  	[sflag:s18] =	ssyncadd.s32 $0xFFFFC000  }
0x31: {  	[spmem:s8] =	stream.linear.scatter [tilespmem:s20], [sflag:$0x2], $0x4000, $0x38;
	[tilespmem:$0x1CC00] =	vst v63  }
0x32: {  	_ =	swait.ge [sflag:s18], $0x4000  }
0x33: {  	[sflag:s18] =	ssyncset.done $0x0  }
0x34: {  	[sflag:s18] =	ssyncadd.s32 $0xFFFFC000  }
0x35: {  	[spmem:s9] =	stream.linear.scatter [tilespmem:s20], [sflag:$0x2], $0x4000, $0x38;
	[tilespmem:$0x1CC00] =	vst v63  }
0x36: {  	_ =	swait.ge [sflag:s18], $0x4000  }
0x37: {  	[sflag:s18] =	ssyncset.done $0x0  }
0x38: {  	[sflag:s18] =	ssyncadd.s32 $0xFFFFC000  }
0x39: {  	[spmem:s10] =	stream.linear.scatter [tilespmem:s20], [sflag:$0x2], $0x4000, $0x38;
	[tilespmem:$0x1CC00] =	vst v63  }
0x3a: {  	_ =	swait.ge [sflag:s18], $0x4000  }
0x3b: {  	[sflag:s18] =	ssyncset.done $0x0  }
0x3c: {  	[sflag:s18] =	ssyncadd.s32 $0xFFFFC000  }
0x3d: {  	[spmem:s11] =	stream.linear.scatter [tilespmem:s20], [sflag:$0x2], $0x3C00, $0x38;
	[tilespmem:$0x1CC00] =	vst v63  }
0x3e: {  	_ =	swait.ge [sflag:s18], $0x3C00  }
0x3f: {  	[sflag:s18] =	ssyncset.done $0x0  }
0x40: {  	[sflag:s18] =	ssyncadd.s32 $0xFFFFC400  }
0x41: {  	s30 =	simm.s32 $0x0;
	[bflag:$0x0] =	sbarrier.arrive $0xFFFF  }
0x42: {  	[tilespmem:s20], [sflag:$0x1] =	stream.indirect.gather [hbm4b:s4+s21], $0x80, s30, s21, $0xb8;
	[tilespmem:$0x1CC00] =	vst v63  }
0x43: {  	_ =	swait.ge [sflag:s22], $0x4000  }
0x44: {  	[sflag:s22] =	ssyncset.done $0x0  }
0x45: {  	s31 =	simm.s32 $0x2800;
	[sflag:s22] =	ssyncadd.s32 $0xFFFFC000  }
0x46: {  	[spmem:s2] =	stream.indirect.scatter.add.f32 [tilespmem:s20], [sflag:$0x2], $0x80, s31, s21, $0xb8;
	[tilespmem:$0x1CC00] =	vst v63  }
0x47: {  	_ =	swait.ge [sflag:s18], $0x4000  }
0x48: {  	s24 =	simm.s32 $0x200;
	s25 =	simm.s32 $0x400;
	[sflag:s18] =	ssyncset.done $0x0  }
.LBB2_4:
0x49: {  	s26 =	sshra.s32 s24, $0x2  }
0x4a: {  	[sflag:s18] =	ssyncadd.s32 $0xFFFFC000;
	s24 =	smov.u32 s25;
	s28 =	sadd.s32 $0x200, s25  }
0x4b: {  	[tilespmem:s20], [sflag:$0x1] =	stream.indirect.gather [hbm4b:s4+s21], $0x80, s26, s21, $0xb8;
	[tilespmem:$0x1CC00] =	vst v63  }
0x4c: {  	p0 =	sne.s32 s25, $0x9C00;
	_ =	swait.ge [sflag:s22], $0x4000  }
.Ltmp1:
0x4d: {  	[sflag:s22] =	ssyncset.done $0x0;
	(pc) =	sbr.rel @p0 .LBB2_4-.Ltmp1, $4  }
0x4e: {  	s25 =	sadd.s32 $0x2800, s26;
	[sflag:s22] =	ssyncadd.s32 $0xFFFFC000  }
0x4f: {  	[spmem:s2] =	stream.indirect.scatter.add.f32 [tilespmem:s20], [sflag:$0x2], $0x80, s25, s21, $0xb8;
	[tilespmem:$0x1CC00] =	vst v63  }
0x50: {  	_ =	swait.ge [sflag:s18], $0x4000  }
0x51: {  	s25 =	smov.u32 s28;
	[sflag:s18] =	ssyncset.done $0x0  }
0x52: {  	s24 =	sshra.s32 s24, $0x2;
	[sflag:s18] =	ssyncadd.s32 $0xFFFFC000  }
0x53: {  	[tilespmem:s20], [sflag:$0x1] =	stream.indirect.gather [hbm4b:s4+s21], $0x80, s24, s21, $0xb8;
	[tilespmem:$0x1CC00] =	vst v63  }
0x54: {  	_ =	swait.ge [sflag:s22], $0x4000  }
0x55: {  	[sflag:s22] =	ssyncset.done $0x0  }
0x56: {  	s24 =	sadd.s32 $0x2800, s24;
	[sflag:s22] =	ssyncadd.s32 $0xFFFFC000  }
0x57: {  	[spmem:s2] =	stream.indirect.scatter.add.f32 [tilespmem:s20], [sflag:$0x2], $0x80, s24, s21, $0xb8;
	[tilespmem:$0x1CC00] =	vst v63  }
0x58: {  	_ =	swait.ge [sflag:s18], $0x4000  }
0x59: {  	[sflag:s18] =	ssyncset.done $0x0  }
0x5a: {  	[sflag:s18] =	ssyncadd.s32 $0xFFFFC000  }
0x5b: {  	[bflag:$0x0] =	sbarrier.arrive $0xFFFF  }
0x5c: {  	[tilespmem:s20], [sflag:$0x2] =	stream.linear.gather [spmem:s7], $0x4000, $0x38;
	[tilespmem:$0x1CC00] =	vst v63  }
0x5d: {  	_ =	swait.ge [sflag:s18], $0x4000  }
0x5e: {  	[sflag:s18] =	ssyncset.done $0x0  }
0x5f: {  	[sflag:s18] =	ssyncadd.s32 $0xFFFFC000  }
0x60: {  	[hbm4b:s12+s3] =	stream.linear.scatter [tilespmem:s20], [sflag:$0x2], $0x4000, $0x38;
	[tilespmem:$0x1CC00] =	vst v63  }
0x61: {  	_ =	swait.ge [sflag:s18], $0x4000  }
0x62: {  	[sflag:s18] =	ssyncset.done $0x0  }
0x63: {  	[sflag:s18] =	ssyncadd.s32 $0xFFFFC000  }
0x64: {  	[tilespmem:s20], [sflag:$0x2] =	stream.linear.gather [spmem:s8], $0x4000, $0x38;
	[tilespmem:$0x1CC00] =	vst v63  }
0x65: {  	_ =	swait.ge [sflag:s18], $0x4000  }
0x66: {  	[sflag:s18] =	ssyncset.done $0x0  }
0x67: {  	[sflag:s18] =	ssyncadd.s32 $0xFFFFC000  }
0x68: {  	[hbm4b:s13+s3] =	stream.linear.scatter [tilespmem:s20], [sflag:$0x2], $0x4000, $0x38;
	[tilespmem:$0x1CC00] =	vst v63  }
0x69: {  	_ =	swait.ge [sflag:s18], $0x4000  }
0x6a: {  	[sflag:s18] =	ssyncset.done $0x0  }
0x6b: {  	[sflag:s18] =	ssyncadd.s32 $0xFFFFC000  }
0x6c: {  	[tilespmem:s20], [sflag:$0x2] =	stream.linear.gather [spmem:s9], $0x4000, $0x38;
	[tilespmem:$0x1CC00] =	vst v63  }
0x6d: {  	_ =	swait.ge [sflag:s18], $0x4000  }
0x6e: {  	[sflag:s18] =	ssyncset.done $0x0  }
0x6f: {  	[sflag:s18] =	ssyncadd.s32 $0xFFFFC000  }
0x70: {  	[hbm4b:s14+s3] =	stream.linear.scatter [tilespmem:s20], [sflag:$0x2], $0x4000, $0x38;
	[tilespmem:$0x1CC00] =	vst v63  }
0x71: {  	_ =	swait.ge [sflag:s18], $0x4000  }
0x72: {  	[sflag:s18] =	ssyncset.done $0x0  }
0x73: {  	[sflag:s18] =	ssyncadd.s32 $0xFFFFC000  }
0x74: {  	[tilespmem:s20], [sflag:$0x2] =	stream.linear.gather [spmem:s10], $0x4000, $0x38;
	[tilespmem:$0x1CC00] =	vst v63  }
0x75: {  	_ =	swait.ge [sflag:s18], $0x4000  }
0x76: {  	[sflag:s18] =	ssyncset.done $0x0  }
0x77: {  	[sflag:s18] =	ssyncadd.s32 $0xFFFFC000  }
0x78: {  	[hbm4b:s15+s3] =	stream.linear.scatter [tilespmem:s20], [sflag:$0x2], $0x4000, $0x38;
	[tilespmem:$0x1CC00] =	vst v63  }
0x79: {  	_ =	swait.ge [sflag:s18], $0x4000  }
0x7a: {  	[sflag:s18] =	ssyncset.done $0x0  }
0x7b: {  	[sflag:s18] =	ssyncadd.s32 $0xFFFFC000  }
0x7c: {  	[tilespmem:s20], [sflag:$0x2] =	stream.linear.gather [spmem:s11], $0x3C00, $0x38;
	[tilespmem:$0x1CC00] =	vst v63  }
0x7d: {  	s23 =	sadd.s32 $0x1, s23;
	_ =	swait.ge [sflag:s18], $0x3C00  }
0x7e: {  	p0 =	sne.s32 s23, s17;
	[sflag:s18] =	ssyncset.done $0x0  }
.Ltmp2:
0x7f: {  	[sflag:s18] =	ssyncadd.s32 $0xFFFFC400;
	(pc) =	sbr.rel @p0 .LBB2_1-.Ltmp2, $4  }
0x80: {  	[hbm4b:s16+s3] =	stream.linear.scatter [tilespmem:s20], [sflag:$0x2], $0x3C00, $0x38;
	[tilespmem:$0x1CC00] =	vst v63  }
0x81: {  	_ =	swait.ge [sflag:s18], $0x3C00  }
0x82: {  	[sflag:s18] =	ssyncset.done $0x0  }
0x83: {  	[sflag:s18] =	ssyncadd.s32 $0xFFFFC400  }
0x84: {  	_ =	sfence.sel $0x180000  }
0x85: {  	[bflag:$0x0] =	sbarrier.arrive $0xFFFF  }
0x86: {  	p0 =	sne.s32 s0, $0x0;
	_ =	strace $0x9000004D  }
0x87: {  	s0 =	sadd.s32 @!p0 $0x100000, s1;
	[bflag:$0x2] =	sbarrier.arrive $0xFFFF  }
0x88: {  	[sflag:s0] =	ssyncadd.tile.s32 @!p0 $0x1;
	_ =	shalt  }
.Lfunc_end2:
_tile_overlayer_lowered:
.L_overlay_start_2:
0x89: {  	(tag) =	ssettag $0x2  }
0x8a: {  	s0 =	rddreg [dreg:$0x0];
	s2 =	stileid.u32  }
0x8b: {  	s1 =	rddreg [dreg:$0x1];
	p0 =	sne.s32 s2, $0x0  }
0x8c: {  	s3 =	rddreg [dreg:$0x2];
	[bflag:$0x3] =	sbarrier.arrive $0xFFFF;
	s2 =	simm.s32 @!p0 $0x1C02  }
0x8d: {  	[timem:s3], [sflag:s2] =	dma.local @!p0 [hbm:s0], s1  }
0x8e: {  	s0 =	simm.s32 @!p0 $0x2  }
0x8f: {  	_ =	swait.ge @!p0 [sflag:s0], s1  }
0x90: {  	s1 =	ssub.s32 @!p0 $0x0, s1;
	[sflag:s0] =	ssyncset.done @!p0 $0x0  }
0x91: {  	[sflag:s0] =	ssyncadd.s32 @!p0 s1  }
0x92: {  	[bflag:$0x3] =	sbarrier.arrive $0xFFFF  }
0x93: {  	_ =	shalt  }

</sc_bundles>
